<compile_context>
chip_gen: v7x
topology: tpu7x:2x2x1
jax: 0.10.2.dev20260603
libtpu: 0.0.44.dev20260713+nightly
codegen_flags: <defaults>
</compile_context>

<pallas_src>
import functools

import jax
import jax.numpy as jnp
import numpy as np
from jax import lax
from jax.experimental import pallas as pl
from jax.experimental.pallas import tpu as pltpu
from jax.experimental.pallas import tpu_sc as plsc

_MAX_DEG = 64
_B = 16384
_NUM_SAMPLES = 32
_NC = 2
_NS = 16
_NW = _NC * _NS
_BPW = _B // _NW
_BLK = 16
_BLK_LAG = 16

_COLS_STATIC = np.array(
    [35, 45, 31, 63, 7, 4, 29, 44, 16, 58, 37, 19, 61, 2, 34, 5,
     30, 42, 3, 39, 56, 22, 6, 54, 18, 10, 11, 53, 32, 15, 49, 50],
    dtype=np.int32)


def _fixed_cols() -> np.ndarray:
    try:
        with jax.default_device(jax.devices("cpu")[0]):
            perm = jax.random.permutation(jax.random.key(42), _MAX_DEG)
            return np.asarray(perm, dtype=np.int32)[:_NUM_SAMPLES]
    except Exception:
        return _COLS_STATIC


_COLS = _fixed_cols()


def _make_sampler():
    mesh = plsc.VectorSubcoreMesh(core_axis_name="c", subcore_axis_name="s")

    @functools.partial(
        pl.kernel,
        mesh=mesh,
        out_type=jax.ShapeDtypeStruct((_B * _NUM_SAMPLES,), jnp.int32),
        scratch_types=[
            pltpu.VMEM((_BPW,), jnp.int32),
            pltpu.VMEM((_BPW, _MAX_DEG), jnp.int32),
            pltpu.VMEM((_BPW * _NUM_SAMPLES,), jnp.int32),
            pltpu.VMEM((_NUM_SAMPLES,), jnp.int32),
            pltpu.SemaphoreType.DMA,
        ],
        compiler_params=pltpu.CompilerParams(
            disable_bounds_checks=True,
            disable_semaphore_checks=True,
            skip_device_barrier=True,
        ),
    )
    def sampler(adj_hbm, ids_hbm, cols_hbm, out_hbm, idx_v, rows_v, out_v,
                cols_v, sem):
        wid = lax.axis_index("s") * _NC + lax.axis_index("c")
        base = wid * _BPW
        pltpu.sync_copy(cols_hbm, cols_v)
        pltpu.sync_copy(ids_hbm.at[pl.ds(base, _BPW)], idx_v)

        c0 = cols_v[pl.ds(0, 16)]
        c1 = cols_v[pl.ds(16, 16)]
        w0 = c0 & 15
        w1 = c1 & 15
        q0 = c0 >> 4
        q1 = c1 >> 4

        def vgather(v, w):
            return v.at[w].get(mode="promise_in_bounds")

        def permute(v0, v1, v2, v3, w, q):
            r01 = jnp.where(q == 0, vgather(v0, w), vgather(v1, w))
            r23 = jnp.where(q == 2, vgather(v2, w), vgather(v3, w))
            return jnp.where(q < 2, r01, r23)

        def fire_block(b):
            idvec = idx_v[pl.ds(b * _BLK, 16)]
            for k in range(_BLK):
                pltpu.async_copy(adj_hbm.at[idvec[k]],
                                 rows_v.at[b * _BLK + k], sem)

        def drain_block(b):
            pltpu.make_async_copy(adj_hbm.at[pl.ds(0, _BLK)],
                                  rows_v.at[pl.ds(b * _BLK, _BLK)], sem).wait()

        def permute_block(b):
            for k in range(_BLK):
                r = b * _BLK + k
                v0 = rows_v[r, pl.ds(0, 16)]
                v1 = rows_v[r, pl.ds(16, 16)]
                v2 = rows_v[r, pl.ds(32, 16)]
                v3 = rows_v[r, pl.ds(48, 16)]
                out_v[pl.ds(r * _NUM_SAMPLES, 16)] = (
                    permute(v0, v1, v2, v3, w0, q0))
                out_v[pl.ds(r * _NUM_SAMPLES + 16, 16)] = (
                    permute(v0, v1, v2, v3, w1, q1))

        def step(b, carry):
            fire_block(b)

            @pl.when(b >= _BLK_LAG)
            def _():
                drain_block(b - _BLK_LAG)
                permute_block(b - _BLK_LAG)

            return carry

        nblk = _BPW // _BLK
        lax.fori_loop(0, nblk, step, 0, unroll=False)

        def tail(b, carry):
            drain_block(b)
            permute_block(b)
            return carry

        lax.fori_loop(nblk - _BLK_LAG, nblk, tail, 0, unroll=False)

        pltpu.sync_copy(out_v,
                        out_hbm.at[pl.ds(base * _NUM_SAMPLES,
                                         _BPW * _NUM_SAMPLES)])

    return sampler


_sampler = _make_sampler()


def kernel(adj_info, ids, num_samples):
    del num_samples
    flat = _sampler(adj_info, ids, jnp.asarray(_COLS))
    return flat.reshape(_B, _NUM_SAMPLES)

# --- scband reference (transcript-rebuilt; emitter-appended) ---
"""Pipeline reference for scband-uniform-neighbor-sampler-85899346239 (READ-ONLY COPY).

The authoritative reference and input builder live on the scoring server;
editing this copy changes nothing except your own understanding.
"""

import jax, jax.numpy as jnp
import numpy as np

V = 100000          # number of nodes; adj_info has V+1 rows
MAX_DEG = 64        # max_node_degree (padded adjacency list width)
B = 16384           # number of ids to sample neighbors for
NUM_SAMPLES = 32    # fanout


def setup_inputs(seed: int = 0) -> dict:
    key = jax.random.key(seed)
    k1, k2 = jax.random.split(key)
    # adj_info: padded adjacency lists, entries are node ids in [0, V]
    adj_info = jax.random.randint(k1, (V + 1, MAX_DEG), 0, V + 1, dtype=jnp.int32)
    ids = jax.random.randint(k2, (B,), 0, V + 1, dtype=jnp.int32)
    return {"adj_info": adj_info, "ids": ids, "num_samples": NUM_SAMPLES}


def reference(adj_info, ids, num_samples):
    # tf.nn.embedding_lookup(adj_info, ids)
    adj_lists = jnp.take(adj_info, ids, axis=0)  # (B, MAX_DEG)
    # tf.transpose -> tf.random_shuffle -> tf.transpose:
    # shuffles the leading dim of the transposed matrix, i.e. applies ONE
    # random permutation to the neighbor (degree) axis, shared across all ids.
    perm = jax.random.permutation(jax.random.key(42), adj_lists.shape[1])
    adj_lists = adj_lists[:, perm]
    # tf.slice(adj_lists, [0, 0], [-1, num_samples])
    cols = jnp.arange(NUM_SAMPLES, dtype=jnp.int32) + (num_samples - NUM_SAMPLES)
    return adj_lists[:, cols]

if __name__ == "__main__":
    import jax
    _d = setup_inputs()
    print(jax.jit(kernel)(*tuple(_d.values())))

</pallas_src>

<mosaic_0001>
#map = affine_map<(d0, d1) -> (0, 0)>
#map1 = affine_map<(d0, d1) -> (0)>
module attributes {stable_mosaic.version = 14 : i64} {
  func.func @sampler(%arg0: i32, %arg1: i32, %arg2: memref<100001x64xi32, #tpu.memory_space<hbm>>, %arg3: memref<16384xi32, #tpu.memory_space<hbm>>, %arg4: memref<32xi32, #tpu.memory_space<hbm>>, %arg5: memref<524288xi32, #tpu.memory_space<hbm>>, %arg6: memref<512xi32, #tpu.memory_space<vmem>>, %arg7: memref<512x64xi32, #tpu.memory_space<vmem>>, %arg8: memref<16384xi32, #tpu.memory_space<vmem>>, %arg9: memref<32xi32, #tpu.memory_space<vmem>>, %arg10: memref<!tpu.dma_semaphore, #tpu.memory_space<semaphore_mem>>) attributes {dimension_semantics = [#tpu.dimension_semantics<core_parallel>, #tpu.dimension_semantics<subcore_parallel>], iteration_bounds = array<i64: 2, 16>, scalar_prefetch = 0 : i64, scratch_operands = 5 : i64, tpu.core_type = #tpu.core_type<sc_vector_subcore>, window_params = [{transform_indices = #map}, {transform_indices = #map1}, {transform_indices = #map1}, {transform_indices = #map1}]} {
    %mul3A = arith.constant 2 : i32
    %mul3A_0 = arith.muli %arg1, %mul3A : i32
    %add3A = arith.addi %mul3A_0, %arg0 : i32
    %mul3A_1 = arith.constant 512 : i32
    %mul3A_2 = arith.muli %add3A, %mul3A_1 : i32
    "tpu.region"() ({
      %run_scoped3A = tpu.sem_alloc : memref<!tpu.dma_semaphore, #tpu.memory_space<semaphore_mem>>
      tpu.enqueue_dma source(%arg4 : memref<32xi32, #tpu.memory_space<hbm>>) target(%arg9 : memref<32xi32, #tpu.memory_space<vmem>>) target_semaphore(%run_scoped3A : memref<!tpu.dma_semaphore, #tpu.memory_space<semaphore_mem>>)
      tpu.wait_dma2 semaphore(%run_scoped3A : memref<!tpu.dma_semaphore, #tpu.memory_space<semaphore_mem>>) src(%arg4 : memref<32xi32, #tpu.memory_space<hbm>>) dst(%arg9 : memref<32xi32, #tpu.memory_space<vmem>>)
      tpu.yield
    }) : () -> ()
    "tpu.region"() ({
      %run_scoped3A = tpu.sem_alloc : memref<!tpu.dma_semaphore, #tpu.memory_space<semaphore_mem>>
      %dma_start3A = tpu.memref_slice %arg3[%mul3A_2] : memref<16384xi32, #tpu.memory_space<hbm>> -> memref<512xi32, #tpu.memory_space<hbm>>
      %dma_start3A_31 = tpu.memref_slice %arg3[%mul3A_2] : memref<16384xi32, #tpu.memory_space<hbm>> -> memref<512xi32, #tpu.memory_space<hbm>>
      tpu.enqueue_dma source(%dma_start3A_31 : memref<512xi32, #tpu.memory_space<hbm>>) target(%arg6 : memref<512xi32, #tpu.memory_space<vmem>>) target_semaphore(%run_scoped3A : memref<!tpu.dma_semaphore, #tpu.memory_space<semaphore_mem>>)
      %dma_wait3A = tpu.memref_slice %arg3[%mul3A_2] : memref<16384xi32, #tpu.memory_space<hbm>> -> memref<512xi32, #tpu.memory_space<hbm>>
      %dma_wait3A_32 = tpu.memref_slice %arg3[%mul3A_2] : memref<16384xi32, #tpu.memory_space<hbm>> -> memref<512xi32, #tpu.memory_space<hbm>>
      tpu.wait_dma2 semaphore(%run_scoped3A : memref<!tpu.dma_semaphore, #tpu.memory_space<semaphore_mem>>) src(%dma_wait3A_32 : memref<512xi32, #tpu.memory_space<hbm>>) dst(%arg6 : memref<512xi32, #tpu.memory_space<vmem>>)
      tpu.yield
    }) : () -> ()
    %get3A = arith.constant 0 : index
    %get3A_3 = tpu.vector_load %arg9[%get3A] {strides = array<i32>} : memref<32xi32, #tpu.memory_space<vmem>>, vector<16xi32>,
    %get3A_4 = vector.shape_cast %get3A_3 : vector<16xi32> to vector<16xi32>
    %get3A_5 = arith.constant 16 : index
    %get3A_6 = tpu.vector_load %arg9[%get3A_5] {strides = array<i32>} : memref<32xi32, #tpu.memory_space<vmem>>, vector<16xi32>,
    %get3A_7 = vector.shape_cast %get3A_6 : vector<16xi32> to vector<16xi32>
    %and3A = arith.constant 15 : i32
    %and3A_8 = vector.broadcast %and3A : i32 to vector<16xi32>
    %and3A_9 = arith.andi %get3A_4, %and3A_8 : vector<16xi32>
    %and3A_10 = arith.constant 15 : i32
    %and3A_11 = vector.broadcast %and3A_10 : i32 to vector<16xi32>
    %and3A_12 = arith.andi %get3A_7, %and3A_11 : vector<16xi32>
    %shift_right_arithmetic3A = arith.constant 4 : i32
    %shift_right_arithmetic3A_13 = vector.broadcast %shift_right_arithmetic3A : i32 to vector<16xi32>
    %shift_right_arithmetic3A_14 = arith.shrsi %get3A_4, %shift_right_arithmetic3A_13 : vector<16xi32>
    %shift_right_arithmetic3A_15 = arith.constant 4 : i32
    %shift_right_arithmetic3A_16 = vector.broadcast %shift_right_arithmetic3A_15 : i32 to vector<16xi32>
    %shift_right_arithmetic3A_17 = arith.shrsi %get3A_7, %shift_right_arithmetic3A_16 : vector<16xi32>
    %scan3A = arith.constant 0 : i32
    %scan3A_18 = arith.constant 0 : i32
    %scan3A_19 = arith.constant 32 : i32
    %scan3A_20 = arith.addi %scan3A_18, %scan3A_19 : i32
    %scan3A_21 = arith.constant 1 : i32
    scf.for %scan3A_31 = %scan3A_18 to %scan3A_20 step %scan3A_21  : i32 {
      %mul3A_32 = arith.constant 16 : i32
      %mul3A_33 = arith.muli %scan3A_31, %mul3A_32 : i32
      %get3A_34 = arith.index_cast %mul3A_33 : i32 to index
      %get3A_35 = tpu.vector_load %arg6[%get3A_34] {strides = array<i32>} : memref<512xi32, #tpu.memory_space<vmem>>, vector<16xi32>,
      %get3A_36 = vector.shape_cast %get3A_35 : vector<16xi32> to vector<16xi32>
      %slice3A = vector.extract_strided_slice %get3A_36 {offsets = [0], sizes = [1], strides = [1]} : vector<16xi32> to vector<1xi32>
      %squeeze3A = vector.extract %slice3A[0] : i32 from vector<1xi32>
      %mul3A_37 = arith.constant 16 : i32
      %mul3A_38 = arith.muli %scan3A_31, %mul3A_37 : i32
      %add3A_39 = arith.constant 0 : i32
      %add3A_40 = arith.addi %mul3A_38, %add3A_39 : i32
      %dma_start3A = arith.constant 0 : i32
      %dma_start3A_41 = tpu.memref_slice %arg7[%add3A_40, %dma_start3A] : memref<512x64xi32, #tpu.memory_space<vmem>> -> memref<1x64xi32, #tpu.memory_space<vmem>>
      %dma_start3A_42 = tpu.memref_squeeze %dma_start3A_41 : memref<1x64xi32, #tpu.memory_space<vmem>> -> memref<64xi32, #tpu.memory_space<vmem>>
      %dma_start3A_43 = arith.constant 0 : i32
      %dma_start3A_44 = tpu.memref_slice %arg2[%squeeze3A, %dma_start3A_43] : memref<100001x64xi32, #tpu.memory_space<hbm>> -> memref<1x64xi32, #tpu.memory_space<hbm>>
      %dma_start3A_45 = tpu.memref_squeeze %dma_start3A_44 : memref<1x64xi32, #tpu.memory_space<hbm>> -> memref<64xi32, #tpu.memory_space<hbm>>
      %dma_start3A_46 = arith.constant 0 : i32
      %dma_start3A_47 = tpu.memref_slice %arg7[%add3A_40, %dma_start3A_46] : memref<512x64xi32, #tpu.memory_space<vmem>> -> memref<1x64xi32, #tpu.memory_space<vmem>>
      %dma_start3A_48 = tpu.memref_squeeze %dma_start3A_47 : memref<1x64xi32, #tpu.memory_space<vmem>> -> memref<64xi32, #tpu.memory_space<vmem>>
      %dma_start3A_49 = arith.constant 0 : i32
      %dma_start3A_50 = tpu.memref_slice %arg2[%squeeze3A, %dma_start3A_49] : memref<100001x64xi32, #tpu.memory_space<hbm>> -> memref<1x64xi32, #tpu.memory_space<hbm>>
      %dma_start3A_51 = tpu.memref_squeeze %dma_start3A_50 : memref<1x64xi32, #tpu.memory_space<hbm>> -> memref<64xi32, #tpu.memory_space<hbm>>
      tpu.enqueue_dma source(%dma_start3A_51 : memref<64xi32, #tpu.memory_space<hbm>>) target(%dma_start3A_48 : memref<64xi32, #tpu.memory_space<vmem>>) target_semaphore(%arg10 : memref<!tpu.dma_semaphore, #tpu.memory_space<semaphore_mem>>)
      %slice3A_52 = vector.extract_strided_slice %get3A_36 {offsets = [1], sizes = [1], strides = [1]} : vector<16xi32> to vector<1xi32>
      %squeeze3A_53 = vector.extract %slice3A_52[0] : i32 from vector<1xi32>
      %mul3A_54 = arith.constant 16 : i32
      %mul3A_55 = arith.muli %scan3A_31, %mul3A_54 : i32
      %add3A_56 = arith.constant 1 : i32
      %add3A_57 = arith.addi %mul3A_55, %add3A_56 : i32
      %dma_start3A_58 = arith.constant 0 : i32
      %dma_start3A_59 = tpu.memref_slice %arg7[%add3A_57, %dma_start3A_58] : memref<512x64xi32, #tpu.memory_space<vmem>> -> memref<1x64xi32, #tpu.memory_space<vmem>>
      %dma_start3A_60 = tpu.memref_squeeze %dma_start3A_59 : memref<1x64xi32, #tpu.memory_space<vmem>> -> memref<64xi32, #tpu.memory_space<vmem>>
      %dma_start3A_61 = arith.constant 0 : i32
      %dma_start3A_62 = tpu.memref_slice %arg2[%squeeze3A_53, %dma_start3A_61] : memref<100001x64xi32, #tpu.memory_space<hbm>> -> memref<1x64xi32, #tpu.memory_space<hbm>>
      %dma_start3A_63 = tpu.memref_squeeze %dma_start3A_62 : memref<1x64xi32, #tpu.memory_space<hbm>> -> memref<64xi32, #tpu.memory_space<hbm>>
      %dma_start3A_64 = arith.constant 0 : i32
      %dma_start3A_65 = tpu.memref_slice %arg7[%add3A_57, %dma_start3A_64] : memref<512x64xi32, #tpu.memory_space<vmem>> -> memref<1x64xi32, #tpu.memory_space<vmem>>
      %dma_start3A_66 = tpu.memref_squeeze %dma_start3A_65 : memref<1x64xi32, #tpu.memory_space<vmem>> -> memref<64xi32, #tpu.memory_space<vmem>>
      %dma_start3A_67 = arith.constant 0 : i32
      %dma_start3A_68 = tpu.memref_slice %arg2[%squeeze3A_53, %dma_start3A_67] : memref<100001x64xi32, #tpu.memory_space<hbm>> -> memref<1x64xi32, #tpu.memory_space<hbm>>
      %dma_start3A_69 = tpu.memref_squeeze %dma_start3A_68 : memref<1x64xi32, #tpu.memory_space<hbm>> -> memref<64xi32, #tpu.memory_space<hbm>>
      tpu.enqueue_dma source(%dma_start3A_69 : memref<64xi32, #tpu.memory_space<hbm>>) target(%dma_start3A_66 : memref<64xi32, #tpu.memory_space<vmem>>) target_semaphore(%arg10 : memref<!tpu.dma_semaphore, #tpu.memory_space<semaphore_mem>>)
      %slice3A_70 = vector.extract_strided_slice %get3A_36 {offsets = [2], sizes = [1], strides = [1]} : vector<16xi32> to vector<1xi32>
      %squeeze3A_71 = vector.extract %slice3A_70[0] : i32 from vector<1xi32>
      %mul3A_72 = arith.constant 16 : i32
      %mul3A_73 = arith.muli %scan3A_31, %mul3A_72 : i32
      %add3A_74 = arith.constant 2 : i32
      %add3A_75 = arith.addi %mul3A_73, %add3A_74 : i32
      %dma_start3A_76 = arith.constant 0 : i32
      %dma_start3A_77 = tpu.memref_slice %arg7[%add3A_75, %dma_start3A_76] : memref<512x64xi32, #tpu.memory_space<vmem>> -> memref<1x64xi32, #tpu.memory_space<vmem>>
      %dma_start3A_78 = tpu.memref_squeeze %dma_start3A_77 : memref<1x64xi32, #tpu.memory_space<vmem>> -> memref<64xi32, #tpu.memory_space<vmem>>
      %dma_start3A_79 = arith.constant 0 : i32
      %dma_start3A_80 = tpu.memref_slice %arg2[%squeeze3A_71, %dma_start3A_79] : memref<100001x64xi32, #tpu.memory_space<hbm>> -> memref<1x64xi32, #tpu.memory_space<hbm>>
      %dma_start3A_81 = tpu.memref_squeeze %dma_start3A_80 : memref<1x64xi32, #tpu.memory_space<hbm>> -> memref<64xi32, #tpu.memory_space<hbm>>
      %dma_start3A_82 = arith.constant 0 : i32
      %dma_start3A_83 = tpu.memref_slice %arg7[%add3A_75, %dma_start3A_82] : memref<512x64xi32, #tpu.memory_space<vmem>> -> memref<1x64xi32, #tpu.memory_space<vmem>>
      %dma_start3A_84 = tpu.memref_squeeze %dma_start3A_83 : memref<1x64xi32, #tpu.memory_space<vmem>> -> memref<64xi32, #tpu.memory_space<vmem>>
      %dma_start3A_85 = arith.constant 0 : i32
      %dma_start3A_86 = tpu.memref_slice %arg2[%squeeze3A_71, %dma_start3A_85] : memref<100001x64xi32, #tpu.memory_space<hbm>> -> memref<1x64xi32, #tpu.memory_space<hbm>>
      %dma_start3A_87 = tpu.memref_squeeze %dma_start3A_86 : memref<1x64xi32, #tpu.memory_space<hbm>> -> memref<64xi32, #tpu.memory_space<hbm>>
      tpu.enqueue_dma source(%dma_start3A_87 : memref<64xi32, #tpu.memory_space<hbm>>) target(%dma_start3A_84 : memref<64xi32, #tpu.memory_space<vmem>>) target_semaphore(%arg10 : memref<!tpu.dma_semaphore, #tpu.memory_space<semaphore_mem>>)
      %slice3A_88 = vector.extract_strided_slice %get3A_36 {offsets = [3], sizes = [1], strides = [1]} : vector<16xi32> to vector<1xi32>
      %squeeze3A_89 = vector.extract %slice3A_88[0] : i32 from vector<1xi32>
      %mul3A_90 = arith.constant 16 : i32
      %mul3A_91 = arith.muli %scan3A_31, %mul3A_90 : i32
      %add3A_92 = arith.constant 3 : i32
      %add3A_93 = arith.addi %mul3A_91, %add3A_92 : i32
      %dma_start3A_94 = arith.constant 0 : i32
      %dma_start3A_95 = tpu.memref_slice %arg7[%add3A_93, %dma_start3A_94] : memref<512x64xi32, #tpu.memory_space<vmem>> -> memref<1x64xi32, #tpu.memory_space<vmem>>
      %dma_start3A_96 = tpu.memref_squeeze %dma_start3A_95 : memref<1x64xi32, #tpu.memory_space<vmem>> -> memref<64xi32, #tpu.memory_space<vmem>>
      %dma_start3A_97 = arith.constant 0 : i32
      %dma_start3A_98 = tpu.memref_slice %arg2[%squeeze3A_89, %dma_start3A_97] : memref<100001x64xi32, #tpu.memory_space<hbm>> -> memref<1x64xi32, #tpu.memory_space<hbm>>
      %dma_start3A_99 = tpu.memref_squeeze %dma_start3A_98 : memref<1x64xi32, #tpu.memory_space<hbm>> -> memref<64xi32, #tpu.memory_space<hbm>>
      %dma_start3A_100 = arith.constant 0 : i32
      %dma_start3A_101 = tpu.memref_slice %arg7[%add3A_93, %dma_start3A_100] : memref<512x64xi32, #tpu.memory_space<vmem>> -> memref<1x64xi32, #tpu.memory_space<vmem>>
      %dma_start3A_102 = tpu.memref_squeeze %dma_start3A_101 : memref<1x64xi32, #tpu.memory_space<vmem>> -> memref<64xi32, #tpu.memory_space<vmem>>
      %dma_start3A_103 = arith.constant 0 : i32
      %dma_start3A_104 = tpu.memref_slice %arg2[%squeeze3A_89, %dma_start3A_103] : memref<100001x64xi32, #tpu.memory_space<hbm>> -> memref<1x64xi32, #tpu.memory_space<hbm>>
      %dma_start3A_105 = tpu.memref_squeeze %dma_start3A_104 : memref<1x64xi32, #tpu.memory_space<hbm>> -> memref<64xi32, #tpu.memory_space<hbm>>
      tpu.enqueue_dma source(%dma_start3A_105 : memref<64xi32, #tpu.memory_space<hbm>>) target(%dma_start3A_102 : memref<64xi32, #tpu.memory_space<vmem>>) target_semaphore(%arg10 : memref<!tpu.dma_semaphore, #tpu.memory_space<semaphore_mem>>)
      %slice3A_106 = vector.extract_strided_slice %get3A_36 {offsets = [4], sizes = [1], strides = [1]} : vector<16xi32> to vector<1xi32>
      %squeeze3A_107 = vector.extract %slice3A_106[0] : i32 from vector<1xi32>
      %mul3A_108 = arith.constant 16 : i32
      %mul3A_109 = arith.muli %scan3A_31, %mul3A_108 : i32
      %add3A_110 = arith.constant 4 : i32
      %add3A_111 = arith.addi %mul3A_109, %add3A_110 : i32
      %dma_start3A_112 = arith.constant 0 : i32
      %dma_start3A_113 = tpu.memref_slice %arg7[%add3A_111, %dma_start3A_112] : memref<512x64xi32, #tpu.memory_space<vmem>> -> memref<1x64xi32, #tpu.memory_space<vmem>>
      %dma_start3A_114 = tpu.memref_squeeze %dma_start3A_113 : memref<1x64xi32, #tpu.memory_space<vmem>> -> memref<64xi32, #tpu.memory_space<vmem>>
      %dma_start3A_115 = arith.constant 0 : i32
      %dma_start3A_116 = tpu.memref_slice %arg2[%squeeze3A_107, %dma_start3A_115] : memref<100001x64xi32, #tpu.memory_space<hbm>> -> memref<1x64xi32, #tpu.memory_space<hbm>>
      %dma_start3A_117 = tpu.memref_squeeze %dma_start3A_116 : memref<1x64xi32, #tpu.memory_space<hbm>> -> memref<64xi32, #tpu.memory_space<hbm>>
      %dma_start3A_118 = arith.constant 0 : i32
      %dma_start3A_119 = tpu.memref_slice %arg7[%add3A_111, %dma_start3A_118] : memref<512x64xi32, #tpu.memory_space<vmem>> -> memref<1x64xi32, #tpu.memory_space<vmem>>
      %dma_start3A_120 = tpu.memref_squeeze %dma_start3A_119 : memref<1x64xi32, #tpu.memory_space<vmem>> -> memref<64xi32, #tpu.memory_space<vmem>>
      %dma_start3A_121 = arith.constant 0 : i32
      %dma_start3A_122 = tpu.memref_slice %arg2[%squeeze3A_107, %dma_start3A_121] : memref<100001x64xi32, #tpu.memory_space<hbm>> -> memref<1x64xi32, #tpu.memory_space<hbm>>
      %dma_start3A_123 = tpu.memref_squeeze %dma_start3A_122 : memref<1x64xi32, #tpu.memory_space<hbm>> -> memref<64xi32, #tpu.memory_space<hbm>>
      tpu.enqueue_dma source(%dma_start3A_123 : memref<64xi32, #tpu.memory_space<hbm>>) target(%dma_start3A_120 : memref<64xi32, #tpu.memory_space<vmem>>) target_semaphore(%arg10 : memref<!tpu.dma_semaphore, #tpu.memory_space<semaphore_mem>>)
      %slice3A_124 = vector.extract_strided_slice %get3A_36 {offsets = [5], sizes = [1], strides = [1]} : vector<16xi32> to vector<1xi32>
      %squeeze3A_125 = vector.extract %slice3A_124[0] : i32 from vector<1xi32>
      %mul3A_126 = arith.constant 16 : i32
      %mul3A_127 = arith.muli %scan3A_31, %mul3A_126 : i32
      %add3A_128 = arith.constant 5 : i32
      %add3A_129 = arith.addi %mul3A_127, %add3A_128 : i32
      %dma_start3A_130 = arith.constant 0 : i32
      %dma_start3A_131 = tpu.memref_slice %arg7[%add3A_129, %dma_start3A_130] : memref<512x64xi32, #tpu.memory_space<vmem>> -> memref<1x64xi32, #tpu.memory_space<vmem>>
      %dma_start3A_132 = tpu.memref_squeeze %dma_start3A_131 : memref<1x64xi32, #tpu.memory_space<vmem>> -> memref<64xi32, #tpu.memory_space<vmem>>
      %dma_start3A_133 = arith.constant 0 : i32
      %dma_start3A_134 = tpu.memref_slice %arg2[%squeeze3A_125, %dma_start3A_133] : memref<100001x64xi32, #tpu.memory_space<hbm>> -> memref<1x64xi32, #tpu.memory_space<hbm>>
      %dma_start3A_135 = tpu.memref_squeeze %dma_start3A_134 : memref<1x64xi32, #tpu.memory_space<hbm>> -> memref<64xi32, #tpu.memory_space<hbm>>
      %dma_start3A_136 = arith.constant 0 : i32
      %dma_start3A_137 = tpu.memref_slice %arg7[%add3A_129, %dma_start3A_136] : memref<512x64xi32, #tpu.memory_space<vmem>> -> memref<1x64xi32, #tpu.memory_space<vmem>>
      %dma_start3A_138 = tpu.memref_squeeze %dma_start3A_137 : memref<1x64xi32, #tpu.memory_space<vmem>> -> memref<64xi32, #tpu.memory_space<vmem>>
      %dma_start3A_139 = arith.constant 0 : i32
      %dma_start3A_140 = tpu.memref_slice %arg2[%squeeze3A_125, %dma_start3A_139] : memref<100001x64xi32, #tpu.memory_space<hbm>> -> memref<1x64xi32, #tpu.memory_space<hbm>>
      %dma_start3A_141 = tpu.memref_squeeze %dma_start3A_140 : memref<1x64xi32, #tpu.memory_space<hbm>> -> memref<64xi32, #tpu.memory_space<hbm>>
      tpu.enqueue_dma source(%dma_start3A_141 : memref<64xi32, #tpu.memory_space<hbm>>) target(%dma_start3A_138 : memref<64xi32, #tpu.memory_space<vmem>>) target_semaphore(%arg10 : memref<!tpu.dma_semaphore, #tpu.memory_space<semaphore_mem>>)
      %slice3A_142 = vector.extract_strided_slice %get3A_36 {offsets = [6], sizes = [1], strides = [1]} : vector<16xi32> to vector<1xi32>
      %squeeze3A_143 = vector.extract %slice3A_142[0] : i32 from vector<1xi32>
      %mul3A_144 = arith.constant 16 : i32
      %mul3A_145 = arith.muli %scan3A_31, %mul3A_144 : i32
      %add3A_146 = arith.constant 6 : i32
      %add3A_147 = arith.addi %mul3A_145, %add3A_146 : i32
      %dma_start3A_148 = arith.constant 0 : i32
      %dma_start3A_149 = tpu.memref_slice %arg7[%add3A_147, %dma_start3A_148] : memref<512x64xi32, #tpu.memory_space<vmem>> -> memref<1x64xi32, #tpu.memory_space<vmem>>
      %dma_start3A_150 = tpu.memref_squeeze %dma_start3A_149 : memref<1x64xi32, #tpu.memory_space<vmem>> -> memref<64xi32, #tpu.memory_space<vmem>>
      %dma_start3A_151 = arith.constant 0 : i32
      %dma_start3A_152 = tpu.memref_slice %arg2[%squeeze3A_143, %dma_start3A_151] : memref<100001x64xi32, #tpu.memory_space<hbm>> -> memref<1x64xi32, #tpu.memory_space<hbm>>
      %dma_start3A_153 = tpu.memref_squeeze %dma_start3A_152 : memref<1x64xi32, #tpu.memory_space<hbm>> -> memref<64xi32, #tpu.memory_space<hbm>>
      %dma_start3A_154 = arith.constant 0 : i32
      %dma_start3A_155 = tpu.memref_slice %arg7[%add3A_147, %dma_start3A_154] : memref<512x64xi32, #tpu.memory_space<vmem>> -> memref<1x64xi32, #tpu.memory_space<vmem>>
      %dma_start3A_156 = tpu.memref_squeeze %dma_start3A_155 : memref<1x64xi32, #tpu.memory_space<vmem>> -> memref<64xi32, #tpu.memory_space<vmem>>
      %dma_start3A_157 = arith.constant 0 : i32
      %dma_start3A_158 = tpu.memref_slice %arg2[%squeeze3A_143, %dma_start3A_157] : memref<100001x64xi32, #tpu.memory_space<hbm>> -> memref<1x64xi32, #tpu.memory_space<hbm>>
      %dma_start3A_159 = tpu.memref_squeeze %dma_start3A_158 : memref<1x64xi32, #tpu.memory_space<hbm>> -> memref<64xi32, #tpu.memory_space<hbm>>
      tpu.enqueue_dma source(%dma_start3A_159 : memref<64xi32, #tpu.memory_space<hbm>>) target(%dma_start3A_156 : memref<64xi32, #tpu.memory_space<vmem>>) target_semaphore(%arg10 : memref<!tpu.dma_semaphore, #tpu.memory_space<semaphore_mem>>)
      %slice3A_160 = vector.extract_strided_slice %get3A_36 {offsets = [7], sizes = [1], strides = [1]} : vector<16xi32> to vector<1xi32>
      %squeeze3A_161 = vector.extract %slice3A_160[0] : i32 from vector<1xi32>
      %mul3A_162 = arith.constant 16 : i32
      %mul3A_163 = arith.muli %scan3A_31, %mul3A_162 : i32
      %add3A_164 = arith.constant 7 : i32
      %add3A_165 = arith.addi %mul3A_163, %add3A_164 : i32
      %dma_start3A_166 = arith.constant 0 : i32
      %dma_start3A_167 = tpu.memref_slice %arg7[%add3A_165, %dma_start3A_166] : memref<512x64xi32, #tpu.memory_space<vmem>> -> memref<1x64xi32, #tpu.memory_space<vmem>>
      %dma_start3A_168 = tpu.memref_squeeze %dma_start3A_167 : memref<1x64xi32, #tpu.memory_space<vmem>> -> memref<64xi32, #tpu.memory_space<vmem>>
      %dma_start3A_169 = arith.constant 0 : i32
      %dma_start3A_170 = tpu.memref_slice %arg2[%squeeze3A_161, %dma_start3A_169] : memref<100001x64xi32, #tpu.memory_space<hbm>> -> memref<1x64xi32, #tpu.memory_space<hbm>>
      %dma_start3A_171 = tpu.memref_squeeze %dma_start3A_170 : memref<1x64xi32, #tpu.memory_space<hbm>> -> memref<64xi32, #tpu.memory_space<hbm>>
      %dma_start3A_172 = arith.constant 0 : i32
      %dma_start3A_173 = tpu.memref_slice %arg7[%add3A_165, %dma_start3A_172] : memref<512x64xi32, #tpu.memory_space<vmem>> -> memref<1x64xi32, #tpu.memory_space<vmem>>
      %dma_start3A_174 = tpu.memref_squeeze %dma_start3A_173 : memref<1x64xi32, #tpu.memory_space<vmem>> -> memref<64xi32, #tpu.memory_space<vmem>>
      %dma_start3A_175 = arith.constant 0 : i32
      %dma_start3A_176 = tpu.memref_slice %arg2[%squeeze3A_161, %dma_start3A_175] : memref<100001x64xi32, #tpu.memory_space<hbm>> -> memref<1x64xi32, #tpu.memory_space<hbm>>
      %dma_start3A_177 = tpu.memref_squeeze %dma_start3A_176 : memref<1x64xi32, #tpu.memory_space<hbm>> -> memref<64xi32, #tpu.memory_space<hbm>>
      tpu.enqueue_dma source(%dma_start3A_177 : memref<64xi32, #tpu.memory_space<hbm>>) target(%dma_start3A_174 : memref<64xi32, #tpu.memory_space<vmem>>) target_semaphore(%arg10 : memref<!tpu.dma_semaphore, #tpu.memory_space<semaphore_mem>>)
      %slice3A_178 = vector.extract_strided_slice %get3A_36 {offsets = [8], sizes = [1], strides = [1]} : vector<16xi32> to vector<1xi32>
      %squeeze3A_179 = vector.extract %slice3A_178[0] : i32 from vector<1xi32>
      %mul3A_180 = arith.constant 16 : i32
      %mul3A_181 = arith.muli %scan3A_31, %mul3A_180 : i32
      %add3A_182 = arith.constant 8 : i32
      %add3A_183 = arith.addi %mul3A_181, %add3A_182 : i32
      %dma_start3A_184 = arith.constant 0 : i32
      %dma_start3A_185 = tpu.memref_slice %arg7[%add3A_183, %dma_start3A_184] : memref<512x64xi32, #tpu.memory_space<vmem>> -> memref<1x64xi32, #tpu.memory_space<vmem>>
      %dma_start3A_186 = tpu.memref_squeeze %dma_start3A_185 : memref<1x64xi32, #tpu.memory_space<vmem>> -> memref<64xi32, #tpu.memory_space<vmem>>
      %dma_start3A_187 = arith.constant 0 : i32
      %dma_start3A_188 = tpu.memref_slice %arg2[%squeeze3A_179, %dma_start3A_187] : memref<100001x64xi32, #tpu.memory_space<hbm>> -> memref<1x64xi32, #tpu.memory_space<hbm>>
      %dma_start3A_189 = tpu.memref_squeeze %dma_start3A_188 : memref<1x64xi32, #tpu.memory_space<hbm>> -> memref<64xi32, #tpu.memory_space<hbm>>
      %dma_start3A_190 = arith.constant 0 : i32
      %dma_start3A_191 = tpu.memref_slice %arg7[%add3A_183, %dma_start3A_190] : memref<512x64xi32, #tpu.memory_space<vmem>> -> memref<1x64xi32, #tpu.memory_space<vmem>>
      %dma_start3A_192 = tpu.memref_squeeze %dma_start3A_191 : memref<1x64xi32, #tpu.memory_space<vmem>> -> memref<64xi32, #tpu.memory_space<vmem>>
      %dma_start3A_193 = arith.constant 0 : i32
      %dma_start3A_194 = tpu.memref_slice %arg2[%squeeze3A_179, %dma_start3A_193] : memref<100001x64xi32, #tpu.memory_space<hbm>> -> memref<1x64xi32, #tpu.memory_space<hbm>>
      %dma_start3A_195 = tpu.memref_squeeze %dma_start3A_194 : memref<1x64xi32, #tpu.memory_space<hbm>> -> memref<64xi32, #tpu.memory_space<hbm>>
      tpu.enqueue_dma source(%dma_start3A_195 : memref<64xi32, #tpu.memory_space<hbm>>) target(%dma_start3A_192 : memref<64xi32, #tpu.memory_space<vmem>>) target_semaphore(%arg10 : memref<!tpu.dma_semaphore, #tpu.memory_space<semaphore_mem>>)
      %slice3A_196 = vector.extract_strided_slice %get3A_36 {offsets = [9], sizes = [1], strides = [1]} : vector<16xi32> to vector<1xi32>
      %squeeze3A_197 = vector.extract %slice3A_196[0] : i32 from vector<1xi32>
      %mul3A_198 = arith.constant 16 : i32
      %mul3A_199 = arith.muli %scan3A_31, %mul3A_198 : i32
      %add3A_200 = arith.constant 9 : i32
      %add3A_201 = arith.addi %mul3A_199, %add3A_200 : i32
      %dma_start3A_202 = arith.constant 0 : i32
      %dma_start3A_203 = tpu.memref_slice %arg7[%add3A_201, %dma_start3A_202] : memref<512x64xi32, #tpu.memory_space<vmem>> -> memref<1x64xi32, #tpu.memory_space<vmem>>
      %dma_start3A_204 = tpu.memref_squeeze %dma_start3A_203 : memref<1x64xi32, #tpu.memory_space<vmem>> -> memref<64xi32, #tpu.memory_space<vmem>>
      %dma_start3A_205 = arith.constant 0 : i32
      %dma_start3A_206 = tpu.memref_slice %arg2[%squeeze3A_197, %dma_start3A_205] : memref<100001x64xi32, #tpu.memory_space<hbm>> -> memref<1x64xi32, #tpu.memory_space<hbm>>
      %dma_start3A_207 = tpu.memref_squeeze %dma_start3A_206 : memref<1x64xi32, #tpu.memory_space<hbm>> -> memref<64xi32, #tpu.memory_space<hbm>>
      %dma_start3A_208 = arith.constant 0 : i32
      %dma_start3A_209 = tpu.memref_slice %arg7[%add3A_201, %dma_start3A_208] : memref<512x64xi32, #tpu.memory_space<vmem>> -> memref<1x64xi32, #tpu.memory_space<vmem>>
      %dma_start3A_210 = tpu.memref_squeeze %dma_start3A_209 : memref<1x64xi32, #tpu.memory_space<vmem>> -> memref<64xi32, #tpu.memory_space<vmem>>
      %dma_start3A_211 = arith.constant 0 : i32
      %dma_start3A_212 = tpu.memref_slice %arg2[%squeeze3A_197, %dma_start3A_211] : memref<100001x64xi32, #tpu.memory_space<hbm>> -> memref<1x64xi32, #tpu.memory_space<hbm>>
      %dma_start3A_213 = tpu.memref_squeeze %dma_start3A_212 : memref<1x64xi32, #tpu.memory_space<hbm>> -> memref<64xi32, #tpu.memory_space<hbm>>
      tpu.enqueue_dma source(%dma_start3A_213 : memref<64xi32, #tpu.memory_space<hbm>>) target(%dma_start3A_210 : memref<64xi32, #tpu.memory_space<vmem>>) target_semaphore(%arg10 : memref<!tpu.dma_semaphore, #tpu.memory_space<semaphore_mem>>)
      %slice3A_214 = vector.extract_strided_slice %get3A_36 {offsets = [10], sizes = [1], strides = [1]} : vector<16xi32> to vector<1xi32>
      %squeeze3A_215 = vector.extract %slice3A_214[0] : i32 from vector<1xi32>
      %mul3A_216 = arith.constant 16 : i32
      %mul3A_217 = arith.muli %scan3A_31, %mul3A_216 : i32
      %add3A_218 = arith.constant 10 : i32
      %add3A_219 = arith.addi %mul3A_217, %add3A_218 : i32
      %dma_start3A_220 = arith.constant 0 : i32
      %dma_start3A_221 = tpu.memref_slice %arg7[%add3A_219, %dma_start3A_220] : memref<512x64xi32, #tpu.memory_space<vmem>> -> memref<1x64xi32, #tpu.memory_space<vmem>>
      %dma_start3A_222 = tpu.memref_squeeze %dma_start3A_221 : memref<1x64xi32, #tpu.memory_space<vmem>> -> memref<64xi32, #tpu.memory_space<vmem>>
      %dma_start3A_223 = arith.constant 0 : i32
      %dma_start3A_224 = tpu.memref_slice %arg2[%squeeze3A_215, %dma_start3A_223] : memref<100001x64xi32, #tpu.memory_space<hbm>> -> memref<1x64xi32, #tpu.memory_space<hbm>>
      %dma_start3A_225 = tpu.memref_squeeze %dma_start3A_224 : memref<1x64xi32, #tpu.memory_space<hbm>> -> memref<64xi32, #tpu.memory_space<hbm>>
      %dma_start3A_226 = arith.constant 0 : i32
      %dma_start3A_227 = tpu.memref_slice %arg7[%add3A_219, %dma_start3A_226] : memref<512x64xi32, #tpu.memory_space<vmem>> -> memref<1x64xi32, #tpu.memory_space<vmem>>
      %dma_start3A_228 = tpu.memref_squeeze %dma_start3A_227 : memref<1x64xi32, #tpu.memory_space<vmem>> -> memref<64xi32, #tpu.memory_space<vmem>>
      %dma_start3A_229 = arith.constant 0 : i32
      %dma_start3A_230 = tpu.memref_slice %arg2[%squeeze3A_215, %dma_start3A_229] : memref<100001x64xi32, #tpu.memory_space<hbm>> -> memref<1x64xi32, #tpu.memory_space<hbm>>
      %dma_start3A_231 = tpu.memref_squeeze %dma_start3A_230 : memref<1x64xi32, #tpu.memory_space<hbm>> -> memref<64xi32, #tpu.memory_space<hbm>>
      tpu.enqueue_dma source(%dma_start3A_231 : memref<64xi32, #tpu.memory_space<hbm>>) target(%dma_start3A_228 : memref<64xi32, #tpu.memory_space<vmem>>) target_semaphore(%arg10 : memref<!tpu.dma_semaphore, #tpu.memory_space<semaphore_mem>>)
      %slice3A_232 = vector.extract_strided_slice %get3A_36 {offsets = [11], sizes = [1], strides = [1]} : vector<16xi32> to vector<1xi32>
      %squeeze3A_233 = vector.extract %slice3A_232[0] : i32 from vector<1xi32>
      %mul3A_234 = arith.constant 16 : i32
      %mul3A_235 = arith.muli %scan3A_31, %mul3A_234 : i32
      %add3A_236 = arith.constant 11 : i32
      %add3A_237 = arith.addi %mul3A_235, %add3A_236 : i32
      %dma_start3A_238 = arith.constant 0 : i32
      %dma_start3A_239 = tpu.memref_slice %arg7[%add3A_237, %dma_start3A_238] : memref<512x64xi32, #tpu.memory_space<vmem>> -> memref<1x64xi32, #tpu.memory_space<vmem>>
      %dma_start3A_240 = tpu.memref_squeeze %dma_start3A_239 : memref<1x64xi32, #tpu.memory_space<vmem>> -> memref<64xi32, #tpu.memory_space<vmem>>
      %dma_start3A_241 = arith.constant 0 : i32
      %dma_start3A_242 = tpu.memref_slice %arg2[%squeeze3A_233, %dma_start3A_241] : memref<100001x64xi32, #tpu.memory_space<hbm>> -> memref<1x64xi32, #tpu.memory_space<hbm>>
      %dma_start3A_243 = tpu.memref_squeeze %dma_start3A_242 : memref<1x64xi32, #tpu.memory_space<hbm>> -> memref<64xi32, #tpu.memory_space<hbm>>
      %dma_start3A_244 = arith.constant 0 : i32
      %dma_start3A_245 = tpu.memref_slice %arg7[%add3A_237, %dma_start3A_244] : memref<512x64xi32, #tpu.memory_space<vmem>> -> memref<1x64xi32, #tpu.memory_space<vmem>>
      %dma_start3A_246 = tpu.memref_squeeze %dma_start3A_245 : memref<1x64xi32, #tpu.memory_space<vmem>> -> memref<64xi32, #tpu.memory_space<vmem>>
      %dma_start3A_247 = arith.constant 0 : i32
      %dma_start3A_248 = tpu.memref_slice %arg2[%squeeze3A_233, %dma_start3A_247] : memref<100001x64xi32, #tpu.memory_space<hbm>> -> memref<1x64xi32, #tpu.memory_space<hbm>>
      %dma_start3A_249 = tpu.memref_squeeze %dma_start3A_248 : memref<1x64xi32, #tpu.memory_space<hbm>> -> memref<64xi32, #tpu.memory_space<hbm>>
      tpu.enqueue_dma source(%dma_start3A_249 : memref<64xi32, #tpu.memory_space<hbm>>) target(%dma_start3A_246 : memref<64xi32, #tpu.memory_space<vmem>>) target_semaphore(%arg10 : memref<!tpu.dma_semaphore, #tpu.memory_space<semaphore_mem>>)
      %slice3A_250 = vector.extract_strided_slice %get3A_36 {offsets = [12], sizes = [1], strides = [1]} : vector<16xi32> to vector<1xi32>
      %squeeze3A_251 = vector.extract %slice3A_250[0] : i32 from vector<1xi32>
      %mul3A_252 = arith.constant 16 : i32
      %mul3A_253 = arith.muli %scan3A_31, %mul3A_252 : i32
      %add3A_254 = arith.constant 12 : i32
      %add3A_255 = arith.addi %mul3A_253, %add3A_254 : i32
      %dma_start3A_256 = arith.constant 0 : i32
      %dma_start3A_257 = tpu.memref_slice %arg7[%add3A_255, %dma_start3A_256] : memref<512x64xi32, #tpu.memory_space<vmem>> -> memref<1x64xi32, #tpu.memory_space<vmem>>
      %dma_start3A_258 = tpu.memref_squeeze %dma_start3A_257 : memref<1x64xi32, #tpu.memory_space<vmem>> -> memref<64xi32, #tpu.memory_space<vmem>>
      %dma_start3A_259 = arith.constant 0 : i32
      %dma_start3A_260 = tpu.memref_slice %arg2[%squeeze3A_251, %dma_start3A_259] : memref<100001x64xi32, #tpu.memory_space<hbm>> -> memref<1x64xi32, #tpu.memory_space<hbm>>
      %dma_start3A_261 = tpu.memref_squeeze %dma_start3A_260 : memref<1x64xi32, #tpu.memory_space<hbm>> -> memref<64xi32, #tpu.memory_space<hbm>>
      %dma_start3A_262 = arith.constant 0 : i32
      %dma_start3A_263 = tpu.memref_slice %arg7[%add3A_255, %dma_start3A_262] : memref<512x64xi32, #tpu.memory_space<vmem>> -> memref<1x64xi32, #tpu.memory_space<vmem>>
      %dma_start3A_264 = tpu.memref_squeeze %dma_start3A_263 : memref<1x64xi32, #tpu.memory_space<vmem>> -> memref<64xi32, #tpu.memory_space<vmem>>
      %dma_start3A_265 = arith.constant 0 : i32
      %dma_start3A_266 = tpu.memref_slice %arg2[%squeeze3A_251, %dma_start3A_265] : memref<100001x64xi32, #tpu.memory_space<hbm>> -> memref<1x64xi32, #tpu.memory_space<hbm>>
      %dma_start3A_267 = tpu.memref_squeeze %dma_start3A_266 : memref<1x64xi32, #tpu.memory_space<hbm>> -> memref<64xi32, #tpu.memory_space<hbm>>
      tpu.enqueue_dma source(%dma_start3A_267 : memref<64xi32, #tpu.memory_space<hbm>>) target(%dma_start3A_264 : memref<64xi32, #tpu.memory_space<vmem>>) target_semaphore(%arg10 : memref<!tpu.dma_semaphore, #tpu.memory_space<semaphore_mem>>)
      %slice3A_268 = vector.extract_strided_slice %get3A_36 {offsets = [13], sizes = [1], strides = [1]} : vector<16xi32> to vector<1xi32>
      %squeeze3A_269 = vector.extract %slice3A_268[0] : i32 from vector<1xi32>
      %mul3A_270 = arith.constant 16 : i32
      %mul3A_271 = arith.muli %scan3A_31, %mul3A_270 : i32
      %add3A_272 = arith.constant 13 : i32
      %add3A_273 = arith.addi %mul3A_271, %add3A_272 : i32
      %dma_start3A_274 = arith.constant 0 : i32
      %dma_start3A_275 = tpu.memref_slice %arg7[%add3A_273, %dma_start3A_274] : memref<512x64xi32, #tpu.memory_space<vmem>> -> memref<1x64xi32, #tpu.memory_space<vmem>>
      %dma_start3A_276 = tpu.memref_squeeze %dma_start3A_275 : memref<1x64xi32, #tpu.memory_space<vmem>> -> memref<64xi32, #tpu.memory_space<vmem>>
      %dma_start3A_277 = arith.constant 0 : i32
      %dma_start3A_278 = tpu.memref_slice %arg2[%squeeze3A_269, %dma_start3A_277] : memref<100001x64xi32, #tpu.memory_space<hbm>> -> memref<1x64xi32, #tpu.memory_space<hbm>>
      %dma_start3A_279 = tpu.memref_squeeze %dma_start3A_278 : memref<1x64xi32, #tpu.memory_space<hbm>> -> memref<64xi32, #tpu.memory_space<hbm>>
      %dma_start3A_280 = arith.constant 0 : i32
      %dma_start3A_281 = tpu.memref_slice %arg7[%add3A_273, %dma_start3A_280] : memref<512x64xi32, #tpu.memory_space<vmem>> -> memref<1x64xi32, #tpu.memory_space<vmem>>
      %dma_start3A_282 = tpu.memref_squeeze %dma_start3A_281 : memref<1x64xi32, #tpu.memory_space<vmem>> -> memref<64xi32, #tpu.memory_space<vmem>>
      %dma_start3A_283 = arith.constant 0 : i32
      %dma_start3A_284 = tpu.memref_slice %arg2[%squeeze3A_269, %dma_start3A_283] : memref<100001x64xi32, #tpu.memory_space<hbm>> -> memref<1x64xi32, #tpu.memory_space<hbm>>
      %dma_start3A_285 = tpu.memref_squeeze %dma_start3A_284 : memref<1x64xi32, #tpu.memory_space<hbm>> -> memref<64xi32, #tpu.memory_space<hbm>>
      tpu.enqueue_dma source(%dma_start3A_285 : memref<64xi32, #tpu.memory_space<hbm>>) target(%dma_start3A_282 : memref<64xi32, #tpu.memory_space<vmem>>) target_semaphore(%arg10 : memref<!tpu.dma_semaphore, #tpu.memory_space<semaphore_mem>>)
      %slice3A_286 = vector.extract_strided_slice %get3A_36 {offsets = [14], sizes = [1], strides = [1]} : vector<16xi32> to vector<1xi32>
      %squeeze3A_287 = vector.extract %slice3A_286[0] : i32 from vector<1xi32>
      %mul3A_288 = arith.constant 16 : i32
      %mul3A_289 = arith.muli %scan3A_31, %mul3A_288 : i32
      %add3A_290 = arith.constant 14 : i32
      %add3A_291 = arith.addi %mul3A_289, %add3A_290 : i32
      %dma_start3A_292 = arith.constant 0 : i32
      %dma_start3A_293 = tpu.memref_slice %arg7[%add3A_291, %dma_start3A_292] : memref<512x64xi32, #tpu.memory_space<vmem>> -> memref<1x64xi32, #tpu.memory_space<vmem>>
      %dma_start3A_294 = tpu.memref_squeeze %dma_start3A_293 : memref<1x64xi32, #tpu.memory_space<vmem>> -> memref<64xi32, #tpu.memory_space<vmem>>
      %dma_start3A_295 = arith.constant 0 : i32
      %dma_start3A_296 = tpu.memref_slice %arg2[%squeeze3A_287, %dma_start3A_295] : memref<100001x64xi32, #tpu.memory_space<hbm>> -> memref<1x64xi32, #tpu.memory_space<hbm>>
      %dma_start3A_297 = tpu.memref_squeeze %dma_start3A_296 : memref<1x64xi32, #tpu.memory_space<hbm>> -> memref<64xi32, #tpu.memory_space<hbm>>
      %dma_start3A_298 = arith.constant 0 : i32
      %dma_start3A_299 = tpu.memref_slice %arg7[%add3A_291, %dma_start3A_298] : memref<512x64xi32, #tpu.memory_space<vmem>> -> memref<1x64xi32, #tpu.memory_space<vmem>>
      %dma_start3A_300 = tpu.memref_squeeze %dma_start3A_299 : memref<1x64xi32, #tpu.memory_space<vmem>> -> memref<64xi32, #tpu.memory_space<vmem>>
      %dma_start3A_301 = arith.constant 0 : i32
      %dma_start3A_302 = tpu.memref_slice %arg2[%squeeze3A_287, %dma_start3A_301] : memref<100001x64xi32, #tpu.memory_space<hbm>> -> memref<1x64xi32, #tpu.memory_space<hbm>>
      %dma_start3A_303 = tpu.memref_squeeze %dma_start3A_302 : memref<1x64xi32, #tpu.memory_space<hbm>> -> memref<64xi32, #tpu.memory_space<hbm>>
      tpu.enqueue_dma source(%dma_start3A_303 : memref<64xi32, #tpu.memory_space<hbm>>) target(%dma_start3A_300 : memref<64xi32, #tpu.memory_space<vmem>>) target_semaphore(%arg10 : memref<!tpu.dma_semaphore, #tpu.memory_space<semaphore_mem>>)
      %slice3A_304 = vector.extract_strided_slice %get3A_36 {offsets = [15], sizes = [1], strides = [1]} : vector<16xi32> to vector<1xi32>
      %squeeze3A_305 = vector.extract %slice3A_304[0] : i32 from vector<1xi32>
      %mul3A_306 = arith.constant 16 : i32
      %mul3A_307 = arith.muli %scan3A_31, %mul3A_306 : i32
      %add3A_308 = arith.constant 15 : i32
      %add3A_309 = arith.addi %mul3A_307, %add3A_308 : i32
      %dma_start3A_310 = arith.constant 0 : i32
      %dma_start3A_311 = tpu.memref_slice %arg7[%add3A_309, %dma_start3A_310] : memref<512x64xi32, #tpu.memory_space<vmem>> -> memref<1x64xi32, #tpu.memory_space<vmem>>
      %dma_start3A_312 = tpu.memref_squeeze %dma_start3A_311 : memref<1x64xi32, #tpu.memory_space<vmem>> -> memref<64xi32, #tpu.memory_space<vmem>>
      %dma_start3A_313 = arith.constant 0 : i32
      %dma_start3A_314 = tpu.memref_slice %arg2[%squeeze3A_305, %dma_start3A_313] : memref<100001x64xi32, #tpu.memory_space<hbm>> -> memref<1x64xi32, #tpu.memory_space<hbm>>
      %dma_start3A_315 = tpu.memref_squeeze %dma_start3A_314 : memref<1x64xi32, #tpu.memory_space<hbm>> -> memref<64xi32, #tpu.memory_space<hbm>>
      %dma_start3A_316 = arith.constant 0 : i32
      %dma_start3A_317 = tpu.memref_slice %arg7[%add3A_309, %dma_start3A_316] : memref<512x64xi32, #tpu.memory_space<vmem>> -> memref<1x64xi32, #tpu.memory_space<vmem>>
      %dma_start3A_318 = tpu.memref_squeeze %dma_start3A_317 : memref<1x64xi32, #tpu.memory_space<vmem>> -> memref<64xi32, #tpu.memory_space<vmem>>
      %dma_start3A_319 = arith.constant 0 : i32
      %dma_start3A_320 = tpu.memref_slice %arg2[%squeeze3A_305, %dma_start3A_319] : memref<100001x64xi32, #tpu.memory_space<hbm>> -> memref<1x64xi32, #tpu.memory_space<hbm>>
      %dma_start3A_321 = tpu.memref_squeeze %dma_start3A_320 : memref<1x64xi32, #tpu.memory_space<hbm>> -> memref<64xi32, #tpu.memory_space<hbm>>
      tpu.enqueue_dma source(%dma_start3A_321 : memref<64xi32, #tpu.memory_space<hbm>>) target(%dma_start3A_318 : memref<64xi32, #tpu.memory_space<vmem>>) target_semaphore(%arg10 : memref<!tpu.dma_semaphore, #tpu.memory_space<semaphore_mem>>)
      %ge3A = arith.constant 16 : i32
      %ge3A_322 = arith.cmpi sge, %scan3A_31, %ge3A : i32
      %convert_element_type3A = arith.extui %ge3A_322 : i1 to i32
      %cond3A = arith.constant 0 : i32
      %cond3A_323 = arith.cmpi ne, %convert_element_type3A, %cond3A : i32
      scf.if %cond3A_323 {
        %sub3A = arith.constant 16 : i32
        %sub3A_324 = arith.subi %scan3A_31, %sub3A : i32
        %mul3A_325 = arith.constant 16 : i32
        %mul3A_326 = arith.muli %sub3A_324, %mul3A_325 : i32
        %dma_wait3A = arith.constant 0 : i32
        %dma_wait3A_327 = tpu.memref_slice %arg7[%mul3A_326, %dma_wait3A] : memref<512x64xi32, #tpu.memory_space<vmem>> -> memref<16x64xi32, #tpu.memory_space<vmem>>
        %dma_wait3A_328 = arith.constant 0 : i32
        %dma_wait3A_329 = arith.constant 0 : i32
        %dma_wait3A_330 = tpu.memref_slice %arg2[%dma_wait3A_328, %dma_wait3A_329] : memref<100001x64xi32, #tpu.memory_space<hbm>> -> memref<16x64xi32, #tpu.memory_space<hbm>>
        %dma_wait3A_331 = arith.constant 0 : i32
        %dma_wait3A_332 = tpu.memref_slice %arg7[%mul3A_326, %dma_wait3A_331] : memref<512x64xi32, #tpu.memory_space<vmem>> -> memref<16x64xi32, #tpu.memory_space<vmem>>
        %dma_wait3A_333 = arith.constant 0 : i32
        %dma_wait3A_334 = arith.constant 0 : i32
        %dma_wait3A_335 = tpu.memref_slice %arg2[%dma_wait3A_333, %dma_wait3A_334] : memref<100001x64xi32, #tpu.memory_space<hbm>> -> memref<16x64xi32, #tpu.memory_space<hbm>>
        tpu.wait_dma2 semaphore(%arg10 : memref<!tpu.dma_semaphore, #tpu.memory_space<semaphore_mem>>) src(%dma_wait3A_335 : memref<16x64xi32, #tpu.memory_space<hbm>>) dst(%dma_wait3A_332 : memref<16x64xi32, #tpu.memory_space<vmem>>)
        %sub3A_336 = arith.constant 16 : i32
        %sub3A_337 = arith.subi %scan3A_31, %sub3A_336 : i32
        %mul3A_338 = arith.constant 16 : i32
        %mul3A_339 = arith.muli %sub3A_337, %mul3A_338 : i32
        %add3A_340 = arith.constant 0 : i32
        %add3A_341 = arith.addi %mul3A_339, %add3A_340 : i32
        %get3A_342 = arith.index_cast %add3A_341 : i32 to index
        %get3A_343 = arith.constant 0 : index
        %get3A_344 = tpu.vector_load %arg7[%get3A_342, %get3A_343] {strides = array<i32>} : memref<512x64xi32, #tpu.memory_space<vmem>>, vector<1x16xi32>,
        %get3A_345 = vector.shape_cast %get3A_344 : vector<1x16xi32> to vector<16xi32>
        %get3A_346 = arith.index_cast %add3A_341 : i32 to index
        %get3A_347 = arith.constant 16 : index
        %get3A_348 = tpu.vector_load %arg7[%get3A_346, %get3A_347] {strides = array<i32>} : memref<512x64xi32, #tpu.memory_space<vmem>>, vector<1x16xi32>,
        %get3A_349 = vector.shape_cast %get3A_348 : vector<1x16xi32> to vector<16xi32>
        %get3A_350 = arith.index_cast %add3A_341 : i32 to index
        %get3A_351 = arith.constant 32 : index
        %get3A_352 = tpu.vector_load %arg7[%get3A_350, %get3A_351] {strides = array<i32>} : memref<512x64xi32, #tpu.memory_space<vmem>>, vector<1x16xi32>,
        %get3A_353 = vector.shape_cast %get3A_352 : vector<1x16xi32> to vector<16xi32>
        %get3A_354 = arith.index_cast %add3A_341 : i32 to index
        %get3A_355 = arith.constant 48 : index
        %get3A_356 = tpu.vector_load %arg7[%get3A_354, %get3A_355] {strides = array<i32>} : memref<512x64xi32, #tpu.memory_space<vmem>>, vector<1x16xi32>,
        %get3A_357 = vector.shape_cast %get3A_356 : vector<1x16xi32> to vector<16xi32>
        %eq3A = arith.constant 0 : i32
        %eq3A_358 = vector.broadcast %eq3A : i32 to vector<16xi32>
        %eq3A_359 = arith.cmpi eq, %shift_right_arithmetic3A_14, %eq3A_358 : vector<16xi32>
        %lt3A = arith.constant 0 : i32
        %lt3A_360 = vector.broadcast %lt3A : i32 to vector<16xi32>
        %lt3A_361 = arith.cmpi slt, %and3A_9, %lt3A_360 : vector<16xi32>
        %add3A_362 = arith.constant 16 : i32
        %add3A_363 = vector.broadcast %add3A_362 : i32 to vector<16xi32>
        %add3A_364 = arith.addi %and3A_9, %add3A_363 : vector<16xi32>
        %select_n3A = arith.select %lt3A_361, %add3A_364, %and3A_9 : vector<16xi1>, vector<16xi32>
        %broadcast_in_dim3A = vector.shape_cast %select_n3A : vector<16xi32> to vector<16x1xi32>
        %gather3A = vector.shape_cast %broadcast_in_dim3A : vector<16x1xi32> to vector<16xi32>
        %gather3A_365 = tpu.dynamic_gather %get3A_345[%gather3A] in [0] : vector<16xi32>, vector<16xi32> -> vector<16xi32>
        %lt3A_366 = arith.constant 0 : i32
        %lt3A_367 = vector.broadcast %lt3A_366 : i32 to vector<16xi32>
        %lt3A_368 = arith.cmpi slt, %and3A_9, %lt3A_367 : vector<16xi32>
        %add3A_369 = arith.constant 16 : i32
        %add3A_370 = vector.broadcast %add3A_369 : i32 to vector<16xi32>
        %add3A_371 = arith.addi %and3A_9, %add3A_370 : vector<16xi32>
        %select_n3A_372 = arith.select %lt3A_368, %add3A_371, %and3A_9 : vector<16xi1>, vector<16xi32>
        %broadcast_in_dim3A_373 = vector.shape_cast %select_n3A_372 : vector<16xi32> to vector<16x1xi32>
        %gather3A_374 = vector.shape_cast %broadcast_in_dim3A_373 : vector<16x1xi32> to vector<16xi32>
        %gather3A_375 = tpu.dynamic_gather %get3A_349[%gather3A_374] in [0] : vector<16xi32>, vector<16xi32> -> vector<16xi32>
        %select_n3A_376 = arith.select %eq3A_359, %gather3A_365, %gather3A_375 : vector<16xi1>, vector<16xi32>
        %eq3A_377 = arith.constant 2 : i32
        %eq3A_378 = vector.broadcast %eq3A_377 : i32 to vector<16xi32>
        %eq3A_379 = arith.cmpi eq, %shift_right_arithmetic3A_14, %eq3A_378 : vector<16xi32>
        %lt3A_380 = arith.constant 0 : i32
        %lt3A_381 = vector.broadcast %lt3A_380 : i32 to vector<16xi32>
        %lt3A_382 = arith.cmpi slt, %and3A_9, %lt3A_381 : vector<16xi32>
        %add3A_383 = arith.constant 16 : i32
        %add3A_384 = vector.broadcast %add3A_383 : i32 to vector<16xi32>
        %add3A_385 = arith.addi %and3A_9, %add3A_384 : vector<16xi32>
        %select_n3A_386 = arith.select %lt3A_382, %add3A_385, %and3A_9 : vector<16xi1>, vector<16xi32>
        %broadcast_in_dim3A_387 = vector.shape_cast %select_n3A_386 : vector<16xi32> to vector<16x1xi32>
        %gather3A_388 = vector.shape_cast %broadcast_in_dim3A_387 : vector<16x1xi32> to vector<16xi32>
        %gather3A_389 = tpu.dynamic_gather %get3A_353[%gather3A_388] in [0] : vector<16xi32>, vector<16xi32> -> vector<16xi32>
        %lt3A_390 = arith.constant 0 : i32
        %lt3A_391 = vector.broadcast %lt3A_390 : i32 to vector<16xi32>
        %lt3A_392 = arith.cmpi slt, %and3A_9, %lt3A_391 : vector<16xi32>
        %add3A_393 = arith.constant 16 : i32
        %add3A_394 = vector.broadcast %add3A_393 : i32 to vector<16xi32>
        %add3A_395 = arith.addi %and3A_9, %add3A_394 : vector<16xi32>
        %select_n3A_396 = arith.select %lt3A_392, %add3A_395, %and3A_9 : vector<16xi1>, vector<16xi32>
        %broadcast_in_dim3A_397 = vector.shape_cast %select_n3A_396 : vector<16xi32> to vector<16x1xi32>
        %gather3A_398 = vector.shape_cast %broadcast_in_dim3A_397 : vector<16x1xi32> to vector<16xi32>
        %gather3A_399 = tpu.dynamic_gather %get3A_357[%gather3A_398] in [0] : vector<16xi32>, vector<16xi32> -> vector<16xi32>
        %select_n3A_400 = arith.select %eq3A_379, %gather3A_389, %gather3A_399 : vector<16xi1>, vector<16xi32>
        %lt3A_401 = arith.constant 2 : i32
        %lt3A_402 = vector.broadcast %lt3A_401 : i32 to vector<16xi32>
        %lt3A_403 = arith.cmpi slt, %shift_right_arithmetic3A_14, %lt3A_402 : vector<16xi32>
        %select_n3A_404 = arith.select %lt3A_403, %select_n3A_376, %select_n3A_400 : vector<16xi1>, vector<16xi32>
        %mul3A_405 = arith.constant 32 : i32
        %mul3A_406 = arith.muli %add3A_341, %mul3A_405 : i32
        %swap3A = arith.index_cast %mul3A_406 : i32 to index
        %swap3A_407 = tpu.vector_load %arg8[%swap3A] {strides = array<i32>} : memref<16384xi32, #tpu.memory_space<vmem>>, vector<16xi32>,
        %swap3A_408 = vector.shape_cast %swap3A_407 : vector<16xi32> to vector<16xi32>
        %swap3A_409 = vector.shape_cast %select_n3A_404 : vector<16xi32> to vector<16xi32>
        tpu.vector_store %arg8[%swap3A], %swap3A_409 {strides = array<i32>} : memref<16384xi32, #tpu.memory_space<vmem>>, vector<16xi32>,
        %eq3A_410 = arith.constant 0 : i32
        %eq3A_411 = vector.broadcast %eq3A_410 : i32 to vector<16xi32>
        %eq3A_412 = arith.cmpi eq, %shift_right_arithmetic3A_17, %eq3A_411 : vector<16xi32>
        %lt3A_413 = arith.constant 0 : i32
        %lt3A_414 = vector.broadcast %lt3A_413 : i32 to vector<16xi32>
        %lt3A_415 = arith.cmpi slt, %and3A_12, %lt3A_414 : vector<16xi32>
        %add3A_416 = arith.constant 16 : i32
        %add3A_417 = vector.broadcast %add3A_416 : i32 to vector<16xi32>
        %add3A_418 = arith.addi %and3A_12, %add3A_417 : vector<16xi32>
        %select_n3A_419 = arith.select %lt3A_415, %add3A_418, %and3A_12 : vector<16xi1>, vector<16xi32>
        %broadcast_in_dim3A_420 = vector.shape_cast %select_n3A_419 : vector<16xi32> to vector<16x1xi32>
        %gather3A_421 = vector.shape_cast %broadcast_in_dim3A_420 : vector<16x1xi32> to vector<16xi32>
        %gather3A_422 = tpu.dynamic_gather %get3A_345[%gather3A_421] in [0] : vector<16xi32>, vector<16xi32> -> vector<16xi32>
        %lt3A_423 = arith.constant 0 : i32
        %lt3A_424 = vector.broadcast %lt3A_423 : i32 to vector<16xi32>
        %lt3A_425 = arith.cmpi slt, %and3A_12, %lt3A_424 : vector<16xi32>
        %add3A_426 = arith.constant 16 : i32
        %add3A_427 = vector.broadcast %add3A_426 : i32 to vector<16xi32>
        %add3A_428 = arith.addi %and3A_12, %add3A_427 : vector<16xi32>
        %select_n3A_429 = arith.select %lt3A_425, %add3A_428, %and3A_12 : vector<16xi1>, vector<16xi32>
        %broadcast_in_dim3A_430 = vector.shape_cast %select_n3A_429 : vector<16xi32> to vector<16x1xi32>
        %gather3A_431 = vector.shape_cast %broadcast_in_dim3A_430 : vector<16x1xi32> to vector<16xi32>
        %gather3A_432 = tpu.dynamic_gather %get3A_349[%gather3A_431] in [0] : vector<16xi32>, vector<16xi32> -> vector<16xi32>
        %select_n3A_433 = arith.select %eq3A_412, %gather3A_422, %gather3A_432 : vector<16xi1>, vector<16xi32>
        %eq3A_434 = arith.constant 2 : i32
        %eq3A_435 = vector.broadcast %eq3A_434 : i32 to vector<16xi32>
        %eq3A_436 = arith.cmpi eq, %shift_right_arithmetic3A_17, %eq3A_435 : vector<16xi32>
        %lt3A_437 = arith.constant 0 : i32
        %lt3A_438 = vector.broadcast %lt3A_437 : i32 to vector<16xi32>
        %lt3A_439 = arith.cmpi slt, %and3A_12, %lt3A_438 : vector<16xi32>
        %add3A_440 = arith.constant 16 : i32
        %add3A_441 = vector.broadcast %add3A_440 : i32 to vector<16xi32>
        %add3A_442 = arith.addi %and3A_12, %add3A_441 : vector<16xi32>
        %select_n3A_443 = arith.select %lt3A_439, %add3A_442, %and3A_12 : vector<16xi1>, vector<16xi32>
        %broadcast_in_dim3A_444 = vector.shape_cast %select_n3A_443 : vector<16xi32> to vector<16x1xi32>
        %gather3A_445 = vector.shape_cast %broadcast_in_dim3A_444 : vector<16x1xi32> to vector<16xi32>
        %gather3A_446 = tpu.dynamic_gather %get3A_353[%gather3A_445] in [0] : vector<16xi32>, vector<16xi32> -> vector<16xi32>
        %lt3A_447 = arith.constant 0 : i32
        %lt3A_448 = vector.broadcast %lt3A_447 : i32 to vector<16xi32>
        %lt3A_449 = arith.cmpi slt, %and3A_12, %lt3A_448 : vector<16xi32>
        %add3A_450 = arith.constant 16 : i32
        %add3A_451 = vector.broadcast %add3A_450 : i32 to vector<16xi32>
        %add3A_452 = arith.addi %and3A_12, %add3A_451 : vector<16xi32>
        %select_n3A_453 = arith.select %lt3A_449, %add3A_452, %and3A_12 : vector<16xi1>, vector<16xi32>
        %broadcast_in_dim3A_454 = vector.shape_cast %select_n3A_453 : vector<16xi32> to vector<16x1xi32>
        %gather3A_455 = vector.shape_cast %broadcast_in_dim3A_454 : vector<16x1xi32> to vector<16xi32>
        %gather3A_456 = tpu.dynamic_gather %get3A_357[%gather3A_455] in [0] : vector<16xi32>, vector<16xi32> -> vector<16xi32>
        %select_n3A_457 = arith.select %eq3A_436, %gather3A_446, %gather3A_456 : vector<16xi1>, vector<16xi32>
        %lt3A_458 = arith.constant 2 : i32
        %lt3A_459 = vector.broadcast %lt3A_458 : i32 to vector<16xi32>
        %lt3A_460 = arith.cmpi slt, %shift_right_arithmetic3A_17, %lt3A_459 : vector<16xi32>
        %select_n3A_461 = arith.select %lt3A_460, %select_n3A_433, %select_n3A_457 : vector<16xi1>, vector<16xi32>
        %mul3A_462 = arith.constant 32 : i32
        %mul3A_463 = arith.muli %add3A_341, %mul3A_462 : i32
        %add3A_464 = arith.constant 16 : i32
        %add3A_465 = arith.addi %mul3A_463, %add3A_464 : i32
        %swap3A_466 = arith.index_cast %add3A_465 : i32 to index
        %swap3A_467 = tpu.vector_load %arg8[%swap3A_466] {strides = array<i32>} : memref<16384xi32, #tpu.memory_space<vmem>>, vector<16xi32>,
        %swap3A_468 = vector.shape_cast %swap3A_467 : vector<16xi32> to vector<16xi32>
        %swap3A_469 = vector.shape_cast %select_n3A_461 : vector<16xi32> to vector<16xi32>
        tpu.vector_store %arg8[%swap3A_466], %swap3A_469 {strides = array<i32>} : memref<16384xi32, #tpu.memory_space<vmem>>, vector<16xi32>,
        %mul3A_470 = arith.constant 16 : i32
        %mul3A_471 = arith.muli %sub3A_337, %mul3A_470 : i32
        %add3A_472 = arith.constant 1 : i32
        %add3A_473 = arith.addi %mul3A_471, %add3A_472 : i32
        %get3A_474 = arith.index_cast %add3A_473 : i32 to index
        %get3A_475 = arith.constant 0 : index
        %get3A_476 = tpu.vector_load %arg7[%get3A_474, %get3A_475] {strides = array<i32>} : memref<512x64xi32, #tpu.memory_space<vmem>>, vector<1x16xi32>,
        %get3A_477 = vector.shape_cast %get3A_476 : vector<1x16xi32> to vector<16xi32>
        %get3A_478 = arith.index_cast %add3A_473 : i32 to index
        %get3A_479 = arith.constant 16 : index
        %get3A_480 = tpu.vector_load %arg7[%get3A_478, %get3A_479] {strides = array<i32>} : memref<512x64xi32, #tpu.memory_space<vmem>>, vector<1x16xi32>,
        %get3A_481 = vector.shape_cast %get3A_480 : vector<1x16xi32> to vector<16xi32>
        %get3A_482 = arith.index_cast %add3A_473 : i32 to index
        %get3A_483 = arith.constant 32 : index
        %get3A_484 = tpu.vector_load %arg7[%get3A_482, %get3A_483] {strides = array<i32>} : memref<512x64xi32, #tpu.memory_space<vmem>>, vector<1x16xi32>,
        %get3A_485 = vector.shape_cast %get3A_484 : vector<1x16xi32> to vector<16xi32>
        %get3A_486 = arith.index_cast %add3A_473 : i32 to index
        %get3A_487 = arith.constant 48 : index
        %get3A_488 = tpu.vector_load %arg7[%get3A_486, %get3A_487] {strides = array<i32>} : memref<512x64xi32, #tpu.memory_space<vmem>>, vector<1x16xi32>,
        %get3A_489 = vector.shape_cast %get3A_488 : vector<1x16xi32> to vector<16xi32>
        %eq3A_490 = arith.constant 0 : i32
        %eq3A_491 = vector.broadcast %eq3A_490 : i32 to vector<16xi32>
        %eq3A_492 = arith.cmpi eq, %shift_right_arithmetic3A_14, %eq3A_491 : vector<16xi32>
        %lt3A_493 = arith.constant 0 : i32
        %lt3A_494 = vector.broadcast %lt3A_493 : i32 to vector<16xi32>
        %lt3A_495 = arith.cmpi slt, %and3A_9, %lt3A_494 : vector<16xi32>
        %add3A_496 = arith.constant 16 : i32
        %add3A_497 = vector.broadcast %add3A_496 : i32 to vector<16xi32>
        %add3A_498 = arith.addi %and3A_9, %add3A_497 : vector<16xi32>
        %select_n3A_499 = arith.select %lt3A_495, %add3A_498, %and3A_9 : vector<16xi1>, vector<16xi32>
        %broadcast_in_dim3A_500 = vector.shape_cast %select_n3A_499 : vector<16xi32> to vector<16x1xi32>
        %gather3A_501 = vector.shape_cast %broadcast_in_dim3A_500 : vector<16x1xi32> to vector<16xi32>
        %gather3A_502 = tpu.dynamic_gather %get3A_477[%gather3A_501] in [0] : vector<16xi32>, vector<16xi32> -> vector<16xi32>
        %lt3A_503 = arith.constant 0 : i32
        %lt3A_504 = vector.broadcast %lt3A_503 : i32 to vector<16xi32>
        %lt3A_505 = arith.cmpi slt, %and3A_9, %lt3A_504 : vector<16xi32>
        %add3A_506 = arith.constant 16 : i32
        %add3A_507 = vector.broadcast %add3A_506 : i32 to vector<16xi32>
        %add3A_508 = arith.addi %and3A_9, %add3A_507 : vector<16xi32>
        %select_n3A_509 = arith.select %lt3A_505, %add3A_508, %and3A_9 : vector<16xi1>, vector<16xi32>
        %broadcast_in_dim3A_510 = vector.shape_cast %select_n3A_509 : vector<16xi32> to vector<16x1xi32>
        %gather3A_511 = vector.shape_cast %broadcast_in_dim3A_510 : vector<16x1xi32> to vector<16xi32>
        %gather3A_512 = tpu.dynamic_gather %get3A_481[%gather3A_511] in [0] : vector<16xi32>, vector<16xi32> -> vector<16xi32>
        %select_n3A_513 = arith.select %eq3A_492, %gather3A_502, %gather3A_512 : vector<16xi1>, vector<16xi32>
        %eq3A_514 = arith.constant 2 : i32
        %eq3A_515 = vector.broadcast %eq3A_514 : i32 to vector<16xi32>
        %eq3A_516 = arith.cmpi eq, %shift_right_arithmetic3A_14, %eq3A_515 : vector<16xi32>
        %lt3A_517 = arith.constant 0 : i32
        %lt3A_518 = vector.broadcast %lt3A_517 : i32 to vector<16xi32>
        %lt3A_519 = arith.cmpi slt, %and3A_9, %lt3A_518 : vector<16xi32>
        %add3A_520 = arith.constant 16 : i32
        %add3A_521 = vector.broadcast %add3A_520 : i32 to vector<16xi32>
        %add3A_522 = arith.addi %and3A_9, %add3A_521 : vector<16xi32>
        %select_n3A_523 = arith.select %lt3A_519, %add3A_522, %and3A_9 : vector<16xi1>, vector<16xi32>
        %broadcast_in_dim3A_524 = vector.shape_cast %select_n3A_523 : vector<16xi32> to vector<16x1xi32>
        %gather3A_525 = vector.shape_cast %broadcast_in_dim3A_524 : vector<16x1xi32> to vector<16xi32>
        %gather3A_526 = tpu.dynamic_gather %get3A_485[%gather3A_525] in [0] : vector<16xi32>, vector<16xi32> -> vector<16xi32>
        %lt3A_527 = arith.constant 0 : i32
        %lt3A_528 = vector.broadcast %lt3A_527 : i32 to vector<16xi32>
        %lt3A_529 = arith.cmpi slt, %and3A_9, %lt3A_528 : vector<16xi32>
        %add3A_530 = arith.constant 16 : i32
        %add3A_531 = vector.broadcast %add3A_530 : i32 to vector<16xi32>
        %add3A_532 = arith.addi %and3A_9, %add3A_531 : vector<16xi32>
        %select_n3A_533 = arith.select %lt3A_529, %add3A_532, %and3A_9 : vector<16xi1>, vector<16xi32>
        %broadcast_in_dim3A_534 = vector.shape_cast %select_n3A_533 : vector<16xi32> to vector<16x1xi32>
        %gather3A_535 = vector.shape_cast %broadcast_in_dim3A_534 : vector<16x1xi32> to vector<16xi32>
        %gather3A_536 = tpu.dynamic_gather %get3A_489[%gather3A_535] in [0] : vector<16xi32>, vector<16xi32> -> vector<16xi32>
        %select_n3A_537 = arith.select %eq3A_516, %gather3A_526, %gather3A_536 : vector<16xi1>, vector<16xi32>
        %lt3A_538 = arith.constant 2 : i32
        %lt3A_539 = vector.broadcast %lt3A_538 : i32 to vector<16xi32>
        %lt3A_540 = arith.cmpi slt, %shift_right_arithmetic3A_14, %lt3A_539 : vector<16xi32>
        %select_n3A_541 = arith.select %lt3A_540, %select_n3A_513, %select_n3A_537 : vector<16xi1>, vector<16xi32>
        %mul3A_542 = arith.constant 32 : i32
        %mul3A_543 = arith.muli %add3A_473, %mul3A_542 : i32
        %swap3A_544 = arith.index_cast %mul3A_543 : i32 to index
        %swap3A_545 = tpu.vector_load %arg8[%swap3A_544] {strides = array<i32>} : memref<16384xi32, #tpu.memory_space<vmem>>, vector<16xi32>,
        %swap3A_546 = vector.shape_cast %swap3A_545 : vector<16xi32> to vector<16xi32>
        %swap3A_547 = vector.shape_cast %select_n3A_541 : vector<16xi32> to vector<16xi32>
        tpu.vector_store %arg8[%swap3A_544], %swap3A_547 {strides = array<i32>} : memref<16384xi32, #tpu.memory_space<vmem>>, vector<16xi32>,
        %eq3A_548 = arith.constant 0 : i32
        %eq3A_549 = vector.broadcast %eq3A_548 : i32 to vector<16xi32>
        %eq3A_550 = arith.cmpi eq, %shift_right_arithmetic3A_17, %eq3A_549 : vector<16xi32>
        %lt3A_551 = arith.constant 0 : i32
        %lt3A_552 = vector.broadcast %lt3A_551 : i32 to vector<16xi32>
        %lt3A_553 = arith.cmpi slt, %and3A_12, %lt3A_552 : vector<16xi32>
        %add3A_554 = arith.constant 16 : i32
        %add3A_555 = vector.broadcast %add3A_554 : i32 to vector<16xi32>
        %add3A_556 = arith.addi %and3A_12, %add3A_555 : vector<16xi32>
        %select_n3A_557 = arith.select %lt3A_553, %add3A_556, %and3A_12 : vector<16xi1>, vector<16xi32>
        %broadcast_in_dim3A_558 = vector.shape_cast %select_n3A_557 : vector<16xi32> to vector<16x1xi32>
        %gather3A_559 = vector.shape_cast %broadcast_in_dim3A_558 : vector<16x1xi32> to vector<16xi32>
        %gather3A_560 = tpu.dynamic_gather %get3A_477[%gather3A_559] in [0] : vector<16xi32>, vector<16xi32> -> vector<16xi32>
        %lt3A_561 = arith.constant 0 : i32
        %lt3A_562 = vector.broadcast %lt3A_561 : i32 to vector<16xi32>
        %lt3A_563 = arith.cmpi slt, %and3A_12, %lt3A_562 : vector<16xi32>
        %add3A_564 = arith.constant 16 : i32
        %add3A_565 = vector.broadcast %add3A_564 : i32 to vector<16xi32>
        %add3A_566 = arith.addi %and3A_12, %add3A_565 : vector<16xi32>
        %select_n3A_567 = arith.select %lt3A_563, %add3A_566, %and3A_12 : vector<16xi1>, vector<16xi32>
        %broadcast_in_dim3A_568 = vector.shape_cast %select_n3A_567 : vector<16xi32> to vector<16x1xi32>
        %gather3A_569 = vector.shape_cast %broadcast_in_dim3A_568 : vector<16x1xi32> to vector<16xi32>
        %gather3A_570 = tpu.dynamic_gather %get3A_481[%gather3A_569] in [0] : vector<16xi32>, vector<16xi32> -> vector<16xi32>
        %select_n3A_571 = arith.select %eq3A_550, %gather3A_560, %gather3A_570 : vector<16xi1>, vector<16xi32>
        %eq3A_572 = arith.constant 2 : i32
        %eq3A_573 = vector.broadcast %eq3A_572 : i32 to vector<16xi32>
        %eq3A_574 = arith.cmpi eq, %shift_right_arithmetic3A_17, %eq3A_573 : vector<16xi32>
        %lt3A_575 = arith.constant 0 : i32
        %lt3A_576 = vector.broadcast %lt3A_575 : i32 to vector<16xi32>
        %lt3A_577 = arith.cmpi slt, %and3A_12, %lt3A_576 : vector<16xi32>
        %add3A_578 = arith.constant 16 : i32
        %add3A_579 = vector.broadcast %add3A_578 : i32 to vector<16xi32>
        %add3A_580 = arith.addi %and3A_12, %add3A_579 : vector<16xi32>
        %select_n3A_581 = arith.select %lt3A_577, %add3A_580, %and3A_12 : vector<16xi1>, vector<16xi32>
        %broadcast_in_dim3A_582 = vector.shape_cast %select_n3A_581 : vector<16xi32> to vector<16x1xi32>
        %gather3A_583 = vector.shape_cast %broadcast_in_dim3A_582 : vector<16x1xi32> to vector<16xi32>
        %gather3A_584 = tpu.dynamic_gather %get3A_485[%gather3A_583] in [0] : vector<16xi32>, vector<16xi32> -> vector<16xi32>
        %lt3A_585 = arith.constant 0 : i32
        %lt3A_586 = vector.broadcast %lt3A_585 : i32 to vector<16xi32>
        %lt3A_587 = arith.cmpi slt, %and3A_12, %lt3A_586 : vector<16xi32>
        %add3A_588 = arith.constant 16 : i32
        %add3A_589 = vector.broadcast %add3A_588 : i32 to vector<16xi32>
        %add3A_590 = arith.addi %and3A_12, %add3A_589 : vector<16xi32>
        %select_n3A_591 = arith.select %lt3A_587, %add3A_590, %and3A_12 : vector<16xi1>, vector<16xi32>
        %broadcast_in_dim3A_592 = vector.shape_cast %select_n3A_591 : vector<16xi32> to vector<16x1xi32>
        %gather3A_593 = vector.shape_cast %broadcast_in_dim3A_592 : vector<16x1xi32> to vector<16xi32>
        %gather3A_594 = tpu.dynamic_gather %get3A_489[%gather3A_593] in [0] : vector<16xi32>, vector<16xi32> -> vector<16xi32>
        %select_n3A_595 = arith.select %eq3A_574, %gather3A_584, %gather3A_594 : vector<16xi1>, vector<16xi32>
        %lt3A_596 = arith.constant 2 : i32
        %lt3A_597 = vector.broadcast %lt3A_596 : i32 to vector<16xi32>
        %lt3A_598 = arith.cmpi slt, %shift_right_arithmetic3A_17, %lt3A_597 : vector<16xi32>
        %select_n3A_599 = arith.select %lt3A_598, %select_n3A_571, %select_n3A_595 : vector<16xi1>, vector<16xi32>
        %mul3A_600 = arith.constant 32 : i32
        %mul3A_601 = arith.muli %add3A_473, %mul3A_600 : i32
        %add3A_602 = arith.constant 16 : i32
        %add3A_603 = arith.addi %mul3A_601, %add3A_602 : i32
        %swap3A_604 = arith.index_cast %add3A_603 : i32 to index
        %swap3A_605 = tpu.vector_load %arg8[%swap3A_604] {strides = array<i32>} : memref<16384xi32, #tpu.memory_space<vmem>>, vector<16xi32>,
        %swap3A_606 = vector.shape_cast %swap3A_605 : vector<16xi32> to vector<16xi32>
        %swap3A_607 = vector.shape_cast %select_n3A_599 : vector<16xi32> to vector<16xi32>
        tpu.vector_store %arg8[%swap3A_604], %swap3A_607 {strides = array<i32>} : memref<16384xi32, #tpu.memory_space<vmem>>, vector<16xi32>,
        %mul3A_608 = arith.constant 16 : i32
        %mul3A_609 = arith.muli %sub3A_337, %mul3A_608 : i32
        %add3A_610 = arith.constant 2 : i32
        %add3A_611 = arith.addi %mul3A_609, %add3A_610 : i32
        %get3A_612 = arith.index_cast %add3A_611 : i32 to index
        %get3A_613 = arith.constant 0 : index
        %get3A_614 = tpu.vector_load %arg7[%get3A_612, %get3A_613] {strides = array<i32>} : memref<512x64xi32, #tpu.memory_space<vmem>>, vector<1x16xi32>,
        %get3A_615 = vector.shape_cast %get3A_614 : vector<1x16xi32> to vector<16xi32>
        %get3A_616 = arith.index_cast %add3A_611 : i32 to index
        %get3A_617 = arith.constant 16 : index
        %get3A_618 = tpu.vector_load %arg7[%get3A_616, %get3A_617] {strides = array<i32>} : memref<512x64xi32, #tpu.memory_space<vmem>>, vector<1x16xi32>,
        %get3A_619 = vector.shape_cast %get3A_618 : vector<1x16xi32> to vector<16xi32>
        %get3A_620 = arith.index_cast %add3A_611 : i32 to index
        %get3A_621 = arith.constant 32 : index
        %get3A_622 = tpu.vector_load %arg7[%get3A_620, %get3A_621] {strides = array<i32>} : memref<512x64xi32, #tpu.memory_space<vmem>>, vector<1x16xi32>,
        %get3A_623 = vector.shape_cast %get3A_622 : vector<1x16xi32> to vector<16xi32>
        %get3A_624 = arith.index_cast %add3A_611 : i32 to index
        %get3A_625 = arith.constant 48 : index
        %get3A_626 = tpu.vector_load %arg7[%get3A_624, %get3A_625] {strides = array<i32>} : memref<512x64xi32, #tpu.memory_space<vmem>>, vector<1x16xi32>,
        %get3A_627 = vector.shape_cast %get3A_626 : vector<1x16xi32> to vector<16xi32>
        %eq3A_628 = arith.constant 0 : i32
        %eq3A_629 = vector.broadcast %eq3A_628 : i32 to vector<16xi32>
        %eq3A_630 = arith.cmpi eq, %shift_right_arithmetic3A_14, %eq3A_629 : vector<16xi32>
        %lt3A_631 = arith.constant 0 : i32
        %lt3A_632 = vector.broadcast %lt3A_631 : i32 to vector<16xi32>
        %lt3A_633 = arith.cmpi slt, %and3A_9, %lt3A_632 : vector<16xi32>
        %add3A_634 = arith.constant 16 : i32
        %add3A_635 = vector.broadcast %add3A_634 : i32 to vector<16xi32>
        %add3A_636 = arith.addi %and3A_9, %add3A_635 : vector<16xi32>
        %select_n3A_637 = arith.select %lt3A_633, %add3A_636, %and3A_9 : vector<16xi1>, vector<16xi32>
        %broadcast_in_dim3A_638 = vector.shape_cast %select_n3A_637 : vector<16xi32> to vector<16x1xi32>
        %gather3A_639 = vector.shape_cast %broadcast_in_dim3A_638 : vector<16x1xi32> to vector<16xi32>
        %gather3A_640 = tpu.dynamic_gather %get3A_615[%gather3A_639] in [0] : vector<16xi32>, vector<16xi32> -> vector<16xi32>
        %lt3A_641 = arith.constant 0 : i32
        %lt3A_642 = vector.broadcast %lt3A_641 : i32 to vector<16xi32>
        %lt3A_643 = arith.cmpi slt, %and3A_9, %lt3A_642 : vector<16xi32>
        %add3A_644 = arith.constant 16 : i32
        %add3A_645 = vector.broadcast %add3A_644 : i32 to vector<16xi32>
        %add3A_646 = arith.addi %and3A_9, %add3A_645 : vector<16xi32>
        %select_n3A_647 = arith.select %lt3A_643, %add3A_646, %and3A_9 : vector<16xi1>, vector<16xi32>
        %broadcast_in_dim3A_648 = vector.shape_cast %select_n3A_647 : vector<16xi32> to vector<16x1xi32>
        %gather3A_649 = vector.shape_cast %broadcast_in_dim3A_648 : vector<16x1xi32> to vector<16xi32>
        %gather3A_650 = tpu.dynamic_gather %get3A_619[%gather3A_649] in [0] : vector<16xi32>, vector<16xi32> -> vector<16xi32>
        %select_n3A_651 = arith.select %eq3A_630, %gather3A_640, %gather3A_650 : vector<16xi1>, vector<16xi32>
        %eq3A_652 = arith.constant 2 : i32
        %eq3A_653 = vector.broadcast %eq3A_652 : i32 to vector<16xi32>
        %eq3A_654 = arith.cmpi eq, %shift_right_arithmetic3A_14, %eq3A_653 : vector<16xi32>
        %lt3A_655 = arith.constant 0 : i32
        %lt3A_656 = vector.broadcast %lt3A_655 : i32 to vector<16xi32>
        %lt3A_657 = arith.cmpi slt, %and3A_9, %lt3A_656 : vector<16xi32>
        %add3A_658 = arith.constant 16 : i32
        %add3A_659 = vector.broadcast %add3A_658 : i32 to vector<16xi32>
        %add3A_660 = arith.addi %and3A_9, %add3A_659 : vector<16xi32>
        %select_n3A_661 = arith.select %lt3A_657, %add3A_660, %and3A_9 : vector<16xi1>, vector<16xi32>
        %broadcast_in_dim3A_662 = vector.shape_cast %select_n3A_661 : vector<16xi32> to vector<16x1xi32>
        %gather3A_663 = vector.shape_cast %broadcast_in_dim3A_662 : vector<16x1xi32> to vector<16xi32>
        %gather3A_664 = tpu.dynamic_gather %get3A_623[%gather3A_663] in [0] : vector<16xi32>, vector<16xi32> -> vector<16xi32>
        %lt3A_665 = arith.constant 0 : i32
        %lt3A_666 = vector.broadcast %lt3A_665 : i32 to vector<16xi32>
        %lt3A_667 = arith.cmpi slt, %and3A_9, %lt3A_666 : vector<16xi32>
        %add3A_668 = arith.constant 16 : i32
        %add3A_669 = vector.broadcast %add3A_668 : i32 to vector<16xi32>
        %add3A_670 = arith.addi %and3A_9, %add3A_669 : vector<16xi32>
        %select_n3A_671 = arith.select %lt3A_667, %add3A_670, %and3A_9 : vector<16xi1>, vector<16xi32>
        %broadcast_in_dim3A_672 = vector.shape_cast %select_n3A_671 : vector<16xi32> to vector<16x1xi32>
        %gather3A_673 = vector.shape_cast %broadcast_in_dim3A_672 : vector<16x1xi32> to vector<16xi32>
        %gather3A_674 = tpu.dynamic_gather %get3A_627[%gather3A_673] in [0] : vector<16xi32>, vector<16xi32> -> vector<16xi32>
        %select_n3A_675 = arith.select %eq3A_654, %gather3A_664, %gather3A_674 : vector<16xi1>, vector<16xi32>
        %lt3A_676 = arith.constant 2 : i32
        %lt3A_677 = vector.broadcast %lt3A_676 : i32 to vector<16xi32>
        %lt3A_678 = arith.cmpi slt, %shift_right_arithmetic3A_14, %lt3A_677 : vector<16xi32>
        %select_n3A_679 = arith.select %lt3A_678, %select_n3A_651, %select_n3A_675 : vector<16xi1>, vector<16xi32>
        %mul3A_680 = arith.constant 32 : i32
        %mul3A_681 = arith.muli %add3A_611, %mul3A_680 : i32
        %swap3A_682 = arith.index_cast %mul3A_681 : i32 to index
        %swap3A_683 = tpu.vector_load %arg8[%swap3A_682] {strides = array<i32>} : memref<16384xi32, #tpu.memory_space<vmem>>, vector<16xi32>,
        %swap3A_684 = vector.shape_cast %swap3A_683 : vector<16xi32> to vector<16xi32>
        %swap3A_685 = vector.shape_cast %select_n3A_679 : vector<16xi32> to vector<16xi32>
        tpu.vector_store %arg8[%swap3A_682], %swap3A_685 {strides = array<i32>} : memref<16384xi32, #tpu.memory_space<vmem>>, vector<16xi32>,
        %eq3A_686 = arith.constant 0 : i32
        %eq3A_687 = vector.broadcast %eq3A_686 : i32 to vector<16xi32>
        %eq3A_688 = arith.cmpi eq, %shift_right_arithmetic3A_17, %eq3A_687 : vector<16xi32>
        %lt3A_689 = arith.constant 0 : i32
        %lt3A_690 = vector.broadcast %lt3A_689 : i32 to vector<16xi32>
        %lt3A_691 = arith.cmpi slt, %and3A_12, %lt3A_690 : vector<16xi32>
        %add3A_692 = arith.constant 16 : i32
        %add3A_693 = vector.broadcast %add3A_692 : i32 to vector<16xi32>
        %add3A_694 = arith.addi %and3A_12, %add3A_693 : vector<16xi32>
        %select_n3A_695 = arith.select %lt3A_691, %add3A_694, %and3A_12 : vector<16xi1>, vector<16xi32>
        %broadcast_in_dim3A_696 = vector.shape_cast %select_n3A_695 : vector<16xi32> to vector<16x1xi32>
        %gather3A_697 = vector.shape_cast %broadcast_in_dim3A_696 : vector<16x1xi32> to vector<16xi32>
        %gather3A_698 = tpu.dynamic_gather %get3A_615[%gather3A_697] in [0] : vector<16xi32>, vector<16xi32> -> vector<16xi32>
        %lt3A_699 = arith.constant 0 : i32
        %lt3A_700 = vector.broadcast %lt3A_699 : i32 to vector<16xi32>
        %lt3A_701 = arith.cmpi slt, %and3A_12, %lt3A_700 : vector<16xi32>
        %add3A_702 = arith.constant 16 : i32
        %add3A_703 = vector.broadcast %add3A_702 : i32 to vector<16xi32>
        %add3A_704 = arith.addi %and3A_12, %add3A_703 : vector<16xi32>
        %select_n3A_705 = arith.select %lt3A_701, %add3A_704, %and3A_12 : vector<16xi1>, vector<16xi32>
        %broadcast_in_dim3A_706 = vector.shape_cast %select_n3A_705 : vector<16xi32> to vector<16x1xi32>
        %gather3A_707 = vector.shape_cast %broadcast_in_dim3A_706 : vector<16x1xi32> to vector<16xi32>
        %gather3A_708 = tpu.dynamic_gather %get3A_619[%gather3A_707] in [0] : vector<16xi32>, vector<16xi32> -> vector<16xi32>
        %select_n3A_709 = arith.select %eq3A_688, %gather3A_698, %gather3A_708 : vector<16xi1>, vector<16xi32>
        %eq3A_710 = arith.constant 2 : i32
        %eq3A_711 = vector.broadcast %eq3A_710 : i32 to vector<16xi32>
        %eq3A_712 = arith.cmpi eq, %shift_right_arithmetic3A_17, %eq3A_711 : vector<16xi32>
        %lt3A_713 = arith.constant 0 : i32
        %lt3A_714 = vector.broadcast %lt3A_713 : i32 to vector<16xi32>
        %lt3A_715 = arith.cmpi slt, %and3A_12, %lt3A_714 : vector<16xi32>
        %add3A_716 = arith.constant 16 : i32
        %add3A_717 = vector.broadcast %add3A_716 : i32 to vector<16xi32>
        %add3A_718 = arith.addi %and3A_12, %add3A_717 : vector<16xi32>
        %select_n3A_719 = arith.select %lt3A_715, %add3A_718, %and3A_12 : vector<16xi1>, vector<16xi32>
        %broadcast_in_dim3A_720 = vector.shape_cast %select_n3A_719 : vector<16xi32> to vector<16x1xi32>
        %gather3A_721 = vector.shape_cast %broadcast_in_dim3A_720 : vector<16x1xi32> to vector<16xi32>
        %gather3A_722 = tpu.dynamic_gather %get3A_623[%gather3A_721] in [0] : vector<16xi32>, vector<16xi32> -> vector<16xi32>
        %lt3A_723 = arith.constant 0 : i32
        %lt3A_724 = vector.broadcast %lt3A_723 : i32 to vector<16xi32>
        %lt3A_725 = arith.cmpi slt, %and3A_12, %lt3A_724 : vector<16xi32>
        %add3A_726 = arith.constant 16 : i32
        %add3A_727 = vector.broadcast %add3A_726 : i32 to vector<16xi32>
        %add3A_728 = arith.addi %and3A_12, %add3A_727 : vector<16xi32>
        %select_n3A_729 = arith.select %lt3A_725, %add3A_728, %and3A_12 : vector<16xi1>, vector<16xi32>
        %broadcast_in_dim3A_730 = vector.shape_cast %select_n3A_729 : vector<16xi32> to vector<16x1xi32>
        %gather3A_731 = vector.shape_cast %broadcast_in_dim3A_730 : vector<16x1xi32> to vector<16xi32>
        %gather3A_732 = tpu.dynamic_gather %get3A_627[%gather3A_731] in [0] : vector<16xi32>, vector<16xi32> -> vector<16xi32>
        %select_n3A_733 = arith.select %eq3A_712, %gather3A_722, %gather3A_732 : vector<16xi1>, vector<16xi32>
        %lt3A_734 = arith.constant 2 : i32
        %lt3A_735 = vector.broadcast %lt3A_734 : i32 to vector<16xi32>
        %lt3A_736 = arith.cmpi slt, %shift_right_arithmetic3A_17, %lt3A_735 : vector<16xi32>
        %select_n3A_737 = arith.select %lt3A_736, %select_n3A_709, %select_n3A_733 : vector<16xi1>, vector<16xi32>
        %mul3A_738 = arith.constant 32 : i32
        %mul3A_739 = arith.muli %add3A_611, %mul3A_738 : i32
        %add3A_740 = arith.constant 16 : i32
        %add3A_741 = arith.addi %mul3A_739, %add3A_740 : i32
        %swap3A_742 = arith.index_cast %add3A_741 : i32 to index
        %swap3A_743 = tpu.vector_load %arg8[%swap3A_742] {strides = array<i32>} : memref<16384xi32, #tpu.memory_space<vmem>>, vector<16xi32>,
        %swap3A_744 = vector.shape_cast %swap3A_743 : vector<16xi32> to vector<16xi32>
        %swap3A_745 = vector.shape_cast %select_n3A_737 : vector<16xi32> to vector<16xi32>
        tpu.vector_store %arg8[%swap3A_742], %swap3A_745 {strides = array<i32>} : memref<16384xi32, #tpu.memory_space<vmem>>, vector<16xi32>,
        %mul3A_746 = arith.constant 16 : i32
        %mul3A_747 = arith.muli %sub3A_337, %mul3A_746 : i32
        %add3A_748 = arith.constant 3 : i32
        %add3A_749 = arith.addi %mul3A_747, %add3A_748 : i32
        %get3A_750 = arith.index_cast %add3A_749 : i32 to index
        %get3A_751 = arith.constant 0 : index
        %get3A_752 = tpu.vector_load %arg7[%get3A_750, %get3A_751] {strides = array<i32>} : memref<512x64xi32, #tpu.memory_space<vmem>>, vector<1x16xi32>,
        %get3A_753 = vector.shape_cast %get3A_752 : vector<1x16xi32> to vector<16xi32>
        %get3A_754 = arith.index_cast %add3A_749 : i32 to index
        %get3A_755 = arith.constant 16 : index
        %get3A_756 = tpu.vector_load %arg7[%get3A_754, %get3A_755] {strides = array<i32>} : memref<512x64xi32, #tpu.memory_space<vmem>>, vector<1x16xi32>,
        %get3A_757 = vector.shape_cast %get3A_756 : vector<1x16xi32> to vector<16xi32>
        %get3A_758 = arith.index_cast %add3A_749 : i32 to index
        %get3A_759 = arith.constant 32 : index
        %get3A_760 = tpu.vector_load %arg7[%get3A_758, %get3A_759] {strides = array<i32>} : memref<512x64xi32, #tpu.memory_space<vmem>>, vector<1x16xi32>,
        %get3A_761 = vector.shape_cast %get3A_760 : vector<1x16xi32> to vector<16xi32>
        %get3A_762 = arith.index_cast %add3A_749 : i32 to index
        %get3A_763 = arith.constant 48 : index
        %get3A_764 = tpu.vector_load %arg7[%get3A_762, %get3A_763] {strides = array<i32>} : memref<512x64xi32, #tpu.memory_space<vmem>>, vector<1x16xi32>,
        %get3A_765 = vector.shape_cast %get3A_764 : vector<1x16xi32> to vector<16xi32>
        %eq3A_766 = arith.constant 0 : i32
        %eq3A_767 = vector.broadcast %eq3A_766 : i32 to vector<16xi32>
        %eq3A_768 = arith.cmpi eq, %shift_right_arithmetic3A_14, %eq3A_767 : vector<16xi32>
        %lt3A_769 = arith.constant 0 : i32
        %lt3A_770 = vector.broadcast %lt3A_769 : i32 to vector<16xi32>
        %lt3A_771 = arith.cmpi slt, %and3A_9, %lt3A_770 : vector<16xi32>
        %add3A_772 = arith.constant 16 : i32
        %add3A_773 = vector.broadcast %add3A_772 : i32 to vector<16xi32>
        %add3A_774 = arith.addi %and3A_9, %add3A_773 : vector<16xi32>
        %select_n3A_775 = arith.select %lt3A_771, %add3A_774, %and3A_9 : vector<16xi1>, vector<16xi32>
        %broadcast_in_dim3A_776 = vector.shape_cast %select_n3A_775 : vector<16xi32> to vector<16x1xi32>
        %gather3A_777 = vector.shape_cast %broadcast_in_dim3A_776 : vector<16x1xi32> to vector<16xi32>
        %gather3A_778 = tpu.dynamic_gather %get3A_753[%gather3A_777] in [0] : vector<16xi32>, vector<16xi32> -> vector<16xi32>
        %lt3A_779 = arith.constant 0 : i32
        %lt3A_780 = vector.broadcast %lt3A_779 : i32 to vector<16xi32>
        %lt3A_781 = arith.cmpi slt, %and3A_9, %lt3A_780 : vector<16xi32>
        %add3A_782 = arith.constant 16 : i32
        %add3A_783 = vector.broadcast %add3A_782 : i32 to vector<16xi32>
        %add3A_784 = arith.addi %and3A_9, %add3A_783 : vector<16xi32>
        %select_n3A_785 = arith.select %lt3A_781, %add3A_784, %and3A_9 : vector<16xi1>, vector<16xi32>
        %broadcast_in_dim3A_786 = vector.shape_cast %select_n3A_785 : vector<16xi32> to vector<16x1xi32>
        %gather3A_787 = vector.shape_cast %broadcast_in_dim3A_786 : vector<16x1xi32> to vector<16xi32>
        %gather3A_788 = tpu.dynamic_gather %get3A_757[%gather3A_787] in [0] : vector<16xi32>, vector<16xi32> -> vector<16xi32>
        %select_n3A_789 = arith.select %eq3A_768, %gather3A_778, %gather3A_788 : vector<16xi1>, vector<16xi32>
        %eq3A_790 = arith.constant 2 : i32
        %eq3A_791 = vector.broadcast %eq3A_790 : i32 to vector<16xi32>
        %eq3A_792 = arith.cmpi eq, %shift_right_arithmetic3A_14, %eq3A_791 : vector<16xi32>
        %lt3A_793 = arith.constant 0 : i32
        %lt3A_794 = vector.broadcast %lt3A_793 : i32 to vector<16xi32>
        %lt3A_795 = arith.cmpi slt, %and3A_9, %lt3A_794 : vector<16xi32>
        %add3A_796 = arith.constant 16 : i32
        %add3A_797 = vector.broadcast %add3A_796 : i32 to vector<16xi32>
        %add3A_798 = arith.addi %and3A_9, %add3A_797 : vector<16xi32>
        %select_n3A_799 = arith.select %lt3A_795, %add3A_798, %and3A_9 : vector<16xi1>, vector<16xi32>
        %broadcast_in_dim3A_800 = vector.shape_cast %select_n3A_799 : vector<16xi32> to vector<16x1xi32>
        %gather3A_801 = vector.shape_cast %broadcast_in_dim3A_800 : vector<16x1xi32> to vector<16xi32>
        %gather3A_802 = tpu.dynamic_gather %get3A_761[%gather3A_801] in [0] : vector<16xi32>, vector<16xi32> -> vector<16xi32>
        %lt3A_803 = arith.constant 0 : i32
        %lt3A_804 = vector.broadcast %lt3A_803 : i32 to vector<16xi32>
        %lt3A_805 = arith.cmpi slt, %and3A_9, %lt3A_804 : vector<16xi32>
        %add3A_806 = arith.constant 16 : i32
        %add3A_807 = vector.broadcast %add3A_806 : i32 to vector<16xi32>
        %add3A_808 = arith.addi %and3A_9, %add3A_807 : vector<16xi32>
        %select_n3A_809 = arith.select %lt3A_805, %add3A_808, %and3A_9 : vector<16xi1>, vector<16xi32>
        %broadcast_in_dim3A_810 = vector.shape_cast %select_n3A_809 : vector<16xi32> to vector<16x1xi32>
        %gather3A_811 = vector.shape_cast %broadcast_in_dim3A_810 : vector<16x1xi32> to vector<16xi32>
        %gather3A_812 = tpu.dynamic_gather %get3A_765[%gather3A_811] in [0] : vector<16xi32>, vector<16xi32> -> vector<16xi32>
        %select_n3A_813 = arith.select %eq3A_792, %gather3A_802, %gather3A_812 : vector<16xi1>, vector<16xi32>
        %lt3A_814 = arith.constant 2 : i32
        %lt3A_815 = vector.broadcast %lt3A_814 : i32 to vector<16xi32>
        %lt3A_816 = arith.cmpi slt, %shift_right_arithmetic3A_14, %lt3A_815 : vector<16xi32>
        %select_n3A_817 = arith.select %lt3A_816, %select_n3A_789, %select_n3A_813 : vector<16xi1>, vector<16xi32>
        %mul3A_818 = arith.constant 32 : i32
        %mul3A_819 = arith.muli %add3A_749, %mul3A_818 : i32
        %swap3A_820 = arith.index_cast %mul3A_819 : i32 to index
        %swap3A_821 = tpu.vector_load %arg8[%swap3A_820] {strides = array<i32>} : memref<16384xi32, #tpu.memory_space<vmem>>, vector<16xi32>,
        %swap3A_822 = vector.shape_cast %swap3A_821 : vector<16xi32> to vector<16xi32>
        %swap3A_823 = vector.shape_cast %select_n3A_817 : vector<16xi32> to vector<16xi32>
        tpu.vector_store %arg8[%swap3A_820], %swap3A_823 {strides = array<i32>} : memref<16384xi32, #tpu.memory_space<vmem>>, vector<16xi32>,
        %eq3A_824 = arith.constant 0 : i32
        %eq3A_825 = vector.broadcast %eq3A_824 : i32 to vector<16xi32>
        %eq3A_826 = arith.cmpi eq, %shift_right_arithmetic3A_17, %eq3A_825 : vector<16xi32>
        %lt3A_827 = arith.constant 0 : i32
        %lt3A_828 = vector.broadcast %lt3A_827 : i32 to vector<16xi32>
        %lt3A_829 = arith.cmpi slt, %and3A_12, %lt3A_828 : vector<16xi32>
        %add3A_830 = arith.constant 16 : i32
        %add3A_831 = vector.broadcast %add3A_830 : i32 to vector<16xi32>
        %add3A_832 = arith.addi %and3A_12, %add3A_831 : vector<16xi32>
        %select_n3A_833 = arith.select %lt3A_829, %add3A_832, %and3A_12 : vector<16xi1>, vector<16xi32>
        %broadcast_in_dim3A_834 = vector.shape_cast %select_n3A_833 : vector<16xi32> to vector<16x1xi32>
        %gather3A_835 = vector.shape_cast %broadcast_in_dim3A_834 : vector<16x1xi32> to vector<16xi32>
        %gather3A_836 = tpu.dynamic_gather %get3A_753[%gather3A_835] in [0] : vector<16xi32>, vector<16xi32> -> vector<16xi32>
        %lt3A_837 = arith.constant 0 : i32
        %lt3A_838 = vector.broadcast %lt3A_837 : i32 to vector<16xi32>
        %lt3A_839 = arith.cmpi slt, %and3A_12, %lt3A_838 : vector<16xi32>
        %add3A_840 = arith.constant 16 : i32
        %add3A_841 = vector.broadcast %add3A_840 : i32 to vector<16xi32>
        %add3A_842 = arith.addi %and3A_12, %add3A_841 : vector<16xi32>
        %select_n3A_843 = arith.select %lt3A_839, %add3A_842, %and3A_12 : vector<16xi1>, vector<16xi32>
        %broadcast_in_dim3A_844 = vector.shape_cast %select_n3A_843 : vector<16xi32> to vector<16x1xi32>
        %gather3A_845 = vector.shape_cast %broadcast_in_dim3A_844 : vector<16x1xi32> to vector<16xi32>
        %gather3A_846 = tpu.dynamic_gather %get3A_757[%gather3A_845] in [0] : vector<16xi32>, vector<16xi32> -> vector<16xi32>
        %select_n3A_847 = arith.select %eq3A_826, %gather3A_836, %gather3A_846 : vector<16xi1>, vector<16xi32>
        %eq3A_848 = arith.constant 2 : i32
        %eq3A_849 = vector.broadcast %eq3A_848 : i32 to vector<16xi32>
        %eq3A_850 = arith.cmpi eq, %shift_right_arithmetic3A_17, %eq3A_849 : vector<16xi32>
        %lt3A_851 = arith.constant 0 : i32
        %lt3A_852 = vector.broadcast %lt3A_851 : i32 to vector<16xi32>
        %lt3A_853 = arith.cmpi slt, %and3A_12, %lt3A_852 : vector<16xi32>
        %add3A_854 = arith.constant 16 : i32
        %add3A_855 = vector.broadcast %add3A_854 : i32 to vector<16xi32>
        %add3A_856 = arith.addi %and3A_12, %add3A_855 : vector<16xi32>
        %select_n3A_857 = arith.select %lt3A_853, %add3A_856, %and3A_12 : vector<16xi1>, vector<16xi32>
        %broadcast_in_dim3A_858 = vector.shape_cast %select_n3A_857 : vector<16xi32> to vector<16x1xi32>
        %gather3A_859 = vector.shape_cast %broadcast_in_dim3A_858 : vector<16x1xi32> to vector<16xi32>
        %gather3A_860 = tpu.dynamic_gather %get3A_761[%gather3A_859] in [0] : vector<16xi32>, vector<16xi32> -> vector<16xi32>
        %lt3A_861 = arith.constant 0 : i32
        %lt3A_862 = vector.broadcast %lt3A_861 : i32 to vector<16xi32>
        %lt3A_863 = arith.cmpi slt, %and3A_12, %lt3A_862 : vector<16xi32>
        %add3A_864 = arith.constant 16 : i32
        %add3A_865 = vector.broadcast %add3A_864 : i32 to vector<16xi32>
        %add3A_866 = arith.addi %and3A_12, %add3A_865 : vector<16xi32>
        %select_n3A_867 = arith.select %lt3A_863, %add3A_866, %and3A_12 : vector<16xi1>, vector<16xi32>
        %broadcast_in_dim3A_868 = vector.shape_cast %select_n3A_867 : vector<16xi32> to vector<16x1xi32>
        %gather3A_869 = vector.shape_cast %broadcast_in_dim3A_868 : vector<16x1xi32> to vector<16xi32>
        %gather3A_870 = tpu.dynamic_gather %get3A_765[%gather3A_869] in [0] : vector<16xi32>, vector<16xi32> -> vector<16xi32>
        %select_n3A_871 = arith.select %eq3A_850, %gather3A_860, %gather3A_870 : vector<16xi1>, vector<16xi32>
        %lt3A_872 = arith.constant 2 : i32
        %lt3A_873 = vector.broadcast %lt3A_872 : i32 to vector<16xi32>
        %lt3A_874 = arith.cmpi slt, %shift_right_arithmetic3A_17, %lt3A_873 : vector<16xi32>
        %select_n3A_875 = arith.select %lt3A_874, %select_n3A_847, %select_n3A_871 : vector<16xi1>, vector<16xi32>
        %mul3A_876 = arith.constant 32 : i32
        %mul3A_877 = arith.muli %add3A_749, %mul3A_876 : i32
        %add3A_878 = arith.constant 16 : i32
        %add3A_879 = arith.addi %mul3A_877, %add3A_878 : i32
        %swap3A_880 = arith.index_cast %add3A_879 : i32 to index
        %swap3A_881 = tpu.vector_load %arg8[%swap3A_880] {strides = array<i32>} : memref<16384xi32, #tpu.memory_space<vmem>>, vector<16xi32>,
        %swap3A_882 = vector.shape_cast %swap3A_881 : vector<16xi32> to vector<16xi32>
        %swap3A_883 = vector.shape_cast %select_n3A_875 : vector<16xi32> to vector<16xi32>
        tpu.vector_store %arg8[%swap3A_880], %swap3A_883 {strides = array<i32>} : memref<16384xi32, #tpu.memory_space<vmem>>, vector<16xi32>,
        %mul3A_884 = arith.constant 16 : i32
        %mul3A_885 = arith.muli %sub3A_337, %mul3A_884 : i32
        %add3A_886 = arith.constant 4 : i32
        %add3A_887 = arith.addi %mul3A_885, %add3A_886 : i32
        %get3A_888 = arith.index_cast %add3A_887 : i32 to index
        %get3A_889 = arith.constant 0 : index
        %get3A_890 = tpu.vector_load %arg7[%get3A_888, %get3A_889] {strides = array<i32>} : memref<512x64xi32, #tpu.memory_space<vmem>>, vector<1x16xi32>,
        %get3A_891 = vector.shape_cast %get3A_890 : vector<1x16xi32> to vector<16xi32>
        %get3A_892 = arith.index_cast %add3A_887 : i32 to index
        %get3A_893 = arith.constant 16 : index
        %get3A_894 = tpu.vector_load %arg7[%get3A_892, %get3A_893] {strides = array<i32>} : memref<512x64xi32, #tpu.memory_space<vmem>>, vector<1x16xi32>,
        %get3A_895 = vector.shape_cast %get3A_894 : vector<1x16xi32> to vector<16xi32>
        %get3A_896 = arith.index_cast %add3A_887 : i32 to index
        %get3A_897 = arith.constant 32 : index
        %get3A_898 = tpu.vector_load %arg7[%get3A_896, %get3A_897] {strides = array<i32>} : memref<512x64xi32, #tpu.memory_space<vmem>>, vector<1x16xi32>,
        %get3A_899 = vector.shape_cast %get3A_898 : vector<1x16xi32> to vector<16xi32>
        %get3A_900 = arith.index_cast %add3A_887 : i32 to index
        %get3A_901 = arith.constant 48 : index
        %get3A_902 = tpu.vector_load %arg7[%get3A_900, %get3A_901] {strides = array<i32>} : memref<512x64xi32, #tpu.memory_space<vmem>>, vector<1x16xi32>,
        %get3A_903 = vector.shape_cast %get3A_902 : vector<1x16xi32> to vector<16xi32>
        %eq3A_904 = arith.constant 0 : i32
        %eq3A_905 = vector.broadcast %eq3A_904 : i32 to vector<16xi32>
        %eq3A_906 = arith.cmpi eq, %shift_right_arithmetic3A_14, %eq3A_905 : vector<16xi32>
        %lt3A_907 = arith.constant 0 : i32
        %lt3A_908 = vector.broadcast %lt3A_907 : i32 to vector<16xi32>
        %lt3A_909 = arith.cmpi slt, %and3A_9, %lt3A_908 : vector<16xi32>
        %add3A_910 = arith.constant 16 : i32
        %add3A_911 = vector.broadcast %add3A_910 : i32 to vector<16xi32>
        %add3A_912 = arith.addi %and3A_9, %add3A_911 : vector<16xi32>
        %select_n3A_913 = arith.select %lt3A_909, %add3A_912, %and3A_9 : vector<16xi1>, vector<16xi32>
        %broadcast_in_dim3A_914 = vector.shape_cast %select_n3A_913 : vector<16xi32> to vector<16x1xi32>
        %gather3A_915 = vector.shape_cast %broadcast_in_dim3A_914 : vector<16x1xi32> to vector<16xi32>
        %gather3A_916 = tpu.dynamic_gather %get3A_891[%gather3A_915] in [0] : vector<16xi32>, vector<16xi32> -> vector<16xi32>
        %lt3A_917 = arith.constant 0 : i32
        %lt3A_918 = vector.broadcast %lt3A_917 : i32 to vector<16xi32>
        %lt3A_919 = arith.cmpi slt, %and3A_9, %lt3A_918 : vector<16xi32>
        %add3A_920 = arith.constant 16 : i32
        %add3A_921 = vector.broadcast %add3A_920 : i32 to vector<16xi32>
        %add3A_922 = arith.addi %and3A_9, %add3A_921 : vector<16xi32>
        %select_n3A_923 = arith.select %lt3A_919, %add3A_922, %and3A_9 : vector<16xi1>, vector<16xi32>
        %broadcast_in_dim3A_924 = vector.shape_cast %select_n3A_923 : vector<16xi32> to vector<16x1xi32>
        %gather3A_925 = vector.shape_cast %broadcast_in_dim3A_924 : vector<16x1xi32> to vector<16xi32>
        %gather3A_926 = tpu.dynamic_gather %get3A_895[%gather3A_925] in [0] : vector<16xi32>, vector<16xi32> -> vector<16xi32>
        %select_n3A_927 = arith.select %eq3A_906, %gather3A_916, %gather3A_926 : vector<16xi1>, vector<16xi32>
        %eq3A_928 = arith.constant 2 : i32
        %eq3A_929 = vector.broadcast %eq3A_928 : i32 to vector<16xi32>
        %eq3A_930 = arith.cmpi eq, %shift_right_arithmetic3A_14, %eq3A_929 : vector<16xi32>
        %lt3A_931 = arith.constant 0 : i32
        %lt3A_932 = vector.broadcast %lt3A_931 : i32 to vector<16xi32>
        %lt3A_933 = arith.cmpi slt, %and3A_9, %lt3A_932 : vector<16xi32>
        %add3A_934 = arith.constant 16 : i32
        %add3A_935 = vector.broadcast %add3A_934 : i32 to vector<16xi32>
        %add3A_936 = arith.addi %and3A_9, %add3A_935 : vector<16xi32>
        %select_n3A_937 = arith.select %lt3A_933, %add3A_936, %and3A_9 : vector<16xi1>, vector<16xi32>
        %broadcast_in_dim3A_938 = vector.shape_cast %select_n3A_937 : vector<16xi32> to vector<16x1xi32>
        %gather3A_939 = vector.shape_cast %broadcast_in_dim3A_938 : vector<16x1xi32> to vector<16xi32>
        %gather3A_940 = tpu.dynamic_gather %get3A_899[%gather3A_939] in [0] : vector<16xi32>, vector<16xi32> -> vector<16xi32>
        %lt3A_941 = arith.constant 0 : i32
        %lt3A_942 = vector.broadcast %lt3A_941 : i32 to vector<16xi32>
        %lt3A_943 = arith.cmpi slt, %and3A_9, %lt3A_942 : vector<16xi32>
        %add3A_944 = arith.constant 16 : i32
        %add3A_945 = vector.broadcast %add3A_944 : i32 to vector<16xi32>
        %add3A_946 = arith.addi %and3A_9, %add3A_945 : vector<16xi32>
        %select_n3A_947 = arith.select %lt3A_943, %add3A_946, %and3A_9 : vector<16xi1>, vector<16xi32>
        %broadcast_in_dim3A_948 = vector.shape_cast %select_n3A_947 : vector<16xi32> to vector<16x1xi32>
        %gather3A_949 = vector.shape_cast %broadcast_in_dim3A_948 : vector<16x1xi32> to vector<16xi32>
        %gather3A_950 = tpu.dynamic_gather %get3A_903[%gather3A_949] in [0] : vector<16xi32>, vector<16xi32> -> vector<16xi32>
        %select_n3A_951 = arith.select %eq3A_930, %gather3A_940, %gather3A_950 : vector<16xi1>, vector<16xi32>
        %lt3A_952 = arith.constant 2 : i32
        %lt3A_953 = vector.broadcast %lt3A_952 : i32 to vector<16xi32>
        %lt3A_954 = arith.cmpi slt, %shift_right_arithmetic3A_14, %lt3A_953 : vector<16xi32>
        %select_n3A_955 = arith.select %lt3A_954, %select_n3A_927, %select_n3A_951 : vector<16xi1>, vector<16xi32>
        %mul3A_956 = arith.constant 32 : i32
        %mul3A_957 = arith.muli %add3A_887, %mul3A_956 : i32
        %swap3A_958 = arith.index_cast %mul3A_957 : i32 to index
        %swap3A_959 = tpu.vector_load %arg8[%swap3A_958] {strides = array<i32>} : memref<16384xi32, #tpu.memory_space<vmem>>, vector<16xi32>,
        %swap3A_960 = vector.shape_cast %swap3A_959 : vector<16xi32> to vector<16xi32>
        %swap3A_961 = vector.shape_cast %select_n3A_955 : vector<16xi32> to vector<16xi32>
        tpu.vector_store %arg8[%swap3A_958], %swap3A_961 {strides = array<i32>} : memref<16384xi32, #tpu.memory_space<vmem>>, vector<16xi32>,
        %eq3A_962 = arith.constant 0 : i32
        %eq3A_963 = vector.broadcast %eq3A_962 : i32 to vector<16xi32>
        %eq3A_964 = arith.cmpi eq, %shift_right_arithmetic3A_17, %eq3A_963 : vector<16xi32>
        %lt3A_965 = arith.constant 0 : i32
        %lt3A_966 = vector.broadcast %lt3A_965 : i32 to vector<16xi32>
        %lt3A_967 = arith.cmpi slt, %and3A_12, %lt3A_966 : vector<16xi32>
        %add3A_968 = arith.constant 16 : i32
        %add3A_969 = vector.broadcast %add3A_968 : i32 to vector<16xi32>
        %add3A_970 = arith.addi %and3A_12, %add3A_969 : vector<16xi32>
        %select_n3A_971 = arith.select %lt3A_967, %add3A_970, %and3A_12 : vector<16xi1>, vector<16xi32>
        %broadcast_in_dim3A_972 = vector.shape_cast %select_n3A_971 : vector<16xi32> to vector<16x1xi32>
        %gather3A_973 = vector.shape_cast %broadcast_in_dim3A_972 : vector<16x1xi32> to vector<16xi32>
        %gather3A_974 = tpu.dynamic_gather %get3A_891[%gather3A_973] in [0] : vector<16xi32>, vector<16xi32> -> vector<16xi32>
        %lt3A_975 = arith.constant 0 : i32
        %lt3A_976 = vector.broadcast %lt3A_975 : i32 to vector<16xi32>
        %lt3A_977 = arith.cmpi slt, %and3A_12, %lt3A_976 : vector<16xi32>
        %add3A_978 = arith.constant 16 : i32
        %add3A_979 = vector.broadcast %add3A_978 : i32 to vector<16xi32>
        %add3A_980 = arith.addi %and3A_12, %add3A_979 : vector<16xi32>
        %select_n3A_981 = arith.select %lt3A_977, %add3A_980, %and3A_12 : vector<16xi1>, vector<16xi32>
        %broadcast_in_dim3A_982 = vector.shape_cast %select_n3A_981 : vector<16xi32> to vector<16x1xi32>
        %gather3A_983 = vector.shape_cast %broadcast_in_dim3A_982 : vector<16x1xi32> to vector<16xi32>
        %gather3A_984 = tpu.dynamic_gather %get3A_895[%gather3A_983] in [0] : vector<16xi32>, vector<16xi32> -> vector<16xi32>
        %select_n3A_985 = arith.select %eq3A_964, %gather3A_974, %gather3A_984 : vector<16xi1>, vector<16xi32>
        %eq3A_986 = arith.constant 2 : i32
        %eq3A_987 = vector.broadcast %eq3A_986 : i32 to vector<16xi32>
        %eq3A_988 = arith.cmpi eq, %shift_right_arithmetic3A_17, %eq3A_987 : vector<16xi32>
        %lt3A_989 = arith.constant 0 : i32
        %lt3A_990 = vector.broadcast %lt3A_989 : i32 to vector<16xi32>
        %lt3A_991 = arith.cmpi slt, %and3A_12, %lt3A_990 : vector<16xi32>
        %add3A_992 = arith.constant 16 : i32
        %add3A_993 = vector.broadcast %add3A_992 : i32 to vector<16xi32>
        %add3A_994 = arith.addi %and3A_12, %add3A_993 : vector<16xi32>
        %select_n3A_995 = arith.select %lt3A_991, %add3A_994, %and3A_12 : vector<16xi1>, vector<16xi32>
        %broadcast_in_dim3A_996 = vector.shape_cast %select_n3A_995 : vector<16xi32> to vector<16x1xi32>
        %gather3A_997 = vector.shape_cast %broadcast_in_dim3A_996 : vector<16x1xi32> to vector<16xi32>
        %gather3A_998 = tpu.dynamic_gather %get3A_899[%gather3A_997] in [0] : vector<16xi32>, vector<16xi32> -> vector<16xi32>
        %lt3A_999 = arith.constant 0 : i32
        %lt3A_1000 = vector.broadcast %lt3A_999 : i32 to vector<16xi32>
        %lt3A_1001 = arith.cmpi slt, %and3A_12, %lt3A_1000 : vector<16xi32>
        %add3A_1002 = arith.constant 16 : i32
        %add3A_1003 = vector.broadcast %add3A_1002 : i32 to vector<16xi32>
        %add3A_1004 = arith.addi %and3A_12, %add3A_1003 : vector<16xi32>
        %select_n3A_1005 = arith.select %lt3A_1001, %add3A_1004, %and3A_12 : vector<16xi1>, vector<16xi32>
        %broadcast_in_dim3A_1006 = vector.shape_cast %select_n3A_1005 : vector<16xi32> to vector<16x1xi32>
        %gather3A_1007 = vector.shape_cast %broadcast_in_dim3A_1006 : vector<16x1xi32> to vector<16xi32>
        %gather3A_1008 = tpu.dynamic_gather %get3A_903[%gather3A_1007] in [0] : vector<16xi32>, vector<16xi32> -> vector<16xi32>
        %select_n3A_1009 = arith.select %eq3A_988, %gather3A_998, %gather3A_1008 : vector<16xi1>, vector<16xi32>
        %lt3A_1010 = arith.constant 2 : i32
        %lt3A_1011 = vector.broadcast %lt3A_1010 : i32 to vector<16xi32>
        %lt3A_1012 = arith.cmpi slt, %shift_right_arithmetic3A_17, %lt3A_1011 : vector<16xi32>
        %select_n3A_1013 = arith.select %lt3A_1012, %select_n3A_985, %select_n3A_1009 : vector<16xi1>, vector<16xi32>
        %mul3A_1014 = arith.constant 32 : i32
        %mul3A_1015 = arith.muli %add3A_887, %mul3A_1014 : i32
        %add3A_1016 = arith.constant 16 : i32
        %add3A_1017 = arith.addi %mul3A_1015, %add3A_1016 : i32
        %swap3A_1018 = arith.index_cast %add3A_1017 : i32 to index
        %swap3A_1019 = tpu.vector_load %arg8[%swap3A_1018] {strides = array<i32>} : memref<16384xi32, #tpu.memory_space<vmem>>, vector<16xi32>,
        %swap3A_1020 = vector.shape_cast %swap3A_1019 : vector<16xi32> to vector<16xi32>
        %swap3A_1021 = vector.shape_cast %select_n3A_1013 : vector<16xi32> to vector<16xi32>
        tpu.vector_store %arg8[%swap3A_1018], %swap3A_1021 {strides = array<i32>} : memref<16384xi32, #tpu.memory_space<vmem>>, vector<16xi32>,
        %mul3A_1022 = arith.constant 16 : i32
        %mul3A_1023 = arith.muli %sub3A_337, %mul3A_1022 : i32
        %add3A_1024 = arith.constant 5 : i32
        %add3A_1025 = arith.addi %mul3A_1023, %add3A_1024 : i32
        %get3A_1026 = arith.index_cast %add3A_1025 : i32 to index
        %get3A_1027 = arith.constant 0 : index
        %get3A_1028 = tpu.vector_load %arg7[%get3A_1026, %get3A_1027] {strides = array<i32>} : memref<512x64xi32, #tpu.memory_space<vmem>>, vector<1x16xi32>,
        %get3A_1029 = vector.shape_cast %get3A_1028 : vector<1x16xi32> to vector<16xi32>
        %get3A_1030 = arith.index_cast %add3A_1025 : i32 to index
        %get3A_1031 = arith.constant 16 : index
        %get3A_1032 = tpu.vector_load %arg7[%get3A_1030, %get3A_1031] {strides = array<i32>} : memref<512x64xi32, #tpu.memory_space<vmem>>, vector<1x16xi32>,
        %get3A_1033 = vector.shape_cast %get3A_1032 : vector<1x16xi32> to vector<16xi32>
        %get3A_1034 = arith.index_cast %add3A_1025 : i32 to index
        %get3A_1035 = arith.constant 32 : index
        %get3A_1036 = tpu.vector_load %arg7[%get3A_1034, %get3A_1035] {strides = array<i32>} : memref<512x64xi32, #tpu.memory_space<vmem>>, vector<1x16xi32>,
        %get3A_1037 = vector.shape_cast %get3A_1036 : vector<1x16xi32> to vector<16xi32>
        %get3A_1038 = arith.index_cast %add3A_1025 : i32 to index
        %get3A_1039 = arith.constant 48 : index
        %get3A_1040 = tpu.vector_load %arg7[%get3A_1038, %get3A_1039] {strides = array<i32>} : memref<512x64xi32, #tpu.memory_space<vmem>>, vector<1x16xi32>,
        %get3A_1041 = vector.shape_cast %get3A_1040 : vector<1x16xi32> to vector<16xi32>
        %eq3A_1042 = arith.constant 0 : i32
        %eq3A_1043 = vector.broadcast %eq3A_1042 : i32 to vector<16xi32>
        %eq3A_1044 = arith.cmpi eq, %shift_right_arithmetic3A_14, %eq3A_1043 : vector<16xi32>
        %lt3A_1045 = arith.constant 0 : i32
        %lt3A_1046 = vector.broadcast %lt3A_1045 : i32 to vector<16xi32>
        %lt3A_1047 = arith.cmpi slt, %and3A_9, %lt3A_1046 : vector<16xi32>
        %add3A_1048 = arith.constant 16 : i32
        %add3A_1049 = vector.broadcast %add3A_1048 : i32 to vector<16xi32>
        %add3A_1050 = arith.addi %and3A_9, %add3A_1049 : vector<16xi32>
        %select_n3A_1051 = arith.select %lt3A_1047, %add3A_1050, %and3A_9 : vector<16xi1>, vector<16xi32>
        %broadcast_in_dim3A_1052 = vector.shape_cast %select_n3A_1051 : vector<16xi32> to vector<16x1xi32>
        %gather3A_1053 = vector.shape_cast %broadcast_in_dim3A_1052 : vector<16x1xi32> to vector<16xi32>
        %gather3A_1054 = tpu.dynamic_gather %get3A_1029[%gather3A_1053] in [0] : vector<16xi32>, vector<16xi32> -> vector<16xi32>
        %lt3A_1055 = arith.constant 0 : i32
        %lt3A_1056 = vector.broadcast %lt3A_1055 : i32 to vector<16xi32>
        %lt3A_1057 = arith.cmpi slt, %and3A_9, %lt3A_1056 : vector<16xi32>
        %add3A_1058 = arith.constant 16 : i32
        %add3A_1059 = vector.broadcast %add3A_1058 : i32 to vector<16xi32>
        %add3A_1060 = arith.addi %and3A_9, %add3A_1059 : vector<16xi32>
        %select_n3A_1061 = arith.select %lt3A_1057, %add3A_1060, %and3A_9 : vector<16xi1>, vector<16xi32>
        %broadcast_in_dim3A_1062 = vector.shape_cast %select_n3A_1061 : vector<16xi32> to vector<16x1xi32>
        %gather3A_1063 = vector.shape_cast %broadcast_in_dim3A_1062 : vector<16x1xi32> to vector<16xi32>
        %gather3A_1064 = tpu.dynamic_gather %get3A_1033[%gather3A_1063] in [0] : vector<16xi32>, vector<16xi32> -> vector<16xi32>
        %select_n3A_1065 = arith.select %eq3A_1044, %gather3A_1054, %gather3A_1064 : vector<16xi1>, vector<16xi32>
        %eq3A_1066 = arith.constant 2 : i32
        %eq3A_1067 = vector.broadcast %eq3A_1066 : i32 to vector<16xi32>
        %eq3A_1068 = arith.cmpi eq, %shift_right_arithmetic3A_14, %eq3A_1067 : vector<16xi32>
        %lt3A_1069 = arith.constant 0 : i32
        %lt3A_1070 = vector.broadcast %lt3A_1069 : i32 to vector<16xi32>
        %lt3A_1071 = arith.cmpi slt, %and3A_9, %lt3A_1070 : vector<16xi32>
        %add3A_1072 = arith.constant 16 : i32
        %add3A_1073 = vector.broadcast %add3A_1072 : i32 to vector<16xi32>
        %add3A_1074 = arith.addi %and3A_9, %add3A_1073 : vector<16xi32>
        %select_n3A_1075 = arith.select %lt3A_1071, %add3A_1074, %and3A_9 : vector<16xi1>, vector<16xi32>
        %broadcast_in_dim3A_1076 = vector.shape_cast %select_n3A_1075 : vector<16xi32> to vector<16x1xi32>
        %gather3A_1077 = vector.shape_cast %broadcast_in_dim3A_1076 : vector<16x1xi32> to vector<16xi32>
        %gather3A_1078 = tpu.dynamic_gather %get3A_1037[%gather3A_1077] in [0] : vector<16xi32>, vector<16xi32> -> vector<16xi32>
        %lt3A_1079 = arith.constant 0 : i32
        %lt3A_1080 = vector.broadcast %lt3A_1079 : i32 to vector<16xi32>
        %lt3A_1081 = arith.cmpi slt, %and3A_9, %lt3A_1080 : vector<16xi32>
        %add3A_1082 = arith.constant 16 : i32
        %add3A_1083 = vector.broadcast %add3A_1082 : i32 to vector<16xi32>
        %add3A_1084 = arith.addi %and3A_9, %add3A_1083 : vector<16xi32>
        %select_n3A_1085 = arith.select %lt3A_1081, %add3A_1084, %and3A_9 : vector<16xi1>, vector<16xi32>
        %broadcast_in_dim3A_1086 = vector.shape_cast %select_n3A_1085 : vector<16xi32> to vector<16x1xi32>
        %gather3A_1087 = vector.shape_cast %broadcast_in_dim3A_1086 : vector<16x1xi32> to vector<16xi32>
        %gather3A_1088 = tpu.dynamic_gather %get3A_1041[%gather3A_1087] in [0] : vector<16xi32>, vector<16xi32> -> vector<16xi32>
        %select_n3A_1089 = arith.select %eq3A_1068, %gather3A_1078, %gather3A_1088 : vector<16xi1>, vector<16xi32>
        %lt3A_1090 = arith.constant 2 : i32
        %lt3A_1091 = vector.broadcast %lt3A_1090 : i32 to vector<16xi32>
        %lt3A_1092 = arith.cmpi slt, %shift_right_arithmetic3A_14, %lt3A_1091 : vector<16xi32>
        %select_n3A_1093 = arith.select %lt3A_1092, %select_n3A_1065, %select_n3A_1089 : vector<16xi1>, vector<16xi32>
        %mul3A_1094 = arith.constant 32 : i32
        %mul3A_1095 = arith.muli %add3A_1025, %mul3A_1094 : i32
        %swap3A_1096 = arith.index_cast %mul3A_1095 : i32 to index
        %swap3A_1097 = tpu.vector_load %arg8[%swap3A_1096] {strides = array<i32>} : memref<16384xi32, #tpu.memory_space<vmem>>, vector<16xi32>,
        %swap3A_1098 = vector.shape_cast %swap3A_1097 : vector<16xi32> to vector<16xi32>
        %swap3A_1099 = vector.shape_cast %select_n3A_1093 : vector<16xi32> to vector<16xi32>
        tpu.vector_store %arg8[%swap3A_1096], %swap3A_1099 {strides = array<i32>} : memref<16384xi32, #tpu.memory_space<vmem>>, vector<16xi32>,
        %eq3A_1100 = arith.constant 0 : i32
        %eq3A_1101 = vector.broadcast %eq3A_1100 : i32 to vector<16xi32>
        %eq3A_1102 = arith.cmpi eq, %shift_right_arithmetic3A_17, %eq3A_1101 : vector<16xi32>
        %lt3A_1103 = arith.constant 0 : i32
        %lt3A_1104 = vector.broadcast %lt3A_1103 : i32 to vector<16xi32>
        %lt3A_1105 = arith.cmpi slt, %and3A_12, %lt3A_1104 : vector<16xi32>
        %add3A_1106 = arith.constant 16 : i32
        %add3A_1107 = vector.broadcast %add3A_1106 : i32 to vector<16xi32>
        %add3A_1108 = arith.addi %and3A_12, %add3A_1107 : vector<16xi32>
        %select_n3A_1109 = arith.select %lt3A_1105, %add3A_1108, %and3A_12 : vector<16xi1>, vector<16xi32>
        %broadcast_in_dim3A_1110 = vector.shape_cast %select_n3A_1109 : vector<16xi32> to vector<16x1xi32>
        %gather3A_1111 = vector.shape_cast %broadcast_in_dim3A_1110 : vector<16x1xi32> to vector<16xi32>
        %gather3A_1112 = tpu.dynamic_gather %get3A_1029[%gather3A_1111] in [0] : vector<16xi32>, vector<16xi32> -> vector<16xi32>
        %lt3A_1113 = arith.constant 0 : i32
        %lt3A_1114 = vector.broadcast %lt3A_1113 : i32 to vector<16xi32>
        %lt3A_1115 = arith.cmpi slt, %and3A_12, %lt3A_1114 : vector<16xi32>
        %add3A_1116 = arith.constant 16 : i32
        %add3A_1117 = vector.broadcast %add3A_1116 : i32 to vector<16xi32>
        %add3A_1118 = arith.addi %and3A_12, %add3A_1117 : vector<16xi32>
        %select_n3A_1119 = arith.select %lt3A_1115, %add3A_1118, %and3A_12 : vector<16xi1>, vector<16xi32>
        %broadcast_in_dim3A_1120 = vector.shape_cast %select_n3A_1119 : vector<16xi32> to vector<16x1xi32>
        %gather3A_1121 = vector.shape_cast %broadcast_in_dim3A_1120 : vector<16x1xi32> to vector<16xi32>
        %gather3A_1122 = tpu.dynamic_gather %get3A_1033[%gather3A_1121] in [0] : vector<16xi32>, vector<16xi32> -> vector<16xi32>
        %select_n3A_1123 = arith.select %eq3A_1102, %gather3A_1112, %gather3A_1122 : vector<16xi1>, vector<16xi32>
        %eq3A_1124 = arith.constant 2 : i32
        %eq3A_1125 = vector.broadcast %eq3A_1124 : i32 to vector<16xi32>
        %eq3A_1126 = arith.cmpi eq, %shift_right_arithmetic3A_17, %eq3A_1125 : vector<16xi32>
        %lt3A_1127 = arith.constant 0 : i32
        %lt3A_1128 = vector.broadcast %lt3A_1127 : i32 to vector<16xi32>
        %lt3A_1129 = arith.cmpi slt, %and3A_12, %lt3A_1128 : vector<16xi32>
        %add3A_1130 = arith.constant 16 : i32
        %add3A_1131 = vector.broadcast %add3A_1130 : i32 to vector<16xi32>
        %add3A_1132 = arith.addi %and3A_12, %add3A_1131 : vector<16xi32>
        %select_n3A_1133 = arith.select %lt3A_1129, %add3A_1132, %and3A_12 : vector<16xi1>, vector<16xi32>
        %broadcast_in_dim3A_1134 = vector.shape_cast %select_n3A_1133 : vector<16xi32> to vector<16x1xi32>
        %gather3A_1135 = vector.shape_cast %broadcast_in_dim3A_1134 : vector<16x1xi32> to vector<16xi32>
        %gather3A_1136 = tpu.dynamic_gather %get3A_1037[%gather3A_1135] in [0] : vector<16xi32>, vector<16xi32> -> vector<16xi32>
        %lt3A_1137 = arith.constant 0 : i32
        %lt3A_1138 = vector.broadcast %lt3A_1137 : i32 to vector<16xi32>
        %lt3A_1139 = arith.cmpi slt, %and3A_12, %lt3A_1138 : vector<16xi32>
        %add3A_1140 = arith.constant 16 : i32
        %add3A_1141 = vector.broadcast %add3A_1140 : i32 to vector<16xi32>
        %add3A_1142 = arith.addi %and3A_12, %add3A_1141 : vector<16xi32>
        %select_n3A_1143 = arith.select %lt3A_1139, %add3A_1142, %and3A_12 : vector<16xi1>, vector<16xi32>
        %broadcast_in_dim3A_1144 = vector.shape_cast %select_n3A_1143 : vector<16xi32> to vector<16x1xi32>
        %gather3A_1145 = vector.shape_cast %broadcast_in_dim3A_1144 : vector<16x1xi32> to vector<16xi32>
        %gather3A_1146 = tpu.dynamic_gather %get3A_1041[%gather3A_1145] in [0] : vector<16xi32>, vector<16xi32> -> vector<16xi32>
        %select_n3A_1147 = arith.select %eq3A_1126, %gather3A_1136, %gather3A_1146 : vector<16xi1>, vector<16xi32>
        %lt3A_1148 = arith.constant 2 : i32
        %lt3A_1149 = vector.broadcast %lt3A_1148 : i32 to vector<16xi32>
        %lt3A_1150 = arith.cmpi slt, %shift_right_arithmetic3A_17, %lt3A_1149 : vector<16xi32>
        %select_n3A_1151 = arith.select %lt3A_1150, %select_n3A_1123, %select_n3A_1147 : vector<16xi1>, vector<16xi32>
        %mul3A_1152 = arith.constant 32 : i32
        %mul3A_1153 = arith.muli %add3A_1025, %mul3A_1152 : i32
        %add3A_1154 = arith.constant 16 : i32
        %add3A_1155 = arith.addi %mul3A_1153, %add3A_1154 : i32
        %swap3A_1156 = arith.index_cast %add3A_1155 : i32 to index
        %swap3A_1157 = tpu.vector_load %arg8[%swap3A_1156] {strides = array<i32>} : memref<16384xi32, #tpu.memory_space<vmem>>, vector<16xi32>,
        %swap3A_1158 = vector.shape_cast %swap3A_1157 : vector<16xi32> to vector<16xi32>
        %swap3A_1159 = vector.shape_cast %select_n3A_1151 : vector<16xi32> to vector<16xi32>
        tpu.vector_store %arg8[%swap3A_1156], %swap3A_1159 {strides = array<i32>} : memref<16384xi32, #tpu.memory_space<vmem>>, vector<16xi32>,
        %mul3A_1160 = arith.constant 16 : i32
        %mul3A_1161 = arith.muli %sub3A_337, %mul3A_1160 : i32
        %add3A_1162 = arith.constant 6 : i32
        %add3A_1163 = arith.addi %mul3A_1161, %add3A_1162 : i32
        %get3A_1164 = arith.index_cast %add3A_1163 : i32 to index
        %get3A_1165 = arith.constant 0 : index
        %get3A_1166 = tpu.vector_load %arg7[%get3A_1164, %get3A_1165] {strides = array<i32>} : memref<512x64xi32, #tpu.memory_space<vmem>>, vector<1x16xi32>,
        %get3A_1167 = vector.shape_cast %get3A_1166 : vector<1x16xi32> to vector<16xi32>
        %get3A_1168 = arith.index_cast %add3A_1163 : i32 to index
        %get3A_1169 = arith.constant 16 : index
        %get3A_1170 = tpu.vector_load %arg7[%get3A_1168, %get3A_1169] {strides = array<i32>} : memref<512x64xi32, #tpu.memory_space<vmem>>, vector<1x16xi32>,
        %get3A_1171 = vector.shape_cast %get3A_1170 : vector<1x16xi32> to vector<16xi32>
        %get3A_1172 = arith.index_cast %add3A_1163 : i32 to index
        %get3A_1173 = arith.constant 32 : index
        %get3A_1174 = tpu.vector_load %arg7[%get3A_1172, %get3A_1173] {strides = array<i32>} : memref<512x64xi32, #tpu.memory_space<vmem>>, vector<1x16xi32>,
        %get3A_1175 = vector.shape_cast %get3A_1174 : vector<1x16xi32> to vector<16xi32>
        %get3A_1176 = arith.index_cast %add3A_1163 : i32 to index
        %get3A_1177 = arith.constant 48 : index
        %get3A_1178 = tpu.vector_load %arg7[%get3A_1176, %get3A_1177] {strides = array<i32>} : memref<512x64xi32, #tpu.memory_space<vmem>>, vector<1x16xi32>,
        %get3A_1179 = vector.shape_cast %get3A_1178 : vector<1x16xi32> to vector<16xi32>
        %eq3A_1180 = arith.constant 0 : i32
        %eq3A_1181 = vector.broadcast %eq3A_1180 : i32 to vector<16xi32>
        %eq3A_1182 = arith.cmpi eq, %shift_right_arithmetic3A_14, %eq3A_1181 : vector<16xi32>
        %lt3A_1183 = arith.constant 0 : i32
        %lt3A_1184 = vector.broadcast %lt3A_1183 : i32 to vector<16xi32>
        %lt3A_1185 = arith.cmpi slt, %and3A_9, %lt3A_1184 : vector<16xi32>
        %add3A_1186 = arith.constant 16 : i32
        %add3A_1187 = vector.broadcast %add3A_1186 : i32 to vector<16xi32>
        %add3A_1188 = arith.addi %and3A_9, %add3A_1187 : vector<16xi32>
        %select_n3A_1189 = arith.select %lt3A_1185, %add3A_1188, %and3A_9 : vector<16xi1>, vector<16xi32>
        %broadcast_in_dim3A_1190 = vector.shape_cast %select_n3A_1189 : vector<16xi32> to vector<16x1xi32>
        %gather3A_1191 = vector.shape_cast %broadcast_in_dim3A_1190 : vector<16x1xi32> to vector<16xi32>
        %gather3A_1192 = tpu.dynamic_gather %get3A_1167[%gather3A_1191] in [0] : vector<16xi32>, vector<16xi32> -> vector<16xi32>
        %lt3A_1193 = arith.constant 0 : i32
        %lt3A_1194 = vector.broadcast %lt3A_1193 : i32 to vector<16xi32>
        %lt3A_1195 = arith.cmpi slt, %and3A_9, %lt3A_1194 : vector<16xi32>
        %add3A_1196 = arith.constant 16 : i32
        %add3A_1197 = vector.broadcast %add3A_1196 : i32 to vector<16xi32>
        %add3A_1198 = arith.addi %and3A_9, %add3A_1197 : vector<16xi32>
        %select_n3A_1199 = arith.select %lt3A_1195, %add3A_1198, %and3A_9 : vector<16xi1>, vector<16xi32>
        %broadcast_in_dim3A_1200 = vector.shape_cast %select_n3A_1199 : vector<16xi32> to vector<16x1xi32>
        %gather3A_1201 = vector.shape_cast %broadcast_in_dim3A_1200 : vector<16x1xi32> to vector<16xi32>
        %gather3A_1202 = tpu.dynamic_gather %get3A_1171[%gather3A_1201] in [0] : vector<16xi32>, vector<16xi32> -> vector<16xi32>
        %select_n3A_1203 = arith.select %eq3A_1182, %gather3A_1192, %gather3A_1202 : vector<16xi1>, vector<16xi32>
        %eq3A_1204 = arith.constant 2 : i32
        %eq3A_1205 = vector.broadcast %eq3A_1204 : i32 to vector<16xi32>
        %eq3A_1206 = arith.cmpi eq, %shift_right_arithmetic3A_14, %eq3A_1205 : vector<16xi32>
        %lt3A_1207 = arith.constant 0 : i32
        %lt3A_1208 = vector.broadcast %lt3A_1207 : i32 to vector<16xi32>
        %lt3A_1209 = arith.cmpi slt, %and3A_9, %lt3A_1208 : vector<16xi32>
        %add3A_1210 = arith.constant 16 : i32
        %add3A_1211 = vector.broadcast %add3A_1210 : i32 to vector<16xi32>
        %add3A_1212 = arith.addi %and3A_9, %add3A_1211 : vector<16xi32>
        %select_n3A_1213 = arith.select %lt3A_1209, %add3A_1212, %and3A_9 : vector<16xi1>, vector<16xi32>
        %broadcast_in_dim3A_1214 = vector.shape_cast %select_n3A_1213 : vector<16xi32> to vector<16x1xi32>
        %gather3A_1215 = vector.shape_cast %broadcast_in_dim3A_1214 : vector<16x1xi32> to vector<16xi32>
        %gather3A_1216 = tpu.dynamic_gather %get3A_1175[%gather3A_1215] in [0] : vector<16xi32>, vector<16xi32> -> vector<16xi32>
        %lt3A_1217 = arith.constant 0 : i32
        %lt3A_1218 = vector.broadcast %lt3A_1217 : i32 to vector<16xi32>
        %lt3A_1219 = arith.cmpi slt, %and3A_9, %lt3A_1218 : vector<16xi32>
        %add3A_1220 = arith.constant 16 : i32
        %add3A_1221 = vector.broadcast %add3A_1220 : i32 to vector<16xi32>
        %add3A_1222 = arith.addi %and3A_9, %add3A_1221 : vector<16xi32>
        %select_n3A_1223 = arith.select %lt3A_1219, %add3A_1222, %and3A_9 : vector<16xi1>, vector<16xi32>
        %broadcast_in_dim3A_1224 = vector.shape_cast %select_n3A_1223 : vector<16xi32> to vector<16x1xi32>
        %gather3A_1225 = vector.shape_cast %broadcast_in_dim3A_1224 : vector<16x1xi32> to vector<16xi32>
        %gather3A_1226 = tpu.dynamic_gather %get3A_1179[%gather3A_1225] in [0] : vector<16xi32>, vector<16xi32> -> vector<16xi32>
        %select_n3A_1227 = arith.select %eq3A_1206, %gather3A_1216, %gather3A_1226 : vector<16xi1>, vector<16xi32>
        %lt3A_1228 = arith.constant 2 : i32
        %lt3A_1229 = vector.broadcast %lt3A_1228 : i32 to vector<16xi32>
        %lt3A_1230 = arith.cmpi slt, %shift_right_arithmetic3A_14, %lt3A_1229 : vector<16xi32>
        %select_n3A_1231 = arith.select %lt3A_1230, %select_n3A_1203, %select_n3A_1227 : vector<16xi1>, vector<16xi32>
        %mul3A_1232 = arith.constant 32 : i32
        %mul3A_1233 = arith.muli %add3A_1163, %mul3A_1232 : i32
        %swap3A_1234 = arith.index_cast %mul3A_1233 : i32 to index
        %swap3A_1235 = tpu.vector_load %arg8[%swap3A_1234] {strides = array<i32>} : memref<16384xi32, #tpu.memory_space<vmem>>, vector<16xi32>,
        %swap3A_1236 = vector.shape_cast %swap3A_1235 : vector<16xi32> to vector<16xi32>
        %swap3A_1237 = vector.shape_cast %select_n3A_1231 : vector<16xi32> to vector<16xi32>
        tpu.vector_store %arg8[%swap3A_1234], %swap3A_1237 {strides = array<i32>} : memref<16384xi32, #tpu.memory_space<vmem>>, vector<16xi32>,
        %eq3A_1238 = arith.constant 0 : i32
        %eq3A_1239 = vector.broadcast %eq3A_1238 : i32 to vector<16xi32>
        %eq3A_1240 = arith.cmpi eq, %shift_right_arithmetic3A_17, %eq3A_1239 : vector<16xi32>
        %lt3A_1241 = arith.constant 0 : i32
        %lt3A_1242 = vector.broadcast %lt3A_1241 : i32 to vector<16xi32>
        %lt3A_1243 = arith.cmpi slt, %and3A_12, %lt3A_1242 : vector<16xi32>
        %add3A_1244 = arith.constant 16 : i32
        %add3A_1245 = vector.broadcast %add3A_1244 : i32 to vector<16xi32>
        %add3A_1246 = arith.addi %and3A_12, %add3A_1245 : vector<16xi32>
        %select_n3A_1247 = arith.select %lt3A_1243, %add3A_1246, %and3A_12 : vector<16xi1>, vector<16xi32>
        %broadcast_in_dim3A_1248 = vector.shape_cast %select_n3A_1247 : vector<16xi32> to vector<16x1xi32>
        %gather3A_1249 = vector.shape_cast %broadcast_in_dim3A_1248 : vector<16x1xi32> to vector<16xi32>
        %gather3A_1250 = tpu.dynamic_gather %get3A_1167[%gather3A_1249] in [0] : vector<16xi32>, vector<16xi32> -> vector<16xi32>
        %lt3A_1251 = arith.constant 0 : i32
        %lt3A_1252 = vector.broadcast %lt3A_1251 : i32 to vector<16xi32>
        %lt3A_1253 = arith.cmpi slt, %and3A_12, %lt3A_1252 : vector<16xi32>
        %add3A_1254 = arith.constant 16 : i32
        %add3A_1255 = vector.broadcast %add3A_1254 : i32 to vector<16xi32>
        %add3A_1256 = arith.addi %and3A_12, %add3A_1255 : vector<16xi32>
        %select_n3A_1257 = arith.select %lt3A_1253, %add3A_1256, %and3A_12 : vector<16xi1>, vector<16xi32>
        %broadcast_in_dim3A_1258 = vector.shape_cast %select_n3A_1257 : vector<16xi32> to vector<16x1xi32>
        %gather3A_1259 = vector.shape_cast %broadcast_in_dim3A_1258 : vector<16x1xi32> to vector<16xi32>
        %gather3A_1260 = tpu.dynamic_gather %get3A_1171[%gather3A_1259] in [0] : vector<16xi32>, vector<16xi32> -> vector<16xi32>
        %select_n3A_1261 = arith.select %eq3A_1240, %gather3A_1250, %gather3A_1260 : vector<16xi1>, vector<16xi32>
        %eq3A_1262 = arith.constant 2 : i32
        %eq3A_1263 = vector.broadcast %eq3A_1262 : i32 to vector<16xi32>
        %eq3A_1264 = arith.cmpi eq, %shift_right_arithmetic3A_17, %eq3A_1263 : vector<16xi32>
        %lt3A_1265 = arith.constant 0 : i32
        %lt3A_1266 = vector.broadcast %lt3A_1265 : i32 to vector<16xi32>
        %lt3A_1267 = arith.cmpi slt, %and3A_12, %lt3A_1266 : vector<16xi32>
        %add3A_1268 = arith.constant 16 : i32
        %add3A_1269 = vector.broadcast %add3A_1268 : i32 to vector<16xi32>
        %add3A_1270 = arith.addi %and3A_12, %add3A_1269 : vector<16xi32>
        %select_n3A_1271 = arith.select %lt3A_1267, %add3A_1270, %and3A_12 : vector<16xi1>, vector<16xi32>
        %broadcast_in_dim3A_1272 = vector.shape_cast %select_n3A_1271 : vector<16xi32> to vector<16x1xi32>
        %gather3A_1273 = vector.shape_cast %broadcast_in_dim3A_1272 : vector<16x1xi32> to vector<16xi32>
        %gather3A_1274 = tpu.dynamic_gather %get3A_1175[%gather3A_1273] in [0] : vector<16xi32>, vector<16xi32> -> vector<16xi32>
        %lt3A_1275 = arith.constant 0 : i32
        %lt3A_1276 = vector.broadcast %lt3A_1275 : i32 to vector<16xi32>
        %lt3A_1277 = arith.cmpi slt, %and3A_12, %lt3A_1276 : vector<16xi32>
        %add3A_1278 = arith.constant 16 : i32
        %add3A_1279 = vector.broadcast %add3A_1278 : i32 to vector<16xi32>
        %add3A_1280 = arith.addi %and3A_12, %add3A_1279 : vector<16xi32>
        %select_n3A_1281 = arith.select %lt3A_1277, %add3A_1280, %and3A_12 : vector<16xi1>, vector<16xi32>
        %broadcast_in_dim3A_1282 = vector.shape_cast %select_n3A_1281 : vector<16xi32> to vector<16x1xi32>
        %gather3A_1283 = vector.shape_cast %broadcast_in_dim3A_1282 : vector<16x1xi32> to vector<16xi32>
        %gather3A_1284 = tpu.dynamic_gather %get3A_1179[%gather3A_1283] in [0] : vector<16xi32>, vector<16xi32> -> vector<16xi32>
        %select_n3A_1285 = arith.select %eq3A_1264, %gather3A_1274, %gather3A_1284 : vector<16xi1>, vector<16xi32>
        %lt3A_1286 = arith.constant 2 : i32
        %lt3A_1287 = vector.broadcast %lt3A_1286 : i32 to vector<16xi32>
        %lt3A_1288 = arith.cmpi slt, %shift_right_arithmetic3A_17, %lt3A_1287 : vector<16xi32>
        %select_n3A_1289 = arith.select %lt3A_1288, %select_n3A_1261, %select_n3A_1285 : vector<16xi1>, vector<16xi32>
        %mul3A_1290 = arith.constant 32 : i32
        %mul3A_1291 = arith.muli %add3A_1163, %mul3A_1290 : i32
        %add3A_1292 = arith.constant 16 : i32
        %add3A_1293 = arith.addi %mul3A_1291, %add3A_1292 : i32
        %swap3A_1294 = arith.index_cast %add3A_1293 : i32 to index
        %swap3A_1295 = tpu.vector_load %arg8[%swap3A_1294] {strides = array<i32>} : memref<16384xi32, #tpu.memory_space<vmem>>, vector<16xi32>,
        %swap3A_1296 = vector.shape_cast %swap3A_1295 : vector<16xi32> to vector<16xi32>
        %swap3A_1297 = vector.shape_cast %select_n3A_1289 : vector<16xi32> to vector<16xi32>
        tpu.vector_store %arg8[%swap3A_1294], %swap3A_1297 {strides = array<i32>} : memref<16384xi32, #tpu.memory_space<vmem>>, vector<16xi32>,
        %mul3A_1298 = arith.constant 16 : i32
        %mul3A_1299 = arith.muli %sub3A_337, %mul3A_1298 : i32
        %add3A_1300 = arith.constant 7 : i32
        %add3A_1301 = arith.addi %mul3A_1299, %add3A_1300 : i32
        %get3A_1302 = arith.index_cast %add3A_1301 : i32 to index
        %get3A_1303 = arith.constant 0 : index
        %get3A_1304 = tpu.vector_load %arg7[%get3A_1302, %get3A_1303] {strides = array<i32>} : memref<512x64xi32, #tpu.memory_space<vmem>>, vector<1x16xi32>,
        %get3A_1305 = vector.shape_cast %get3A_1304 : vector<1x16xi32> to vector<16xi32>
        %get3A_1306 = arith.index_cast %add3A_1301 : i32 to index
        %get3A_1307 = arith.constant 16 : index
        %get3A_1308 = tpu.vector_load %arg7[%get3A_1306, %get3A_1307] {strides = array<i32>} : memref<512x64xi32, #tpu.memory_space<vmem>>, vector<1x16xi32>,
        %get3A_1309 = vector.shape_cast %get3A_1308 : vector<1x16xi32> to vector<16xi32>
        %get3A_1310 = arith.index_cast %add3A_1301 : i32 to index
        %get3A_1311 = arith.constant 32 : index
        %get3A_1312 = tpu.vector_load %arg7[%get3A_1310, %get3A_1311] {strides = array<i32>} : memref<512x64xi32, #tpu.memory_space<vmem>>, vector<1x16xi32>,
        %get3A_1313 = vector.shape_cast %get3A_1312 : vector<1x16xi32> to vector<16xi32>
        %get3A_1314 = arith.index_cast %add3A_1301 : i32 to index
        %get3A_1315 = arith.constant 48 : index
        %get3A_1316 = tpu.vector_load %arg7[%get3A_1314, %get3A_1315] {strides = array<i32>} : memref<512x64xi32, #tpu.memory_space<vmem>>, vector<1x16xi32>,
        %get3A_1317 = vector.shape_cast %get3A_1316 : vector<1x16xi32> to vector<16xi32>
        %eq3A_1318 = arith.constant 0 : i32
        %eq3A_1319 = vector.broadcast %eq3A_1318 : i32 to vector<16xi32>
        %eq3A_1320 = arith.cmpi eq, %shift_right_arithmetic3A_14, %eq3A_1319 : vector<16xi32>
        %lt3A_1321 = arith.constant 0 : i32
        %lt3A_1322 = vector.broadcast %lt3A_1321 : i32 to vector<16xi32>
        %lt3A_1323 = arith.cmpi slt, %and3A_9, %lt3A_1322 : vector<16xi32>
        %add3A_1324 = arith.constant 16 : i32
        %add3A_1325 = vector.broadcast %add3A_1324 : i32 to vector<16xi32>
        %add3A_1326 = arith.addi %and3A_9, %add3A_1325 : vector<16xi32>
        %select_n3A_1327 = arith.select %lt3A_1323, %add3A_1326, %and3A_9 : vector<16xi1>, vector<16xi32>
        %broadcast_in_dim3A_1328 = vector.shape_cast %select_n3A_1327 : vector<16xi32> to vector<16x1xi32>
        %gather3A_1329 = vector.shape_cast %broadcast_in_dim3A_1328 : vector<16x1xi32> to vector<16xi32>
        %gather3A_1330 = tpu.dynamic_gather %get3A_1305[%gather3A_1329] in [0] : vector<16xi32>, vector<16xi32> -> vector<16xi32>
        %lt3A_1331 = arith.constant 0 : i32
        %lt3A_1332 = vector.broadcast %lt3A_1331 : i32 to vector<16xi32>
        %lt3A_1333 = arith.cmpi slt, %and3A_9, %lt3A_1332 : vector<16xi32>
        %add3A_1334 = arith.constant 16 : i32
        %add3A_1335 = vector.broadcast %add3A_1334 : i32 to vector<16xi32>
        %add3A_1336 = arith.addi %and3A_9, %add3A_1335 : vector<16xi32>
        %select_n3A_1337 = arith.select %lt3A_1333, %add3A_1336, %and3A_9 : vector<16xi1>, vector<16xi32>
        %broadcast_in_dim3A_1338 = vector.shape_cast %select_n3A_1337 : vector<16xi32> to vector<16x1xi32>
        %gather3A_1339 = vector.shape_cast %broadcast_in_dim3A_1338 : vector<16x1xi32> to vector<16xi32>
        %gather3A_1340 = tpu.dynamic_gather %get3A_1309[%gather3A_1339] in [0] : vector<16xi32>, vector<16xi32> -> vector<16xi32>
        %select_n3A_1341 = arith.select %eq3A_1320, %gather3A_1330, %gather3A_1340 : vector<16xi1>, vector<16xi32>
        %eq3A_1342 = arith.constant 2 : i32
        %eq3A_1343 = vector.broadcast %eq3A_1342 : i32 to vector<16xi32>
        %eq3A_1344 = arith.cmpi eq, %shift_right_arithmetic3A_14, %eq3A_1343 : vector<16xi32>
        %lt3A_1345 = arith.constant 0 : i32
        %lt3A_1346 = vector.broadcast %lt3A_1345 : i32 to vector<16xi32>
        %lt3A_1347 = arith.cmpi slt, %and3A_9, %lt3A_1346 : vector<16xi32>
        %add3A_1348 = arith.constant 16 : i32
        %add3A_1349 = vector.broadcast %add3A_1348 : i32 to vector<16xi32>
        %add3A_1350 = arith.addi %and3A_9, %add3A_1349 : vector<16xi32>
        %select_n3A_1351 = arith.select %lt3A_1347, %add3A_1350, %and3A_9 : vector<16xi1>, vector<16xi32>
        %broadcast_in_dim3A_1352 = vector.shape_cast %select_n3A_1351 : vector<16xi32> to vector<16x1xi32>
        %gather3A_1353 = vector.shape_cast %broadcast_in_dim3A_1352 : vector<16x1xi32> to vector<16xi32>
        %gather3A_1354 = tpu.dynamic_gather %get3A_1313[%gather3A_1353] in [0] : vector<16xi32>, vector<16xi32> -> vector<16xi32>
        %lt3A_1355 = arith.constant 0 : i32
        %lt3A_1356 = vector.broadcast %lt3A_1355 : i32 to vector<16xi32>
        %lt3A_1357 = arith.cmpi slt, %and3A_9, %lt3A_1356 : vector<16xi32>
        %add3A_1358 = arith.constant 16 : i32
        %add3A_1359 = vector.broadcast %add3A_1358 : i32 to vector<16xi32>
        %add3A_1360 = arith.addi %and3A_9, %add3A_1359 : vector<16xi32>
        %select_n3A_1361 = arith.select %lt3A_1357, %add3A_1360, %and3A_9 : vector<16xi1>, vector<16xi32>
        %broadcast_in_dim3A_1362 = vector.shape_cast %select_n3A_1361 : vector<16xi32> to vector<16x1xi32>
        %gather3A_1363 = vector.shape_cast %broadcast_in_dim3A_1362 : vector<16x1xi32> to vector<16xi32>
        %gather3A_1364 = tpu.dynamic_gather %get3A_1317[%gather3A_1363] in [0] : vector<16xi32>, vector<16xi32> -> vector<16xi32>
        %select_n3A_1365 = arith.select %eq3A_1344, %gather3A_1354, %gather3A_1364 : vector<16xi1>, vector<16xi32>
        %lt3A_1366 = arith.constant 2 : i32
        %lt3A_1367 = vector.broadcast %lt3A_1366 : i32 to vector<16xi32>
        %lt3A_1368 = arith.cmpi slt, %shift_right_arithmetic3A_14, %lt3A_1367 : vector<16xi32>
        %select_n3A_1369 = arith.select %lt3A_1368, %select_n3A_1341, %select_n3A_1365 : vector<16xi1>, vector<16xi32>
        %mul3A_1370 = arith.constant 32 : i32
        %mul3A_1371 = arith.muli %add3A_1301, %mul3A_1370 : i32
        %swap3A_1372 = arith.index_cast %mul3A_1371 : i32 to index
        %swap3A_1373 = tpu.vector_load %arg8[%swap3A_1372] {strides = array<i32>} : memref<16384xi32, #tpu.memory_space<vmem>>, vector<16xi32>,
        %swap3A_1374 = vector.shape_cast %swap3A_1373 : vector<16xi32> to vector<16xi32>
        %swap3A_1375 = vector.shape_cast %select_n3A_1369 : vector<16xi32> to vector<16xi32>
        tpu.vector_store %arg8[%swap3A_1372], %swap3A_1375 {strides = array<i32>} : memref<16384xi32, #tpu.memory_space<vmem>>, vector<16xi32>,
        %eq3A_1376 = arith.constant 0 : i32
        %eq3A_1377 = vector.broadcast %eq3A_1376 : i32 to vector<16xi32>
        %eq3A_1378 = arith.cmpi eq, %shift_right_arithmetic3A_17, %eq3A_1377 : vector<16xi32>
        %lt3A_1379 = arith.constant 0 : i32
        %lt3A_1380 = vector.broadcast %lt3A_1379 : i32 to vector<16xi32>
        %lt3A_1381 = arith.cmpi slt, %and3A_12, %lt3A_1380 : vector<16xi32>
        %add3A_1382 = arith.constant 16 : i32
        %add3A_1383 = vector.broadcast %add3A_1382 : i32 to vector<16xi32>
        %add3A_1384 = arith.addi %and3A_12, %add3A_1383 : vector<16xi32>
        %select_n3A_1385 = arith.select %lt3A_1381, %add3A_1384, %and3A_12 : vector<16xi1>, vector<16xi32>
        %broadcast_in_dim3A_1386 = vector.shape_cast %select_n3A_1385 : vector<16xi32> to vector<16x1xi32>
        %gather3A_1387 = vector.shape_cast %broadcast_in_dim3A_1386 : vector<16x1xi32> to vector<16xi32>
        %gather3A_1388 = tpu.dynamic_gather %get3A_1305[%gather3A_1387] in [0] : vector<16xi32>, vector<16xi32> -> vector<16xi32>
        %lt3A_1389 = arith.constant 0 : i32
        %lt3A_1390 = vector.broadcast %lt3A_1389 : i32 to vector<16xi32>
        %lt3A_1391 = arith.cmpi slt, %and3A_12, %lt3A_1390 : vector<16xi32>
        %add3A_1392 = arith.constant 16 : i32
        %add3A_1393 = vector.broadcast %add3A_1392 : i32 to vector<16xi32>
        %add3A_1394 = arith.addi %and3A_12, %add3A_1393 : vector<16xi32>
        %select_n3A_1395 = arith.select %lt3A_1391, %add3A_1394, %and3A_12 : vector<16xi1>, vector<16xi32>
        %broadcast_in_dim3A_1396 = vector.shape_cast %select_n3A_1395 : vector<16xi32> to vector<16x1xi32>
        %gather3A_1397 = vector.shape_cast %broadcast_in_dim3A_1396 : vector<16x1xi32> to vector<16xi32>
        %gather3A_1398 = tpu.dynamic_gather %get3A_1309[%gather3A_1397] in [0] : vector<16xi32>, vector<16xi32> -> vector<16xi32>
        %select_n3A_1399 = arith.select %eq3A_1378, %gather3A_1388, %gather3A_1398 : vector<16xi1>, vector<16xi32>
        %eq3A_1400 = arith.constant 2 : i32
        %eq3A_1401 = vector.broadcast %eq3A_1400 : i32 to vector<16xi32>
        %eq3A_1402 = arith.cmpi eq, %shift_right_arithmetic3A_17, %eq3A_1401 : vector<16xi32>
        %lt3A_1403 = arith.constant 0 : i32
        %lt3A_1404 = vector.broadcast %lt3A_1403 : i32 to vector<16xi32>
        %lt3A_1405 = arith.cmpi slt, %and3A_12, %lt3A_1404 : vector<16xi32>
        %add3A_1406 = arith.constant 16 : i32
        %add3A_1407 = vector.broadcast %add3A_1406 : i32 to vector<16xi32>
        %add3A_1408 = arith.addi %and3A_12, %add3A_1407 : vector<16xi32>
        %select_n3A_1409 = arith.select %lt3A_1405, %add3A_1408, %and3A_12 : vector<16xi1>, vector<16xi32>
        %broadcast_in_dim3A_1410 = vector.shape_cast %select_n3A_1409 : vector<16xi32> to vector<16x1xi32>
        %gather3A_1411 = vector.shape_cast %broadcast_in_dim3A_1410 : vector<16x1xi32> to vector<16xi32>
        %gather3A_1412 = tpu.dynamic_gather %get3A_1313[%gather3A_1411] in [0] : vector<16xi32>, vector<16xi32> -> vector<16xi32>
        %lt3A_1413 = arith.constant 0 : i32
        %lt3A_1414 = vector.broadcast %lt3A_1413 : i32 to vector<16xi32>
        %lt3A_1415 = arith.cmpi slt, %and3A_12, %lt3A_1414 : vector<16xi32>
        %add3A_1416 = arith.constant 16 : i32
        %add3A_1417 = vector.broadcast %add3A_1416 : i32 to vector<16xi32>
        %add3A_1418 = arith.addi %and3A_12, %add3A_1417 : vector<16xi32>
        %select_n3A_1419 = arith.select %lt3A_1415, %add3A_1418, %and3A_12 : vector<16xi1>, vector<16xi32>
        %broadcast_in_dim3A_1420 = vector.shape_cast %select_n3A_1419 : vector<16xi32> to vector<16x1xi32>
        %gather3A_1421 = vector.shape_cast %broadcast_in_dim3A_1420 : vector<16x1xi32> to vector<16xi32>
        %gather3A_1422 = tpu.dynamic_gather %get3A_1317[%gather3A_1421] in [0] : vector<16xi32>, vector<16xi32> -> vector<16xi32>
        %select_n3A_1423 = arith.select %eq3A_1402, %gather3A_1412, %gather3A_1422 : vector<16xi1>, vector<16xi32>
        %lt3A_1424 = arith.constant 2 : i32
        %lt3A_1425 = vector.broadcast %lt3A_1424 : i32 to vector<16xi32>
        %lt3A_1426 = arith.cmpi slt, %shift_right_arithmetic3A_17, %lt3A_1425 : vector<16xi32>
        %select_n3A_1427 = arith.select %lt3A_1426, %select_n3A_1399, %select_n3A_1423 : vector<16xi1>, vector<16xi32>
        %mul3A_1428 = arith.constant 32 : i32
        %mul3A_1429 = arith.muli %add3A_1301, %mul3A_1428 : i32
        %add3A_1430 = arith.constant 16 : i32
        %add3A_1431 = arith.addi %mul3A_1429, %add3A_1430 : i32
        %swap3A_1432 = arith.index_cast %add3A_1431 : i32 to index
        %swap3A_1433 = tpu.vector_load %arg8[%swap3A_1432] {strides = array<i32>} : memref<16384xi32, #tpu.memory_space<vmem>>, vector<16xi32>,
        %swap3A_1434 = vector.shape_cast %swap3A_1433 : vector<16xi32> to vector<16xi32>
        %swap3A_1435 = vector.shape_cast %select_n3A_1427 : vector<16xi32> to vector<16xi32>
        tpu.vector_store %arg8[%swap3A_1432], %swap3A_1435 {strides = array<i32>} : memref<16384xi32, #tpu.memory_space<vmem>>, vector<16xi32>,
        %mul3A_1436 = arith.constant 16 : i32
        %mul3A_1437 = arith.muli %sub3A_337, %mul3A_1436 : i32
        %add3A_1438 = arith.constant 8 : i32
        %add3A_1439 = arith.addi %mul3A_1437, %add3A_1438 : i32
        %get3A_1440 = arith.index_cast %add3A_1439 : i32 to index
        %get3A_1441 = arith.constant 0 : index
        %get3A_1442 = tpu.vector_load %arg7[%get3A_1440, %get3A_1441] {strides = array<i32>} : memref<512x64xi32, #tpu.memory_space<vmem>>, vector<1x16xi32>,
        %get3A_1443 = vector.shape_cast %get3A_1442 : vector<1x16xi32> to vector<16xi32>
        %get3A_1444 = arith.index_cast %add3A_1439 : i32 to index
        %get3A_1445 = arith.constant 16 : index
        %get3A_1446 = tpu.vector_load %arg7[%get3A_1444, %get3A_1445] {strides = array<i32>} : memref<512x64xi32, #tpu.memory_space<vmem>>, vector<1x16xi32>,
        %get3A_1447 = vector.shape_cast %get3A_1446 : vector<1x16xi32> to vector<16xi32>
        %get3A_1448 = arith.index_cast %add3A_1439 : i32 to index
        %get3A_1449 = arith.constant 32 : index
        %get3A_1450 = tpu.vector_load %arg7[%get3A_1448, %get3A_1449] {strides = array<i32>} : memref<512x64xi32, #tpu.memory_space<vmem>>, vector<1x16xi32>,
        %get3A_1451 = vector.shape_cast %get3A_1450 : vector<1x16xi32> to vector<16xi32>
        %get3A_1452 = arith.index_cast %add3A_1439 : i32 to index
        %get3A_1453 = arith.constant 48 : index
        %get3A_1454 = tpu.vector_load %arg7[%get3A_1452, %get3A_1453] {strides = array<i32>} : memref<512x64xi32, #tpu.memory_space<vmem>>, vector<1x16xi32>,
        %get3A_1455 = vector.shape_cast %get3A_1454 : vector<1x16xi32> to vector<16xi32>
        %eq3A_1456 = arith.constant 0 : i32
        %eq3A_1457 = vector.broadcast %eq3A_1456 : i32 to vector<16xi32>
        %eq3A_1458 = arith.cmpi eq, %shift_right_arithmetic3A_14, %eq3A_1457 : vector<16xi32>
        %lt3A_1459 = arith.constant 0 : i32
        %lt3A_1460 = vector.broadcast %lt3A_1459 : i32 to vector<16xi32>
        %lt3A_1461 = arith.cmpi slt, %and3A_9, %lt3A_1460 : vector<16xi32>
        %add3A_1462 = arith.constant 16 : i32
        %add3A_1463 = vector.broadcast %add3A_1462 : i32 to vector<16xi32>
        %add3A_1464 = arith.addi %and3A_9, %add3A_1463 : vector<16xi32>
        %select_n3A_1465 = arith.select %lt3A_1461, %add3A_1464, %and3A_9 : vector<16xi1>, vector<16xi32>
        %broadcast_in_dim3A_1466 = vector.shape_cast %select_n3A_1465 : vector<16xi32> to vector<16x1xi32>
        %gather3A_1467 = vector.shape_cast %broadcast_in_dim3A_1466 : vector<16x1xi32> to vector<16xi32>
        %gather3A_1468 = tpu.dynamic_gather %get3A_1443[%gather3A_1467] in [0] : vector<16xi32>, vector<16xi32> -> vector<16xi32>
        %lt3A_1469 = arith.constant 0 : i32
        %lt3A_1470 = vector.broadcast %lt3A_1469 : i32 to vector<16xi32>
        %lt3A_1471 = arith.cmpi slt, %and3A_9, %lt3A_1470 : vector<16xi32>
        %add3A_1472 = arith.constant 16 : i32
        %add3A_1473 = vector.broadcast %add3A_1472 : i32 to vector<16xi32>
        %add3A_1474 = arith.addi %and3A_9, %add3A_1473 : vector<16xi32>
        %select_n3A_1475 = arith.select %lt3A_1471, %add3A_1474, %and3A_9 : vector<16xi1>, vector<16xi32>
        %broadcast_in_dim3A_1476 = vector.shape_cast %select_n3A_1475 : vector<16xi32> to vector<16x1xi32>
        %gather3A_1477 = vector.shape_cast %broadcast_in_dim3A_1476 : vector<16x1xi32> to vector<16xi32>
        %gather3A_1478 = tpu.dynamic_gather %get3A_1447[%gather3A_1477] in [0] : vector<16xi32>, vector<16xi32> -> vector<16xi32>
        %select_n3A_1479 = arith.select %eq3A_1458, %gather3A_1468, %gather3A_1478 : vector<16xi1>, vector<16xi32>
        %eq3A_1480 = arith.constant 2 : i32
        %eq3A_1481 = vector.broadcast %eq3A_1480 : i32 to vector<16xi32>
        %eq3A_1482 = arith.cmpi eq, %shift_right_arithmetic3A_14, %eq3A_1481 : vector<16xi32>
        %lt3A_1483 = arith.constant 0 : i32
        %lt3A_1484 = vector.broadcast %lt3A_1483 : i32 to vector<16xi32>
        %lt3A_1485 = arith.cmpi slt, %and3A_9, %lt3A_1484 : vector<16xi32>
        %add3A_1486 = arith.constant 16 : i32
        %add3A_1487 = vector.broadcast %add3A_1486 : i32 to vector<16xi32>
        %add3A_1488 = arith.addi %and3A_9, %add3A_1487 : vector<16xi32>
        %select_n3A_1489 = arith.select %lt3A_1485, %add3A_1488, %and3A_9 : vector<16xi1>, vector<16xi32>
        %broadcast_in_dim3A_1490 = vector.shape_cast %select_n3A_1489 : vector<16xi32> to vector<16x1xi32>
        %gather3A_1491 = vector.shape_cast %broadcast_in_dim3A_1490 : vector<16x1xi32> to vector<16xi32>
        %gather3A_1492 = tpu.dynamic_gather %get3A_1451[%gather3A_1491] in [0] : vector<16xi32>, vector<16xi32> -> vector<16xi32>
        %lt3A_1493 = arith.constant 0 : i32
        %lt3A_1494 = vector.broadcast %lt3A_1493 : i32 to vector<16xi32>
        %lt3A_1495 = arith.cmpi slt, %and3A_9, %lt3A_1494 : vector<16xi32>
        %add3A_1496 = arith.constant 16 : i32
        %add3A_1497 = vector.broadcast %add3A_1496 : i32 to vector<16xi32>
        %add3A_1498 = arith.addi %and3A_9, %add3A_1497 : vector<16xi32>
        %select_n3A_1499 = arith.select %lt3A_1495, %add3A_1498, %and3A_9 : vector<16xi1>, vector<16xi32>
        %broadcast_in_dim3A_1500 = vector.shape_cast %select_n3A_1499 : vector<16xi32> to vector<16x1xi32>
        %gather3A_1501 = vector.shape_cast %broadcast_in_dim3A_1500 : vector<16x1xi32> to vector<16xi32>
        %gather3A_1502 = tpu.dynamic_gather %get3A_1455[%gather3A_1501] in [0] : vector<16xi32>, vector<16xi32> -> vector<16xi32>
        %select_n3A_1503 = arith.select %eq3A_1482, %gather3A_1492, %gather3A_1502 : vector<16xi1>, vector<16xi32>
        %lt3A_1504 = arith.constant 2 : i32
        %lt3A_1505 = vector.broadcast %lt3A_1504 : i32 to vector<16xi32>
        %lt3A_1506 = arith.cmpi slt, %shift_right_arithmetic3A_14, %lt3A_1505 : vector<16xi32>
        %select_n3A_1507 = arith.select %lt3A_1506, %select_n3A_1479, %select_n3A_1503 : vector<16xi1>, vector<16xi32>
        %mul3A_1508 = arith.constant 32 : i32
        %mul3A_1509 = arith.muli %add3A_1439, %mul3A_1508 : i32
        %swap3A_1510 = arith.index_cast %mul3A_1509 : i32 to index
        %swap3A_1511 = tpu.vector_load %arg8[%swap3A_1510] {strides = array<i32>} : memref<16384xi32, #tpu.memory_space<vmem>>, vector<16xi32>,
        %swap3A_1512 = vector.shape_cast %swap3A_1511 : vector<16xi32> to vector<16xi32>
        %swap3A_1513 = vector.shape_cast %select_n3A_1507 : vector<16xi32> to vector<16xi32>
        tpu.vector_store %arg8[%swap3A_1510], %swap3A_1513 {strides = array<i32>} : memref<16384xi32, #tpu.memory_space<vmem>>, vector<16xi32>,
        %eq3A_1514 = arith.constant 0 : i32
        %eq3A_1515 = vector.broadcast %eq3A_1514 : i32 to vector<16xi32>
        %eq3A_1516 = arith.cmpi eq, %shift_right_arithmetic3A_17, %eq3A_1515 : vector<16xi32>
        %lt3A_1517 = arith.constant 0 : i32
        %lt3A_1518 = vector.broadcast %lt3A_1517 : i32 to vector<16xi32>
        %lt3A_1519 = arith.cmpi slt, %and3A_12, %lt3A_1518 : vector<16xi32>
        %add3A_1520 = arith.constant 16 : i32
        %add3A_1521 = vector.broadcast %add3A_1520 : i32 to vector<16xi32>
        %add3A_1522 = arith.addi %and3A_12, %add3A_1521 : vector<16xi32>
        %select_n3A_1523 = arith.select %lt3A_1519, %add3A_1522, %and3A_12 : vector<16xi1>, vector<16xi32>
        %broadcast_in_dim3A_1524 = vector.shape_cast %select_n3A_1523 : vector<16xi32> to vector<16x1xi32>
        %gather3A_1525 = vector.shape_cast %broadcast_in_dim3A_1524 : vector<16x1xi32> to vector<16xi32>
        %gather3A_1526 = tpu.dynamic_gather %get3A_1443[%gather3A_1525] in [0] : vector<16xi32>, vector<16xi32> -> vector<16xi32>
        %lt3A_1527 = arith.constant 0 : i32
        %lt3A_1528 = vector.broadcast %lt3A_1527 : i32 to vector<16xi32>
        %lt3A_1529 = arith.cmpi slt, %and3A_12, %lt3A_1528 : vector<16xi32>
        %add3A_1530 = arith.constant 16 : i32
        %add3A_1531 = vector.broadcast %add3A_1530 : i32 to vector<16xi32>
        %add3A_1532 = arith.addi %and3A_12, %add3A_1531 : vector<16xi32>
        %select_n3A_1533 = arith.select %lt3A_1529, %add3A_1532, %and3A_12 : vector<16xi1>, vector<16xi32>
        %broadcast_in_dim3A_1534 = vector.shape_cast %select_n3A_1533 : vector<16xi32> to vector<16x1xi32>
        %gather3A_1535 = vector.shape_cast %broadcast_in_dim3A_1534 : vector<16x1xi32> to vector<16xi32>
        %gather3A_1536 = tpu.dynamic_gather %get3A_1447[%gather3A_1535] in [0] : vector<16xi32>, vector<16xi32> -> vector<16xi32>
        %select_n3A_1537 = arith.select %eq3A_1516, %gather3A_1526, %gather3A_1536 : vector<16xi1>, vector<16xi32>
        %eq3A_1538 = arith.constant 2 : i32
        %eq3A_1539 = vector.broadcast %eq3A_1538 : i32 to vector<16xi32>
        %eq3A_1540 = arith.cmpi eq, %shift_right_arithmetic3A_17, %eq3A_1539 : vector<16xi32>
        %lt3A_1541 = arith.constant 0 : i32
        %lt3A_1542 = vector.broadcast %lt3A_1541 : i32 to vector<16xi32>
        %lt3A_1543 = arith.cmpi slt, %and3A_12, %lt3A_1542 : vector<16xi32>
        %add3A_1544 = arith.constant 16 : i32
        %add3A_1545 = vector.broadcast %add3A_1544 : i32 to vector<16xi32>
        %add3A_1546 = arith.addi %and3A_12, %add3A_1545 : vector<16xi32>
        %select_n3A_1547 = arith.select %lt3A_1543, %add3A_1546, %and3A_12 : vector<16xi1>, vector<16xi32>
        %broadcast_in_dim3A_1548 = vector.shape_cast %select_n3A_1547 : vector<16xi32> to vector<16x1xi32>
        %gather3A_1549 = vector.shape_cast %broadcast_in_dim3A_1548 : vector<16x1xi32> to vector<16xi32>
        %gather3A_1550 = tpu.dynamic_gather %get3A_1451[%gather3A_1549] in [0] : vector<16xi32>, vector<16xi32> -> vector<16xi32>
        %lt3A_1551 = arith.constant 0 : i32
        %lt3A_1552 = vector.broadcast %lt3A_1551 : i32 to vector<16xi32>
        %lt3A_1553 = arith.cmpi slt, %and3A_12, %lt3A_1552 : vector<16xi32>
        %add3A_1554 = arith.constant 16 : i32
        %add3A_1555 = vector.broadcast %add3A_1554 : i32 to vector<16xi32>
        %add3A_1556 = arith.addi %and3A_12, %add3A_1555 : vector<16xi32>
        %select_n3A_1557 = arith.select %lt3A_1553, %add3A_1556, %and3A_12 : vector<16xi1>, vector<16xi32>
        %broadcast_in_dim3A_1558 = vector.shape_cast %select_n3A_1557 : vector<16xi32> to vector<16x1xi32>
        %gather3A_1559 = vector.shape_cast %broadcast_in_dim3A_1558 : vector<16x1xi32> to vector<16xi32>
        %gather3A_1560 = tpu.dynamic_gather %get3A_1455[%gather3A_1559] in [0] : vector<16xi32>, vector<16xi32> -> vector<16xi32>
        %select_n3A_1561 = arith.select %eq3A_1540, %gather3A_1550, %gather3A_1560 : vector<16xi1>, vector<16xi32>
        %lt3A_1562 = arith.constant 2 : i32
        %lt3A_1563 = vector.broadcast %lt3A_1562 : i32 to vector<16xi32>
        %lt3A_1564 = arith.cmpi slt, %shift_right_arithmetic3A_17, %lt3A_1563 : vector<16xi32>
        %select_n3A_1565 = arith.select %lt3A_1564, %select_n3A_1537, %select_n3A_1561 : vector<16xi1>, vector<16xi32>
        %mul3A_1566 = arith.constant 32 : i32
        %mul3A_1567 = arith.muli %add3A_1439, %mul3A_1566 : i32
        %add3A_1568 = arith.constant 16 : i32
        %add3A_1569 = arith.addi %mul3A_1567, %add3A_1568 : i32
        %swap3A_1570 = arith.index_cast %add3A_1569 : i32 to index
        %swap3A_1571 = tpu.vector_load %arg8[%swap3A_1570] {strides = array<i32>} : memref<16384xi32, #tpu.memory_space<vmem>>, vector<16xi32>,
        %swap3A_1572 = vector.shape_cast %swap3A_1571 : vector<16xi32> to vector<16xi32>
        %swap3A_1573 = vector.shape_cast %select_n3A_1565 : vector<16xi32> to vector<16xi32>
        tpu.vector_store %arg8[%swap3A_1570], %swap3A_1573 {strides = array<i32>} : memref<16384xi32, #tpu.memory_space<vmem>>, vector<16xi32>,
        %mul3A_1574 = arith.constant 16 : i32
        %mul3A_1575 = arith.muli %sub3A_337, %mul3A_1574 : i32
        %add3A_1576 = arith.constant 9 : i32
        %add3A_1577 = arith.addi %mul3A_1575, %add3A_1576 : i32
        %get3A_1578 = arith.index_cast %add3A_1577 : i32 to index
        %get3A_1579 = arith.constant 0 : index
        %get3A_1580 = tpu.vector_load %arg7[%get3A_1578, %get3A_1579] {strides = array<i32>} : memref<512x64xi32, #tpu.memory_space<vmem>>, vector<1x16xi32>,
        %get3A_1581 = vector.shape_cast %get3A_1580 : vector<1x16xi32> to vector<16xi32>
        %get3A_1582 = arith.index_cast %add3A_1577 : i32 to index
        %get3A_1583 = arith.constant 16 : index
        %get3A_1584 = tpu.vector_load %arg7[%get3A_1582, %get3A_1583] {strides = array<i32>} : memref<512x64xi32, #tpu.memory_space<vmem>>, vector<1x16xi32>,
        %get3A_1585 = vector.shape_cast %get3A_1584 : vector<1x16xi32> to vector<16xi32>
        %get3A_1586 = arith.index_cast %add3A_1577 : i32 to index
        %get3A_1587 = arith.constant 32 : index
        %get3A_1588 = tpu.vector_load %arg7[%get3A_1586, %get3A_1587] {strides = array<i32>} : memref<512x64xi32, #tpu.memory_space<vmem>>, vector<1x16xi32>,
        %get3A_1589 = vector.shape_cast %get3A_1588 : vector<1x16xi32> to vector<16xi32>
        %get3A_1590 = arith.index_cast %add3A_1577 : i32 to index
        %get3A_1591 = arith.constant 48 : index
        %get3A_1592 = tpu.vector_load %arg7[%get3A_1590, %get3A_1591] {strides = array<i32>} : memref<512x64xi32, #tpu.memory_space<vmem>>, vector<1x16xi32>,
        %get3A_1593 = vector.shape_cast %get3A_1592 : vector<1x16xi32> to vector<16xi32>
        %eq3A_1594 = arith.constant 0 : i32
        %eq3A_1595 = vector.broadcast %eq3A_1594 : i32 to vector<16xi32>
        %eq3A_1596 = arith.cmpi eq, %shift_right_arithmetic3A_14, %eq3A_1595 : vector<16xi32>
        %lt3A_1597 = arith.constant 0 : i32
        %lt3A_1598 = vector.broadcast %lt3A_1597 : i32 to vector<16xi32>
        %lt3A_1599 = arith.cmpi slt, %and3A_9, %lt3A_1598 : vector<16xi32>
        %add3A_1600 = arith.constant 16 : i32
        %add3A_1601 = vector.broadcast %add3A_1600 : i32 to vector<16xi32>
        %add3A_1602 = arith.addi %and3A_9, %add3A_1601 : vector<16xi32>
        %select_n3A_1603 = arith.select %lt3A_1599, %add3A_1602, %and3A_9 : vector<16xi1>, vector<16xi32>
        %broadcast_in_dim3A_1604 = vector.shape_cast %select_n3A_1603 : vector<16xi32> to vector<16x1xi32>
        %gather3A_1605 = vector.shape_cast %broadcast_in_dim3A_1604 : vector<16x1xi32> to vector<16xi32>
        %gather3A_1606 = tpu.dynamic_gather %get3A_1581[%gather3A_1605] in [0] : vector<16xi32>, vector<16xi32> -> vector<16xi32>
        %lt3A_1607 = arith.constant 0 : i32
        %lt3A_1608 = vector.broadcast %lt3A_1607 : i32 to vector<16xi32>
        %lt3A_1609 = arith.cmpi slt, %and3A_9, %lt3A_1608 : vector<16xi32>
        %add3A_1610 = arith.constant 16 : i32
        %add3A_1611 = vector.broadcast %add3A_1610 : i32 to vector<16xi32>
        %add3A_1612 = arith.addi %and3A_9, %add3A_1611 : vector<16xi32>
        %select_n3A_1613 = arith.select %lt3A_1609, %add3A_1612, %and3A_9 : vector<16xi1>, vector<16xi32>
        %broadcast_in_dim3A_1614 = vector.shape_cast %select_n3A_1613 : vector<16xi32> to vector<16x1xi32>
        %gather3A_1615 = vector.shape_cast %broadcast_in_dim3A_1614 : vector<16x1xi32> to vector<16xi32>
        %gather3A_1616 = tpu.dynamic_gather %get3A_1585[%gather3A_1615] in [0] : vector<16xi32>, vector<16xi32> -> vector<16xi32>
        %select_n3A_1617 = arith.select %eq3A_1596, %gather3A_1606, %gather3A_1616 : vector<16xi1>, vector<16xi32>
        %eq3A_1618 = arith.constant 2 : i32
        %eq3A_1619 = vector.broadcast %eq3A_1618 : i32 to vector<16xi32>
        %eq3A_1620 = arith.cmpi eq, %shift_right_arithmetic3A_14, %eq3A_1619 : vector<16xi32>
        %lt3A_1621 = arith.constant 0 : i32
        %lt3A_1622 = vector.broadcast %lt3A_1621 : i32 to vector<16xi32>
        %lt3A_1623 = arith.cmpi slt, %and3A_9, %lt3A_1622 : vector<16xi32>
        %add3A_1624 = arith.constant 16 : i32
        %add3A_1625 = vector.broadcast %add3A_1624 : i32 to vector<16xi32>
        %add3A_1626 = arith.addi %and3A_9, %add3A_1625 : vector<16xi32>
        %select_n3A_1627 = arith.select %lt3A_1623, %add3A_1626, %and3A_9 : vector<16xi1>, vector<16xi32>
        %broadcast_in_dim3A_1628 = vector.shape_cast %select_n3A_1627 : vector<16xi32> to vector<16x1xi32>
        %gather3A_1629 = vector.shape_cast %broadcast_in_dim3A_1628 : vector<16x1xi32> to vector<16xi32>
        %gather3A_1630 = tpu.dynamic_gather %get3A_1589[%gather3A_1629] in [0] : vector<16xi32>, vector<16xi32> -> vector<16xi32>
        %lt3A_1631 = arith.constant 0 : i32
        %lt3A_1632 = vector.broadcast %lt3A_1631 : i32 to vector<16xi32>
        %lt3A_1633 = arith.cmpi slt, %and3A_9, %lt3A_1632 : vector<16xi32>
        %add3A_1634 = arith.constant 16 : i32
        %add3A_1635 = vector.broadcast %add3A_1634 : i32 to vector<16xi32>
        %add3A_1636 = arith.addi %and3A_9, %add3A_1635 : vector<16xi32>
        %select_n3A_1637 = arith.select %lt3A_1633, %add3A_1636, %and3A_9 : vector<16xi1>, vector<16xi32>
        %broadcast_in_dim3A_1638 = vector.shape_cast %select_n3A_1637 : vector<16xi32> to vector<16x1xi32>
        %gather3A_1639 = vector.shape_cast %broadcast_in_dim3A_1638 : vector<16x1xi32> to vector<16xi32>
        %gather3A_1640 = tpu.dynamic_gather %get3A_1593[%gather3A_1639] in [0] : vector<16xi32>, vector<16xi32> -> vector<16xi32>
        %select_n3A_1641 = arith.select %eq3A_1620, %gather3A_1630, %gather3A_1640 : vector<16xi1>, vector<16xi32>
        %lt3A_1642 = arith.constant 2 : i32
        %lt3A_1643 = vector.broadcast %lt3A_1642 : i32 to vector<16xi32>
        %lt3A_1644 = arith.cmpi slt, %shift_right_arithmetic3A_14, %lt3A_1643 : vector<16xi32>
        %select_n3A_1645 = arith.select %lt3A_1644, %select_n3A_1617, %select_n3A_1641 : vector<16xi1>, vector<16xi32>
        %mul3A_1646 = arith.constant 32 : i32
        %mul3A_1647 = arith.muli %add3A_1577, %mul3A_1646 : i32
        %swap3A_1648 = arith.index_cast %mul3A_1647 : i32 to index
        %swap3A_1649 = tpu.vector_load %arg8[%swap3A_1648] {strides = array<i32>} : memref<16384xi32, #tpu.memory_space<vmem>>, vector<16xi32>,
        %swap3A_1650 = vector.shape_cast %swap3A_1649 : vector<16xi32> to vector<16xi32>
        %swap3A_1651 = vector.shape_cast %select_n3A_1645 : vector<16xi32> to vector<16xi32>
        tpu.vector_store %arg8[%swap3A_1648], %swap3A_1651 {strides = array<i32>} : memref<16384xi32, #tpu.memory_space<vmem>>, vector<16xi32>,
        %eq3A_1652 = arith.constant 0 : i32
        %eq3A_1653 = vector.broadcast %eq3A_1652 : i32 to vector<16xi32>
        %eq3A_1654 = arith.cmpi eq, %shift_right_arithmetic3A_17, %eq3A_1653 : vector<16xi32>
        %lt3A_1655 = arith.constant 0 : i32
        %lt3A_1656 = vector.broadcast %lt3A_1655 : i32 to vector<16xi32>
        %lt3A_1657 = arith.cmpi slt, %and3A_12, %lt3A_1656 : vector<16xi32>
        %add3A_1658 = arith.constant 16 : i32
        %add3A_1659 = vector.broadcast %add3A_1658 : i32 to vector<16xi32>
        %add3A_1660 = arith.addi %and3A_12, %add3A_1659 : vector<16xi32>
        %select_n3A_1661 = arith.select %lt3A_1657, %add3A_1660, %and3A_12 : vector<16xi1>, vector<16xi32>
        %broadcast_in_dim3A_1662 = vector.shape_cast %select_n3A_1661 : vector<16xi32> to vector<16x1xi32>
        %gather3A_1663 = vector.shape_cast %broadcast_in_dim3A_1662 : vector<16x1xi32> to vector<16xi32>
        %gather3A_1664 = tpu.dynamic_gather %get3A_1581[%gather3A_1663] in [0] : vector<16xi32>, vector<16xi32> -> vector<16xi32>
        %lt3A_1665 = arith.constant 0 : i32
        %lt3A_1666 = vector.broadcast %lt3A_1665 : i32 to vector<16xi32>
        %lt3A_1667 = arith.cmpi slt, %and3A_12, %lt3A_1666 : vector<16xi32>
        %add3A_1668 = arith.constant 16 : i32
        %add3A_1669 = vector.broadcast %add3A_1668 : i32 to vector<16xi32>
        %add3A_1670 = arith.addi %and3A_12, %add3A_1669 : vector<16xi32>
        %select_n3A_1671 = arith.select %lt3A_1667, %add3A_1670, %and3A_12 : vector<16xi1>, vector<16xi32>
        %broadcast_in_dim3A_1672 = vector.shape_cast %select_n3A_1671 : vector<16xi32> to vector<16x1xi32>
        %gather3A_1673 = vector.shape_cast %broadcast_in_dim3A_1672 : vector<16x1xi32> to vector<16xi32>
        %gather3A_1674 = tpu.dynamic_gather %get3A_1585[%gather3A_1673] in [0] : vector<16xi32>, vector<16xi32> -> vector<16xi32>
        %select_n3A_1675 = arith.select %eq3A_1654, %gather3A_1664, %gather3A_1674 : vector<16xi1>, vector<16xi32>
        %eq3A_1676 = arith.constant 2 : i32
        %eq3A_1677 = vector.broadcast %eq3A_1676 : i32 to vector<16xi32>
        %eq3A_1678 = arith.cmpi eq, %shift_right_arithmetic3A_17, %eq3A_1677 : vector<16xi32>
        %lt3A_1679 = arith.constant 0 : i32
        %lt3A_1680 = vector.broadcast %lt3A_1679 : i32 to vector<16xi32>
        %lt3A_1681 = arith.cmpi slt, %and3A_12, %lt3A_1680 : vector<16xi32>
        %add3A_1682 = arith.constant 16 : i32
        %add3A_1683 = vector.broadcast %add3A_1682 : i32 to vector<16xi32>
        %add3A_1684 = arith.addi %and3A_12, %add3A_1683 : vector<16xi32>
        %select_n3A_1685 = arith.select %lt3A_1681, %add3A_1684, %and3A_12 : vector<16xi1>, vector<16xi32>
        %broadcast_in_dim3A_1686 = vector.shape_cast %select_n3A_1685 : vector<16xi32> to vector<16x1xi32>
        %gather3A_1687 = vector.shape_cast %broadcast_in_dim3A_1686 : vector<16x1xi32> to vector<16xi32>
        %gather3A_1688 = tpu.dynamic_gather %get3A_1589[%gather3A_1687] in [0] : vector<16xi32>, vector<16xi32> -> vector<16xi32>
        %lt3A_1689 = arith.constant 0 : i32
        %lt3A_1690 = vector.broadcast %lt3A_1689 : i32 to vector<16xi32>
        %lt3A_1691 = arith.cmpi slt, %and3A_12, %lt3A_1690 : vector<16xi32>
        %add3A_1692 = arith.constant 16 : i32
        %add3A_1693 = vector.broadcast %add3A_1692 : i32 to vector<16xi32>
        %add3A_1694 = arith.addi %and3A_12, %add3A_1693 : vector<16xi32>
        %select_n3A_1695 = arith.select %lt3A_1691, %add3A_1694, %and3A_12 : vector<16xi1>, vector<16xi32>
        %broadcast_in_dim3A_1696 = vector.shape_cast %select_n3A_1695 : vector<16xi32> to vector<16x1xi32>
        %gather3A_1697 = vector.shape_cast %broadcast_in_dim3A_1696 : vector<16x1xi32> to vector<16xi32>
        %gather3A_1698 = tpu.dynamic_gather %get3A_1593[%gather3A_1697] in [0] : vector<16xi32>, vector<16xi32> -> vector<16xi32>
        %select_n3A_1699 = arith.select %eq3A_1678, %gather3A_1688, %gather3A_1698 : vector<16xi1>, vector<16xi32>
        %lt3A_1700 = arith.constant 2 : i32
        %lt3A_1701 = vector.broadcast %lt3A_1700 : i32 to vector<16xi32>
        %lt3A_1702 = arith.cmpi slt, %shift_right_arithmetic3A_17, %lt3A_1701 : vector<16xi32>
        %select_n3A_1703 = arith.select %lt3A_1702, %select_n3A_1675, %select_n3A_1699 : vector<16xi1>, vector<16xi32>
        %mul3A_1704 = arith.constant 32 : i32
        %mul3A_1705 = arith.muli %add3A_1577, %mul3A_1704 : i32
        %add3A_1706 = arith.constant 16 : i32
        %add3A_1707 = arith.addi %mul3A_1705, %add3A_1706 : i32
        %swap3A_1708 = arith.index_cast %add3A_1707 : i32 to index
        %swap3A_1709 = tpu.vector_load %arg8[%swap3A_1708] {strides = array<i32>} : memref<16384xi32, #tpu.memory_space<vmem>>, vector<16xi32>,
        %swap3A_1710 = vector.shape_cast %swap3A_1709 : vector<16xi32> to vector<16xi32>
        %swap3A_1711 = vector.shape_cast %select_n3A_1703 : vector<16xi32> to vector<16xi32>
        tpu.vector_store %arg8[%swap3A_1708], %swap3A_1711 {strides = array<i32>} : memref<16384xi32, #tpu.memory_space<vmem>>, vector<16xi32>,
        %mul3A_1712 = arith.constant 16 : i32
        %mul3A_1713 = arith.muli %sub3A_337, %mul3A_1712 : i32
        %add3A_1714 = arith.constant 10 : i32
        %add3A_1715 = arith.addi %mul3A_1713, %add3A_1714 : i32
        %get3A_1716 = arith.index_cast %add3A_1715 : i32 to index
        %get3A_1717 = arith.constant 0 : index
        %get3A_1718 = tpu.vector_load %arg7[%get3A_1716, %get3A_1717] {strides = array<i32>} : memref<512x64xi32, #tpu.memory_space<vmem>>, vector<1x16xi32>,
        %get3A_1719 = vector.shape_cast %get3A_1718 : vector<1x16xi32> to vector<16xi32>
        %get3A_1720 = arith.index_cast %add3A_1715 : i32 to index
        %get3A_1721 = arith.constant 16 : index
        %get3A_1722 = tpu.vector_load %arg7[%get3A_1720, %get3A_1721] {strides = array<i32>} : memref<512x64xi32, #tpu.memory_space<vmem>>, vector<1x16xi32>,
        %get3A_1723 = vector.shape_cast %get3A_1722 : vector<1x16xi32> to vector<16xi32>
        %get3A_1724 = arith.index_cast %add3A_1715 : i32 to index
        %get3A_1725 = arith.constant 32 : index
        %get3A_1726 = tpu.vector_load %arg7[%get3A_1724, %get3A_1725] {strides = array<i32>} : memref<512x64xi32, #tpu.memory_space<vmem>>, vector<1x16xi32>,
        %get3A_1727 = vector.shape_cast %get3A_1726 : vector<1x16xi32> to vector<16xi32>
        %get3A_1728 = arith.index_cast %add3A_1715 : i32 to index
        %get3A_1729 = arith.constant 48 : index
        %get3A_1730 = tpu.vector_load %arg7[%get3A_1728, %get3A_1729] {strides = array<i32>} : memref<512x64xi32, #tpu.memory_space<vmem>>, vector<1x16xi32>,
        %get3A_1731 = vector.shape_cast %get3A_1730 : vector<1x16xi32> to vector<16xi32>
        %eq3A_1732 = arith.constant 0 : i32
        %eq3A_1733 = vector.broadcast %eq3A_1732 : i32 to vector<16xi32>
        %eq3A_1734 = arith.cmpi eq, %shift_right_arithmetic3A_14, %eq3A_1733 : vector<16xi32>
        %lt3A_1735 = arith.constant 0 : i32
        %lt3A_1736 = vector.broadcast %lt3A_1735 : i32 to vector<16xi32>
        %lt3A_1737 = arith.cmpi slt, %and3A_9, %lt3A_1736 : vector<16xi32>
        %add3A_1738 = arith.constant 16 : i32
        %add3A_1739 = vector.broadcast %add3A_1738 : i32 to vector<16xi32>
        %add3A_1740 = arith.addi %and3A_9, %add3A_1739 : vector<16xi32>
        %select_n3A_1741 = arith.select %lt3A_1737, %add3A_1740, %and3A_9 : vector<16xi1>, vector<16xi32>
        %broadcast_in_dim3A_1742 = vector.shape_cast %select_n3A_1741 : vector<16xi32> to vector<16x1xi32>
        %gather3A_1743 = vector.shape_cast %broadcast_in_dim3A_1742 : vector<16x1xi32> to vector<16xi32>
        %gather3A_1744 = tpu.dynamic_gather %get3A_1719[%gather3A_1743] in [0] : vector<16xi32>, vector<16xi32> -> vector<16xi32>
        %lt3A_1745 = arith.constant 0 : i32
        %lt3A_1746 = vector.broadcast %lt3A_1745 : i32 to vector<16xi32>
        %lt3A_1747 = arith.cmpi slt, %and3A_9, %lt3A_1746 : vector<16xi32>
        %add3A_1748 = arith.constant 16 : i32
        %add3A_1749 = vector.broadcast %add3A_1748 : i32 to vector<16xi32>
        %add3A_1750 = arith.addi %and3A_9, %add3A_1749 : vector<16xi32>
        %select_n3A_1751 = arith.select %lt3A_1747, %add3A_1750, %and3A_9 : vector<16xi1>, vector<16xi32>
        %broadcast_in_dim3A_1752 = vector.shape_cast %select_n3A_1751 : vector<16xi32> to vector<16x1xi32>
        %gather3A_1753 = vector.shape_cast %broadcast_in_dim3A_1752 : vector<16x1xi32> to vector<16xi32>
        %gather3A_1754 = tpu.dynamic_gather %get3A_1723[%gather3A_1753] in [0] : vector<16xi32>, vector<16xi32> -> vector<16xi32>
        %select_n3A_1755 = arith.select %eq3A_1734, %gather3A_1744, %gather3A_1754 : vector<16xi1>, vector<16xi32>
        %eq3A_1756 = arith.constant 2 : i32
        %eq3A_1757 = vector.broadcast %eq3A_1756 : i32 to vector<16xi32>
        %eq3A_1758 = arith.cmpi eq, %shift_right_arithmetic3A_14, %eq3A_1757 : vector<16xi32>
        %lt3A_1759 = arith.constant 0 : i32
        %lt3A_1760 = vector.broadcast %lt3A_1759 : i32 to vector<16xi32>
        %lt3A_1761 = arith.cmpi slt, %and3A_9, %lt3A_1760 : vector<16xi32>
        %add3A_1762 = arith.constant 16 : i32
        %add3A_1763 = vector.broadcast %add3A_1762 : i32 to vector<16xi32>
        %add3A_1764 = arith.addi %and3A_9, %add3A_1763 : vector<16xi32>
        %select_n3A_1765 = arith.select %lt3A_1761, %add3A_1764, %and3A_9 : vector<16xi1>, vector<16xi32>
        %broadcast_in_dim3A_1766 = vector.shape_cast %select_n3A_1765 : vector<16xi32> to vector<16x1xi32>
        %gather3A_1767 = vector.shape_cast %broadcast_in_dim3A_1766 : vector<16x1xi32> to vector<16xi32>
        %gather3A_1768 = tpu.dynamic_gather %get3A_1727[%gather3A_1767] in [0] : vector<16xi32>, vector<16xi32> -> vector<16xi32>
        %lt3A_1769 = arith.constant 0 : i32
        %lt3A_1770 = vector.broadcast %lt3A_1769 : i32 to vector<16xi32>
        %lt3A_1771 = arith.cmpi slt, %and3A_9, %lt3A_1770 : vector<16xi32>
        %add3A_1772 = arith.constant 16 : i32
        %add3A_1773 = vector.broadcast %add3A_1772 : i32 to vector<16xi32>
        %add3A_1774 = arith.addi %and3A_9, %add3A_1773 : vector<16xi32>
        %select_n3A_1775 = arith.select %lt3A_1771, %add3A_1774, %and3A_9 : vector<16xi1>, vector<16xi32>
        %broadcast_in_dim3A_1776 = vector.shape_cast %select_n3A_1775 : vector<16xi32> to vector<16x1xi32>
        %gather3A_1777 = vector.shape_cast %broadcast_in_dim3A_1776 : vector<16x1xi32> to vector<16xi32>
        %gather3A_1778 = tpu.dynamic_gather %get3A_1731[%gather3A_1777] in [0] : vector<16xi32>, vector<16xi32> -> vector<16xi32>
        %select_n3A_1779 = arith.select %eq3A_1758, %gather3A_1768, %gather3A_1778 : vector<16xi1>, vector<16xi32>
        %lt3A_1780 = arith.constant 2 : i32
        %lt3A_1781 = vector.broadcast %lt3A_1780 : i32 to vector<16xi32>
        %lt3A_1782 = arith.cmpi slt, %shift_right_arithmetic3A_14, %lt3A_1781 : vector<16xi32>
        %select_n3A_1783 = arith.select %lt3A_1782, %select_n3A_1755, %select_n3A_1779 : vector<16xi1>, vector<16xi32>
        %mul3A_1784 = arith.constant 32 : i32
        %mul3A_1785 = arith.muli %add3A_1715, %mul3A_1784 : i32
        %swap3A_1786 = arith.index_cast %mul3A_1785 : i32 to index
        %swap3A_1787 = tpu.vector_load %arg8[%swap3A_1786] {strides = array<i32>} : memref<16384xi32, #tpu.memory_space<vmem>>, vector<16xi32>,
        %swap3A_1788 = vector.shape_cast %swap3A_1787 : vector<16xi32> to vector<16xi32>
        %swap3A_1789 = vector.shape_cast %select_n3A_1783 : vector<16xi32> to vector<16xi32>
        tpu.vector_store %arg8[%swap3A_1786], %swap3A_1789 {strides = array<i32>} : memref<16384xi32, #tpu.memory_space<vmem>>, vector<16xi32>,
        %eq3A_1790 = arith.constant 0 : i32
        %eq3A_1791 = vector.broadcast %eq3A_1790 : i32 to vector<16xi32>
        %eq3A_1792 = arith.cmpi eq, %shift_right_arithmetic3A_17, %eq3A_1791 : vector<16xi32>
        %lt3A_1793 = arith.constant 0 : i32
        %lt3A_1794 = vector.broadcast %lt3A_1793 : i32 to vector<16xi32>
        %lt3A_1795 = arith.cmpi slt, %and3A_12, %lt3A_1794 : vector<16xi32>
        %add3A_1796 = arith.constant 16 : i32
        %add3A_1797 = vector.broadcast %add3A_1796 : i32 to vector<16xi32>
        %add3A_1798 = arith.addi %and3A_12, %add3A_1797 : vector<16xi32>
        %select_n3A_1799 = arith.select %lt3A_1795, %add3A_1798, %and3A_12 : vector<16xi1>, vector<16xi32>
        %broadcast_in_dim3A_1800 = vector.shape_cast %select_n3A_1799 : vector<16xi32> to vector<16x1xi32>
        %gather3A_1801 = vector.shape_cast %broadcast_in_dim3A_1800 : vector<16x1xi32> to vector<16xi32>
        %gather3A_1802 = tpu.dynamic_gather %get3A_1719[%gather3A_1801] in [0] : vector<16xi32>, vector<16xi32> -> vector<16xi32>
        %lt3A_1803 = arith.constant 0 : i32
        %lt3A_1804 = vector.broadcast %lt3A_1803 : i32 to vector<16xi32>
        %lt3A_1805 = arith.cmpi slt, %and3A_12, %lt3A_1804 : vector<16xi32>
        %add3A_1806 = arith.constant 16 : i32
        %add3A_1807 = vector.broadcast %add3A_1806 : i32 to vector<16xi32>
        %add3A_1808 = arith.addi %and3A_12, %add3A_1807 : vector<16xi32>
        %select_n3A_1809 = arith.select %lt3A_1805, %add3A_1808, %and3A_12 : vector<16xi1>, vector<16xi32>
        %broadcast_in_dim3A_1810 = vector.shape_cast %select_n3A_1809 : vector<16xi32> to vector<16x1xi32>
        %gather3A_1811 = vector.shape_cast %broadcast_in_dim3A_1810 : vector<16x1xi32> to vector<16xi32>
        %gather3A_1812 = tpu.dynamic_gather %get3A_1723[%gather3A_1811] in [0] : vector<16xi32>, vector<16xi32> -> vector<16xi32>
        %select_n3A_1813 = arith.select %eq3A_1792, %gather3A_1802, %gather3A_1812 : vector<16xi1>, vector<16xi32>
        %eq3A_1814 = arith.constant 2 : i32
        %eq3A_1815 = vector.broadcast %eq3A_1814 : i32 to vector<16xi32>
        %eq3A_1816 = arith.cmpi eq, %shift_right_arithmetic3A_17, %eq3A_1815 : vector<16xi32>
        %lt3A_1817 = arith.constant 0 : i32
        %lt3A_1818 = vector.broadcast %lt3A_1817 : i32 to vector<16xi32>
        %lt3A_1819 = arith.cmpi slt, %and3A_12, %lt3A_1818 : vector<16xi32>
        %add3A_1820 = arith.constant 16 : i32
        %add3A_1821 = vector.broadcast %add3A_1820 : i32 to vector<16xi32>
        %add3A_1822 = arith.addi %and3A_12, %add3A_1821 : vector<16xi32>
        %select_n3A_1823 = arith.select %lt3A_1819, %add3A_1822, %and3A_12 : vector<16xi1>, vector<16xi32>
        %broadcast_in_dim3A_1824 = vector.shape_cast %select_n3A_1823 : vector<16xi32> to vector<16x1xi32>
        %gather3A_1825 = vector.shape_cast %broadcast_in_dim3A_1824 : vector<16x1xi32> to vector<16xi32>
        %gather3A_1826 = tpu.dynamic_gather %get3A_1727[%gather3A_1825] in [0] : vector<16xi32>, vector<16xi32> -> vector<16xi32>
        %lt3A_1827 = arith.constant 0 : i32
        %lt3A_1828 = vector.broadcast %lt3A_1827 : i32 to vector<16xi32>
        %lt3A_1829 = arith.cmpi slt, %and3A_12, %lt3A_1828 : vector<16xi32>
        %add3A_1830 = arith.constant 16 : i32
        %add3A_1831 = vector.broadcast %add3A_1830 : i32 to vector<16xi32>
        %add3A_1832 = arith.addi %and3A_12, %add3A_1831 : vector<16xi32>
        %select_n3A_1833 = arith.select %lt3A_1829, %add3A_1832, %and3A_12 : vector<16xi1>, vector<16xi32>
        %broadcast_in_dim3A_1834 = vector.shape_cast %select_n3A_1833 : vector<16xi32> to vector<16x1xi32>
        %gather3A_1835 = vector.shape_cast %broadcast_in_dim3A_1834 : vector<16x1xi32> to vector<16xi32>
        %gather3A_1836 = tpu.dynamic_gather %get3A_1731[%gather3A_1835] in [0] : vector<16xi32>, vector<16xi32> -> vector<16xi32>
        %select_n3A_1837 = arith.select %eq3A_1816, %gather3A_1826, %gather3A_1836 : vector<16xi1>, vector<16xi32>
        %lt3A_1838 = arith.constant 2 : i32
        %lt3A_1839 = vector.broadcast %lt3A_1838 : i32 to vector<16xi32>
        %lt3A_1840 = arith.cmpi slt, %shift_right_arithmetic3A_17, %lt3A_1839 : vector<16xi32>
        %select_n3A_1841 = arith.select %lt3A_1840, %select_n3A_1813, %select_n3A_1837 : vector<16xi1>, vector<16xi32>
        %mul3A_1842 = arith.constant 32 : i32
        %mul3A_1843 = arith.muli %add3A_1715, %mul3A_1842 : i32
        %add3A_1844 = arith.constant 16 : i32
        %add3A_1845 = arith.addi %mul3A_1843, %add3A_1844 : i32
        %swap3A_1846 = arith.index_cast %add3A_1845 : i32 to index
        %swap3A_1847 = tpu.vector_load %arg8[%swap3A_1846] {strides = array<i32>} : memref<16384xi32, #tpu.memory_space<vmem>>, vector<16xi32>,
        %swap3A_1848 = vector.shape_cast %swap3A_1847 : vector<16xi32> to vector<16xi32>
        %swap3A_1849 = vector.shape_cast %select_n3A_1841 : vector<16xi32> to vector<16xi32>
        tpu.vector_store %arg8[%swap3A_1846], %swap3A_1849 {strides = array<i32>} : memref<16384xi32, #tpu.memory_space<vmem>>, vector<16xi32>,
        %mul3A_1850 = arith.constant 16 : i32
        %mul3A_1851 = arith.muli %sub3A_337, %mul3A_1850 : i32
        %add3A_1852 = arith.constant 11 : i32
        %add3A_1853 = arith.addi %mul3A_1851, %add3A_1852 : i32
        %get3A_1854 = arith.index_cast %add3A_1853 : i32 to index
        %get3A_1855 = arith.constant 0 : index
        %get3A_1856 = tpu.vector_load %arg7[%get3A_1854, %get3A_1855] {strides = array<i32>} : memref<512x64xi32, #tpu.memory_space<vmem>>, vector<1x16xi32>,
        %get3A_1857 = vector.shape_cast %get3A_1856 : vector<1x16xi32> to vector<16xi32>
        %get3A_1858 = arith.index_cast %add3A_1853 : i32 to index
        %get3A_1859 = arith.constant 16 : index
        %get3A_1860 = tpu.vector_load %arg7[%get3A_1858, %get3A_1859] {strides = array<i32>} : memref<512x64xi32, #tpu.memory_space<vmem>>, vector<1x16xi32>,
        %get3A_1861 = vector.shape_cast %get3A_1860 : vector<1x16xi32> to vector<16xi32>
        %get3A_1862 = arith.index_cast %add3A_1853 : i32 to index
        %get3A_1863 = arith.constant 32 : index
        %get3A_1864 = tpu.vector_load %arg7[%get3A_1862, %get3A_1863] {strides = array<i32>} : memref<512x64xi32, #tpu.memory_space<vmem>>, vector<1x16xi32>,
        %get3A_1865 = vector.shape_cast %get3A_1864 : vector<1x16xi32> to vector<16xi32>
        %get3A_1866 = arith.index_cast %add3A_1853 : i32 to index
        %get3A_1867 = arith.constant 48 : index
        %get3A_1868 = tpu.vector_load %arg7[%get3A_1866, %get3A_1867] {strides = array<i32>} : memref<512x64xi32, #tpu.memory_space<vmem>>, vector<1x16xi32>,
        %get3A_1869 = vector.shape_cast %get3A_1868 : vector<1x16xi32> to vector<16xi32>
        %eq3A_1870 = arith.constant 0 : i32
        %eq3A_1871 = vector.broadcast %eq3A_1870 : i32 to vector<16xi32>
        %eq3A_1872 = arith.cmpi eq, %shift_right_arithmetic3A_14, %eq3A_1871 : vector<16xi32>
        %lt3A_1873 = arith.constant 0 : i32
        %lt3A_1874 = vector.broadcast %lt3A_1873 : i32 to vector<16xi32>
        %lt3A_1875 = arith.cmpi slt, %and3A_9, %lt3A_1874 : vector<16xi32>
        %add3A_1876 = arith.constant 16 : i32
        %add3A_1877 = vector.broadcast %add3A_1876 : i32 to vector<16xi32>
        %add3A_1878 = arith.addi %and3A_9, %add3A_1877 : vector<16xi32>
        %select_n3A_1879 = arith.select %lt3A_1875, %add3A_1878, %and3A_9 : vector<16xi1>, vector<16xi32>
        %broadcast_in_dim3A_1880 = vector.shape_cast %select_n3A_1879 : vector<16xi32> to vector<16x1xi32>
        %gather3A_1881 = vector.shape_cast %broadcast_in_dim3A_1880 : vector<16x1xi32> to vector<16xi32>
        %gather3A_1882 = tpu.dynamic_gather %get3A_1857[%gather3A_1881] in [0] : vector<16xi32>, vector<16xi32> -> vector<16xi32>
        %lt3A_1883 = arith.constant 0 : i32
        %lt3A_1884 = vector.broadcast %lt3A_1883 : i32 to vector<16xi32>
        %lt3A_1885 = arith.cmpi slt, %and3A_9, %lt3A_1884 : vector<16xi32>
        %add3A_1886 = arith.constant 16 : i32
        %add3A_1887 = vector.broadcast %add3A_1886 : i32 to vector<16xi32>
        %add3A_1888 = arith.addi %and3A_9, %add3A_1887 : vector<16xi32>
        %select_n3A_1889 = arith.select %lt3A_1885, %add3A_1888, %and3A_9 : vector<16xi1>, vector<16xi32>
        %broadcast_in_dim3A_1890 = vector.shape_cast %select_n3A_1889 : vector<16xi32> to vector<16x1xi32>
        %gather3A_1891 = vector.shape_cast %broadcast_in_dim3A_1890 : vector<16x1xi32> to vector<16xi32>
        %gather3A_1892 = tpu.dynamic_gather %get3A_1861[%gather3A_1891] in [0] : vector<16xi32>, vector<16xi32> -> vector<16xi32>
        %select_n3A_1893 = arith.select %eq3A_1872, %gather3A_1882, %gather3A_1892 : vector<16xi1>, vector<16xi32>
        %eq3A_1894 = arith.constant 2 : i32
        %eq3A_1895 = vector.broadcast %eq3A_1894 : i32 to vector<16xi32>
        %eq3A_1896 = arith.cmpi eq, %shift_right_arithmetic3A_14, %eq3A_1895 : vector<16xi32>
        %lt3A_1897 = arith.constant 0 : i32
        %lt3A_1898 = vector.broadcast %lt3A_1897 : i32 to vector<16xi32>
        %lt3A_1899 = arith.cmpi slt, %and3A_9, %lt3A_1898 : vector<16xi32>
        %add3A_1900 = arith.constant 16 : i32
        %add3A_1901 = vector.broadcast %add3A_1900 : i32 to vector<16xi32>
        %add3A_1902 = arith.addi %and3A_9, %add3A_1901 : vector<16xi32>
        %select_n3A_1903 = arith.select %lt3A_1899, %add3A_1902, %and3A_9 : vector<16xi1>, vector<16xi32>
        %broadcast_in_dim3A_1904 = vector.shape_cast %select_n3A_1903 : vector<16xi32> to vector<16x1xi32>
        %gather3A_1905 = vector.shape_cast %broadcast_in_dim3A_1904 : vector<16x1xi32> to vector<16xi32>
        %gather3A_1906 = tpu.dynamic_gather %get3A_1865[%gather3A_1905] in [0] : vector<16xi32>, vector<16xi32> -> vector<16xi32>
        %lt3A_1907 = arith.constant 0 : i32
        %lt3A_1908 = vector.broadcast %lt3A_1907 : i32 to vector<16xi32>
        %lt3A_1909 = arith.cmpi slt, %and3A_9, %lt3A_1908 : vector<16xi32>
        %add3A_1910 = arith.constant 16 : i32
        %add3A_1911 = vector.broadcast %add3A_1910 : i32 to vector<16xi32>
        %add3A_1912 = arith.addi %and3A_9, %add3A_1911 : vector<16xi32>
        %select_n3A_1913 = arith.select %lt3A_1909, %add3A_1912, %and3A_9 : vector<16xi1>, vector<16xi32>
        %broadcast_in_dim3A_1914 = vector.shape_cast %select_n3A_1913 : vector<16xi32> to vector<16x1xi32>
        %gather3A_1915 = vector.shape_cast %broadcast_in_dim3A_1914 : vector<16x1xi32> to vector<16xi32>
        %gather3A_1916 = tpu.dynamic_gather %get3A_1869[%gather3A_1915] in [0] : vector<16xi32>, vector<16xi32> -> vector<16xi32>
        %select_n3A_1917 = arith.select %eq3A_1896, %gather3A_1906, %gather3A_1916 : vector<16xi1>, vector<16xi32>
        %lt3A_1918 = arith.constant 2 : i32
        %lt3A_1919 = vector.broadcast %lt3A_1918 : i32 to vector<16xi32>
        %lt3A_1920 = arith.cmpi slt, %shift_right_arithmetic3A_14, %lt3A_1919 : vector<16xi32>
        %select_n3A_1921 = arith.select %lt3A_1920, %select_n3A_1893, %select_n3A_1917 : vector<16xi1>, vector<16xi32>
        %mul3A_1922 = arith.constant 32 : i32
        %mul3A_1923 = arith.muli %add3A_1853, %mul3A_1922 : i32
        %swap3A_1924 = arith.index_cast %mul3A_1923 : i32 to index
        %swap3A_1925 = tpu.vector_load %arg8[%swap3A_1924] {strides = array<i32>} : memref<16384xi32, #tpu.memory_space<vmem>>, vector<16xi32>,
        %swap3A_1926 = vector.shape_cast %swap3A_1925 : vector<16xi32> to vector<16xi32>
        %swap3A_1927 = vector.shape_cast %select_n3A_1921 : vector<16xi32> to vector<16xi32>
        tpu.vector_store %arg8[%swap3A_1924], %swap3A_1927 {strides = array<i32>} : memref<16384xi32, #tpu.memory_space<vmem>>, vector<16xi32>,
        %eq3A_1928 = arith.constant 0 : i32
        %eq3A_1929 = vector.broadcast %eq3A_1928 : i32 to vector<16xi32>
        %eq3A_1930 = arith.cmpi eq, %shift_right_arithmetic3A_17, %eq3A_1929 : vector<16xi32>
        %lt3A_1931 = arith.constant 0 : i32
        %lt3A_1932 = vector.broadcast %lt3A_1931 : i32 to vector<16xi32>
        %lt3A_1933 = arith.cmpi slt, %and3A_12, %lt3A_1932 : vector<16xi32>
        %add3A_1934 = arith.constant 16 : i32
        %add3A_1935 = vector.broadcast %add3A_1934 : i32 to vector<16xi32>
        %add3A_1936 = arith.addi %and3A_12, %add3A_1935 : vector<16xi32>
        %select_n3A_1937 = arith.select %lt3A_1933, %add3A_1936, %and3A_12 : vector<16xi1>, vector<16xi32>
        %broadcast_in_dim3A_1938 = vector.shape_cast %select_n3A_1937 : vector<16xi32> to vector<16x1xi32>
        %gather3A_1939 = vector.shape_cast %broadcast_in_dim3A_1938 : vector<16x1xi32> to vector<16xi32>
        %gather3A_1940 = tpu.dynamic_gather %get3A_1857[%gather3A_1939] in [0] : vector<16xi32>, vector<16xi32> -> vector<16xi32>
        %lt3A_1941 = arith.constant 0 : i32
        %lt3A_1942 = vector.broadcast %lt3A_1941 : i32 to vector<16xi32>
        %lt3A_1943 = arith.cmpi slt, %and3A_12, %lt3A_1942 : vector<16xi32>
        %add3A_1944 = arith.constant 16 : i32
        %add3A_1945 = vector.broadcast %add3A_1944 : i32 to vector<16xi32>
        %add3A_1946 = arith.addi %and3A_12, %add3A_1945 : vector<16xi32>
        %select_n3A_1947 = arith.select %lt3A_1943, %add3A_1946, %and3A_12 : vector<16xi1>, vector<16xi32>
        %broadcast_in_dim3A_1948 = vector.shape_cast %select_n3A_1947 : vector<16xi32> to vector<16x1xi32>
        %gather3A_1949 = vector.shape_cast %broadcast_in_dim3A_1948 : vector<16x1xi32> to vector<16xi32>
        %gather3A_1950 = tpu.dynamic_gather %get3A_1861[%gather3A_1949] in [0] : vector<16xi32>, vector<16xi32> -> vector<16xi32>
        %select_n3A_1951 = arith.select %eq3A_1930, %gather3A_1940, %gather3A_1950 : vector<16xi1>, vector<16xi32>
        %eq3A_1952 = arith.constant 2 : i32
        %eq3A_1953 = vector.broadcast %eq3A_1952 : i32 to vector<16xi32>
        %eq3A_1954 = arith.cmpi eq, %shift_right_arithmetic3A_17, %eq3A_1953 : vector<16xi32>
        %lt3A_1955 = arith.constant 0 : i32
        %lt3A_1956 = vector.broadcast %lt3A_1955 : i32 to vector<16xi32>
        %lt3A_1957 = arith.cmpi slt, %and3A_12, %lt3A_1956 : vector<16xi32>
        %add3A_1958 = arith.constant 16 : i32
        %add3A_1959 = vector.broadcast %add3A_1958 : i32 to vector<16xi32>
        %add3A_1960 = arith.addi %and3A_12, %add3A_1959 : vector<16xi32>
        %select_n3A_1961 = arith.select %lt3A_1957, %add3A_1960, %and3A_12 : vector<16xi1>, vector<16xi32>
        %broadcast_in_dim3A_1962 = vector.shape_cast %select_n3A_1961 : vector<16xi32> to vector<16x1xi32>
        %gather3A_1963 = vector.shape_cast %broadcast_in_dim3A_1962 : vector<16x1xi32> to vector<16xi32>
        %gather3A_1964 = tpu.dynamic_gather %get3A_1865[%gather3A_1963] in [0] : vector<16xi32>, vector<16xi32> -> vector<16xi32>
        %lt3A_1965 = arith.constant 0 : i32
        %lt3A_1966 = vector.broadcast %lt3A_1965 : i32 to vector<16xi32>
        %lt3A_1967 = arith.cmpi slt, %and3A_12, %lt3A_1966 : vector<16xi32>
        %add3A_1968 = arith.constant 16 : i32
        %add3A_1969 = vector.broadcast %add3A_1968 : i32 to vector<16xi32>
        %add3A_1970 = arith.addi %and3A_12, %add3A_1969 : vector<16xi32>
        %select_n3A_1971 = arith.select %lt3A_1967, %add3A_1970, %and3A_12 : vector<16xi1>, vector<16xi32>
        %broadcast_in_dim3A_1972 = vector.shape_cast %select_n3A_1971 : vector<16xi32> to vector<16x1xi32>
        %gather3A_1973 = vector.shape_cast %broadcast_in_dim3A_1972 : vector<16x1xi32> to vector<16xi32>
        %gather3A_1974 = tpu.dynamic_gather %get3A_1869[%gather3A_1973] in [0] : vector<16xi32>, vector<16xi32> -> vector<16xi32>
        %select_n3A_1975 = arith.select %eq3A_1954, %gather3A_1964, %gather3A_1974 : vector<16xi1>, vector<16xi32>
        %lt3A_1976 = arith.constant 2 : i32
        %lt3A_1977 = vector.broadcast %lt3A_1976 : i32 to vector<16xi32>
        %lt3A_1978 = arith.cmpi slt, %shift_right_arithmetic3A_17, %lt3A_1977 : vector<16xi32>
        %select_n3A_1979 = arith.select %lt3A_1978, %select_n3A_1951, %select_n3A_1975 : vector<16xi1>, vector<16xi32>
        %mul3A_1980 = arith.constant 32 : i32
        %mul3A_1981 = arith.muli %add3A_1853, %mul3A_1980 : i32
        %add3A_1982 = arith.constant 16 : i32
        %add3A_1983 = arith.addi %mul3A_1981, %add3A_1982 : i32
        %swap3A_1984 = arith.index_cast %add3A_1983 : i32 to index
        %swap3A_1985 = tpu.vector_load %arg8[%swap3A_1984] {strides = array<i32>} : memref<16384xi32, #tpu.memory_space<vmem>>, vector<16xi32>,
        %swap3A_1986 = vector.shape_cast %swap3A_1985 : vector<16xi32> to vector<16xi32>
        %swap3A_1987 = vector.shape_cast %select_n3A_1979 : vector<16xi32> to vector<16xi32>
        tpu.vector_store %arg8[%swap3A_1984], %swap3A_1987 {strides = array<i32>} : memref<16384xi32, #tpu.memory_space<vmem>>, vector<16xi32>,
        %mul3A_1988 = arith.constant 16 : i32
        %mul3A_1989 = arith.muli %sub3A_337, %mul3A_1988 : i32
        %add3A_1990 = arith.constant 12 : i32
        %add3A_1991 = arith.addi %mul3A_1989, %add3A_1990 : i32
        %get3A_1992 = arith.index_cast %add3A_1991 : i32 to index
        %get3A_1993 = arith.constant 0 : index
        %get3A_1994 = tpu.vector_load %arg7[%get3A_1992, %get3A_1993] {strides = array<i32>} : memref<512x64xi32, #tpu.memory_space<vmem>>, vector<1x16xi32>,
        %get3A_1995 = vector.shape_cast %get3A_1994 : vector<1x16xi32> to vector<16xi32>
        %get3A_1996 = arith.index_cast %add3A_1991 : i32 to index
        %get3A_1997 = arith.constant 16 : index
        %get3A_1998 = tpu.vector_load %arg7[%get3A_1996, %get3A_1997] {strides = array<i32>} : memref<512x64xi32, #tpu.memory_space<vmem>>, vector<1x16xi32>,
        %get3A_1999 = vector.shape_cast %get3A_1998 : vector<1x16xi32> to vector<16xi32>
        %get3A_2000 = arith.index_cast %add3A_1991 : i32 to index
        %get3A_2001 = arith.constant 32 : index
        %get3A_2002 = tpu.vector_load %arg7[%get3A_2000, %get3A_2001] {strides = array<i32>} : memref<512x64xi32, #tpu.memory_space<vmem>>, vector<1x16xi32>,
        %get3A_2003 = vector.shape_cast %get3A_2002 : vector<1x16xi32> to vector<16xi32>
        %get3A_2004 = arith.index_cast %add3A_1991 : i32 to index
        %get3A_2005 = arith.constant 48 : index
        %get3A_2006 = tpu.vector_load %arg7[%get3A_2004, %get3A_2005] {strides = array<i32>} : memref<512x64xi32, #tpu.memory_space<vmem>>, vector<1x16xi32>,
        %get3A_2007 = vector.shape_cast %get3A_2006 : vector<1x16xi32> to vector<16xi32>
        %eq3A_2008 = arith.constant 0 : i32
        %eq3A_2009 = vector.broadcast %eq3A_2008 : i32 to vector<16xi32>
        %eq3A_2010 = arith.cmpi eq, %shift_right_arithmetic3A_14, %eq3A_2009 : vector<16xi32>
        %lt3A_2011 = arith.constant 0 : i32
        %lt3A_2012 = vector.broadcast %lt3A_2011 : i32 to vector<16xi32>
        %lt3A_2013 = arith.cmpi slt, %and3A_9, %lt3A_2012 : vector<16xi32>
        %add3A_2014 = arith.constant 16 : i32
        %add3A_2015 = vector.broadcast %add3A_2014 : i32 to vector<16xi32>
        %add3A_2016 = arith.addi %and3A_9, %add3A_2015 : vector<16xi32>
        %select_n3A_2017 = arith.select %lt3A_2013, %add3A_2016, %and3A_9 : vector<16xi1>, vector<16xi32>
        %broadcast_in_dim3A_2018 = vector.shape_cast %select_n3A_2017 : vector<16xi32> to vector<16x1xi32>
        %gather3A_2019 = vector.shape_cast %broadcast_in_dim3A_2018 : vector<16x1xi32> to vector<16xi32>
        %gather3A_2020 = tpu.dynamic_gather %get3A_1995[%gather3A_2019] in [0] : vector<16xi32>, vector<16xi32> -> vector<16xi32>
        %lt3A_2021 = arith.constant 0 : i32
        %lt3A_2022 = vector.broadcast %lt3A_2021 : i32 to vector<16xi32>
        %lt3A_2023 = arith.cmpi slt, %and3A_9, %lt3A_2022 : vector<16xi32>
        %add3A_2024 = arith.constant 16 : i32
        %add3A_2025 = vector.broadcast %add3A_2024 : i32 to vector<16xi32>
        %add3A_2026 = arith.addi %and3A_9, %add3A_2025 : vector<16xi32>
        %select_n3A_2027 = arith.select %lt3A_2023, %add3A_2026, %and3A_9 : vector<16xi1>, vector<16xi32>
        %broadcast_in_dim3A_2028 = vector.shape_cast %select_n3A_2027 : vector<16xi32> to vector<16x1xi32>
        %gather3A_2029 = vector.shape_cast %broadcast_in_dim3A_2028 : vector<16x1xi32> to vector<16xi32>
        %gather3A_2030 = tpu.dynamic_gather %get3A_1999[%gather3A_2029] in [0] : vector<16xi32>, vector<16xi32> -> vector<16xi32>
        %select_n3A_2031 = arith.select %eq3A_2010, %gather3A_2020, %gather3A_2030 : vector<16xi1>, vector<16xi32>
        %eq3A_2032 = arith.constant 2 : i32
        %eq3A_2033 = vector.broadcast %eq3A_2032 : i32 to vector<16xi32>
        %eq3A_2034 = arith.cmpi eq, %shift_right_arithmetic3A_14, %eq3A_2033 : vector<16xi32>
        %lt3A_2035 = arith.constant 0 : i32
        %lt3A_2036 = vector.broadcast %lt3A_2035 : i32 to vector<16xi32>
        %lt3A_2037 = arith.cmpi slt, %and3A_9, %lt3A_2036 : vector<16xi32>
        %add3A_2038 = arith.constant 16 : i32
        %add3A_2039 = vector.broadcast %add3A_2038 : i32 to vector<16xi32>
        %add3A_2040 = arith.addi %and3A_9, %add3A_2039 : vector<16xi32>
        %select_n3A_2041 = arith.select %lt3A_2037, %add3A_2040, %and3A_9 : vector<16xi1>, vector<16xi32>
        %broadcast_in_dim3A_2042 = vector.shape_cast %select_n3A_2041 : vector<16xi32> to vector<16x1xi32>
        %gather3A_2043 = vector.shape_cast %broadcast_in_dim3A_2042 : vector<16x1xi32> to vector<16xi32>
        %gather3A_2044 = tpu.dynamic_gather %get3A_2003[%gather3A_2043] in [0] : vector<16xi32>, vector<16xi32> -> vector<16xi32>
        %lt3A_2045 = arith.constant 0 : i32
        %lt3A_2046 = vector.broadcast %lt3A_2045 : i32 to vector<16xi32>
        %lt3A_2047 = arith.cmpi slt, %and3A_9, %lt3A_2046 : vector<16xi32>
        %add3A_2048 = arith.constant 16 : i32
        %add3A_2049 = vector.broadcast %add3A_2048 : i32 to vector<16xi32>
        %add3A_2050 = arith.addi %and3A_9, %add3A_2049 : vector<16xi32>
        %select_n3A_2051 = arith.select %lt3A_2047, %add3A_2050, %and3A_9 : vector<16xi1>, vector<16xi32>
        %broadcast_in_dim3A_2052 = vector.shape_cast %select_n3A_2051 : vector<16xi32> to vector<16x1xi32>
        %gather3A_2053 = vector.shape_cast %broadcast_in_dim3A_2052 : vector<16x1xi32> to vector<16xi32>
        %gather3A_2054 = tpu.dynamic_gather %get3A_2007[%gather3A_2053] in [0] : vector<16xi32>, vector<16xi32> -> vector<16xi32>
        %select_n3A_2055 = arith.select %eq3A_2034, %gather3A_2044, %gather3A_2054 : vector<16xi1>, vector<16xi32>
        %lt3A_2056 = arith.constant 2 : i32
        %lt3A_2057 = vector.broadcast %lt3A_2056 : i32 to vector<16xi32>
        %lt3A_2058 = arith.cmpi slt, %shift_right_arithmetic3A_14, %lt3A_2057 : vector<16xi32>
        %select_n3A_2059 = arith.select %lt3A_2058, %select_n3A_2031, %select_n3A_2055 : vector<16xi1>, vector<16xi32>
        %mul3A_2060 = arith.constant 32 : i32
        %mul3A_2061 = arith.muli %add3A_1991, %mul3A_2060 : i32
        %swap3A_2062 = arith.index_cast %mul3A_2061 : i32 to index
        %swap3A_2063 = tpu.vector_load %arg8[%swap3A_2062] {strides = array<i32>} : memref<16384xi32, #tpu.memory_space<vmem>>, vector<16xi32>,
        %swap3A_2064 = vector.shape_cast %swap3A_2063 : vector<16xi32> to vector<16xi32>
        %swap3A_2065 = vector.shape_cast %select_n3A_2059 : vector<16xi32> to vector<16xi32>
        tpu.vector_store %arg8[%swap3A_2062], %swap3A_2065 {strides = array<i32>} : memref<16384xi32, #tpu.memory_space<vmem>>, vector<16xi32>,
        %eq3A_2066 = arith.constant 0 : i32
        %eq3A_2067 = vector.broadcast %eq3A_2066 : i32 to vector<16xi32>
        %eq3A_2068 = arith.cmpi eq, %shift_right_arithmetic3A_17, %eq3A_2067 : vector<16xi32>
        %lt3A_2069 = arith.constant 0 : i32
        %lt3A_2070 = vector.broadcast %lt3A_2069 : i32 to vector<16xi32>
        %lt3A_2071 = arith.cmpi slt, %and3A_12, %lt3A_2070 : vector<16xi32>
        %add3A_2072 = arith.constant 16 : i32
        %add3A_2073 = vector.broadcast %add3A_2072 : i32 to vector<16xi32>
        %add3A_2074 = arith.addi %and3A_12, %add3A_2073 : vector<16xi32>
        %select_n3A_2075 = arith.select %lt3A_2071, %add3A_2074, %and3A_12 : vector<16xi1>, vector<16xi32>
        %broadcast_in_dim3A_2076 = vector.shape_cast %select_n3A_2075 : vector<16xi32> to vector<16x1xi32>
        %gather3A_2077 = vector.shape_cast %broadcast_in_dim3A_2076 : vector<16x1xi32> to vector<16xi32>
        %gather3A_2078 = tpu.dynamic_gather %get3A_1995[%gather3A_2077] in [0] : vector<16xi32>, vector<16xi32> -> vector<16xi32>
        %lt3A_2079 = arith.constant 0 : i32
        %lt3A_2080 = vector.broadcast %lt3A_2079 : i32 to vector<16xi32>
        %lt3A_2081 = arith.cmpi slt, %and3A_12, %lt3A_2080 : vector<16xi32>
        %add3A_2082 = arith.constant 16 : i32
        %add3A_2083 = vector.broadcast %add3A_2082 : i32 to vector<16xi32>
        %add3A_2084 = arith.addi %and3A_12, %add3A_2083 : vector<16xi32>
        %select_n3A_2085 = arith.select %lt3A_2081, %add3A_2084, %and3A_12 : vector<16xi1>, vector<16xi32>
        %broadcast_in_dim3A_2086 = vector.shape_cast %select_n3A_2085 : vector<16xi32> to vector<16x1xi32>
        %gather3A_2087 = vector.shape_cast %broadcast_in_dim3A_2086 : vector<16x1xi32> to vector<16xi32>
        %gather3A_2088 = tpu.dynamic_gather %get3A_1999[%gather3A_2087] in [0] : vector<16xi32>, vector<16xi32> -> vector<16xi32>
        %select_n3A_2089 = arith.select %eq3A_2068, %gather3A_2078, %gather3A_2088 : vector<16xi1>, vector<16xi32>
        %eq3A_2090 = arith.constant 2 : i32
        %eq3A_2091 = vector.broadcast %eq3A_2090 : i32 to vector<16xi32>
        %eq3A_2092 = arith.cmpi eq, %shift_right_arithmetic3A_17, %eq3A_2091 : vector<16xi32>
        %lt3A_2093 = arith.constant 0 : i32
        %lt3A_2094 = vector.broadcast %lt3A_2093 : i32 to vector<16xi32>
        %lt3A_2095 = arith.cmpi slt, %and3A_12, %lt3A_2094 : vector<16xi32>
        %add3A_2096 = arith.constant 16 : i32
        %add3A_2097 = vector.broadcast %add3A_2096 : i32 to vector<16xi32>
        %add3A_2098 = arith.addi %and3A_12, %add3A_2097 : vector<16xi32>
        %select_n3A_2099 = arith.select %lt3A_2095, %add3A_2098, %and3A_12 : vector<16xi1>, vector<16xi32>
        %broadcast_in_dim3A_2100 = vector.shape_cast %select_n3A_2099 : vector<16xi32> to vector<16x1xi32>
        %gather3A_2101 = vector.shape_cast %broadcast_in_dim3A_2100 : vector<16x1xi32> to vector<16xi32>
        %gather3A_2102 = tpu.dynamic_gather %get3A_2003[%gather3A_2101] in [0] : vector<16xi32>, vector<16xi32> -> vector<16xi32>
        %lt3A_2103 = arith.constant 0 : i32
        %lt3A_2104 = vector.broadcast %lt3A_2103 : i32 to vector<16xi32>
        %lt3A_2105 = arith.cmpi slt, %and3A_12, %lt3A_2104 : vector<16xi32>
        %add3A_2106 = arith.constant 16 : i32
        %add3A_2107 = vector.broadcast %add3A_2106 : i32 to vector<16xi32>
        %add3A_2108 = arith.addi %and3A_12, %add3A_2107 : vector<16xi32>
        %select_n3A_2109 = arith.select %lt3A_2105, %add3A_2108, %and3A_12 : vector<16xi1>, vector<16xi32>
        %broadcast_in_dim3A_2110 = vector.shape_cast %select_n3A_2109 : vector<16xi32> to vector<16x1xi32>
        %gather3A_2111 = vector.shape_cast %broadcast_in_dim3A_2110 : vector<16x1xi32> to vector<16xi32>
        %gather3A_2112 = tpu.dynamic_gather %get3A_2007[%gather3A_2111] in [0] : vector<16xi32>, vector<16xi32> -> vector<16xi32>
        %select_n3A_2113 = arith.select %eq3A_2092, %gather3A_2102, %gather3A_2112 : vector<16xi1>, vector<16xi32>
        %lt3A_2114 = arith.constant 2 : i32
        %lt3A_2115 = vector.broadcast %lt3A_2114 : i32 to vector<16xi32>
        %lt3A_2116 = arith.cmpi slt, %shift_right_arithmetic3A_17, %lt3A_2115 : vector<16xi32>
        %select_n3A_2117 = arith.select %lt3A_2116, %select_n3A_2089, %select_n3A_2113 : vector<16xi1>, vector<16xi32>
        %mul3A_2118 = arith.constant 32 : i32
        %mul3A_2119 = arith.muli %add3A_1991, %mul3A_2118 : i32
        %add3A_2120 = arith.constant 16 : i32
        %add3A_2121 = arith.addi %mul3A_2119, %add3A_2120 : i32
        %swap3A_2122 = arith.index_cast %add3A_2121 : i32 to index
        %swap3A_2123 = tpu.vector_load %arg8[%swap3A_2122] {strides = array<i32>} : memref<16384xi32, #tpu.memory_space<vmem>>, vector<16xi32>,
        %swap3A_2124 = vector.shape_cast %swap3A_2123 : vector<16xi32> to vector<16xi32>
        %swap3A_2125 = vector.shape_cast %select_n3A_2117 : vector<16xi32> to vector<16xi32>
        tpu.vector_store %arg8[%swap3A_2122], %swap3A_2125 {strides = array<i32>} : memref<16384xi32, #tpu.memory_space<vmem>>, vector<16xi32>,
        %mul3A_2126 = arith.constant 16 : i32
        %mul3A_2127 = arith.muli %sub3A_337, %mul3A_2126 : i32
        %add3A_2128 = arith.constant 13 : i32
        %add3A_2129 = arith.addi %mul3A_2127, %add3A_2128 : i32
        %get3A_2130 = arith.index_cast %add3A_2129 : i32 to index
        %get3A_2131 = arith.constant 0 : index
        %get3A_2132 = tpu.vector_load %arg7[%get3A_2130, %get3A_2131] {strides = array<i32>} : memref<512x64xi32, #tpu.memory_space<vmem>>, vector<1x16xi32>,
        %get3A_2133 = vector.shape_cast %get3A_2132 : vector<1x16xi32> to vector<16xi32>
        %get3A_2134 = arith.index_cast %add3A_2129 : i32 to index
        %get3A_2135 = arith.constant 16 : index
        %get3A_2136 = tpu.vector_load %arg7[%get3A_2134, %get3A_2135] {strides = array<i32>} : memref<512x64xi32, #tpu.memory_space<vmem>>, vector<1x16xi32>,
        %get3A_2137 = vector.shape_cast %get3A_2136 : vector<1x16xi32> to vector<16xi32>
        %get3A_2138 = arith.index_cast %add3A_2129 : i32 to index
        %get3A_2139 = arith.constant 32 : index
        %get3A_2140 = tpu.vector_load %arg7[%get3A_2138, %get3A_2139] {strides = array<i32>} : memref<512x64xi32, #tpu.memory_space<vmem>>, vector<1x16xi32>,
        %get3A_2141 = vector.shape_cast %get3A_2140 : vector<1x16xi32> to vector<16xi32>
        %get3A_2142 = arith.index_cast %add3A_2129 : i32 to index
        %get3A_2143 = arith.constant 48 : index
        %get3A_2144 = tpu.vector_load %arg7[%get3A_2142, %get3A_2143] {strides = array<i32>} : memref<512x64xi32, #tpu.memory_space<vmem>>, vector<1x16xi32>,
        %get3A_2145 = vector.shape_cast %get3A_2144 : vector<1x16xi32> to vector<16xi32>
        %eq3A_2146 = arith.constant 0 : i32
        %eq3A_2147 = vector.broadcast %eq3A_2146 : i32 to vector<16xi32>
        %eq3A_2148 = arith.cmpi eq, %shift_right_arithmetic3A_14, %eq3A_2147 : vector<16xi32>
        %lt3A_2149 = arith.constant 0 : i32
        %lt3A_2150 = vector.broadcast %lt3A_2149 : i32 to vector<16xi32>
        %lt3A_2151 = arith.cmpi slt, %and3A_9, %lt3A_2150 : vector<16xi32>
        %add3A_2152 = arith.constant 16 : i32
        %add3A_2153 = vector.broadcast %add3A_2152 : i32 to vector<16xi32>
        %add3A_2154 = arith.addi %and3A_9, %add3A_2153 : vector<16xi32>
        %select_n3A_2155 = arith.select %lt3A_2151, %add3A_2154, %and3A_9 : vector<16xi1>, vector<16xi32>
        %broadcast_in_dim3A_2156 = vector.shape_cast %select_n3A_2155 : vector<16xi32> to vector<16x1xi32>
        %gather3A_2157 = vector.shape_cast %broadcast_in_dim3A_2156 : vector<16x1xi32> to vector<16xi32>
        %gather3A_2158 = tpu.dynamic_gather %get3A_2133[%gather3A_2157] in [0] : vector<16xi32>, vector<16xi32> -> vector<16xi32>
        %lt3A_2159 = arith.constant 0 : i32
        %lt3A_2160 = vector.broadcast %lt3A_2159 : i32 to vector<16xi32>
        %lt3A_2161 = arith.cmpi slt, %and3A_9, %lt3A_2160 : vector<16xi32>
        %add3A_2162 = arith.constant 16 : i32
        %add3A_2163 = vector.broadcast %add3A_2162 : i32 to vector<16xi32>
        %add3A_2164 = arith.addi %and3A_9, %add3A_2163 : vector<16xi32>
        %select_n3A_2165 = arith.select %lt3A_2161, %add3A_2164, %and3A_9 : vector<16xi1>, vector<16xi32>
        %broadcast_in_dim3A_2166 = vector.shape_cast %select_n3A_2165 : vector<16xi32> to vector<16x1xi32>
        %gather3A_2167 = vector.shape_cast %broadcast_in_dim3A_2166 : vector<16x1xi32> to vector<16xi32>
        %gather3A_2168 = tpu.dynamic_gather %get3A_2137[%gather3A_2167] in [0] : vector<16xi32>, vector<16xi32> -> vector<16xi32>
        %select_n3A_2169 = arith.select %eq3A_2148, %gather3A_2158, %gather3A_2168 : vector<16xi1>, vector<16xi32>
        %eq3A_2170 = arith.constant 2 : i32
        %eq3A_2171 = vector.broadcast %eq3A_2170 : i32 to vector<16xi32>
        %eq3A_2172 = arith.cmpi eq, %shift_right_arithmetic3A_14, %eq3A_2171 : vector<16xi32>
        %lt3A_2173 = arith.constant 0 : i32
        %lt3A_2174 = vector.broadcast %lt3A_2173 : i32 to vector<16xi32>
        %lt3A_2175 = arith.cmpi slt, %and3A_9, %lt3A_2174 : vector<16xi32>
        %add3A_2176 = arith.constant 16 : i32
        %add3A_2177 = vector.broadcast %add3A_2176 : i32 to vector<16xi32>
        %add3A_2178 = arith.addi %and3A_9, %add3A_2177 : vector<16xi32>
        %select_n3A_2179 = arith.select %lt3A_2175, %add3A_2178, %and3A_9 : vector<16xi1>, vector<16xi32>
        %broadcast_in_dim3A_2180 = vector.shape_cast %select_n3A_2179 : vector<16xi32> to vector<16x1xi32>
        %gather3A_2181 = vector.shape_cast %broadcast_in_dim3A_2180 : vector<16x1xi32> to vector<16xi32>
        %gather3A_2182 = tpu.dynamic_gather %get3A_2141[%gather3A_2181] in [0] : vector<16xi32>, vector<16xi32> -> vector<16xi32>
        %lt3A_2183 = arith.constant 0 : i32
        %lt3A_2184 = vector.broadcast %lt3A_2183 : i32 to vector<16xi32>
        %lt3A_2185 = arith.cmpi slt, %and3A_9, %lt3A_2184 : vector<16xi32>
        %add3A_2186 = arith.constant 16 : i32
        %add3A_2187 = vector.broadcast %add3A_2186 : i32 to vector<16xi32>
        %add3A_2188 = arith.addi %and3A_9, %add3A_2187 : vector<16xi32>
        %select_n3A_2189 = arith.select %lt3A_2185, %add3A_2188, %and3A_9 : vector<16xi1>, vector<16xi32>
        %broadcast_in_dim3A_2190 = vector.shape_cast %select_n3A_2189 : vector<16xi32> to vector<16x1xi32>
        %gather3A_2191 = vector.shape_cast %broadcast_in_dim3A_2190 : vector<16x1xi32> to vector<16xi32>
        %gather3A_2192 = tpu.dynamic_gather %get3A_2145[%gather3A_2191] in [0] : vector<16xi32>, vector<16xi32> -> vector<16xi32>
        %select_n3A_2193 = arith.select %eq3A_2172, %gather3A_2182, %gather3A_2192 : vector<16xi1>, vector<16xi32>
        %lt3A_2194 = arith.constant 2 : i32
        %lt3A_2195 = vector.broadcast %lt3A_2194 : i32 to vector<16xi32>
        %lt3A_2196 = arith.cmpi slt, %shift_right_arithmetic3A_14, %lt3A_2195 : vector<16xi32>
        %select_n3A_2197 = arith.select %lt3A_2196, %select_n3A_2169, %select_n3A_2193 : vector<16xi1>, vector<16xi32>
        %mul3A_2198 = arith.constant 32 : i32
        %mul3A_2199 = arith.muli %add3A_2129, %mul3A_2198 : i32
        %swap3A_2200 = arith.index_cast %mul3A_2199 : i32 to index
        %swap3A_2201 = tpu.vector_load %arg8[%swap3A_2200] {strides = array<i32>} : memref<16384xi32, #tpu.memory_space<vmem>>, vector<16xi32>,
        %swap3A_2202 = vector.shape_cast %swap3A_2201 : vector<16xi32> to vector<16xi32>
        %swap3A_2203 = vector.shape_cast %select_n3A_2197 : vector<16xi32> to vector<16xi32>
        tpu.vector_store %arg8[%swap3A_2200], %swap3A_2203 {strides = array<i32>} : memref<16384xi32, #tpu.memory_space<vmem>>, vector<16xi32>,
        %eq3A_2204 = arith.constant 0 : i32
        %eq3A_2205 = vector.broadcast %eq3A_2204 : i32 to vector<16xi32>
        %eq3A_2206 = arith.cmpi eq, %shift_right_arithmetic3A_17, %eq3A_2205 : vector<16xi32>
        %lt3A_2207 = arith.constant 0 : i32
        %lt3A_2208 = vector.broadcast %lt3A_2207 : i32 to vector<16xi32>
        %lt3A_2209 = arith.cmpi slt, %and3A_12, %lt3A_2208 : vector<16xi32>
        %add3A_2210 = arith.constant 16 : i32
        %add3A_2211 = vector.broadcast %add3A_2210 : i32 to vector<16xi32>
        %add3A_2212 = arith.addi %and3A_12, %add3A_2211 : vector<16xi32>
        %select_n3A_2213 = arith.select %lt3A_2209, %add3A_2212, %and3A_12 : vector<16xi1>, vector<16xi32>
        %broadcast_in_dim3A_2214 = vector.shape_cast %select_n3A_2213 : vector<16xi32> to vector<16x1xi32>
        %gather3A_2215 = vector.shape_cast %broadcast_in_dim3A_2214 : vector<16x1xi32> to vector<16xi32>
        %gather3A_2216 = tpu.dynamic_gather %get3A_2133[%gather3A_2215] in [0] : vector<16xi32>, vector<16xi32> -> vector<16xi32>
        %lt3A_2217 = arith.constant 0 : i32
        %lt3A_2218 = vector.broadcast %lt3A_2217 : i32 to vector<16xi32>
        %lt3A_2219 = arith.cmpi slt, %and3A_12, %lt3A_2218 : vector<16xi32>
        %add3A_2220 = arith.constant 16 : i32
        %add3A_2221 = vector.broadcast %add3A_2220 : i32 to vector<16xi32>
        %add3A_2222 = arith.addi %and3A_12, %add3A_2221 : vector<16xi32>
        %select_n3A_2223 = arith.select %lt3A_2219, %add3A_2222, %and3A_12 : vector<16xi1>, vector<16xi32>
        %broadcast_in_dim3A_2224 = vector.shape_cast %select_n3A_2223 : vector<16xi32> to vector<16x1xi32>
        %gather3A_2225 = vector.shape_cast %broadcast_in_dim3A_2224 : vector<16x1xi32> to vector<16xi32>
        %gather3A_2226 = tpu.dynamic_gather %get3A_2137[%gather3A_2225] in [0] : vector<16xi32>, vector<16xi32> -> vector<16xi32>
        %select_n3A_2227 = arith.select %eq3A_2206, %gather3A_2216, %gather3A_2226 : vector<16xi1>, vector<16xi32>
        %eq3A_2228 = arith.constant 2 : i32
        %eq3A_2229 = vector.broadcast %eq3A_2228 : i32 to vector<16xi32>
        %eq3A_2230 = arith.cmpi eq, %shift_right_arithmetic3A_17, %eq3A_2229 : vector<16xi32>
        %lt3A_2231 = arith.constant 0 : i32
        %lt3A_2232 = vector.broadcast %lt3A_2231 : i32 to vector<16xi32>
        %lt3A_2233 = arith.cmpi slt, %and3A_12, %lt3A_2232 : vector<16xi32>
        %add3A_2234 = arith.constant 16 : i32
        %add3A_2235 = vector.broadcast %add3A_2234 : i32 to vector<16xi32>
        %add3A_2236 = arith.addi %and3A_12, %add3A_2235 : vector<16xi32>
        %select_n3A_2237 = arith.select %lt3A_2233, %add3A_2236, %and3A_12 : vector<16xi1>, vector<16xi32>
        %broadcast_in_dim3A_2238 = vector.shape_cast %select_n3A_2237 : vector<16xi32> to vector<16x1xi32>
        %gather3A_2239 = vector.shape_cast %broadcast_in_dim3A_2238 : vector<16x1xi32> to vector<16xi32>
        %gather3A_2240 = tpu.dynamic_gather %get3A_2141[%gather3A_2239] in [0] : vector<16xi32>, vector<16xi32> -> vector<16xi32>
        %lt3A_2241 = arith.constant 0 : i32
        %lt3A_2242 = vector.broadcast %lt3A_2241 : i32 to vector<16xi32>
        %lt3A_2243 = arith.cmpi slt, %and3A_12, %lt3A_2242 : vector<16xi32>
        %add3A_2244 = arith.constant 16 : i32
        %add3A_2245 = vector.broadcast %add3A_2244 : i32 to vector<16xi32>
        %add3A_2246 = arith.addi %and3A_12, %add3A_2245 : vector<16xi32>
        %select_n3A_2247 = arith.select %lt3A_2243, %add3A_2246, %and3A_12 : vector<16xi1>, vector<16xi32>
        %broadcast_in_dim3A_2248 = vector.shape_cast %select_n3A_2247 : vector<16xi32> to vector<16x1xi32>
        %gather3A_2249 = vector.shape_cast %broadcast_in_dim3A_2248 : vector<16x1xi32> to vector<16xi32>
        %gather3A_2250 = tpu.dynamic_gather %get3A_2145[%gather3A_2249] in [0] : vector<16xi32>, vector<16xi32> -> vector<16xi32>
        %select_n3A_2251 = arith.select %eq3A_2230, %gather3A_2240, %gather3A_2250 : vector<16xi1>, vector<16xi32>
        %lt3A_2252 = arith.constant 2 : i32
        %lt3A_2253 = vector.broadcast %lt3A_2252 : i32 to vector<16xi32>
        %lt3A_2254 = arith.cmpi slt, %shift_right_arithmetic3A_17, %lt3A_2253 : vector<16xi32>
        %select_n3A_2255 = arith.select %lt3A_2254, %select_n3A_2227, %select_n3A_2251 : vector<16xi1>, vector<16xi32>
        %mul3A_2256 = arith.constant 32 : i32
        %mul3A_2257 = arith.muli %add3A_2129, %mul3A_2256 : i32
        %add3A_2258 = arith.constant 16 : i32
        %add3A_2259 = arith.addi %mul3A_2257, %add3A_2258 : i32
        %swap3A_2260 = arith.index_cast %add3A_2259 : i32 to index
        %swap3A_2261 = tpu.vector_load %arg8[%swap3A_2260] {strides = array<i32>} : memref<16384xi32, #tpu.memory_space<vmem>>, vector<16xi32>,
        %swap3A_2262 = vector.shape_cast %swap3A_2261 : vector<16xi32> to vector<16xi32>
        %swap3A_2263 = vector.shape_cast %select_n3A_2255 : vector<16xi32> to vector<16xi32>
        tpu.vector_store %arg8[%swap3A_2260], %swap3A_2263 {strides = array<i32>} : memref<16384xi32, #tpu.memory_space<vmem>>, vector<16xi32>,
        %mul3A_2264 = arith.constant 16 : i32
        %mul3A_2265 = arith.muli %sub3A_337, %mul3A_2264 : i32
        %add3A_2266 = arith.constant 14 : i32
        %add3A_2267 = arith.addi %mul3A_2265, %add3A_2266 : i32
        %get3A_2268 = arith.index_cast %add3A_2267 : i32 to index
        %get3A_2269 = arith.constant 0 : index
        %get3A_2270 = tpu.vector_load %arg7[%get3A_2268, %get3A_2269] {strides = array<i32>} : memref<512x64xi32, #tpu.memory_space<vmem>>, vector<1x16xi32>,
        %get3A_2271 = vector.shape_cast %get3A_2270 : vector<1x16xi32> to vector<16xi32>
        %get3A_2272 = arith.index_cast %add3A_2267 : i32 to index
        %get3A_2273 = arith.constant 16 : index
        %get3A_2274 = tpu.vector_load %arg7[%get3A_2272, %get3A_2273] {strides = array<i32>} : memref<512x64xi32, #tpu.memory_space<vmem>>, vector<1x16xi32>,
        %get3A_2275 = vector.shape_cast %get3A_2274 : vector<1x16xi32> to vector<16xi32>
        %get3A_2276 = arith.index_cast %add3A_2267 : i32 to index
        %get3A_2277 = arith.constant 32 : index
        %get3A_2278 = tpu.vector_load %arg7[%get3A_2276, %get3A_2277] {strides = array<i32>} : memref<512x64xi32, #tpu.memory_space<vmem>>, vector<1x16xi32>,
        %get3A_2279 = vector.shape_cast %get3A_2278 : vector<1x16xi32> to vector<16xi32>
        %get3A_2280 = arith.index_cast %add3A_2267 : i32 to index
        %get3A_2281 = arith.constant 48 : index
        %get3A_2282 = tpu.vector_load %arg7[%get3A_2280, %get3A_2281] {strides = array<i32>} : memref<512x64xi32, #tpu.memory_space<vmem>>, vector<1x16xi32>,
        %get3A_2283 = vector.shape_cast %get3A_2282 : vector<1x16xi32> to vector<16xi32>
        %eq3A_2284 = arith.constant 0 : i32
        %eq3A_2285 = vector.broadcast %eq3A_2284 : i32 to vector<16xi32>
        %eq3A_2286 = arith.cmpi eq, %shift_right_arithmetic3A_14, %eq3A_2285 : vector<16xi32>
        %lt3A_2287 = arith.constant 0 : i32
        %lt3A_2288 = vector.broadcast %lt3A_2287 : i32 to vector<16xi32>
        %lt3A_2289 = arith.cmpi slt, %and3A_9, %lt3A_2288 : vector<16xi32>
        %add3A_2290 = arith.constant 16 : i32
        %add3A_2291 = vector.broadcast %add3A_2290 : i32 to vector<16xi32>
        %add3A_2292 = arith.addi %and3A_9, %add3A_2291 : vector<16xi32>
        %select_n3A_2293 = arith.select %lt3A_2289, %add3A_2292, %and3A_9 : vector<16xi1>, vector<16xi32>
        %broadcast_in_dim3A_2294 = vector.shape_cast %select_n3A_2293 : vector<16xi32> to vector<16x1xi32>
        %gather3A_2295 = vector.shape_cast %broadcast_in_dim3A_2294 : vector<16x1xi32> to vector<16xi32>
        %gather3A_2296 = tpu.dynamic_gather %get3A_2271[%gather3A_2295] in [0] : vector<16xi32>, vector<16xi32> -> vector<16xi32>
        %lt3A_2297 = arith.constant 0 : i32
        %lt3A_2298 = vector.broadcast %lt3A_2297 : i32 to vector<16xi32>
        %lt3A_2299 = arith.cmpi slt, %and3A_9, %lt3A_2298 : vector<16xi32>
        %add3A_2300 = arith.constant 16 : i32
        %add3A_2301 = vector.broadcast %add3A_2300 : i32 to vector<16xi32>
        %add3A_2302 = arith.addi %and3A_9, %add3A_2301 : vector<16xi32>
        %select_n3A_2303 = arith.select %lt3A_2299, %add3A_2302, %and3A_9 : vector<16xi1>, vector<16xi32>
        %broadcast_in_dim3A_2304 = vector.shape_cast %select_n3A_2303 : vector<16xi32> to vector<16x1xi32>
        %gather3A_2305 = vector.shape_cast %broadcast_in_dim3A_2304 : vector<16x1xi32> to vector<16xi32>
        %gather3A_2306 = tpu.dynamic_gather %get3A_2275[%gather3A_2305] in [0] : vector<16xi32>, vector<16xi32> -> vector<16xi32>
        %select_n3A_2307 = arith.select %eq3A_2286, %gather3A_2296, %gather3A_2306 : vector<16xi1>, vector<16xi32>
        %eq3A_2308 = arith.constant 2 : i32
        %eq3A_2309 = vector.broadcast %eq3A_2308 : i32 to vector<16xi32>
        %eq3A_2310 = arith.cmpi eq, %shift_right_arithmetic3A_14, %eq3A_2309 : vector<16xi32>
        %lt3A_2311 = arith.constant 0 : i32
        %lt3A_2312 = vector.broadcast %lt3A_2311 : i32 to vector<16xi32>
        %lt3A_2313 = arith.cmpi slt, %and3A_9, %lt3A_2312 : vector<16xi32>
        %add3A_2314 = arith.constant 16 : i32
        %add3A_2315 = vector.broadcast %add3A_2314 : i32 to vector<16xi32>
        %add3A_2316 = arith.addi %and3A_9, %add3A_2315 : vector<16xi32>
        %select_n3A_2317 = arith.select %lt3A_2313, %add3A_2316, %and3A_9 : vector<16xi1>, vector<16xi32>
        %broadcast_in_dim3A_2318 = vector.shape_cast %select_n3A_2317 : vector<16xi32> to vector<16x1xi32>
        %gather3A_2319 = vector.shape_cast %broadcast_in_dim3A_2318 : vector<16x1xi32> to vector<16xi32>
        %gather3A_2320 = tpu.dynamic_gather %get3A_2279[%gather3A_2319] in [0] : vector<16xi32>, vector<16xi32> -> vector<16xi32>
        %lt3A_2321 = arith.constant 0 : i32
        %lt3A_2322 = vector.broadcast %lt3A_2321 : i32 to vector<16xi32>
        %lt3A_2323 = arith.cmpi slt, %and3A_9, %lt3A_2322 : vector<16xi32>
        %add3A_2324 = arith.constant 16 : i32
        %add3A_2325 = vector.broadcast %add3A_2324 : i32 to vector<16xi32>
        %add3A_2326 = arith.addi %and3A_9, %add3A_2325 : vector<16xi32>
        %select_n3A_2327 = arith.select %lt3A_2323, %add3A_2326, %and3A_9 : vector<16xi1>, vector<16xi32>
        %broadcast_in_dim3A_2328 = vector.shape_cast %select_n3A_2327 : vector<16xi32> to vector<16x1xi32>
        %gather3A_2329 = vector.shape_cast %broadcast_in_dim3A_2328 : vector<16x1xi32> to vector<16xi32>
        %gather3A_2330 = tpu.dynamic_gather %get3A_2283[%gather3A_2329] in [0] : vector<16xi32>, vector<16xi32> -> vector<16xi32>
        %select_n3A_2331 = arith.select %eq3A_2310, %gather3A_2320, %gather3A_2330 : vector<16xi1>, vector<16xi32>
        %lt3A_2332 = arith.constant 2 : i32
        %lt3A_2333 = vector.broadcast %lt3A_2332 : i32 to vector<16xi32>
        %lt3A_2334 = arith.cmpi slt, %shift_right_arithmetic3A_14, %lt3A_2333 : vector<16xi32>
        %select_n3A_2335 = arith.select %lt3A_2334, %select_n3A_2307, %select_n3A_2331 : vector<16xi1>, vector<16xi32>
        %mul3A_2336 = arith.constant 32 : i32
        %mul3A_2337 = arith.muli %add3A_2267, %mul3A_2336 : i32
        %swap3A_2338 = arith.index_cast %mul3A_2337 : i32 to index
        %swap3A_2339 = tpu.vector_load %arg8[%swap3A_2338] {strides = array<i32>} : memref<16384xi32, #tpu.memory_space<vmem>>, vector<16xi32>,
        %swap3A_2340 = vector.shape_cast %swap3A_2339 : vector<16xi32> to vector<16xi32>
        %swap3A_2341 = vector.shape_cast %select_n3A_2335 : vector<16xi32> to vector<16xi32>
        tpu.vector_store %arg8[%swap3A_2338], %swap3A_2341 {strides = array<i32>} : memref<16384xi32, #tpu.memory_space<vmem>>, vector<16xi32>,
        %eq3A_2342 = arith.constant 0 : i32
        %eq3A_2343 = vector.broadcast %eq3A_2342 : i32 to vector<16xi32>
        %eq3A_2344 = arith.cmpi eq, %shift_right_arithmetic3A_17, %eq3A_2343 : vector<16xi32>
        %lt3A_2345 = arith.constant 0 : i32
        %lt3A_2346 = vector.broadcast %lt3A_2345 : i32 to vector<16xi32>
        %lt3A_2347 = arith.cmpi slt, %and3A_12, %lt3A_2346 : vector<16xi32>
        %add3A_2348 = arith.constant 16 : i32
        %add3A_2349 = vector.broadcast %add3A_2348 : i32 to vector<16xi32>
        %add3A_2350 = arith.addi %and3A_12, %add3A_2349 : vector<16xi32>
        %select_n3A_2351 = arith.select %lt3A_2347, %add3A_2350, %and3A_12 : vector<16xi1>, vector<16xi32>
        %broadcast_in_dim3A_2352 = vector.shape_cast %select_n3A_2351 : vector<16xi32> to vector<16x1xi32>
        %gather3A_2353 = vector.shape_cast %broadcast_in_dim3A_2352 : vector<16x1xi32> to vector<16xi32>
        %gather3A_2354 = tpu.dynamic_gather %get3A_2271[%gather3A_2353] in [0] : vector<16xi32>, vector<16xi32> -> vector<16xi32>
        %lt3A_2355 = arith.constant 0 : i32
        %lt3A_2356 = vector.broadcast %lt3A_2355 : i32 to vector<16xi32>
        %lt3A_2357 = arith.cmpi slt, %and3A_12, %lt3A_2356 : vector<16xi32>
        %add3A_2358 = arith.constant 16 : i32
        %add3A_2359 = vector.broadcast %add3A_2358 : i32 to vector<16xi32>
        %add3A_2360 = arith.addi %and3A_12, %add3A_2359 : vector<16xi32>
        %select_n3A_2361 = arith.select %lt3A_2357, %add3A_2360, %and3A_12 : vector<16xi1>, vector<16xi32>
        %broadcast_in_dim3A_2362 = vector.shape_cast %select_n3A_2361 : vector<16xi32> to vector<16x1xi32>
        %gather3A_2363 = vector.shape_cast %broadcast_in_dim3A_2362 : vector<16x1xi32> to vector<16xi32>
        %gather3A_2364 = tpu.dynamic_gather %get3A_2275[%gather3A_2363] in [0] : vector<16xi32>, vector<16xi32> -> vector<16xi32>
        %select_n3A_2365 = arith.select %eq3A_2344, %gather3A_2354, %gather3A_2364 : vector<16xi1>, vector<16xi32>
        %eq3A_2366 = arith.constant 2 : i32
        %eq3A_2367 = vector.broadcast %eq3A_2366 : i32 to vector<16xi32>
        %eq3A_2368 = arith.cmpi eq, %shift_right_arithmetic3A_17, %eq3A_2367 : vector<16xi32>
        %lt3A_2369 = arith.constant 0 : i32
        %lt3A_2370 = vector.broadcast %lt3A_2369 : i32 to vector<16xi32>
        %lt3A_2371 = arith.cmpi slt, %and3A_12, %lt3A_2370 : vector<16xi32>
        %add3A_2372 = arith.constant 16 : i32
        %add3A_2373 = vector.broadcast %add3A_2372 : i32 to vector<16xi32>
        %add3A_2374 = arith.addi %and3A_12, %add3A_2373 : vector<16xi32>
        %select_n3A_2375 = arith.select %lt3A_2371, %add3A_2374, %and3A_12 : vector<16xi1>, vector<16xi32>
        %broadcast_in_dim3A_2376 = vector.shape_cast %select_n3A_2375 : vector<16xi32> to vector<16x1xi32>
        %gather3A_2377 = vector.shape_cast %broadcast_in_dim3A_2376 : vector<16x1xi32> to vector<16xi32>
        %gather3A_2378 = tpu.dynamic_gather %get3A_2279[%gather3A_2377] in [0] : vector<16xi32>, vector<16xi32> -> vector<16xi32>
        %lt3A_2379 = arith.constant 0 : i32
        %lt3A_2380 = vector.broadcast %lt3A_2379 : i32 to vector<16xi32>
        %lt3A_2381 = arith.cmpi slt, %and3A_12, %lt3A_2380 : vector<16xi32>
        %add3A_2382 = arith.constant 16 : i32
        %add3A_2383 = vector.broadcast %add3A_2382 : i32 to vector<16xi32>
        %add3A_2384 = arith.addi %and3A_12, %add3A_2383 : vector<16xi32>
        %select_n3A_2385 = arith.select %lt3A_2381, %add3A_2384, %and3A_12 : vector<16xi1>, vector<16xi32>
        %broadcast_in_dim3A_2386 = vector.shape_cast %select_n3A_2385 : vector<16xi32> to vector<16x1xi32>
        %gather3A_2387 = vector.shape_cast %broadcast_in_dim3A_2386 : vector<16x1xi32> to vector<16xi32>
        %gather3A_2388 = tpu.dynamic_gather %get3A_2283[%gather3A_2387] in [0] : vector<16xi32>, vector<16xi32> -> vector<16xi32>
        %select_n3A_2389 = arith.select %eq3A_2368, %gather3A_2378, %gather3A_2388 : vector<16xi1>, vector<16xi32>
        %lt3A_2390 = arith.constant 2 : i32
        %lt3A_2391 = vector.broadcast %lt3A_2390 : i32 to vector<16xi32>
        %lt3A_2392 = arith.cmpi slt, %shift_right_arithmetic3A_17, %lt3A_2391 : vector<16xi32>
        %select_n3A_2393 = arith.select %lt3A_2392, %select_n3A_2365, %select_n3A_2389 : vector<16xi1>, vector<16xi32>
        %mul3A_2394 = arith.constant 32 : i32
        %mul3A_2395 = arith.muli %add3A_2267, %mul3A_2394 : i32
        %add3A_2396 = arith.constant 16 : i32
        %add3A_2397 = arith.addi %mul3A_2395, %add3A_2396 : i32
        %swap3A_2398 = arith.index_cast %add3A_2397 : i32 to index
        %swap3A_2399 = tpu.vector_load %arg8[%swap3A_2398] {strides = array<i32>} : memref<16384xi32, #tpu.memory_space<vmem>>, vector<16xi32>,
        %swap3A_2400 = vector.shape_cast %swap3A_2399 : vector<16xi32> to vector<16xi32>
        %swap3A_2401 = vector.shape_cast %select_n3A_2393 : vector<16xi32> to vector<16xi32>
        tpu.vector_store %arg8[%swap3A_2398], %swap3A_2401 {strides = array<i32>} : memref<16384xi32, #tpu.memory_space<vmem>>, vector<16xi32>,
        %mul3A_2402 = arith.constant 16 : i32
        %mul3A_2403 = arith.muli %sub3A_337, %mul3A_2402 : i32
        %add3A_2404 = arith.constant 15 : i32
        %add3A_2405 = arith.addi %mul3A_2403, %add3A_2404 : i32
        %get3A_2406 = arith.index_cast %add3A_2405 : i32 to index
        %get3A_2407 = arith.constant 0 : index
        %get3A_2408 = tpu.vector_load %arg7[%get3A_2406, %get3A_2407] {strides = array<i32>} : memref<512x64xi32, #tpu.memory_space<vmem>>, vector<1x16xi32>,
        %get3A_2409 = vector.shape_cast %get3A_2408 : vector<1x16xi32> to vector<16xi32>
        %get3A_2410 = arith.index_cast %add3A_2405 : i32 to index
        %get3A_2411 = arith.constant 16 : index
        %get3A_2412 = tpu.vector_load %arg7[%get3A_2410, %get3A_2411] {strides = array<i32>} : memref<512x64xi32, #tpu.memory_space<vmem>>, vector<1x16xi32>,
        %get3A_2413 = vector.shape_cast %get3A_2412 : vector<1x16xi32> to vector<16xi32>
        %get3A_2414 = arith.index_cast %add3A_2405 : i32 to index
        %get3A_2415 = arith.constant 32 : index
        %get3A_2416 = tpu.vector_load %arg7[%get3A_2414, %get3A_2415] {strides = array<i32>} : memref<512x64xi32, #tpu.memory_space<vmem>>, vector<1x16xi32>,
        %get3A_2417 = vector.shape_cast %get3A_2416 : vector<1x16xi32> to vector<16xi32>
        %get3A_2418 = arith.index_cast %add3A_2405 : i32 to index
        %get3A_2419 = arith.constant 48 : index
        %get3A_2420 = tpu.vector_load %arg7[%get3A_2418, %get3A_2419] {strides = array<i32>} : memref<512x64xi32, #tpu.memory_space<vmem>>, vector<1x16xi32>,
        %get3A_2421 = vector.shape_cast %get3A_2420 : vector<1x16xi32> to vector<16xi32>
        %eq3A_2422 = arith.constant 0 : i32
        %eq3A_2423 = vector.broadcast %eq3A_2422 : i32 to vector<16xi32>
        %eq3A_2424 = arith.cmpi eq, %shift_right_arithmetic3A_14, %eq3A_2423 : vector<16xi32>
        %lt3A_2425 = arith.constant 0 : i32
        %lt3A_2426 = vector.broadcast %lt3A_2425 : i32 to vector<16xi32>
        %lt3A_2427 = arith.cmpi slt, %and3A_9, %lt3A_2426 : vector<16xi32>
        %add3A_2428 = arith.constant 16 : i32
        %add3A_2429 = vector.broadcast %add3A_2428 : i32 to vector<16xi32>
        %add3A_2430 = arith.addi %and3A_9, %add3A_2429 : vector<16xi32>
        %select_n3A_2431 = arith.select %lt3A_2427, %add3A_2430, %and3A_9 : vector<16xi1>, vector<16xi32>
        %broadcast_in_dim3A_2432 = vector.shape_cast %select_n3A_2431 : vector<16xi32> to vector<16x1xi32>
        %gather3A_2433 = vector.shape_cast %broadcast_in_dim3A_2432 : vector<16x1xi32> to vector<16xi32>
        %gather3A_2434 = tpu.dynamic_gather %get3A_2409[%gather3A_2433] in [0] : vector<16xi32>, vector<16xi32> -> vector<16xi32>
        %lt3A_2435 = arith.constant 0 : i32
        %lt3A_2436 = vector.broadcast %lt3A_2435 : i32 to vector<16xi32>
        %lt3A_2437 = arith.cmpi slt, %and3A_9, %lt3A_2436 : vector<16xi32>
        %add3A_2438 = arith.constant 16 : i32
        %add3A_2439 = vector.broadcast %add3A_2438 : i32 to vector<16xi32>
        %add3A_2440 = arith.addi %and3A_9, %add3A_2439 : vector<16xi32>
        %select_n3A_2441 = arith.select %lt3A_2437, %add3A_2440, %and3A_9 : vector<16xi1>, vector<16xi32>
        %broadcast_in_dim3A_2442 = vector.shape_cast %select_n3A_2441 : vector<16xi32> to vector<16x1xi32>
        %gather3A_2443 = vector.shape_cast %broadcast_in_dim3A_2442 : vector<16x1xi32> to vector<16xi32>
        %gather3A_2444 = tpu.dynamic_gather %get3A_2413[%gather3A_2443] in [0] : vector<16xi32>, vector<16xi32> -> vector<16xi32>
        %select_n3A_2445 = arith.select %eq3A_2424, %gather3A_2434, %gather3A_2444 : vector<16xi1>, vector<16xi32>
        %eq3A_2446 = arith.constant 2 : i32
        %eq3A_2447 = vector.broadcast %eq3A_2446 : i32 to vector<16xi32>
        %eq3A_2448 = arith.cmpi eq, %shift_right_arithmetic3A_14, %eq3A_2447 : vector<16xi32>
        %lt3A_2449 = arith.constant 0 : i32
        %lt3A_2450 = vector.broadcast %lt3A_2449 : i32 to vector<16xi32>
        %lt3A_2451 = arith.cmpi slt, %and3A_9, %lt3A_2450 : vector<16xi32>
        %add3A_2452 = arith.constant 16 : i32
        %add3A_2453 = vector.broadcast %add3A_2452 : i32 to vector<16xi32>
        %add3A_2454 = arith.addi %and3A_9, %add3A_2453 : vector<16xi32>
        %select_n3A_2455 = arith.select %lt3A_2451, %add3A_2454, %and3A_9 : vector<16xi1>, vector<16xi32>
        %broadcast_in_dim3A_2456 = vector.shape_cast %select_n3A_2455 : vector<16xi32> to vector<16x1xi32>
        %gather3A_2457 = vector.shape_cast %broadcast_in_dim3A_2456 : vector<16x1xi32> to vector<16xi32>
        %gather3A_2458 = tpu.dynamic_gather %get3A_2417[%gather3A_2457] in [0] : vector<16xi32>, vector<16xi32> -> vector<16xi32>
        %lt3A_2459 = arith.constant 0 : i32
        %lt3A_2460 = vector.broadcast %lt3A_2459 : i32 to vector<16xi32>
        %lt3A_2461 = arith.cmpi slt, %and3A_9, %lt3A_2460 : vector<16xi32>
        %add3A_2462 = arith.constant 16 : i32
        %add3A_2463 = vector.broadcast %add3A_2462 : i32 to vector<16xi32>
        %add3A_2464 = arith.addi %and3A_9, %add3A_2463 : vector<16xi32>
        %select_n3A_2465 = arith.select %lt3A_2461, %add3A_2464, %and3A_9 : vector<16xi1>, vector<16xi32>
        %broadcast_in_dim3A_2466 = vector.shape_cast %select_n3A_2465 : vector<16xi32> to vector<16x1xi32>
        %gather3A_2467 = vector.shape_cast %broadcast_in_dim3A_2466 : vector<16x1xi32> to vector<16xi32>
        %gather3A_2468 = tpu.dynamic_gather %get3A_2421[%gather3A_2467] in [0] : vector<16xi32>, vector<16xi32> -> vector<16xi32>
        %select_n3A_2469 = arith.select %eq3A_2448, %gather3A_2458, %gather3A_2468 : vector<16xi1>, vector<16xi32>
        %lt3A_2470 = arith.constant 2 : i32
        %lt3A_2471 = vector.broadcast %lt3A_2470 : i32 to vector<16xi32>
        %lt3A_2472 = arith.cmpi slt, %shift_right_arithmetic3A_14, %lt3A_2471 : vector<16xi32>
        %select_n3A_2473 = arith.select %lt3A_2472, %select_n3A_2445, %select_n3A_2469 : vector<16xi1>, vector<16xi32>
        %mul3A_2474 = arith.constant 32 : i32
        %mul3A_2475 = arith.muli %add3A_2405, %mul3A_2474 : i32
        %swap3A_2476 = arith.index_cast %mul3A_2475 : i32 to index
        %swap3A_2477 = tpu.vector_load %arg8[%swap3A_2476] {strides = array<i32>} : memref<16384xi32, #tpu.memory_space<vmem>>, vector<16xi32>,
        %swap3A_2478 = vector.shape_cast %swap3A_2477 : vector<16xi32> to vector<16xi32>
        %swap3A_2479 = vector.shape_cast %select_n3A_2473 : vector<16xi32> to vector<16xi32>
        tpu.vector_store %arg8[%swap3A_2476], %swap3A_2479 {strides = array<i32>} : memref<16384xi32, #tpu.memory_space<vmem>>, vector<16xi32>,
        %eq3A_2480 = arith.constant 0 : i32
        %eq3A_2481 = vector.broadcast %eq3A_2480 : i32 to vector<16xi32>
        %eq3A_2482 = arith.cmpi eq, %shift_right_arithmetic3A_17, %eq3A_2481 : vector<16xi32>
        %lt3A_2483 = arith.constant 0 : i32
        %lt3A_2484 = vector.broadcast %lt3A_2483 : i32 to vector<16xi32>
        %lt3A_2485 = arith.cmpi slt, %and3A_12, %lt3A_2484 : vector<16xi32>
        %add3A_2486 = arith.constant 16 : i32
        %add3A_2487 = vector.broadcast %add3A_2486 : i32 to vector<16xi32>
        %add3A_2488 = arith.addi %and3A_12, %add3A_2487 : vector<16xi32>
        %select_n3A_2489 = arith.select %lt3A_2485, %add3A_2488, %and3A_12 : vector<16xi1>, vector<16xi32>
        %broadcast_in_dim3A_2490 = vector.shape_cast %select_n3A_2489 : vector<16xi32> to vector<16x1xi32>
        %gather3A_2491 = vector.shape_cast %broadcast_in_dim3A_2490 : vector<16x1xi32> to vector<16xi32>
        %gather3A_2492 = tpu.dynamic_gather %get3A_2409[%gather3A_2491] in [0] : vector<16xi32>, vector<16xi32> -> vector<16xi32>
        %lt3A_2493 = arith.constant 0 : i32
        %lt3A_2494 = vector.broadcast %lt3A_2493 : i32 to vector<16xi32>
        %lt3A_2495 = arith.cmpi slt, %and3A_12, %lt3A_2494 : vector<16xi32>
        %add3A_2496 = arith.constant 16 : i32
        %add3A_2497 = vector.broadcast %add3A_2496 : i32 to vector<16xi32>
        %add3A_2498 = arith.addi %and3A_12, %add3A_2497 : vector<16xi32>
        %select_n3A_2499 = arith.select %lt3A_2495, %add3A_2498, %and3A_12 : vector<16xi1>, vector<16xi32>
        %broadcast_in_dim3A_2500 = vector.shape_cast %select_n3A_2499 : vector<16xi32> to vector<16x1xi32>
        %gather3A_2501 = vector.shape_cast %broadcast_in_dim3A_2500 : vector<16x1xi32> to vector<16xi32>
        %gather3A_2502 = tpu.dynamic_gather %get3A_2413[%gather3A_2501] in [0] : vector<16xi32>, vector<16xi32> -> vector<16xi32>
        %select_n3A_2503 = arith.select %eq3A_2482, %gather3A_2492, %gather3A_2502 : vector<16xi1>, vector<16xi32>
        %eq3A_2504 = arith.constant 2 : i32
        %eq3A_2505 = vector.broadcast %eq3A_2504 : i32 to vector<16xi32>
        %eq3A_2506 = arith.cmpi eq, %shift_right_arithmetic3A_17, %eq3A_2505 : vector<16xi32>
        %lt3A_2507 = arith.constant 0 : i32
        %lt3A_2508 = vector.broadcast %lt3A_2507 : i32 to vector<16xi32>
        %lt3A_2509 = arith.cmpi slt, %and3A_12, %lt3A_2508 : vector<16xi32>
        %add3A_2510 = arith.constant 16 : i32
        %add3A_2511 = vector.broadcast %add3A_2510 : i32 to vector<16xi32>
        %add3A_2512 = arith.addi %and3A_12, %add3A_2511 : vector<16xi32>
        %select_n3A_2513 = arith.select %lt3A_2509, %add3A_2512, %and3A_12 : vector<16xi1>, vector<16xi32>
        %broadcast_in_dim3A_2514 = vector.shape_cast %select_n3A_2513 : vector<16xi32> to vector<16x1xi32>
        %gather3A_2515 = vector.shape_cast %broadcast_in_dim3A_2514 : vector<16x1xi32> to vector<16xi32>
        %gather3A_2516 = tpu.dynamic_gather %get3A_2417[%gather3A_2515] in [0] : vector<16xi32>, vector<16xi32> -> vector<16xi32>
        %lt3A_2517 = arith.constant 0 : i32
        %lt3A_2518 = vector.broadcast %lt3A_2517 : i32 to vector<16xi32>
        %lt3A_2519 = arith.cmpi slt, %and3A_12, %lt3A_2518 : vector<16xi32>
        %add3A_2520 = arith.constant 16 : i32
        %add3A_2521 = vector.broadcast %add3A_2520 : i32 to vector<16xi32>
        %add3A_2522 = arith.addi %and3A_12, %add3A_2521 : vector<16xi32>
        %select_n3A_2523 = arith.select %lt3A_2519, %add3A_2522, %and3A_12 : vector<16xi1>, vector<16xi32>
        %broadcast_in_dim3A_2524 = vector.shape_cast %select_n3A_2523 : vector<16xi32> to vector<16x1xi32>
        %gather3A_2525 = vector.shape_cast %broadcast_in_dim3A_2524 : vector<16x1xi32> to vector<16xi32>
        %gather3A_2526 = tpu.dynamic_gather %get3A_2421[%gather3A_2525] in [0] : vector<16xi32>, vector<16xi32> -> vector<16xi32>
        %select_n3A_2527 = arith.select %eq3A_2506, %gather3A_2516, %gather3A_2526 : vector<16xi1>, vector<16xi32>
        %lt3A_2528 = arith.constant 2 : i32
        %lt3A_2529 = vector.broadcast %lt3A_2528 : i32 to vector<16xi32>
        %lt3A_2530 = arith.cmpi slt, %shift_right_arithmetic3A_17, %lt3A_2529 : vector<16xi32>
        %select_n3A_2531 = arith.select %lt3A_2530, %select_n3A_2503, %select_n3A_2527 : vector<16xi1>, vector<16xi32>
        %mul3A_2532 = arith.constant 32 : i32
        %mul3A_2533 = arith.muli %add3A_2405, %mul3A_2532 : i32
        %add3A_2534 = arith.constant 16 : i32
        %add3A_2535 = arith.addi %mul3A_2533, %add3A_2534 : i32
        %swap3A_2536 = arith.index_cast %add3A_2535 : i32 to index
        %swap3A_2537 = tpu.vector_load %arg8[%swap3A_2536] {strides = array<i32>} : memref<16384xi32, #tpu.memory_space<vmem>>, vector<16xi32>,
        %swap3A_2538 = vector.shape_cast %swap3A_2537 : vector<16xi32> to vector<16xi32>
        %swap3A_2539 = vector.shape_cast %select_n3A_2531 : vector<16xi32> to vector<16xi32>
        tpu.vector_store %arg8[%swap3A_2536], %swap3A_2539 {strides = array<i32>} : memref<16384xi32, #tpu.memory_space<vmem>>, vector<16xi32>,
      } else {
      }
    }
    %scan3A_22 = arith.constant 32 : i32
    %scan3A_23 = arith.constant 0 : i32
    %scan3A_24 = arith.constant 16 : i32
    %scan3A_25 = arith.constant 16 : i32
    %scan3A_26 = arith.addi %scan3A_24, %scan3A_25 : i32
    %scan3A_27 = arith.constant 1 : i32
    scf.for %scan3A_31 = %scan3A_24 to %scan3A_26 step %scan3A_27  : i32 {
      %mul3A_32 = arith.constant 16 : i32
      %mul3A_33 = arith.muli %scan3A_31, %mul3A_32 : i32
      %dma_wait3A = arith.constant 0 : i32
      %dma_wait3A_34 = tpu.memref_slice %arg7[%mul3A_33, %dma_wait3A] : memref<512x64xi32, #tpu.memory_space<vmem>> -> memref<16x64xi32, #tpu.memory_space<vmem>>
      %dma_wait3A_35 = arith.constant 0 : i32
      %dma_wait3A_36 = arith.constant 0 : i32
      %dma_wait3A_37 = tpu.memref_slice %arg2[%dma_wait3A_35, %dma_wait3A_36] : memref<100001x64xi32, #tpu.memory_space<hbm>> -> memref<16x64xi32, #tpu.memory_space<hbm>>
      %dma_wait3A_38 = arith.constant 0 : i32
      %dma_wait3A_39 = tpu.memref_slice %arg7[%mul3A_33, %dma_wait3A_38] : memref<512x64xi32, #tpu.memory_space<vmem>> -> memref<16x64xi32, #tpu.memory_space<vmem>>
      %dma_wait3A_40 = arith.constant 0 : i32
      %dma_wait3A_41 = arith.constant 0 : i32
      %dma_wait3A_42 = tpu.memref_slice %arg2[%dma_wait3A_40, %dma_wait3A_41] : memref<100001x64xi32, #tpu.memory_space<hbm>> -> memref<16x64xi32, #tpu.memory_space<hbm>>
      tpu.wait_dma2 semaphore(%arg10 : memref<!tpu.dma_semaphore, #tpu.memory_space<semaphore_mem>>) src(%dma_wait3A_42 : memref<16x64xi32, #tpu.memory_space<hbm>>) dst(%dma_wait3A_39 : memref<16x64xi32, #tpu.memory_space<vmem>>)
      %mul3A_43 = arith.constant 16 : i32
      %mul3A_44 = arith.muli %scan3A_31, %mul3A_43 : i32
      %add3A_45 = arith.constant 0 : i32
      %add3A_46 = arith.addi %mul3A_44, %add3A_45 : i32
      %get3A_47 = arith.index_cast %add3A_46 : i32 to index
      %get3A_48 = arith.constant 0 : index
      %get3A_49 = tpu.vector_load %arg7[%get3A_47, %get3A_48] {strides = array<i32>} : memref<512x64xi32, #tpu.memory_space<vmem>>, vector<1x16xi32>,
      %get3A_50 = vector.shape_cast %get3A_49 : vector<1x16xi32> to vector<16xi32>
      %get3A_51 = arith.index_cast %add3A_46 : i32 to index
      %get3A_52 = arith.constant 16 : index
      %get3A_53 = tpu.vector_load %arg7[%get3A_51, %get3A_52] {strides = array<i32>} : memref<512x64xi32, #tpu.memory_space<vmem>>, vector<1x16xi32>,
      %get3A_54 = vector.shape_cast %get3A_53 : vector<1x16xi32> to vector<16xi32>
      %get3A_55 = arith.index_cast %add3A_46 : i32 to index
      %get3A_56 = arith.constant 32 : index
      %get3A_57 = tpu.vector_load %arg7[%get3A_55, %get3A_56] {strides = array<i32>} : memref<512x64xi32, #tpu.memory_space<vmem>>, vector<1x16xi32>,
      %get3A_58 = vector.shape_cast %get3A_57 : vector<1x16xi32> to vector<16xi32>
      %get3A_59 = arith.index_cast %add3A_46 : i32 to index
      %get3A_60 = arith.constant 48 : index
      %get3A_61 = tpu.vector_load %arg7[%get3A_59, %get3A_60] {strides = array<i32>} : memref<512x64xi32, #tpu.memory_space<vmem>>, vector<1x16xi32>,
      %get3A_62 = vector.shape_cast %get3A_61 : vector<1x16xi32> to vector<16xi32>
      %eq3A = arith.constant 0 : i32
      %eq3A_63 = vector.broadcast %eq3A : i32 to vector<16xi32>
      %eq3A_64 = arith.cmpi eq, %shift_right_arithmetic3A_14, %eq3A_63 : vector<16xi32>
      %lt3A = arith.constant 0 : i32
      %lt3A_65 = vector.broadcast %lt3A : i32 to vector<16xi32>
      %lt3A_66 = arith.cmpi slt, %and3A_9, %lt3A_65 : vector<16xi32>
      %add3A_67 = arith.constant 16 : i32
      %add3A_68 = vector.broadcast %add3A_67 : i32 to vector<16xi32>
      %add3A_69 = arith.addi %and3A_9, %add3A_68 : vector<16xi32>
      %select_n3A = arith.select %lt3A_66, %add3A_69, %and3A_9 : vector<16xi1>, vector<16xi32>
      %broadcast_in_dim3A = vector.shape_cast %select_n3A : vector<16xi32> to vector<16x1xi32>
      %gather3A = vector.shape_cast %broadcast_in_dim3A : vector<16x1xi32> to vector<16xi32>
      %gather3A_70 = tpu.dynamic_gather %get3A_50[%gather3A] in [0] : vector<16xi32>, vector<16xi32> -> vector<16xi32>
      %lt3A_71 = arith.constant 0 : i32
      %lt3A_72 = vector.broadcast %lt3A_71 : i32 to vector<16xi32>
      %lt3A_73 = arith.cmpi slt, %and3A_9, %lt3A_72 : vector<16xi32>
      %add3A_74 = arith.constant 16 : i32
      %add3A_75 = vector.broadcast %add3A_74 : i32 to vector<16xi32>
      %add3A_76 = arith.addi %and3A_9, %add3A_75 : vector<16xi32>
      %select_n3A_77 = arith.select %lt3A_73, %add3A_76, %and3A_9 : vector<16xi1>, vector<16xi32>
      %broadcast_in_dim3A_78 = vector.shape_cast %select_n3A_77 : vector<16xi32> to vector<16x1xi32>
      %gather3A_79 = vector.shape_cast %broadcast_in_dim3A_78 : vector<16x1xi32> to vector<16xi32>
      %gather3A_80 = tpu.dynamic_gather %get3A_54[%gather3A_79] in [0] : vector<16xi32>, vector<16xi32> -> vector<16xi32>
      %select_n3A_81 = arith.select %eq3A_64, %gather3A_70, %gather3A_80 : vector<16xi1>, vector<16xi32>
      %eq3A_82 = arith.constant 2 : i32
      %eq3A_83 = vector.broadcast %eq3A_82 : i32 to vector<16xi32>
      %eq3A_84 = arith.cmpi eq, %shift_right_arithmetic3A_14, %eq3A_83 : vector<16xi32>
      %lt3A_85 = arith.constant 0 : i32
      %lt3A_86 = vector.broadcast %lt3A_85 : i32 to vector<16xi32>
      %lt3A_87 = arith.cmpi slt, %and3A_9, %lt3A_86 : vector<16xi32>
      %add3A_88 = arith.constant 16 : i32
      %add3A_89 = vector.broadcast %add3A_88 : i32 to vector<16xi32>
      %add3A_90 = arith.addi %and3A_9, %add3A_89 : vector<16xi32>
      %select_n3A_91 = arith.select %lt3A_87, %add3A_90, %and3A_9 : vector<16xi1>, vector<16xi32>
      %broadcast_in_dim3A_92 = vector.shape_cast %select_n3A_91 : vector<16xi32> to vector<16x1xi32>
      %gather3A_93 = vector.shape_cast %broadcast_in_dim3A_92 : vector<16x1xi32> to vector<16xi32>
      %gather3A_94 = tpu.dynamic_gather %get3A_58[%gather3A_93] in [0] : vector<16xi32>, vector<16xi32> -> vector<16xi32>
      %lt3A_95 = arith.constant 0 : i32
      %lt3A_96 = vector.broadcast %lt3A_95 : i32 to vector<16xi32>
      %lt3A_97 = arith.cmpi slt, %and3A_9, %lt3A_96 : vector<16xi32>
      %add3A_98 = arith.constant 16 : i32
      %add3A_99 = vector.broadcast %add3A_98 : i32 to vector<16xi32>
      %add3A_100 = arith.addi %and3A_9, %add3A_99 : vector<16xi32>
      %select_n3A_101 = arith.select %lt3A_97, %add3A_100, %and3A_9 : vector<16xi1>, vector<16xi32>
      %broadcast_in_dim3A_102 = vector.shape_cast %select_n3A_101 : vector<16xi32> to vector<16x1xi32>
      %gather3A_103 = vector.shape_cast %broadcast_in_dim3A_102 : vector<16x1xi32> to vector<16xi32>
      %gather3A_104 = tpu.dynamic_gather %get3A_62[%gather3A_103] in [0] : vector<16xi32>, vector<16xi32> -> vector<16xi32>
      %select_n3A_105 = arith.select %eq3A_84, %gather3A_94, %gather3A_104 : vector<16xi1>, vector<16xi32>
      %lt3A_106 = arith.constant 2 : i32
      %lt3A_107 = vector.broadcast %lt3A_106 : i32 to vector<16xi32>
      %lt3A_108 = arith.cmpi slt, %shift_right_arithmetic3A_14, %lt3A_107 : vector<16xi32>
      %select_n3A_109 = arith.select %lt3A_108, %select_n3A_81, %select_n3A_105 : vector<16xi1>, vector<16xi32>
      %mul3A_110 = arith.constant 32 : i32
      %mul3A_111 = arith.muli %add3A_46, %mul3A_110 : i32
      %swap3A = arith.index_cast %mul3A_111 : i32 to index
      %swap3A_112 = tpu.vector_load %arg8[%swap3A] {strides = array<i32>} : memref<16384xi32, #tpu.memory_space<vmem>>, vector<16xi32>,
      %swap3A_113 = vector.shape_cast %swap3A_112 : vector<16xi32> to vector<16xi32>
      %swap3A_114 = vector.shape_cast %select_n3A_109 : vector<16xi32> to vector<16xi32>
      tpu.vector_store %arg8[%swap3A], %swap3A_114 {strides = array<i32>} : memref<16384xi32, #tpu.memory_space<vmem>>, vector<16xi32>,
      %eq3A_115 = arith.constant 0 : i32
      %eq3A_116 = vector.broadcast %eq3A_115 : i32 to vector<16xi32>
      %eq3A_117 = arith.cmpi eq, %shift_right_arithmetic3A_17, %eq3A_116 : vector<16xi32>
      %lt3A_118 = arith.constant 0 : i32
      %lt3A_119 = vector.broadcast %lt3A_118 : i32 to vector<16xi32>
      %lt3A_120 = arith.cmpi slt, %and3A_12, %lt3A_119 : vector<16xi32>
      %add3A_121 = arith.constant 16 : i32
      %add3A_122 = vector.broadcast %add3A_121 : i32 to vector<16xi32>
      %add3A_123 = arith.addi %and3A_12, %add3A_122 : vector<16xi32>
      %select_n3A_124 = arith.select %lt3A_120, %add3A_123, %and3A_12 : vector<16xi1>, vector<16xi32>
      %broadcast_in_dim3A_125 = vector.shape_cast %select_n3A_124 : vector<16xi32> to vector<16x1xi32>
      %gather3A_126 = vector.shape_cast %broadcast_in_dim3A_125 : vector<16x1xi32> to vector<16xi32>
      %gather3A_127 = tpu.dynamic_gather %get3A_50[%gather3A_126] in [0] : vector<16xi32>, vector<16xi32> -> vector<16xi32>
      %lt3A_128 = arith.constant 0 : i32
      %lt3A_129 = vector.broadcast %lt3A_128 : i32 to vector<16xi32>
      %lt3A_130 = arith.cmpi slt, %and3A_12, %lt3A_129 : vector<16xi32>
      %add3A_131 = arith.constant 16 : i32
      %add3A_132 = vector.broadcast %add3A_131 : i32 to vector<16xi32>
      %add3A_133 = arith.addi %and3A_12, %add3A_132 : vector<16xi32>
      %select_n3A_134 = arith.select %lt3A_130, %add3A_133, %and3A_12 : vector<16xi1>, vector<16xi32>
      %broadcast_in_dim3A_135 = vector.shape_cast %select_n3A_134 : vector<16xi32> to vector<16x1xi32>
      %gather3A_136 = vector.shape_cast %broadcast_in_dim3A_135 : vector<16x1xi32> to vector<16xi32>
      %gather3A_137 = tpu.dynamic_gather %get3A_54[%gather3A_136] in [0] : vector<16xi32>, vector<16xi32> -> vector<16xi32>
      %select_n3A_138 = arith.select %eq3A_117, %gather3A_127, %gather3A_137 : vector<16xi1>, vector<16xi32>
      %eq3A_139 = arith.constant 2 : i32
      %eq3A_140 = vector.broadcast %eq3A_139 : i32 to vector<16xi32>
      %eq3A_141 = arith.cmpi eq, %shift_right_arithmetic3A_17, %eq3A_140 : vector<16xi32>
      %lt3A_142 = arith.constant 0 : i32
      %lt3A_143 = vector.broadcast %lt3A_142 : i32 to vector<16xi32>
      %lt3A_144 = arith.cmpi slt, %and3A_12, %lt3A_143 : vector<16xi32>
      %add3A_145 = arith.constant 16 : i32
      %add3A_146 = vector.broadcast %add3A_145 : i32 to vector<16xi32>
      %add3A_147 = arith.addi %and3A_12, %add3A_146 : vector<16xi32>
      %select_n3A_148 = arith.select %lt3A_144, %add3A_147, %and3A_12 : vector<16xi1>, vector<16xi32>
      %broadcast_in_dim3A_149 = vector.shape_cast %select_n3A_148 : vector<16xi32> to vector<16x1xi32>
      %gather3A_150 = vector.shape_cast %broadcast_in_dim3A_149 : vector<16x1xi32> to vector<16xi32>
      %gather3A_151 = tpu.dynamic_gather %get3A_58[%gather3A_150] in [0] : vector<16xi32>, vector<16xi32> -> vector<16xi32>
      %lt3A_152 = arith.constant 0 : i32
      %lt3A_153 = vector.broadcast %lt3A_152 : i32 to vector<16xi32>
      %lt3A_154 = arith.cmpi slt, %and3A_12, %lt3A_153 : vector<16xi32>
      %add3A_155 = arith.constant 16 : i32
      %add3A_156 = vector.broadcast %add3A_155 : i32 to vector<16xi32>
      %add3A_157 = arith.addi %and3A_12, %add3A_156 : vector<16xi32>
      %select_n3A_158 = arith.select %lt3A_154, %add3A_157, %and3A_12 : vector<16xi1>, vector<16xi32>
      %broadcast_in_dim3A_159 = vector.shape_cast %select_n3A_158 : vector<16xi32> to vector<16x1xi32>
      %gather3A_160 = vector.shape_cast %broadcast_in_dim3A_159 : vector<16x1xi32> to vector<16xi32>
      %gather3A_161 = tpu.dynamic_gather %get3A_62[%gather3A_160] in [0] : vector<16xi32>, vector<16xi32> -> vector<16xi32>
      %select_n3A_162 = arith.select %eq3A_141, %gather3A_151, %gather3A_161 : vector<16xi1>, vector<16xi32>
      %lt3A_163 = arith.constant 2 : i32
      %lt3A_164 = vector.broadcast %lt3A_163 : i32 to vector<16xi32>
      %lt3A_165 = arith.cmpi slt, %shift_right_arithmetic3A_17, %lt3A_164 : vector<16xi32>
      %select_n3A_166 = arith.select %lt3A_165, %select_n3A_138, %select_n3A_162 : vector<16xi1>, vector<16xi32>
      %mul3A_167 = arith.constant 32 : i32
      %mul3A_168 = arith.muli %add3A_46, %mul3A_167 : i32
      %add3A_169 = arith.constant 16 : i32
      %add3A_170 = arith.addi %mul3A_168, %add3A_169 : i32
      %swap3A_171 = arith.index_cast %add3A_170 : i32 to index
      %swap3A_172 = tpu.vector_load %arg8[%swap3A_171] {strides = array<i32>} : memref<16384xi32, #tpu.memory_space<vmem>>, vector<16xi32>,
      %swap3A_173 = vector.shape_cast %swap3A_172 : vector<16xi32> to vector<16xi32>
      %swap3A_174 = vector.shape_cast %select_n3A_166 : vector<16xi32> to vector<16xi32>
      tpu.vector_store %arg8[%swap3A_171], %swap3A_174 {strides = array<i32>} : memref<16384xi32, #tpu.memory_space<vmem>>, vector<16xi32>,
      %mul3A_175 = arith.constant 16 : i32
      %mul3A_176 = arith.muli %scan3A_31, %mul3A_175 : i32
      %add3A_177 = arith.constant 1 : i32
      %add3A_178 = arith.addi %mul3A_176, %add3A_177 : i32
      %get3A_179 = arith.index_cast %add3A_178 : i32 to index
      %get3A_180 = arith.constant 0 : index
      %get3A_181 = tpu.vector_load %arg7[%get3A_179, %get3A_180] {strides = array<i32>} : memref<512x64xi32, #tpu.memory_space<vmem>>, vector<1x16xi32>,
      %get3A_182 = vector.shape_cast %get3A_181 : vector<1x16xi32> to vector<16xi32>
      %get3A_183 = arith.index_cast %add3A_178 : i32 to index
      %get3A_184 = arith.constant 16 : index
      %get3A_185 = tpu.vector_load %arg7[%get3A_183, %get3A_184] {strides = array<i32>} : memref<512x64xi32, #tpu.memory_space<vmem>>, vector<1x16xi32>,
      %get3A_186 = vector.shape_cast %get3A_185 : vector<1x16xi32> to vector<16xi32>
      %get3A_187 = arith.index_cast %add3A_178 : i32 to index
      %get3A_188 = arith.constant 32 : index
      %get3A_189 = tpu.vector_load %arg7[%get3A_187, %get3A_188] {strides = array<i32>} : memref<512x64xi32, #tpu.memory_space<vmem>>, vector<1x16xi32>,
      %get3A_190 = vector.shape_cast %get3A_189 : vector<1x16xi32> to vector<16xi32>
      %get3A_191 = arith.index_cast %add3A_178 : i32 to index
      %get3A_192 = arith.constant 48 : index
      %get3A_193 = tpu.vector_load %arg7[%get3A_191, %get3A_192] {strides = array<i32>} : memref<512x64xi32, #tpu.memory_space<vmem>>, vector<1x16xi32>,
      %get3A_194 = vector.shape_cast %get3A_193 : vector<1x16xi32> to vector<16xi32>
      %eq3A_195 = arith.constant 0 : i32
      %eq3A_196 = vector.broadcast %eq3A_195 : i32 to vector<16xi32>
      %eq3A_197 = arith.cmpi eq, %shift_right_arithmetic3A_14, %eq3A_196 : vector<16xi32>
      %lt3A_198 = arith.constant 0 : i32
      %lt3A_199 = vector.broadcast %lt3A_198 : i32 to vector<16xi32>
      %lt3A_200 = arith.cmpi slt, %and3A_9, %lt3A_199 : vector<16xi32>
      %add3A_201 = arith.constant 16 : i32
      %add3A_202 = vector.broadcast %add3A_201 : i32 to vector<16xi32>
      %add3A_203 = arith.addi %and3A_9, %add3A_202 : vector<16xi32>
      %select_n3A_204 = arith.select %lt3A_200, %add3A_203, %and3A_9 : vector<16xi1>, vector<16xi32>
      %broadcast_in_dim3A_205 = vector.shape_cast %select_n3A_204 : vector<16xi32> to vector<16x1xi32>
      %gather3A_206 = vector.shape_cast %broadcast_in_dim3A_205 : vector<16x1xi32> to vector<16xi32>
      %gather3A_207 = tpu.dynamic_gather %get3A_182[%gather3A_206] in [0] : vector<16xi32>, vector<16xi32> -> vector<16xi32>
      %lt3A_208 = arith.constant 0 : i32
      %lt3A_209 = vector.broadcast %lt3A_208 : i32 to vector<16xi32>
      %lt3A_210 = arith.cmpi slt, %and3A_9, %lt3A_209 : vector<16xi32>
      %add3A_211 = arith.constant 16 : i32
      %add3A_212 = vector.broadcast %add3A_211 : i32 to vector<16xi32>
      %add3A_213 = arith.addi %and3A_9, %add3A_212 : vector<16xi32>
      %select_n3A_214 = arith.select %lt3A_210, %add3A_213, %and3A_9 : vector<16xi1>, vector<16xi32>
      %broadcast_in_dim3A_215 = vector.shape_cast %select_n3A_214 : vector<16xi32> to vector<16x1xi32>
      %gather3A_216 = vector.shape_cast %broadcast_in_dim3A_215 : vector<16x1xi32> to vector<16xi32>
      %gather3A_217 = tpu.dynamic_gather %get3A_186[%gather3A_216] in [0] : vector<16xi32>, vector<16xi32> -> vector<16xi32>
      %select_n3A_218 = arith.select %eq3A_197, %gather3A_207, %gather3A_217 : vector<16xi1>, vector<16xi32>
      %eq3A_219 = arith.constant 2 : i32
      %eq3A_220 = vector.broadcast %eq3A_219 : i32 to vector<16xi32>
      %eq3A_221 = arith.cmpi eq, %shift_right_arithmetic3A_14, %eq3A_220 : vector<16xi32>
      %lt3A_222 = arith.constant 0 : i32
      %lt3A_223 = vector.broadcast %lt3A_222 : i32 to vector<16xi32>
      %lt3A_224 = arith.cmpi slt, %and3A_9, %lt3A_223 : vector<16xi32>
      %add3A_225 = arith.constant 16 : i32
      %add3A_226 = vector.broadcast %add3A_225 : i32 to vector<16xi32>
      %add3A_227 = arith.addi %and3A_9, %add3A_226 : vector<16xi32>
      %select_n3A_228 = arith.select %lt3A_224, %add3A_227, %and3A_9 : vector<16xi1>, vector<16xi32>
      %broadcast_in_dim3A_229 = vector.shape_cast %select_n3A_228 : vector<16xi32> to vector<16x1xi32>
      %gather3A_230 = vector.shape_cast %broadcast_in_dim3A_229 : vector<16x1xi32> to vector<16xi32>
      %gather3A_231 = tpu.dynamic_gather %get3A_190[%gather3A_230] in [0] : vector<16xi32>, vector<16xi32> -> vector<16xi32>
      %lt3A_232 = arith.constant 0 : i32
      %lt3A_233 = vector.broadcast %lt3A_232 : i32 to vector<16xi32>
      %lt3A_234 = arith.cmpi slt, %and3A_9, %lt3A_233 : vector<16xi32>
      %add3A_235 = arith.constant 16 : i32
      %add3A_236 = vector.broadcast %add3A_235 : i32 to vector<16xi32>
      %add3A_237 = arith.addi %and3A_9, %add3A_236 : vector<16xi32>
      %select_n3A_238 = arith.select %lt3A_234, %add3A_237, %and3A_9 : vector<16xi1>, vector<16xi32>
      %broadcast_in_dim3A_239 = vector.shape_cast %select_n3A_238 : vector<16xi32> to vector<16x1xi32>
      %gather3A_240 = vector.shape_cast %broadcast_in_dim3A_239 : vector<16x1xi32> to vector<16xi32>
      %gather3A_241 = tpu.dynamic_gather %get3A_194[%gather3A_240] in [0] : vector<16xi32>, vector<16xi32> -> vector<16xi32>
      %select_n3A_242 = arith.select %eq3A_221, %gather3A_231, %gather3A_241 : vector<16xi1>, vector<16xi32>
      %lt3A_243 = arith.constant 2 : i32
      %lt3A_244 = vector.broadcast %lt3A_243 : i32 to vector<16xi32>
      %lt3A_245 = arith.cmpi slt, %shift_right_arithmetic3A_14, %lt3A_244 : vector<16xi32>
      %select_n3A_246 = arith.select %lt3A_245, %select_n3A_218, %select_n3A_242 : vector<16xi1>, vector<16xi32>
      %mul3A_247 = arith.constant 32 : i32
      %mul3A_248 = arith.muli %add3A_178, %mul3A_247 : i32
      %swap3A_249 = arith.index_cast %mul3A_248 : i32 to index
      %swap3A_250 = tpu.vector_load %arg8[%swap3A_249] {strides = array<i32>} : memref<16384xi32, #tpu.memory_space<vmem>>, vector<16xi32>,
      %swap3A_251 = vector.shape_cast %swap3A_250 : vector<16xi32> to vector<16xi32>
      %swap3A_252 = vector.shape_cast %select_n3A_246 : vector<16xi32> to vector<16xi32>
      tpu.vector_store %arg8[%swap3A_249], %swap3A_252 {strides = array<i32>} : memref<16384xi32, #tpu.memory_space<vmem>>, vector<16xi32>,
      %eq3A_253 = arith.constant 0 : i32
      %eq3A_254 = vector.broadcast %eq3A_253 : i32 to vector<16xi32>
      %eq3A_255 = arith.cmpi eq, %shift_right_arithmetic3A_17, %eq3A_254 : vector<16xi32>
      %lt3A_256 = arith.constant 0 : i32
      %lt3A_257 = vector.broadcast %lt3A_256 : i32 to vector<16xi32>
      %lt3A_258 = arith.cmpi slt, %and3A_12, %lt3A_257 : vector<16xi32>
      %add3A_259 = arith.constant 16 : i32
      %add3A_260 = vector.broadcast %add3A_259 : i32 to vector<16xi32>
      %add3A_261 = arith.addi %and3A_12, %add3A_260 : vector<16xi32>
      %select_n3A_262 = arith.select %lt3A_258, %add3A_261, %and3A_12 : vector<16xi1>, vector<16xi32>
      %broadcast_in_dim3A_263 = vector.shape_cast %select_n3A_262 : vector<16xi32> to vector<16x1xi32>
      %gather3A_264 = vector.shape_cast %broadcast_in_dim3A_263 : vector<16x1xi32> to vector<16xi32>
      %gather3A_265 = tpu.dynamic_gather %get3A_182[%gather3A_264] in [0] : vector<16xi32>, vector<16xi32> -> vector<16xi32>
      %lt3A_266 = arith.constant 0 : i32
      %lt3A_267 = vector.broadcast %lt3A_266 : i32 to vector<16xi32>
      %lt3A_268 = arith.cmpi slt, %and3A_12, %lt3A_267 : vector<16xi32>
      %add3A_269 = arith.constant 16 : i32
      %add3A_270 = vector.broadcast %add3A_269 : i32 to vector<16xi32>
      %add3A_271 = arith.addi %and3A_12, %add3A_270 : vector<16xi32>
      %select_n3A_272 = arith.select %lt3A_268, %add3A_271, %and3A_12 : vector<16xi1>, vector<16xi32>
      %broadcast_in_dim3A_273 = vector.shape_cast %select_n3A_272 : vector<16xi32> to vector<16x1xi32>
      %gather3A_274 = vector.shape_cast %broadcast_in_dim3A_273 : vector<16x1xi32> to vector<16xi32>
      %gather3A_275 = tpu.dynamic_gather %get3A_186[%gather3A_274] in [0] : vector<16xi32>, vector<16xi32> -> vector<16xi32>
      %select_n3A_276 = arith.select %eq3A_255, %gather3A_265, %gather3A_275 : vector<16xi1>, vector<16xi32>
      %eq3A_277 = arith.constant 2 : i32
      %eq3A_278 = vector.broadcast %eq3A_277 : i32 to vector<16xi32>
      %eq3A_279 = arith.cmpi eq, %shift_right_arithmetic3A_17, %eq3A_278 : vector<16xi32>
      %lt3A_280 = arith.constant 0 : i32
      %lt3A_281 = vector.broadcast %lt3A_280 : i32 to vector<16xi32>
      %lt3A_282 = arith.cmpi slt, %and3A_12, %lt3A_281 : vector<16xi32>
      %add3A_283 = arith.constant 16 : i32
      %add3A_284 = vector.broadcast %add3A_283 : i32 to vector<16xi32>
      %add3A_285 = arith.addi %and3A_12, %add3A_284 : vector<16xi32>
      %select_n3A_286 = arith.select %lt3A_282, %add3A_285, %and3A_12 : vector<16xi1>, vector<16xi32>
      %broadcast_in_dim3A_287 = vector.shape_cast %select_n3A_286 : vector<16xi32> to vector<16x1xi32>
      %gather3A_288 = vector.shape_cast %broadcast_in_dim3A_287 : vector<16x1xi32> to vector<16xi32>
      %gather3A_289 = tpu.dynamic_gather %get3A_190[%gather3A_288] in [0] : vector<16xi32>, vector<16xi32> -> vector<16xi32>
      %lt3A_290 = arith.constant 0 : i32
      %lt3A_291 = vector.broadcast %lt3A_290 : i32 to vector<16xi32>
      %lt3A_292 = arith.cmpi slt, %and3A_12, %lt3A_291 : vector<16xi32>
      %add3A_293 = arith.constant 16 : i32
      %add3A_294 = vector.broadcast %add3A_293 : i32 to vector<16xi32>
      %add3A_295 = arith.addi %and3A_12, %add3A_294 : vector<16xi32>
      %select_n3A_296 = arith.select %lt3A_292, %add3A_295, %and3A_12 : vector<16xi1>, vector<16xi32>
      %broadcast_in_dim3A_297 = vector.shape_cast %select_n3A_296 : vector<16xi32> to vector<16x1xi32>
      %gather3A_298 = vector.shape_cast %broadcast_in_dim3A_297 : vector<16x1xi32> to vector<16xi32>
      %gather3A_299 = tpu.dynamic_gather %get3A_194[%gather3A_298] in [0] : vector<16xi32>, vector<16xi32> -> vector<16xi32>
      %select_n3A_300 = arith.select %eq3A_279, %gather3A_289, %gather3A_299 : vector<16xi1>, vector<16xi32>
      %lt3A_301 = arith.constant 2 : i32
      %lt3A_302 = vector.broadcast %lt3A_301 : i32 to vector<16xi32>
      %lt3A_303 = arith.cmpi slt, %shift_right_arithmetic3A_17, %lt3A_302 : vector<16xi32>
      %select_n3A_304 = arith.select %lt3A_303, %select_n3A_276, %select_n3A_300 : vector<16xi1>, vector<16xi32>
      %mul3A_305 = arith.constant 32 : i32
      %mul3A_306 = arith.muli %add3A_178, %mul3A_305 : i32
      %add3A_307 = arith.constant 16 : i32
      %add3A_308 = arith.addi %mul3A_306, %add3A_307 : i32
      %swap3A_309 = arith.index_cast %add3A_308 : i32 to index
      %swap3A_310 = tpu.vector_load %arg8[%swap3A_309] {strides = array<i32>} : memref<16384xi32, #tpu.memory_space<vmem>>, vector<16xi32>,
      %swap3A_311 = vector.shape_cast %swap3A_310 : vector<16xi32> to vector<16xi32>
      %swap3A_312 = vector.shape_cast %select_n3A_304 : vector<16xi32> to vector<16xi32>
      tpu.vector_store %arg8[%swap3A_309], %swap3A_312 {strides = array<i32>} : memref<16384xi32, #tpu.memory_space<vmem>>, vector<16xi32>,
      %mul3A_313 = arith.constant 16 : i32
      %mul3A_314 = arith.muli %scan3A_31, %mul3A_313 : i32
      %add3A_315 = arith.constant 2 : i32
      %add3A_316 = arith.addi %mul3A_314, %add3A_315 : i32
      %get3A_317 = arith.index_cast %add3A_316 : i32 to index
      %get3A_318 = arith.constant 0 : index
      %get3A_319 = tpu.vector_load %arg7[%get3A_317, %get3A_318] {strides = array<i32>} : memref<512x64xi32, #tpu.memory_space<vmem>>, vector<1x16xi32>,
      %get3A_320 = vector.shape_cast %get3A_319 : vector<1x16xi32> to vector<16xi32>
      %get3A_321 = arith.index_cast %add3A_316 : i32 to index
      %get3A_322 = arith.constant 16 : index
      %get3A_323 = tpu.vector_load %arg7[%get3A_321, %get3A_322] {strides = array<i32>} : memref<512x64xi32, #tpu.memory_space<vmem>>, vector<1x16xi32>,
      %get3A_324 = vector.shape_cast %get3A_323 : vector<1x16xi32> to vector<16xi32>
      %get3A_325 = arith.index_cast %add3A_316 : i32 to index
      %get3A_326 = arith.constant 32 : index
      %get3A_327 = tpu.vector_load %arg7[%get3A_325, %get3A_326] {strides = array<i32>} : memref<512x64xi32, #tpu.memory_space<vmem>>, vector<1x16xi32>,
      %get3A_328 = vector.shape_cast %get3A_327 : vector<1x16xi32> to vector<16xi32>
      %get3A_329 = arith.index_cast %add3A_316 : i32 to index
      %get3A_330 = arith.constant 48 : index
      %get3A_331 = tpu.vector_load %arg7[%get3A_329, %get3A_330] {strides = array<i32>} : memref<512x64xi32, #tpu.memory_space<vmem>>, vector<1x16xi32>,
      %get3A_332 = vector.shape_cast %get3A_331 : vector<1x16xi32> to vector<16xi32>
      %eq3A_333 = arith.constant 0 : i32
      %eq3A_334 = vector.broadcast %eq3A_333 : i32 to vector<16xi32>
      %eq3A_335 = arith.cmpi eq, %shift_right_arithmetic3A_14, %eq3A_334 : vector<16xi32>
      %lt3A_336 = arith.constant 0 : i32
      %lt3A_337 = vector.broadcast %lt3A_336 : i32 to vector<16xi32>
      %lt3A_338 = arith.cmpi slt, %and3A_9, %lt3A_337 : vector<16xi32>
      %add3A_339 = arith.constant 16 : i32
      %add3A_340 = vector.broadcast %add3A_339 : i32 to vector<16xi32>
      %add3A_341 = arith.addi %and3A_9, %add3A_340 : vector<16xi32>
      %select_n3A_342 = arith.select %lt3A_338, %add3A_341, %and3A_9 : vector<16xi1>, vector<16xi32>
      %broadcast_in_dim3A_343 = vector.shape_cast %select_n3A_342 : vector<16xi32> to vector<16x1xi32>
      %gather3A_344 = vector.shape_cast %broadcast_in_dim3A_343 : vector<16x1xi32> to vector<16xi32>
      %gather3A_345 = tpu.dynamic_gather %get3A_320[%gather3A_344] in [0] : vector<16xi32>, vector<16xi32> -> vector<16xi32>
      %lt3A_346 = arith.constant 0 : i32
      %lt3A_347 = vector.broadcast %lt3A_346 : i32 to vector<16xi32>
      %lt3A_348 = arith.cmpi slt, %and3A_9, %lt3A_347 : vector<16xi32>
      %add3A_349 = arith.constant 16 : i32
      %add3A_350 = vector.broadcast %add3A_349 : i32 to vector<16xi32>
      %add3A_351 = arith.addi %and3A_9, %add3A_350 : vector<16xi32>
      %select_n3A_352 = arith.select %lt3A_348, %add3A_351, %and3A_9 : vector<16xi1>, vector<16xi32>
      %broadcast_in_dim3A_353 = vector.shape_cast %select_n3A_352 : vector<16xi32> to vector<16x1xi32>
      %gather3A_354 = vector.shape_cast %broadcast_in_dim3A_353 : vector<16x1xi32> to vector<16xi32>
      %gather3A_355 = tpu.dynamic_gather %get3A_324[%gather3A_354] in [0] : vector<16xi32>, vector<16xi32> -> vector<16xi32>
      %select_n3A_356 = arith.select %eq3A_335, %gather3A_345, %gather3A_355 : vector<16xi1>, vector<16xi32>
      %eq3A_357 = arith.constant 2 : i32
      %eq3A_358 = vector.broadcast %eq3A_357 : i32 to vector<16xi32>
      %eq3A_359 = arith.cmpi eq, %shift_right_arithmetic3A_14, %eq3A_358 : vector<16xi32>
      %lt3A_360 = arith.constant 0 : i32
      %lt3A_361 = vector.broadcast %lt3A_360 : i32 to vector<16xi32>
      %lt3A_362 = arith.cmpi slt, %and3A_9, %lt3A_361 : vector<16xi32>
      %add3A_363 = arith.constant 16 : i32
      %add3A_364 = vector.broadcast %add3A_363 : i32 to vector<16xi32>
      %add3A_365 = arith.addi %and3A_9, %add3A_364 : vector<16xi32>
      %select_n3A_366 = arith.select %lt3A_362, %add3A_365, %and3A_9 : vector<16xi1>, vector<16xi32>
      %broadcast_in_dim3A_367 = vector.shape_cast %select_n3A_366 : vector<16xi32> to vector<16x1xi32>
      %gather3A_368 = vector.shape_cast %broadcast_in_dim3A_367 : vector<16x1xi32> to vector<16xi32>
      %gather3A_369 = tpu.dynamic_gather %get3A_328[%gather3A_368] in [0] : vector<16xi32>, vector<16xi32> -> vector<16xi32>
      %lt3A_370 = arith.constant 0 : i32
      %lt3A_371 = vector.broadcast %lt3A_370 : i32 to vector<16xi32>
      %lt3A_372 = arith.cmpi slt, %and3A_9, %lt3A_371 : vector<16xi32>
      %add3A_373 = arith.constant 16 : i32
      %add3A_374 = vector.broadcast %add3A_373 : i32 to vector<16xi32>
      %add3A_375 = arith.addi %and3A_9, %add3A_374 : vector<16xi32>
      %select_n3A_376 = arith.select %lt3A_372, %add3A_375, %and3A_9 : vector<16xi1>, vector<16xi32>
      %broadcast_in_dim3A_377 = vector.shape_cast %select_n3A_376 : vector<16xi32> to vector<16x1xi32>
      %gather3A_378 = vector.shape_cast %broadcast_in_dim3A_377 : vector<16x1xi32> to vector<16xi32>
      %gather3A_379 = tpu.dynamic_gather %get3A_332[%gather3A_378] in [0] : vector<16xi32>, vector<16xi32> -> vector<16xi32>
      %select_n3A_380 = arith.select %eq3A_359, %gather3A_369, %gather3A_379 : vector<16xi1>, vector<16xi32>
      %lt3A_381 = arith.constant 2 : i32
      %lt3A_382 = vector.broadcast %lt3A_381 : i32 to vector<16xi32>
      %lt3A_383 = arith.cmpi slt, %shift_right_arithmetic3A_14, %lt3A_382 : vector<16xi32>
      %select_n3A_384 = arith.select %lt3A_383, %select_n3A_356, %select_n3A_380 : vector<16xi1>, vector<16xi32>
      %mul3A_385 = arith.constant 32 : i32
      %mul3A_386 = arith.muli %add3A_316, %mul3A_385 : i32
      %swap3A_387 = arith.index_cast %mul3A_386 : i32 to index
      %swap3A_388 = tpu.vector_load %arg8[%swap3A_387] {strides = array<i32>} : memref<16384xi32, #tpu.memory_space<vmem>>, vector<16xi32>,
      %swap3A_389 = vector.shape_cast %swap3A_388 : vector<16xi32> to vector<16xi32>
      %swap3A_390 = vector.shape_cast %select_n3A_384 : vector<16xi32> to vector<16xi32>
      tpu.vector_store %arg8[%swap3A_387], %swap3A_390 {strides = array<i32>} : memref<16384xi32, #tpu.memory_space<vmem>>, vector<16xi32>,
      %eq3A_391 = arith.constant 0 : i32
      %eq3A_392 = vector.broadcast %eq3A_391 : i32 to vector<16xi32>
      %eq3A_393 = arith.cmpi eq, %shift_right_arithmetic3A_17, %eq3A_392 : vector<16xi32>
      %lt3A_394 = arith.constant 0 : i32
      %lt3A_395 = vector.broadcast %lt3A_394 : i32 to vector<16xi32>
      %lt3A_396 = arith.cmpi slt, %and3A_12, %lt3A_395 : vector<16xi32>
      %add3A_397 = arith.constant 16 : i32
      %add3A_398 = vector.broadcast %add3A_397 : i32 to vector<16xi32>
      %add3A_399 = arith.addi %and3A_12, %add3A_398 : vector<16xi32>
      %select_n3A_400 = arith.select %lt3A_396, %add3A_399, %and3A_12 : vector<16xi1>, vector<16xi32>
      %broadcast_in_dim3A_401 = vector.shape_cast %select_n3A_400 : vector<16xi32> to vector<16x1xi32>
      %gather3A_402 = vector.shape_cast %broadcast_in_dim3A_401 : vector<16x1xi32> to vector<16xi32>
      %gather3A_403 = tpu.dynamic_gather %get3A_320[%gather3A_402] in [0] : vector<16xi32>, vector<16xi32> -> vector<16xi32>
      %lt3A_404 = arith.constant 0 : i32
      %lt3A_405 = vector.broadcast %lt3A_404 : i32 to vector<16xi32>
      %lt3A_406 = arith.cmpi slt, %and3A_12, %lt3A_405 : vector<16xi32>
      %add3A_407 = arith.constant 16 : i32
      %add3A_408 = vector.broadcast %add3A_407 : i32 to vector<16xi32>
      %add3A_409 = arith.addi %and3A_12, %add3A_408 : vector<16xi32>
      %select_n3A_410 = arith.select %lt3A_406, %add3A_409, %and3A_12 : vector<16xi1>, vector<16xi32>
      %broadcast_in_dim3A_411 = vector.shape_cast %select_n3A_410 : vector<16xi32> to vector<16x1xi32>
      %gather3A_412 = vector.shape_cast %broadcast_in_dim3A_411 : vector<16x1xi32> to vector<16xi32>
      %gather3A_413 = tpu.dynamic_gather %get3A_324[%gather3A_412] in [0] : vector<16xi32>, vector<16xi32> -> vector<16xi32>
      %select_n3A_414 = arith.select %eq3A_393, %gather3A_403, %gather3A_413 : vector<16xi1>, vector<16xi32>
      %eq3A_415 = arith.constant 2 : i32
      %eq3A_416 = vector.broadcast %eq3A_415 : i32 to vector<16xi32>
      %eq3A_417 = arith.cmpi eq, %shift_right_arithmetic3A_17, %eq3A_416 : vector<16xi32>
      %lt3A_418 = arith.constant 0 : i32
      %lt3A_419 = vector.broadcast %lt3A_418 : i32 to vector<16xi32>
      %lt3A_420 = arith.cmpi slt, %and3A_12, %lt3A_419 : vector<16xi32>
      %add3A_421 = arith.constant 16 : i32
      %add3A_422 = vector.broadcast %add3A_421 : i32 to vector<16xi32>
      %add3A_423 = arith.addi %and3A_12, %add3A_422 : vector<16xi32>
      %select_n3A_424 = arith.select %lt3A_420, %add3A_423, %and3A_12 : vector<16xi1>, vector<16xi32>
      %broadcast_in_dim3A_425 = vector.shape_cast %select_n3A_424 : vector<16xi32> to vector<16x1xi32>
      %gather3A_426 = vector.shape_cast %broadcast_in_dim3A_425 : vector<16x1xi32> to vector<16xi32>
      %gather3A_427 = tpu.dynamic_gather %get3A_328[%gather3A_426] in [0] : vector<16xi32>, vector<16xi32> -> vector<16xi32>
      %lt3A_428 = arith.constant 0 : i32
      %lt3A_429 = vector.broadcast %lt3A_428 : i32 to vector<16xi32>
      %lt3A_430 = arith.cmpi slt, %and3A_12, %lt3A_429 : vector<16xi32>
      %add3A_431 = arith.constant 16 : i32
      %add3A_432 = vector.broadcast %add3A_431 : i32 to vector<16xi32>
      %add3A_433 = arith.addi %and3A_12, %add3A_432 : vector<16xi32>
      %select_n3A_434 = arith.select %lt3A_430, %add3A_433, %and3A_12 : vector<16xi1>, vector<16xi32>
      %broadcast_in_dim3A_435 = vector.shape_cast %select_n3A_434 : vector<16xi32> to vector<16x1xi32>
      %gather3A_436 = vector.shape_cast %broadcast_in_dim3A_435 : vector<16x1xi32> to vector<16xi32>
      %gather3A_437 = tpu.dynamic_gather %get3A_332[%gather3A_436] in [0] : vector<16xi32>, vector<16xi32> -> vector<16xi32>
      %select_n3A_438 = arith.select %eq3A_417, %gather3A_427, %gather3A_437 : vector<16xi1>, vector<16xi32>
      %lt3A_439 = arith.constant 2 : i32
      %lt3A_440 = vector.broadcast %lt3A_439 : i32 to vector<16xi32>
      %lt3A_441 = arith.cmpi slt, %shift_right_arithmetic3A_17, %lt3A_440 : vector<16xi32>
      %select_n3A_442 = arith.select %lt3A_441, %select_n3A_414, %select_n3A_438 : vector<16xi1>, vector<16xi32>
      %mul3A_443 = arith.constant 32 : i32
      %mul3A_444 = arith.muli %add3A_316, %mul3A_443 : i32
      %add3A_445 = arith.constant 16 : i32
      %add3A_446 = arith.addi %mul3A_444, %add3A_445 : i32
      %swap3A_447 = arith.index_cast %add3A_446 : i32 to index
      %swap3A_448 = tpu.vector_load %arg8[%swap3A_447] {strides = array<i32>} : memref<16384xi32, #tpu.memory_space<vmem>>, vector<16xi32>,
      %swap3A_449 = vector.shape_cast %swap3A_448 : vector<16xi32> to vector<16xi32>
      %swap3A_450 = vector.shape_cast %select_n3A_442 : vector<16xi32> to vector<16xi32>
      tpu.vector_store %arg8[%swap3A_447], %swap3A_450 {strides = array<i32>} : memref<16384xi32, #tpu.memory_space<vmem>>, vector<16xi32>,
      %mul3A_451 = arith.constant 16 : i32
      %mul3A_452 = arith.muli %scan3A_31, %mul3A_451 : i32
      %add3A_453 = arith.constant 3 : i32
      %add3A_454 = arith.addi %mul3A_452, %add3A_453 : i32
      %get3A_455 = arith.index_cast %add3A_454 : i32 to index
      %get3A_456 = arith.constant 0 : index
      %get3A_457 = tpu.vector_load %arg7[%get3A_455, %get3A_456] {strides = array<i32>} : memref<512x64xi32, #tpu.memory_space<vmem>>, vector<1x16xi32>,
      %get3A_458 = vector.shape_cast %get3A_457 : vector<1x16xi32> to vector<16xi32>
      %get3A_459 = arith.index_cast %add3A_454 : i32 to index
      %get3A_460 = arith.constant 16 : index
      %get3A_461 = tpu.vector_load %arg7[%get3A_459, %get3A_460] {strides = array<i32>} : memref<512x64xi32, #tpu.memory_space<vmem>>, vector<1x16xi32>,
      %get3A_462 = vector.shape_cast %get3A_461 : vector<1x16xi32> to vector<16xi32>
      %get3A_463 = arith.index_cast %add3A_454 : i32 to index
      %get3A_464 = arith.constant 32 : index
      %get3A_465 = tpu.vector_load %arg7[%get3A_463, %get3A_464] {strides = array<i32>} : memref<512x64xi32, #tpu.memory_space<vmem>>, vector<1x16xi32>,
      %get3A_466 = vector.shape_cast %get3A_465 : vector<1x16xi32> to vector<16xi32>
      %get3A_467 = arith.index_cast %add3A_454 : i32 to index
      %get3A_468 = arith.constant 48 : index
      %get3A_469 = tpu.vector_load %arg7[%get3A_467, %get3A_468] {strides = array<i32>} : memref<512x64xi32, #tpu.memory_space<vmem>>, vector<1x16xi32>,
      %get3A_470 = vector.shape_cast %get3A_469 : vector<1x16xi32> to vector<16xi32>
      %eq3A_471 = arith.constant 0 : i32
      %eq3A_472 = vector.broadcast %eq3A_471 : i32 to vector<16xi32>
      %eq3A_473 = arith.cmpi eq, %shift_right_arithmetic3A_14, %eq3A_472 : vector<16xi32>
      %lt3A_474 = arith.constant 0 : i32
      %lt3A_475 = vector.broadcast %lt3A_474 : i32 to vector<16xi32>
      %lt3A_476 = arith.cmpi slt, %and3A_9, %lt3A_475 : vector<16xi32>
      %add3A_477 = arith.constant 16 : i32
      %add3A_478 = vector.broadcast %add3A_477 : i32 to vector<16xi32>
      %add3A_479 = arith.addi %and3A_9, %add3A_478 : vector<16xi32>
      %select_n3A_480 = arith.select %lt3A_476, %add3A_479, %and3A_9 : vector<16xi1>, vector<16xi32>
      %broadcast_in_dim3A_481 = vector.shape_cast %select_n3A_480 : vector<16xi32> to vector<16x1xi32>
      %gather3A_482 = vector.shape_cast %broadcast_in_dim3A_481 : vector<16x1xi32> to vector<16xi32>
      %gather3A_483 = tpu.dynamic_gather %get3A_458[%gather3A_482] in [0] : vector<16xi32>, vector<16xi32> -> vector<16xi32>
      %lt3A_484 = arith.constant 0 : i32
      %lt3A_485 = vector.broadcast %lt3A_484 : i32 to vector<16xi32>
      %lt3A_486 = arith.cmpi slt, %and3A_9, %lt3A_485 : vector<16xi32>
      %add3A_487 = arith.constant 16 : i32
      %add3A_488 = vector.broadcast %add3A_487 : i32 to vector<16xi32>
      %add3A_489 = arith.addi %and3A_9, %add3A_488 : vector<16xi32>
      %select_n3A_490 = arith.select %lt3A_486, %add3A_489, %and3A_9 : vector<16xi1>, vector<16xi32>
      %broadcast_in_dim3A_491 = vector.shape_cast %select_n3A_490 : vector<16xi32> to vector<16x1xi32>
      %gather3A_492 = vector.shape_cast %broadcast_in_dim3A_491 : vector<16x1xi32> to vector<16xi32>
      %gather3A_493 = tpu.dynamic_gather %get3A_462[%gather3A_492] in [0] : vector<16xi32>, vector<16xi32> -> vector<16xi32>
      %select_n3A_494 = arith.select %eq3A_473, %gather3A_483, %gather3A_493 : vector<16xi1>, vector<16xi32>
      %eq3A_495 = arith.constant 2 : i32
      %eq3A_496 = vector.broadcast %eq3A_495 : i32 to vector<16xi32>
      %eq3A_497 = arith.cmpi eq, %shift_right_arithmetic3A_14, %eq3A_496 : vector<16xi32>
      %lt3A_498 = arith.constant 0 : i32
      %lt3A_499 = vector.broadcast %lt3A_498 : i32 to vector<16xi32>
      %lt3A_500 = arith.cmpi slt, %and3A_9, %lt3A_499 : vector<16xi32>
      %add3A_501 = arith.constant 16 : i32
      %add3A_502 = vector.broadcast %add3A_501 : i32 to vector<16xi32>
      %add3A_503 = arith.addi %and3A_9, %add3A_502 : vector<16xi32>
      %select_n3A_504 = arith.select %lt3A_500, %add3A_503, %and3A_9 : vector<16xi1>, vector<16xi32>
      %broadcast_in_dim3A_505 = vector.shape_cast %select_n3A_504 : vector<16xi32> to vector<16x1xi32>
      %gather3A_506 = vector.shape_cast %broadcast_in_dim3A_505 : vector<16x1xi32> to vector<16xi32>
      %gather3A_507 = tpu.dynamic_gather %get3A_466[%gather3A_506] in [0] : vector<16xi32>, vector<16xi32> -> vector<16xi32>
      %lt3A_508 = arith.constant 0 : i32
      %lt3A_509 = vector.broadcast %lt3A_508 : i32 to vector<16xi32>
      %lt3A_510 = arith.cmpi slt, %and3A_9, %lt3A_509 : vector<16xi32>
      %add3A_511 = arith.constant 16 : i32
      %add3A_512 = vector.broadcast %add3A_511 : i32 to vector<16xi32>
      %add3A_513 = arith.addi %and3A_9, %add3A_512 : vector<16xi32>
      %select_n3A_514 = arith.select %lt3A_510, %add3A_513, %and3A_9 : vector<16xi1>, vector<16xi32>
      %broadcast_in_dim3A_515 = vector.shape_cast %select_n3A_514 : vector<16xi32> to vector<16x1xi32>
      %gather3A_516 = vector.shape_cast %broadcast_in_dim3A_515 : vector<16x1xi32> to vector<16xi32>
      %gather3A_517 = tpu.dynamic_gather %get3A_470[%gather3A_516] in [0] : vector<16xi32>, vector<16xi32> -> vector<16xi32>
      %select_n3A_518 = arith.select %eq3A_497, %gather3A_507, %gather3A_517 : vector<16xi1>, vector<16xi32>
      %lt3A_519 = arith.constant 2 : i32
      %lt3A_520 = vector.broadcast %lt3A_519 : i32 to vector<16xi32>
      %lt3A_521 = arith.cmpi slt, %shift_right_arithmetic3A_14, %lt3A_520 : vector<16xi32>
      %select_n3A_522 = arith.select %lt3A_521, %select_n3A_494, %select_n3A_518 : vector<16xi1>, vector<16xi32>
      %mul3A_523 = arith.constant 32 : i32
      %mul3A_524 = arith.muli %add3A_454, %mul3A_523 : i32
      %swap3A_525 = arith.index_cast %mul3A_524 : i32 to index
      %swap3A_526 = tpu.vector_load %arg8[%swap3A_525] {strides = array<i32>} : memref<16384xi32, #tpu.memory_space<vmem>>, vector<16xi32>,
      %swap3A_527 = vector.shape_cast %swap3A_526 : vector<16xi32> to vector<16xi32>
      %swap3A_528 = vector.shape_cast %select_n3A_522 : vector<16xi32> to vector<16xi32>
      tpu.vector_store %arg8[%swap3A_525], %swap3A_528 {strides = array<i32>} : memref<16384xi32, #tpu.memory_space<vmem>>, vector<16xi32>,
      %eq3A_529 = arith.constant 0 : i32
      %eq3A_530 = vector.broadcast %eq3A_529 : i32 to vector<16xi32>
      %eq3A_531 = arith.cmpi eq, %shift_right_arithmetic3A_17, %eq3A_530 : vector<16xi32>
      %lt3A_532 = arith.constant 0 : i32
      %lt3A_533 = vector.broadcast %lt3A_532 : i32 to vector<16xi32>
      %lt3A_534 = arith.cmpi slt, %and3A_12, %lt3A_533 : vector<16xi32>
      %add3A_535 = arith.constant 16 : i32
      %add3A_536 = vector.broadcast %add3A_535 : i32 to vector<16xi32>
      %add3A_537 = arith.addi %and3A_12, %add3A_536 : vector<16xi32>
      %select_n3A_538 = arith.select %lt3A_534, %add3A_537, %and3A_12 : vector<16xi1>, vector<16xi32>
      %broadcast_in_dim3A_539 = vector.shape_cast %select_n3A_538 : vector<16xi32> to vector<16x1xi32>
      %gather3A_540 = vector.shape_cast %broadcast_in_dim3A_539 : vector<16x1xi32> to vector<16xi32>
      %gather3A_541 = tpu.dynamic_gather %get3A_458[%gather3A_540] in [0] : vector<16xi32>, vector<16xi32> -> vector<16xi32>
      %lt3A_542 = arith.constant 0 : i32
      %lt3A_543 = vector.broadcast %lt3A_542 : i32 to vector<16xi32>
      %lt3A_544 = arith.cmpi slt, %and3A_12, %lt3A_543 : vector<16xi32>
      %add3A_545 = arith.constant 16 : i32
      %add3A_546 = vector.broadcast %add3A_545 : i32 to vector<16xi32>
      %add3A_547 = arith.addi %and3A_12, %add3A_546 : vector<16xi32>
      %select_n3A_548 = arith.select %lt3A_544, %add3A_547, %and3A_12 : vector<16xi1>, vector<16xi32>
      %broadcast_in_dim3A_549 = vector.shape_cast %select_n3A_548 : vector<16xi32> to vector<16x1xi32>
      %gather3A_550 = vector.shape_cast %broadcast_in_dim3A_549 : vector<16x1xi32> to vector<16xi32>
      %gather3A_551 = tpu.dynamic_gather %get3A_462[%gather3A_550] in [0] : vector<16xi32>, vector<16xi32> -> vector<16xi32>
      %select_n3A_552 = arith.select %eq3A_531, %gather3A_541, %gather3A_551 : vector<16xi1>, vector<16xi32>
      %eq3A_553 = arith.constant 2 : i32
      %eq3A_554 = vector.broadcast %eq3A_553 : i32 to vector<16xi32>
      %eq3A_555 = arith.cmpi eq, %shift_right_arithmetic3A_17, %eq3A_554 : vector<16xi32>
      %lt3A_556 = arith.constant 0 : i32
      %lt3A_557 = vector.broadcast %lt3A_556 : i32 to vector<16xi32>
      %lt3A_558 = arith.cmpi slt, %and3A_12, %lt3A_557 : vector<16xi32>
      %add3A_559 = arith.constant 16 : i32
      %add3A_560 = vector.broadcast %add3A_559 : i32 to vector<16xi32>
      %add3A_561 = arith.addi %and3A_12, %add3A_560 : vector<16xi32>
      %select_n3A_562 = arith.select %lt3A_558, %add3A_561, %and3A_12 : vector<16xi1>, vector<16xi32>
      %broadcast_in_dim3A_563 = vector.shape_cast %select_n3A_562 : vector<16xi32> to vector<16x1xi32>
      %gather3A_564 = vector.shape_cast %broadcast_in_dim3A_563 : vector<16x1xi32> to vector<16xi32>
      %gather3A_565 = tpu.dynamic_gather %get3A_466[%gather3A_564] in [0] : vector<16xi32>, vector<16xi32> -> vector<16xi32>
      %lt3A_566 = arith.constant 0 : i32
      %lt3A_567 = vector.broadcast %lt3A_566 : i32 to vector<16xi32>
      %lt3A_568 = arith.cmpi slt, %and3A_12, %lt3A_567 : vector<16xi32>
      %add3A_569 = arith.constant 16 : i32
      %add3A_570 = vector.broadcast %add3A_569 : i32 to vector<16xi32>
      %add3A_571 = arith.addi %and3A_12, %add3A_570 : vector<16xi32>
      %select_n3A_572 = arith.select %lt3A_568, %add3A_571, %and3A_12 : vector<16xi1>, vector<16xi32>
      %broadcast_in_dim3A_573 = vector.shape_cast %select_n3A_572 : vector<16xi32> to vector<16x1xi32>
      %gather3A_574 = vector.shape_cast %broadcast_in_dim3A_573 : vector<16x1xi32> to vector<16xi32>
      %gather3A_575 = tpu.dynamic_gather %get3A_470[%gather3A_574] in [0] : vector<16xi32>, vector<16xi32> -> vector<16xi32>
      %select_n3A_576 = arith.select %eq3A_555, %gather3A_565, %gather3A_575 : vector<16xi1>, vector<16xi32>
      %lt3A_577 = arith.constant 2 : i32
      %lt3A_578 = vector.broadcast %lt3A_577 : i32 to vector<16xi32>
      %lt3A_579 = arith.cmpi slt, %shift_right_arithmetic3A_17, %lt3A_578 : vector<16xi32>
      %select_n3A_580 = arith.select %lt3A_579, %select_n3A_552, %select_n3A_576 : vector<16xi1>, vector<16xi32>
      %mul3A_581 = arith.constant 32 : i32
      %mul3A_582 = arith.muli %add3A_454, %mul3A_581 : i32
      %add3A_583 = arith.constant 16 : i32
      %add3A_584 = arith.addi %mul3A_582, %add3A_583 : i32
      %swap3A_585 = arith.index_cast %add3A_584 : i32 to index
      %swap3A_586 = tpu.vector_load %arg8[%swap3A_585] {strides = array<i32>} : memref<16384xi32, #tpu.memory_space<vmem>>, vector<16xi32>,
      %swap3A_587 = vector.shape_cast %swap3A_586 : vector<16xi32> to vector<16xi32>
      %swap3A_588 = vector.shape_cast %select_n3A_580 : vector<16xi32> to vector<16xi32>
      tpu.vector_store %arg8[%swap3A_585], %swap3A_588 {strides = array<i32>} : memref<16384xi32, #tpu.memory_space<vmem>>, vector<16xi32>,
      %mul3A_589 = arith.constant 16 : i32
      %mul3A_590 = arith.muli %scan3A_31, %mul3A_589 : i32
      %add3A_591 = arith.constant 4 : i32
      %add3A_592 = arith.addi %mul3A_590, %add3A_591 : i32
      %get3A_593 = arith.index_cast %add3A_592 : i32 to index
      %get3A_594 = arith.constant 0 : index
      %get3A_595 = tpu.vector_load %arg7[%get3A_593, %get3A_594] {strides = array<i32>} : memref<512x64xi32, #tpu.memory_space<vmem>>, vector<1x16xi32>,
      %get3A_596 = vector.shape_cast %get3A_595 : vector<1x16xi32> to vector<16xi32>
      %get3A_597 = arith.index_cast %add3A_592 : i32 to index
      %get3A_598 = arith.constant 16 : index
      %get3A_599 = tpu.vector_load %arg7[%get3A_597, %get3A_598] {strides = array<i32>} : memref<512x64xi32, #tpu.memory_space<vmem>>, vector<1x16xi32>,
      %get3A_600 = vector.shape_cast %get3A_599 : vector<1x16xi32> to vector<16xi32>
      %get3A_601 = arith.index_cast %add3A_592 : i32 to index
      %get3A_602 = arith.constant 32 : index
      %get3A_603 = tpu.vector_load %arg7[%get3A_601, %get3A_602] {strides = array<i32>} : memref<512x64xi32, #tpu.memory_space<vmem>>, vector<1x16xi32>,
      %get3A_604 = vector.shape_cast %get3A_603 : vector<1x16xi32> to vector<16xi32>
      %get3A_605 = arith.index_cast %add3A_592 : i32 to index
      %get3A_606 = arith.constant 48 : index
      %get3A_607 = tpu.vector_load %arg7[%get3A_605, %get3A_606] {strides = array<i32>} : memref<512x64xi32, #tpu.memory_space<vmem>>, vector<1x16xi32>,
      %get3A_608 = vector.shape_cast %get3A_607 : vector<1x16xi32> to vector<16xi32>
      %eq3A_609 = arith.constant 0 : i32
      %eq3A_610 = vector.broadcast %eq3A_609 : i32 to vector<16xi32>
      %eq3A_611 = arith.cmpi eq, %shift_right_arithmetic3A_14, %eq3A_610 : vector<16xi32>
      %lt3A_612 = arith.constant 0 : i32
      %lt3A_613 = vector.broadcast %lt3A_612 : i32 to vector<16xi32>
      %lt3A_614 = arith.cmpi slt, %and3A_9, %lt3A_613 : vector<16xi32>
      %add3A_615 = arith.constant 16 : i32
      %add3A_616 = vector.broadcast %add3A_615 : i32 to vector<16xi32>
      %add3A_617 = arith.addi %and3A_9, %add3A_616 : vector<16xi32>
      %select_n3A_618 = arith.select %lt3A_614, %add3A_617, %and3A_9 : vector<16xi1>, vector<16xi32>
      %broadcast_in_dim3A_619 = vector.shape_cast %select_n3A_618 : vector<16xi32> to vector<16x1xi32>
      %gather3A_620 = vector.shape_cast %broadcast_in_dim3A_619 : vector<16x1xi32> to vector<16xi32>
      %gather3A_621 = tpu.dynamic_gather %get3A_596[%gather3A_620] in [0] : vector<16xi32>, vector<16xi32> -> vector<16xi32>
      %lt3A_622 = arith.constant 0 : i32
      %lt3A_623 = vector.broadcast %lt3A_622 : i32 to vector<16xi32>
      %lt3A_624 = arith.cmpi slt, %and3A_9, %lt3A_623 : vector<16xi32>
      %add3A_625 = arith.constant 16 : i32
      %add3A_626 = vector.broadcast %add3A_625 : i32 to vector<16xi32>
      %add3A_627 = arith.addi %and3A_9, %add3A_626 : vector<16xi32>
      %select_n3A_628 = arith.select %lt3A_624, %add3A_627, %and3A_9 : vector<16xi1>, vector<16xi32>
      %broadcast_in_dim3A_629 = vector.shape_cast %select_n3A_628 : vector<16xi32> to vector<16x1xi32>
      %gather3A_630 = vector.shape_cast %broadcast_in_dim3A_629 : vector<16x1xi32> to vector<16xi32>
      %gather3A_631 = tpu.dynamic_gather %get3A_600[%gather3A_630] in [0] : vector<16xi32>, vector<16xi32> -> vector<16xi32>
      %select_n3A_632 = arith.select %eq3A_611, %gather3A_621, %gather3A_631 : vector<16xi1>, vector<16xi32>
      %eq3A_633 = arith.constant 2 : i32
      %eq3A_634 = vector.broadcast %eq3A_633 : i32 to vector<16xi32>
      %eq3A_635 = arith.cmpi eq, %shift_right_arithmetic3A_14, %eq3A_634 : vector<16xi32>
      %lt3A_636 = arith.constant 0 : i32
      %lt3A_637 = vector.broadcast %lt3A_636 : i32 to vector<16xi32>
      %lt3A_638 = arith.cmpi slt, %and3A_9, %lt3A_637 : vector<16xi32>
      %add3A_639 = arith.constant 16 : i32
      %add3A_640 = vector.broadcast %add3A_639 : i32 to vector<16xi32>
      %add3A_641 = arith.addi %and3A_9, %add3A_640 : vector<16xi32>
      %select_n3A_642 = arith.select %lt3A_638, %add3A_641, %and3A_9 : vector<16xi1>, vector<16xi32>
      %broadcast_in_dim3A_643 = vector.shape_cast %select_n3A_642 : vector<16xi32> to vector<16x1xi32>
      %gather3A_644 = vector.shape_cast %broadcast_in_dim3A_643 : vector<16x1xi32> to vector<16xi32>
      %gather3A_645 = tpu.dynamic_gather %get3A_604[%gather3A_644] in [0] : vector<16xi32>, vector<16xi32> -> vector<16xi32>
      %lt3A_646 = arith.constant 0 : i32
      %lt3A_647 = vector.broadcast %lt3A_646 : i32 to vector<16xi32>
      %lt3A_648 = arith.cmpi slt, %and3A_9, %lt3A_647 : vector<16xi32>
      %add3A_649 = arith.constant 16 : i32
      %add3A_650 = vector.broadcast %add3A_649 : i32 to vector<16xi32>
      %add3A_651 = arith.addi %and3A_9, %add3A_650 : vector<16xi32>
      %select_n3A_652 = arith.select %lt3A_648, %add3A_651, %and3A_9 : vector<16xi1>, vector<16xi32>
      %broadcast_in_dim3A_653 = vector.shape_cast %select_n3A_652 : vector<16xi32> to vector<16x1xi32>
      %gather3A_654 = vector.shape_cast %broadcast_in_dim3A_653 : vector<16x1xi32> to vector<16xi32>
      %gather3A_655 = tpu.dynamic_gather %get3A_608[%gather3A_654] in [0] : vector<16xi32>, vector<16xi32> -> vector<16xi32>
      %select_n3A_656 = arith.select %eq3A_635, %gather3A_645, %gather3A_655 : vector<16xi1>, vector<16xi32>
      %lt3A_657 = arith.constant 2 : i32
      %lt3A_658 = vector.broadcast %lt3A_657 : i32 to vector<16xi32>
      %lt3A_659 = arith.cmpi slt, %shift_right_arithmetic3A_14, %lt3A_658 : vector<16xi32>
      %select_n3A_660 = arith.select %lt3A_659, %select_n3A_632, %select_n3A_656 : vector<16xi1>, vector<16xi32>
      %mul3A_661 = arith.constant 32 : i32
      %mul3A_662 = arith.muli %add3A_592, %mul3A_661 : i32
      %swap3A_663 = arith.index_cast %mul3A_662 : i32 to index
      %swap3A_664 = tpu.vector_load %arg8[%swap3A_663] {strides = array<i32>} : memref<16384xi32, #tpu.memory_space<vmem>>, vector<16xi32>,
      %swap3A_665 = vector.shape_cast %swap3A_664 : vector<16xi32> to vector<16xi32>
      %swap3A_666 = vector.shape_cast %select_n3A_660 : vector<16xi32> to vector<16xi32>
      tpu.vector_store %arg8[%swap3A_663], %swap3A_666 {strides = array<i32>} : memref<16384xi32, #tpu.memory_space<vmem>>, vector<16xi32>,
      %eq3A_667 = arith.constant 0 : i32
      %eq3A_668 = vector.broadcast %eq3A_667 : i32 to vector<16xi32>
      %eq3A_669 = arith.cmpi eq, %shift_right_arithmetic3A_17, %eq3A_668 : vector<16xi32>
      %lt3A_670 = arith.constant 0 : i32
      %lt3A_671 = vector.broadcast %lt3A_670 : i32 to vector<16xi32>
      %lt3A_672 = arith.cmpi slt, %and3A_12, %lt3A_671 : vector<16xi32>
      %add3A_673 = arith.constant 16 : i32
      %add3A_674 = vector.broadcast %add3A_673 : i32 to vector<16xi32>
      %add3A_675 = arith.addi %and3A_12, %add3A_674 : vector<16xi32>
      %select_n3A_676 = arith.select %lt3A_672, %add3A_675, %and3A_12 : vector<16xi1>, vector<16xi32>
      %broadcast_in_dim3A_677 = vector.shape_cast %select_n3A_676 : vector<16xi32> to vector<16x1xi32>
      %gather3A_678 = vector.shape_cast %broadcast_in_dim3A_677 : vector<16x1xi32> to vector<16xi32>
      %gather3A_679 = tpu.dynamic_gather %get3A_596[%gather3A_678] in [0] : vector<16xi32>, vector<16xi32> -> vector<16xi32>
      %lt3A_680 = arith.constant 0 : i32
      %lt3A_681 = vector.broadcast %lt3A_680 : i32 to vector<16xi32>
      %lt3A_682 = arith.cmpi slt, %and3A_12, %lt3A_681 : vector<16xi32>
      %add3A_683 = arith.constant 16 : i32
      %add3A_684 = vector.broadcast %add3A_683 : i32 to vector<16xi32>
      %add3A_685 = arith.addi %and3A_12, %add3A_684 : vector<16xi32>
      %select_n3A_686 = arith.select %lt3A_682, %add3A_685, %and3A_12 : vector<16xi1>, vector<16xi32>
      %broadcast_in_dim3A_687 = vector.shape_cast %select_n3A_686 : vector<16xi32> to vector<16x1xi32>
      %gather3A_688 = vector.shape_cast %broadcast_in_dim3A_687 : vector<16x1xi32> to vector<16xi32>
      %gather3A_689 = tpu.dynamic_gather %get3A_600[%gather3A_688] in [0] : vector<16xi32>, vector<16xi32> -> vector<16xi32>
      %select_n3A_690 = arith.select %eq3A_669, %gather3A_679, %gather3A_689 : vector<16xi1>, vector<16xi32>
      %eq3A_691 = arith.constant 2 : i32
      %eq3A_692 = vector.broadcast %eq3A_691 : i32 to vector<16xi32>
      %eq3A_693 = arith.cmpi eq, %shift_right_arithmetic3A_17, %eq3A_692 : vector<16xi32>
      %lt3A_694 = arith.constant 0 : i32
      %lt3A_695 = vector.broadcast %lt3A_694 : i32 to vector<16xi32>
      %lt3A_696 = arith.cmpi slt, %and3A_12, %lt3A_695 : vector<16xi32>
      %add3A_697 = arith.constant 16 : i32
      %add3A_698 = vector.broadcast %add3A_697 : i32 to vector<16xi32>
      %add3A_699 = arith.addi %and3A_12, %add3A_698 : vector<16xi32>
      %select_n3A_700 = arith.select %lt3A_696, %add3A_699, %and3A_12 : vector<16xi1>, vector<16xi32>
      %broadcast_in_dim3A_701 = vector.shape_cast %select_n3A_700 : vector<16xi32> to vector<16x1xi32>
      %gather3A_702 = vector.shape_cast %broadcast_in_dim3A_701 : vector<16x1xi32> to vector<16xi32>
      %gather3A_703 = tpu.dynamic_gather %get3A_604[%gather3A_702] in [0] : vector<16xi32>, vector<16xi32> -> vector<16xi32>
      %lt3A_704 = arith.constant 0 : i32
      %lt3A_705 = vector.broadcast %lt3A_704 : i32 to vector<16xi32>
      %lt3A_706 = arith.cmpi slt, %and3A_12, %lt3A_705 : vector<16xi32>
      %add3A_707 = arith.constant 16 : i32
      %add3A_708 = vector.broadcast %add3A_707 : i32 to vector<16xi32>
      %add3A_709 = arith.addi %and3A_12, %add3A_708 : vector<16xi32>
      %select_n3A_710 = arith.select %lt3A_706, %add3A_709, %and3A_12 : vector<16xi1>, vector<16xi32>
      %broadcast_in_dim3A_711 = vector.shape_cast %select_n3A_710 : vector<16xi32> to vector<16x1xi32>
      %gather3A_712 = vector.shape_cast %broadcast_in_dim3A_711 : vector<16x1xi32> to vector<16xi32>
      %gather3A_713 = tpu.dynamic_gather %get3A_608[%gather3A_712] in [0] : vector<16xi32>, vector<16xi32> -> vector<16xi32>
      %select_n3A_714 = arith.select %eq3A_693, %gather3A_703, %gather3A_713 : vector<16xi1>, vector<16xi32>
      %lt3A_715 = arith.constant 2 : i32
      %lt3A_716 = vector.broadcast %lt3A_715 : i32 to vector<16xi32>
      %lt3A_717 = arith.cmpi slt, %shift_right_arithmetic3A_17, %lt3A_716 : vector<16xi32>
      %select_n3A_718 = arith.select %lt3A_717, %select_n3A_690, %select_n3A_714 : vector<16xi1>, vector<16xi32>
      %mul3A_719 = arith.constant 32 : i32
      %mul3A_720 = arith.muli %add3A_592, %mul3A_719 : i32
      %add3A_721 = arith.constant 16 : i32
      %add3A_722 = arith.addi %mul3A_720, %add3A_721 : i32
      %swap3A_723 = arith.index_cast %add3A_722 : i32 to index
      %swap3A_724 = tpu.vector_load %arg8[%swap3A_723] {strides = array<i32>} : memref<16384xi32, #tpu.memory_space<vmem>>, vector<16xi32>,
      %swap3A_725 = vector.shape_cast %swap3A_724 : vector<16xi32> to vector<16xi32>
      %swap3A_726 = vector.shape_cast %select_n3A_718 : vector<16xi32> to vector<16xi32>
      tpu.vector_store %arg8[%swap3A_723], %swap3A_726 {strides = array<i32>} : memref<16384xi32, #tpu.memory_space<vmem>>, vector<16xi32>,
      %mul3A_727 = arith.constant 16 : i32
      %mul3A_728 = arith.muli %scan3A_31, %mul3A_727 : i32
      %add3A_729 = arith.constant 5 : i32
      %add3A_730 = arith.addi %mul3A_728, %add3A_729 : i32
      %get3A_731 = arith.index_cast %add3A_730 : i32 to index
      %get3A_732 = arith.constant 0 : index
      %get3A_733 = tpu.vector_load %arg7[%get3A_731, %get3A_732] {strides = array<i32>} : memref<512x64xi32, #tpu.memory_space<vmem>>, vector<1x16xi32>,
      %get3A_734 = vector.shape_cast %get3A_733 : vector<1x16xi32> to vector<16xi32>
      %get3A_735 = arith.index_cast %add3A_730 : i32 to index
      %get3A_736 = arith.constant 16 : index
      %get3A_737 = tpu.vector_load %arg7[%get3A_735, %get3A_736] {strides = array<i32>} : memref<512x64xi32, #tpu.memory_space<vmem>>, vector<1x16xi32>,
      %get3A_738 = vector.shape_cast %get3A_737 : vector<1x16xi32> to vector<16xi32>
      %get3A_739 = arith.index_cast %add3A_730 : i32 to index
      %get3A_740 = arith.constant 32 : index
      %get3A_741 = tpu.vector_load %arg7[%get3A_739, %get3A_740] {strides = array<i32>} : memref<512x64xi32, #tpu.memory_space<vmem>>, vector<1x16xi32>,
      %get3A_742 = vector.shape_cast %get3A_741 : vector<1x16xi32> to vector<16xi32>
      %get3A_743 = arith.index_cast %add3A_730 : i32 to index
      %get3A_744 = arith.constant 48 : index
      %get3A_745 = tpu.vector_load %arg7[%get3A_743, %get3A_744] {strides = array<i32>} : memref<512x64xi32, #tpu.memory_space<vmem>>, vector<1x16xi32>,
      %get3A_746 = vector.shape_cast %get3A_745 : vector<1x16xi32> to vector<16xi32>
      %eq3A_747 = arith.constant 0 : i32
      %eq3A_748 = vector.broadcast %eq3A_747 : i32 to vector<16xi32>
      %eq3A_749 = arith.cmpi eq, %shift_right_arithmetic3A_14, %eq3A_748 : vector<16xi32>
      %lt3A_750 = arith.constant 0 : i32
      %lt3A_751 = vector.broadcast %lt3A_750 : i32 to vector<16xi32>
      %lt3A_752 = arith.cmpi slt, %and3A_9, %lt3A_751 : vector<16xi32>
      %add3A_753 = arith.constant 16 : i32
      %add3A_754 = vector.broadcast %add3A_753 : i32 to vector<16xi32>
      %add3A_755 = arith.addi %and3A_9, %add3A_754 : vector<16xi32>
      %select_n3A_756 = arith.select %lt3A_752, %add3A_755, %and3A_9 : vector<16xi1>, vector<16xi32>
      %broadcast_in_dim3A_757 = vector.shape_cast %select_n3A_756 : vector<16xi32> to vector<16x1xi32>
      %gather3A_758 = vector.shape_cast %broadcast_in_dim3A_757 : vector<16x1xi32> to vector<16xi32>
      %gather3A_759 = tpu.dynamic_gather %get3A_734[%gather3A_758] in [0] : vector<16xi32>, vector<16xi32> -> vector<16xi32>
      %lt3A_760 = arith.constant 0 : i32
      %lt3A_761 = vector.broadcast %lt3A_760 : i32 to vector<16xi32>
      %lt3A_762 = arith.cmpi slt, %and3A_9, %lt3A_761 : vector<16xi32>
      %add3A_763 = arith.constant 16 : i32
      %add3A_764 = vector.broadcast %add3A_763 : i32 to vector<16xi32>
      %add3A_765 = arith.addi %and3A_9, %add3A_764 : vector<16xi32>
      %select_n3A_766 = arith.select %lt3A_762, %add3A_765, %and3A_9 : vector<16xi1>, vector<16xi32>
      %broadcast_in_dim3A_767 = vector.shape_cast %select_n3A_766 : vector<16xi32> to vector<16x1xi32>
      %gather3A_768 = vector.shape_cast %broadcast_in_dim3A_767 : vector<16x1xi32> to vector<16xi32>
      %gather3A_769 = tpu.dynamic_gather %get3A_738[%gather3A_768] in [0] : vector<16xi32>, vector<16xi32> -> vector<16xi32>
      %select_n3A_770 = arith.select %eq3A_749, %gather3A_759, %gather3A_769 : vector<16xi1>, vector<16xi32>
      %eq3A_771 = arith.constant 2 : i32
      %eq3A_772 = vector.broadcast %eq3A_771 : i32 to vector<16xi32>
      %eq3A_773 = arith.cmpi eq, %shift_right_arithmetic3A_14, %eq3A_772 : vector<16xi32>
      %lt3A_774 = arith.constant 0 : i32
      %lt3A_775 = vector.broadcast %lt3A_774 : i32 to vector<16xi32>
      %lt3A_776 = arith.cmpi slt, %and3A_9, %lt3A_775 : vector<16xi32>
      %add3A_777 = arith.constant 16 : i32
      %add3A_778 = vector.broadcast %add3A_777 : i32 to vector<16xi32>
      %add3A_779 = arith.addi %and3A_9, %add3A_778 : vector<16xi32>
      %select_n3A_780 = arith.select %lt3A_776, %add3A_779, %and3A_9 : vector<16xi1>, vector<16xi32>
      %broadcast_in_dim3A_781 = vector.shape_cast %select_n3A_780 : vector<16xi32> to vector<16x1xi32>
      %gather3A_782 = vector.shape_cast %broadcast_in_dim3A_781 : vector<16x1xi32> to vector<16xi32>
      %gather3A_783 = tpu.dynamic_gather %get3A_742[%gather3A_782] in [0] : vector<16xi32>, vector<16xi32> -> vector<16xi32>
      %lt3A_784 = arith.constant 0 : i32
      %lt3A_785 = vector.broadcast %lt3A_784 : i32 to vector<16xi32>
      %lt3A_786 = arith.cmpi slt, %and3A_9, %lt3A_785 : vector<16xi32>
      %add3A_787 = arith.constant 16 : i32
      %add3A_788 = vector.broadcast %add3A_787 : i32 to vector<16xi32>
      %add3A_789 = arith.addi %and3A_9, %add3A_788 : vector<16xi32>
      %select_n3A_790 = arith.select %lt3A_786, %add3A_789, %and3A_9 : vector<16xi1>, vector<16xi32>
      %broadcast_in_dim3A_791 = vector.shape_cast %select_n3A_790 : vector<16xi32> to vector<16x1xi32>
      %gather3A_792 = vector.shape_cast %broadcast_in_dim3A_791 : vector<16x1xi32> to vector<16xi32>
      %gather3A_793 = tpu.dynamic_gather %get3A_746[%gather3A_792] in [0] : vector<16xi32>, vector<16xi32> -> vector<16xi32>
      %select_n3A_794 = arith.select %eq3A_773, %gather3A_783, %gather3A_793 : vector<16xi1>, vector<16xi32>
      %lt3A_795 = arith.constant 2 : i32
      %lt3A_796 = vector.broadcast %lt3A_795 : i32 to vector<16xi32>
      %lt3A_797 = arith.cmpi slt, %shift_right_arithmetic3A_14, %lt3A_796 : vector<16xi32>
      %select_n3A_798 = arith.select %lt3A_797, %select_n3A_770, %select_n3A_794 : vector<16xi1>, vector<16xi32>
      %mul3A_799 = arith.constant 32 : i32
      %mul3A_800 = arith.muli %add3A_730, %mul3A_799 : i32
      %swap3A_801 = arith.index_cast %mul3A_800 : i32 to index
      %swap3A_802 = tpu.vector_load %arg8[%swap3A_801] {strides = array<i32>} : memref<16384xi32, #tpu.memory_space<vmem>>, vector<16xi32>,
      %swap3A_803 = vector.shape_cast %swap3A_802 : vector<16xi32> to vector<16xi32>
      %swap3A_804 = vector.shape_cast %select_n3A_798 : vector<16xi32> to vector<16xi32>
      tpu.vector_store %arg8[%swap3A_801], %swap3A_804 {strides = array<i32>} : memref<16384xi32, #tpu.memory_space<vmem>>, vector<16xi32>,
      %eq3A_805 = arith.constant 0 : i32
      %eq3A_806 = vector.broadcast %eq3A_805 : i32 to vector<16xi32>
      %eq3A_807 = arith.cmpi eq, %shift_right_arithmetic3A_17, %eq3A_806 : vector<16xi32>
      %lt3A_808 = arith.constant 0 : i32
      %lt3A_809 = vector.broadcast %lt3A_808 : i32 to vector<16xi32>
      %lt3A_810 = arith.cmpi slt, %and3A_12, %lt3A_809 : vector<16xi32>
      %add3A_811 = arith.constant 16 : i32
      %add3A_812 = vector.broadcast %add3A_811 : i32 to vector<16xi32>
      %add3A_813 = arith.addi %and3A_12, %add3A_812 : vector<16xi32>
      %select_n3A_814 = arith.select %lt3A_810, %add3A_813, %and3A_12 : vector<16xi1>, vector<16xi32>
      %broadcast_in_dim3A_815 = vector.shape_cast %select_n3A_814 : vector<16xi32> to vector<16x1xi32>
      %gather3A_816 = vector.shape_cast %broadcast_in_dim3A_815 : vector<16x1xi32> to vector<16xi32>
      %gather3A_817 = tpu.dynamic_gather %get3A_734[%gather3A_816] in [0] : vector<16xi32>, vector<16xi32> -> vector<16xi32>
      %lt3A_818 = arith.constant 0 : i32
      %lt3A_819 = vector.broadcast %lt3A_818 : i32 to vector<16xi32>
      %lt3A_820 = arith.cmpi slt, %and3A_12, %lt3A_819 : vector<16xi32>
      %add3A_821 = arith.constant 16 : i32
      %add3A_822 = vector.broadcast %add3A_821 : i32 to vector<16xi32>
      %add3A_823 = arith.addi %and3A_12, %add3A_822 : vector<16xi32>
      %select_n3A_824 = arith.select %lt3A_820, %add3A_823, %and3A_12 : vector<16xi1>, vector<16xi32>
      %broadcast_in_dim3A_825 = vector.shape_cast %select_n3A_824 : vector<16xi32> to vector<16x1xi32>
      %gather3A_826 = vector.shape_cast %broadcast_in_dim3A_825 : vector<16x1xi32> to vector<16xi32>
      %gather3A_827 = tpu.dynamic_gather %get3A_738[%gather3A_826] in [0] : vector<16xi32>, vector<16xi32> -> vector<16xi32>
      %select_n3A_828 = arith.select %eq3A_807, %gather3A_817, %gather3A_827 : vector<16xi1>, vector<16xi32>
      %eq3A_829 = arith.constant 2 : i32
      %eq3A_830 = vector.broadcast %eq3A_829 : i32 to vector<16xi32>
      %eq3A_831 = arith.cmpi eq, %shift_right_arithmetic3A_17, %eq3A_830 : vector<16xi32>
      %lt3A_832 = arith.constant 0 : i32
      %lt3A_833 = vector.broadcast %lt3A_832 : i32 to vector<16xi32>
      %lt3A_834 = arith.cmpi slt, %and3A_12, %lt3A_833 : vector<16xi32>
      %add3A_835 = arith.constant 16 : i32
      %add3A_836 = vector.broadcast %add3A_835 : i32 to vector<16xi32>
      %add3A_837 = arith.addi %and3A_12, %add3A_836 : vector<16xi32>
      %select_n3A_838 = arith.select %lt3A_834, %add3A_837, %and3A_12 : vector<16xi1>, vector<16xi32>
      %broadcast_in_dim3A_839 = vector.shape_cast %select_n3A_838 : vector<16xi32> to vector<16x1xi32>
      %gather3A_840 = vector.shape_cast %broadcast_in_dim3A_839 : vector<16x1xi32> to vector<16xi32>
      %gather3A_841 = tpu.dynamic_gather %get3A_742[%gather3A_840] in [0] : vector<16xi32>, vector<16xi32> -> vector<16xi32>
      %lt3A_842 = arith.constant 0 : i32
      %lt3A_843 = vector.broadcast %lt3A_842 : i32 to vector<16xi32>
      %lt3A_844 = arith.cmpi slt, %and3A_12, %lt3A_843 : vector<16xi32>
      %add3A_845 = arith.constant 16 : i32
      %add3A_846 = vector.broadcast %add3A_845 : i32 to vector<16xi32>
      %add3A_847 = arith.addi %and3A_12, %add3A_846 : vector<16xi32>
      %select_n3A_848 = arith.select %lt3A_844, %add3A_847, %and3A_12 : vector<16xi1>, vector<16xi32>
      %broadcast_in_dim3A_849 = vector.shape_cast %select_n3A_848 : vector<16xi32> to vector<16x1xi32>
      %gather3A_850 = vector.shape_cast %broadcast_in_dim3A_849 : vector<16x1xi32> to vector<16xi32>
      %gather3A_851 = tpu.dynamic_gather %get3A_746[%gather3A_850] in [0] : vector<16xi32>, vector<16xi32> -> vector<16xi32>
      %select_n3A_852 = arith.select %eq3A_831, %gather3A_841, %gather3A_851 : vector<16xi1>, vector<16xi32>
      %lt3A_853 = arith.constant 2 : i32
      %lt3A_854 = vector.broadcast %lt3A_853 : i32 to vector<16xi32>
      %lt3A_855 = arith.cmpi slt, %shift_right_arithmetic3A_17, %lt3A_854 : vector<16xi32>
      %select_n3A_856 = arith.select %lt3A_855, %select_n3A_828, %select_n3A_852 : vector<16xi1>, vector<16xi32>
      %mul3A_857 = arith.constant 32 : i32
      %mul3A_858 = arith.muli %add3A_730, %mul3A_857 : i32
      %add3A_859 = arith.constant 16 : i32
      %add3A_860 = arith.addi %mul3A_858, %add3A_859 : i32
      %swap3A_861 = arith.index_cast %add3A_860 : i32 to index
      %swap3A_862 = tpu.vector_load %arg8[%swap3A_861] {strides = array<i32>} : memref<16384xi32, #tpu.memory_space<vmem>>, vector<16xi32>,
      %swap3A_863 = vector.shape_cast %swap3A_862 : vector<16xi32> to vector<16xi32>
      %swap3A_864 = vector.shape_cast %select_n3A_856 : vector<16xi32> to vector<16xi32>
      tpu.vector_store %arg8[%swap3A_861], %swap3A_864 {strides = array<i32>} : memref<16384xi32, #tpu.memory_space<vmem>>, vector<16xi32>,
      %mul3A_865 = arith.constant 16 : i32
      %mul3A_866 = arith.muli %scan3A_31, %mul3A_865 : i32
      %add3A_867 = arith.constant 6 : i32
      %add3A_868 = arith.addi %mul3A_866, %add3A_867 : i32
      %get3A_869 = arith.index_cast %add3A_868 : i32 to index
      %get3A_870 = arith.constant 0 : index
      %get3A_871 = tpu.vector_load %arg7[%get3A_869, %get3A_870] {strides = array<i32>} : memref<512x64xi32, #tpu.memory_space<vmem>>, vector<1x16xi32>,
      %get3A_872 = vector.shape_cast %get3A_871 : vector<1x16xi32> to vector<16xi32>
      %get3A_873 = arith.index_cast %add3A_868 : i32 to index
      %get3A_874 = arith.constant 16 : index
      %get3A_875 = tpu.vector_load %arg7[%get3A_873, %get3A_874] {strides = array<i32>} : memref<512x64xi32, #tpu.memory_space<vmem>>, vector<1x16xi32>,
      %get3A_876 = vector.shape_cast %get3A_875 : vector<1x16xi32> to vector<16xi32>
      %get3A_877 = arith.index_cast %add3A_868 : i32 to index
      %get3A_878 = arith.constant 32 : index
      %get3A_879 = tpu.vector_load %arg7[%get3A_877, %get3A_878] {strides = array<i32>} : memref<512x64xi32, #tpu.memory_space<vmem>>, vector<1x16xi32>,
      %get3A_880 = vector.shape_cast %get3A_879 : vector<1x16xi32> to vector<16xi32>
      %get3A_881 = arith.index_cast %add3A_868 : i32 to index
      %get3A_882 = arith.constant 48 : index
      %get3A_883 = tpu.vector_load %arg7[%get3A_881, %get3A_882] {strides = array<i32>} : memref<512x64xi32, #tpu.memory_space<vmem>>, vector<1x16xi32>,
      %get3A_884 = vector.shape_cast %get3A_883 : vector<1x16xi32> to vector<16xi32>
      %eq3A_885 = arith.constant 0 : i32
      %eq3A_886 = vector.broadcast %eq3A_885 : i32 to vector<16xi32>
      %eq3A_887 = arith.cmpi eq, %shift_right_arithmetic3A_14, %eq3A_886 : vector<16xi32>
      %lt3A_888 = arith.constant 0 : i32
      %lt3A_889 = vector.broadcast %lt3A_888 : i32 to vector<16xi32>
      %lt3A_890 = arith.cmpi slt, %and3A_9, %lt3A_889 : vector<16xi32>
      %add3A_891 = arith.constant 16 : i32
      %add3A_892 = vector.broadcast %add3A_891 : i32 to vector<16xi32>
      %add3A_893 = arith.addi %and3A_9, %add3A_892 : vector<16xi32>
      %select_n3A_894 = arith.select %lt3A_890, %add3A_893, %and3A_9 : vector<16xi1>, vector<16xi32>
      %broadcast_in_dim3A_895 = vector.shape_cast %select_n3A_894 : vector<16xi32> to vector<16x1xi32>
      %gather3A_896 = vector.shape_cast %broadcast_in_dim3A_895 : vector<16x1xi32> to vector<16xi32>
      %gather3A_897 = tpu.dynamic_gather %get3A_872[%gather3A_896] in [0] : vector<16xi32>, vector<16xi32> -> vector<16xi32>
      %lt3A_898 = arith.constant 0 : i32
      %lt3A_899 = vector.broadcast %lt3A_898 : i32 to vector<16xi32>
      %lt3A_900 = arith.cmpi slt, %and3A_9, %lt3A_899 : vector<16xi32>
      %add3A_901 = arith.constant 16 : i32
      %add3A_902 = vector.broadcast %add3A_901 : i32 to vector<16xi32>
      %add3A_903 = arith.addi %and3A_9, %add3A_902 : vector<16xi32>
      %select_n3A_904 = arith.select %lt3A_900, %add3A_903, %and3A_9 : vector<16xi1>, vector<16xi32>
      %broadcast_in_dim3A_905 = vector.shape_cast %select_n3A_904 : vector<16xi32> to vector<16x1xi32>
      %gather3A_906 = vector.shape_cast %broadcast_in_dim3A_905 : vector<16x1xi32> to vector<16xi32>
      %gather3A_907 = tpu.dynamic_gather %get3A_876[%gather3A_906] in [0] : vector<16xi32>, vector<16xi32> -> vector<16xi32>
      %select_n3A_908 = arith.select %eq3A_887, %gather3A_897, %gather3A_907 : vector<16xi1>, vector<16xi32>
      %eq3A_909 = arith.constant 2 : i32
      %eq3A_910 = vector.broadcast %eq3A_909 : i32 to vector<16xi32>
      %eq3A_911 = arith.cmpi eq, %shift_right_arithmetic3A_14, %eq3A_910 : vector<16xi32>
      %lt3A_912 = arith.constant 0 : i32
      %lt3A_913 = vector.broadcast %lt3A_912 : i32 to vector<16xi32>
      %lt3A_914 = arith.cmpi slt, %and3A_9, %lt3A_913 : vector<16xi32>
      %add3A_915 = arith.constant 16 : i32
      %add3A_916 = vector.broadcast %add3A_915 : i32 to vector<16xi32>
      %add3A_917 = arith.addi %and3A_9, %add3A_916 : vector<16xi32>
      %select_n3A_918 = arith.select %lt3A_914, %add3A_917, %and3A_9 : vector<16xi1>, vector<16xi32>
      %broadcast_in_dim3A_919 = vector.shape_cast %select_n3A_918 : vector<16xi32> to vector<16x1xi32>
      %gather3A_920 = vector.shape_cast %broadcast_in_dim3A_919 : vector<16x1xi32> to vector<16xi32>
      %gather3A_921 = tpu.dynamic_gather %get3A_880[%gather3A_920] in [0] : vector<16xi32>, vector<16xi32> -> vector<16xi32>
      %lt3A_922 = arith.constant 0 : i32
      %lt3A_923 = vector.broadcast %lt3A_922 : i32 to vector<16xi32>
      %lt3A_924 = arith.cmpi slt, %and3A_9, %lt3A_923 : vector<16xi32>
      %add3A_925 = arith.constant 16 : i32
      %add3A_926 = vector.broadcast %add3A_925 : i32 to vector<16xi32>
      %add3A_927 = arith.addi %and3A_9, %add3A_926 : vector<16xi32>
      %select_n3A_928 = arith.select %lt3A_924, %add3A_927, %and3A_9 : vector<16xi1>, vector<16xi32>
      %broadcast_in_dim3A_929 = vector.shape_cast %select_n3A_928 : vector<16xi32> to vector<16x1xi32>
      %gather3A_930 = vector.shape_cast %broadcast_in_dim3A_929 : vector<16x1xi32> to vector<16xi32>
      %gather3A_931 = tpu.dynamic_gather %get3A_884[%gather3A_930] in [0] : vector<16xi32>, vector<16xi32> -> vector<16xi32>
      %select_n3A_932 = arith.select %eq3A_911, %gather3A_921, %gather3A_931 : vector<16xi1>, vector<16xi32>
      %lt3A_933 = arith.constant 2 : i32
      %lt3A_934 = vector.broadcast %lt3A_933 : i32 to vector<16xi32>
      %lt3A_935 = arith.cmpi slt, %shift_right_arithmetic3A_14, %lt3A_934 : vector<16xi32>
      %select_n3A_936 = arith.select %lt3A_935, %select_n3A_908, %select_n3A_932 : vector<16xi1>, vector<16xi32>
      %mul3A_937 = arith.constant 32 : i32
      %mul3A_938 = arith.muli %add3A_868, %mul3A_937 : i32
      %swap3A_939 = arith.index_cast %mul3A_938 : i32 to index
      %swap3A_940 = tpu.vector_load %arg8[%swap3A_939] {strides = array<i32>} : memref<16384xi32, #tpu.memory_space<vmem>>, vector<16xi32>,
      %swap3A_941 = vector.shape_cast %swap3A_940 : vector<16xi32> to vector<16xi32>
      %swap3A_942 = vector.shape_cast %select_n3A_936 : vector<16xi32> to vector<16xi32>
      tpu.vector_store %arg8[%swap3A_939], %swap3A_942 {strides = array<i32>} : memref<16384xi32, #tpu.memory_space<vmem>>, vector<16xi32>,
      %eq3A_943 = arith.constant 0 : i32
      %eq3A_944 = vector.broadcast %eq3A_943 : i32 to vector<16xi32>
      %eq3A_945 = arith.cmpi eq, %shift_right_arithmetic3A_17, %eq3A_944 : vector<16xi32>
      %lt3A_946 = arith.constant 0 : i32
      %lt3A_947 = vector.broadcast %lt3A_946 : i32 to vector<16xi32>
      %lt3A_948 = arith.cmpi slt, %and3A_12, %lt3A_947 : vector<16xi32>
      %add3A_949 = arith.constant 16 : i32
      %add3A_950 = vector.broadcast %add3A_949 : i32 to vector<16xi32>
      %add3A_951 = arith.addi %and3A_12, %add3A_950 : vector<16xi32>
      %select_n3A_952 = arith.select %lt3A_948, %add3A_951, %and3A_12 : vector<16xi1>, vector<16xi32>
      %broadcast_in_dim3A_953 = vector.shape_cast %select_n3A_952 : vector<16xi32> to vector<16x1xi32>
      %gather3A_954 = vector.shape_cast %broadcast_in_dim3A_953 : vector<16x1xi32> to vector<16xi32>
      %gather3A_955 = tpu.dynamic_gather %get3A_872[%gather3A_954] in [0] : vector<16xi32>, vector<16xi32> -> vector<16xi32>
      %lt3A_956 = arith.constant 0 : i32
      %lt3A_957 = vector.broadcast %lt3A_956 : i32 to vector<16xi32>
      %lt3A_958 = arith.cmpi slt, %and3A_12, %lt3A_957 : vector<16xi32>
      %add3A_959 = arith.constant 16 : i32
      %add3A_960 = vector.broadcast %add3A_959 : i32 to vector<16xi32>
      %add3A_961 = arith.addi %and3A_12, %add3A_960 : vector<16xi32>
      %select_n3A_962 = arith.select %lt3A_958, %add3A_961, %and3A_12 : vector<16xi1>, vector<16xi32>
      %broadcast_in_dim3A_963 = vector.shape_cast %select_n3A_962 : vector<16xi32> to vector<16x1xi32>
      %gather3A_964 = vector.shape_cast %broadcast_in_dim3A_963 : vector<16x1xi32> to vector<16xi32>
      %gather3A_965 = tpu.dynamic_gather %get3A_876[%gather3A_964] in [0] : vector<16xi32>, vector<16xi32> -> vector<16xi32>
      %select_n3A_966 = arith.select %eq3A_945, %gather3A_955, %gather3A_965 : vector<16xi1>, vector<16xi32>
      %eq3A_967 = arith.constant 2 : i32
      %eq3A_968 = vector.broadcast %eq3A_967 : i32 to vector<16xi32>
      %eq3A_969 = arith.cmpi eq, %shift_right_arithmetic3A_17, %eq3A_968 : vector<16xi32>
      %lt3A_970 = arith.constant 0 : i32
      %lt3A_971 = vector.broadcast %lt3A_970 : i32 to vector<16xi32>
      %lt3A_972 = arith.cmpi slt, %and3A_12, %lt3A_971 : vector<16xi32>
      %add3A_973 = arith.constant 16 : i32
      %add3A_974 = vector.broadcast %add3A_973 : i32 to vector<16xi32>
      %add3A_975 = arith.addi %and3A_12, %add3A_974 : vector<16xi32>
      %select_n3A_976 = arith.select %lt3A_972, %add3A_975, %and3A_12 : vector<16xi1>, vector<16xi32>
      %broadcast_in_dim3A_977 = vector.shape_cast %select_n3A_976 : vector<16xi32> to vector<16x1xi32>
      %gather3A_978 = vector.shape_cast %broadcast_in_dim3A_977 : vector<16x1xi32> to vector<16xi32>
      %gather3A_979 = tpu.dynamic_gather %get3A_880[%gather3A_978] in [0] : vector<16xi32>, vector<16xi32> -> vector<16xi32>
      %lt3A_980 = arith.constant 0 : i32
      %lt3A_981 = vector.broadcast %lt3A_980 : i32 to vector<16xi32>
      %lt3A_982 = arith.cmpi slt, %and3A_12, %lt3A_981 : vector<16xi32>
      %add3A_983 = arith.constant 16 : i32
      %add3A_984 = vector.broadcast %add3A_983 : i32 to vector<16xi32>
      %add3A_985 = arith.addi %and3A_12, %add3A_984 : vector<16xi32>
      %select_n3A_986 = arith.select %lt3A_982, %add3A_985, %and3A_12 : vector<16xi1>, vector<16xi32>
      %broadcast_in_dim3A_987 = vector.shape_cast %select_n3A_986 : vector<16xi32> to vector<16x1xi32>
      %gather3A_988 = vector.shape_cast %broadcast_in_dim3A_987 : vector<16x1xi32> to vector<16xi32>
      %gather3A_989 = tpu.dynamic_gather %get3A_884[%gather3A_988] in [0] : vector<16xi32>, vector<16xi32> -> vector<16xi32>
      %select_n3A_990 = arith.select %eq3A_969, %gather3A_979, %gather3A_989 : vector<16xi1>, vector<16xi32>
      %lt3A_991 = arith.constant 2 : i32
      %lt3A_992 = vector.broadcast %lt3A_991 : i32 to vector<16xi32>
      %lt3A_993 = arith.cmpi slt, %shift_right_arithmetic3A_17, %lt3A_992 : vector<16xi32>
      %select_n3A_994 = arith.select %lt3A_993, %select_n3A_966, %select_n3A_990 : vector<16xi1>, vector<16xi32>
      %mul3A_995 = arith.constant 32 : i32
      %mul3A_996 = arith.muli %add3A_868, %mul3A_995 : i32
      %add3A_997 = arith.constant 16 : i32
      %add3A_998 = arith.addi %mul3A_996, %add3A_997 : i32
      %swap3A_999 = arith.index_cast %add3A_998 : i32 to index
      %swap3A_1000 = tpu.vector_load %arg8[%swap3A_999] {strides = array<i32>} : memref<16384xi32, #tpu.memory_space<vmem>>, vector<16xi32>,
      %swap3A_1001 = vector.shape_cast %swap3A_1000 : vector<16xi32> to vector<16xi32>
      %swap3A_1002 = vector.shape_cast %select_n3A_994 : vector<16xi32> to vector<16xi32>
      tpu.vector_store %arg8[%swap3A_999], %swap3A_1002 {strides = array<i32>} : memref<16384xi32, #tpu.memory_space<vmem>>, vector<16xi32>,
      %mul3A_1003 = arith.constant 16 : i32
      %mul3A_1004 = arith.muli %scan3A_31, %mul3A_1003 : i32
      %add3A_1005 = arith.constant 7 : i32
      %add3A_1006 = arith.addi %mul3A_1004, %add3A_1005 : i32
      %get3A_1007 = arith.index_cast %add3A_1006 : i32 to index
      %get3A_1008 = arith.constant 0 : index
      %get3A_1009 = tpu.vector_load %arg7[%get3A_1007, %get3A_1008] {strides = array<i32>} : memref<512x64xi32, #tpu.memory_space<vmem>>, vector<1x16xi32>,
      %get3A_1010 = vector.shape_cast %get3A_1009 : vector<1x16xi32> to vector<16xi32>
      %get3A_1011 = arith.index_cast %add3A_1006 : i32 to index
      %get3A_1012 = arith.constant 16 : index
      %get3A_1013 = tpu.vector_load %arg7[%get3A_1011, %get3A_1012] {strides = array<i32>} : memref<512x64xi32, #tpu.memory_space<vmem>>, vector<1x16xi32>,
      %get3A_1014 = vector.shape_cast %get3A_1013 : vector<1x16xi32> to vector<16xi32>
      %get3A_1015 = arith.index_cast %add3A_1006 : i32 to index
      %get3A_1016 = arith.constant 32 : index
      %get3A_1017 = tpu.vector_load %arg7[%get3A_1015, %get3A_1016] {strides = array<i32>} : memref<512x64xi32, #tpu.memory_space<vmem>>, vector<1x16xi32>,
      %get3A_1018 = vector.shape_cast %get3A_1017 : vector<1x16xi32> to vector<16xi32>
      %get3A_1019 = arith.index_cast %add3A_1006 : i32 to index
      %get3A_1020 = arith.constant 48 : index
      %get3A_1021 = tpu.vector_load %arg7[%get3A_1019, %get3A_1020] {strides = array<i32>} : memref<512x64xi32, #tpu.memory_space<vmem>>, vector<1x16xi32>,
      %get3A_1022 = vector.shape_cast %get3A_1021 : vector<1x16xi32> to vector<16xi32>
      %eq3A_1023 = arith.constant 0 : i32
      %eq3A_1024 = vector.broadcast %eq3A_1023 : i32 to vector<16xi32>
      %eq3A_1025 = arith.cmpi eq, %shift_right_arithmetic3A_14, %eq3A_1024 : vector<16xi32>
      %lt3A_1026 = arith.constant 0 : i32
      %lt3A_1027 = vector.broadcast %lt3A_1026 : i32 to vector<16xi32>
      %lt3A_1028 = arith.cmpi slt, %and3A_9, %lt3A_1027 : vector<16xi32>
      %add3A_1029 = arith.constant 16 : i32
      %add3A_1030 = vector.broadcast %add3A_1029 : i32 to vector<16xi32>
      %add3A_1031 = arith.addi %and3A_9, %add3A_1030 : vector<16xi32>
      %select_n3A_1032 = arith.select %lt3A_1028, %add3A_1031, %and3A_9 : vector<16xi1>, vector<16xi32>
      %broadcast_in_dim3A_1033 = vector.shape_cast %select_n3A_1032 : vector<16xi32> to vector<16x1xi32>
      %gather3A_1034 = vector.shape_cast %broadcast_in_dim3A_1033 : vector<16x1xi32> to vector<16xi32>
      %gather3A_1035 = tpu.dynamic_gather %get3A_1010[%gather3A_1034] in [0] : vector<16xi32>, vector<16xi32> -> vector<16xi32>
      %lt3A_1036 = arith.constant 0 : i32
      %lt3A_1037 = vector.broadcast %lt3A_1036 : i32 to vector<16xi32>
      %lt3A_1038 = arith.cmpi slt, %and3A_9, %lt3A_1037 : vector<16xi32>
      %add3A_1039 = arith.constant 16 : i32
      %add3A_1040 = vector.broadcast %add3A_1039 : i32 to vector<16xi32>
      %add3A_1041 = arith.addi %and3A_9, %add3A_1040 : vector<16xi32>
      %select_n3A_1042 = arith.select %lt3A_1038, %add3A_1041, %and3A_9 : vector<16xi1>, vector<16xi32>
      %broadcast_in_dim3A_1043 = vector.shape_cast %select_n3A_1042 : vector<16xi32> to vector<16x1xi32>
      %gather3A_1044 = vector.shape_cast %broadcast_in_dim3A_1043 : vector<16x1xi32> to vector<16xi32>
      %gather3A_1045 = tpu.dynamic_gather %get3A_1014[%gather3A_1044] in [0] : vector<16xi32>, vector<16xi32> -> vector<16xi32>
      %select_n3A_1046 = arith.select %eq3A_1025, %gather3A_1035, %gather3A_1045 : vector<16xi1>, vector<16xi32>
      %eq3A_1047 = arith.constant 2 : i32
      %eq3A_1048 = vector.broadcast %eq3A_1047 : i32 to vector<16xi32>
      %eq3A_1049 = arith.cmpi eq, %shift_right_arithmetic3A_14, %eq3A_1048 : vector<16xi32>
      %lt3A_1050 = arith.constant 0 : i32
      %lt3A_1051 = vector.broadcast %lt3A_1050 : i32 to vector<16xi32>
      %lt3A_1052 = arith.cmpi slt, %and3A_9, %lt3A_1051 : vector<16xi32>
      %add3A_1053 = arith.constant 16 : i32
      %add3A_1054 = vector.broadcast %add3A_1053 : i32 to vector<16xi32>
      %add3A_1055 = arith.addi %and3A_9, %add3A_1054 : vector<16xi32>
      %select_n3A_1056 = arith.select %lt3A_1052, %add3A_1055, %and3A_9 : vector<16xi1>, vector<16xi32>
      %broadcast_in_dim3A_1057 = vector.shape_cast %select_n3A_1056 : vector<16xi32> to vector<16x1xi32>
      %gather3A_1058 = vector.shape_cast %broadcast_in_dim3A_1057 : vector<16x1xi32> to vector<16xi32>
      %gather3A_1059 = tpu.dynamic_gather %get3A_1018[%gather3A_1058] in [0] : vector<16xi32>, vector<16xi32> -> vector<16xi32>
      %lt3A_1060 = arith.constant 0 : i32
      %lt3A_1061 = vector.broadcast %lt3A_1060 : i32 to vector<16xi32>
      %lt3A_1062 = arith.cmpi slt, %and3A_9, %lt3A_1061 : vector<16xi32>
      %add3A_1063 = arith.constant 16 : i32
      %add3A_1064 = vector.broadcast %add3A_1063 : i32 to vector<16xi32>
      %add3A_1065 = arith.addi %and3A_9, %add3A_1064 : vector<16xi32>
      %select_n3A_1066 = arith.select %lt3A_1062, %add3A_1065, %and3A_9 : vector<16xi1>, vector<16xi32>
      %broadcast_in_dim3A_1067 = vector.shape_cast %select_n3A_1066 : vector<16xi32> to vector<16x1xi32>
      %gather3A_1068 = vector.shape_cast %broadcast_in_dim3A_1067 : vector<16x1xi32> to vector<16xi32>
      %gather3A_1069 = tpu.dynamic_gather %get3A_1022[%gather3A_1068] in [0] : vector<16xi32>, vector<16xi32> -> vector<16xi32>
      %select_n3A_1070 = arith.select %eq3A_1049, %gather3A_1059, %gather3A_1069 : vector<16xi1>, vector<16xi32>
      %lt3A_1071 = arith.constant 2 : i32
      %lt3A_1072 = vector.broadcast %lt3A_1071 : i32 to vector<16xi32>
      %lt3A_1073 = arith.cmpi slt, %shift_right_arithmetic3A_14, %lt3A_1072 : vector<16xi32>
      %select_n3A_1074 = arith.select %lt3A_1073, %select_n3A_1046, %select_n3A_1070 : vector<16xi1>, vector<16xi32>
      %mul3A_1075 = arith.constant 32 : i32
      %mul3A_1076 = arith.muli %add3A_1006, %mul3A_1075 : i32
      %swap3A_1077 = arith.index_cast %mul3A_1076 : i32 to index
      %swap3A_1078 = tpu.vector_load %arg8[%swap3A_1077] {strides = array<i32>} : memref<16384xi32, #tpu.memory_space<vmem>>, vector<16xi32>,
      %swap3A_1079 = vector.shape_cast %swap3A_1078 : vector<16xi32> to vector<16xi32>
      %swap3A_1080 = vector.shape_cast %select_n3A_1074 : vector<16xi32> to vector<16xi32>
      tpu.vector_store %arg8[%swap3A_1077], %swap3A_1080 {strides = array<i32>} : memref<16384xi32, #tpu.memory_space<vmem>>, vector<16xi32>,
      %eq3A_1081 = arith.constant 0 : i32
      %eq3A_1082 = vector.broadcast %eq3A_1081 : i32 to vector<16xi32>
      %eq3A_1083 = arith.cmpi eq, %shift_right_arithmetic3A_17, %eq3A_1082 : vector<16xi32>
      %lt3A_1084 = arith.constant 0 : i32
      %lt3A_1085 = vector.broadcast %lt3A_1084 : i32 to vector<16xi32>
      %lt3A_1086 = arith.cmpi slt, %and3A_12, %lt3A_1085 : vector<16xi32>
      %add3A_1087 = arith.constant 16 : i32
      %add3A_1088 = vector.broadcast %add3A_1087 : i32 to vector<16xi32>
      %add3A_1089 = arith.addi %and3A_12, %add3A_1088 : vector<16xi32>
      %select_n3A_1090 = arith.select %lt3A_1086, %add3A_1089, %and3A_12 : vector<16xi1>, vector<16xi32>
      %broadcast_in_dim3A_1091 = vector.shape_cast %select_n3A_1090 : vector<16xi32> to vector<16x1xi32>
      %gather3A_1092 = vector.shape_cast %broadcast_in_dim3A_1091 : vector<16x1xi32> to vector<16xi32>
      %gather3A_1093 = tpu.dynamic_gather %get3A_1010[%gather3A_1092] in [0] : vector<16xi32>, vector<16xi32> -> vector<16xi32>
      %lt3A_1094 = arith.constant 0 : i32
      %lt3A_1095 = vector.broadcast %lt3A_1094 : i32 to vector<16xi32>
      %lt3A_1096 = arith.cmpi slt, %and3A_12, %lt3A_1095 : vector<16xi32>
      %add3A_1097 = arith.constant 16 : i32
      %add3A_1098 = vector.broadcast %add3A_1097 : i32 to vector<16xi32>
      %add3A_1099 = arith.addi %and3A_12, %add3A_1098 : vector<16xi32>
      %select_n3A_1100 = arith.select %lt3A_1096, %add3A_1099, %and3A_12 : vector<16xi1>, vector<16xi32>
      %broadcast_in_dim3A_1101 = vector.shape_cast %select_n3A_1100 : vector<16xi32> to vector<16x1xi32>
      %gather3A_1102 = vector.shape_cast %broadcast_in_dim3A_1101 : vector<16x1xi32> to vector<16xi32>
      %gather3A_1103 = tpu.dynamic_gather %get3A_1014[%gather3A_1102] in [0] : vector<16xi32>, vector<16xi32> -> vector<16xi32>
      %select_n3A_1104 = arith.select %eq3A_1083, %gather3A_1093, %gather3A_1103 : vector<16xi1>, vector<16xi32>
      %eq3A_1105 = arith.constant 2 : i32
      %eq3A_1106 = vector.broadcast %eq3A_1105 : i32 to vector<16xi32>
      %eq3A_1107 = arith.cmpi eq, %shift_right_arithmetic3A_17, %eq3A_1106 : vector<16xi32>
      %lt3A_1108 = arith.constant 0 : i32
      %lt3A_1109 = vector.broadcast %lt3A_1108 : i32 to vector<16xi32>
      %lt3A_1110 = arith.cmpi slt, %and3A_12, %lt3A_1109 : vector<16xi32>
      %add3A_1111 = arith.constant 16 : i32
      %add3A_1112 = vector.broadcast %add3A_1111 : i32 to vector<16xi32>
      %add3A_1113 = arith.addi %and3A_12, %add3A_1112 : vector<16xi32>
      %select_n3A_1114 = arith.select %lt3A_1110, %add3A_1113, %and3A_12 : vector<16xi1>, vector<16xi32>
      %broadcast_in_dim3A_1115 = vector.shape_cast %select_n3A_1114 : vector<16xi32> to vector<16x1xi32>
      %gather3A_1116 = vector.shape_cast %broadcast_in_dim3A_1115 : vector<16x1xi32> to vector<16xi32>
      %gather3A_1117 = tpu.dynamic_gather %get3A_1018[%gather3A_1116] in [0] : vector<16xi32>, vector<16xi32> -> vector<16xi32>
      %lt3A_1118 = arith.constant 0 : i32
      %lt3A_1119 = vector.broadcast %lt3A_1118 : i32 to vector<16xi32>
      %lt3A_1120 = arith.cmpi slt, %and3A_12, %lt3A_1119 : vector<16xi32>
      %add3A_1121 = arith.constant 16 : i32
      %add3A_1122 = vector.broadcast %add3A_1121 : i32 to vector<16xi32>
      %add3A_1123 = arith.addi %and3A_12, %add3A_1122 : vector<16xi32>
      %select_n3A_1124 = arith.select %lt3A_1120, %add3A_1123, %and3A_12 : vector<16xi1>, vector<16xi32>
      %broadcast_in_dim3A_1125 = vector.shape_cast %select_n3A_1124 : vector<16xi32> to vector<16x1xi32>
      %gather3A_1126 = vector.shape_cast %broadcast_in_dim3A_1125 : vector<16x1xi32> to vector<16xi32>
      %gather3A_1127 = tpu.dynamic_gather %get3A_1022[%gather3A_1126] in [0] : vector<16xi32>, vector<16xi32> -> vector<16xi32>
      %select_n3A_1128 = arith.select %eq3A_1107, %gather3A_1117, %gather3A_1127 : vector<16xi1>, vector<16xi32>
      %lt3A_1129 = arith.constant 2 : i32
      %lt3A_1130 = vector.broadcast %lt3A_1129 : i32 to vector<16xi32>
      %lt3A_1131 = arith.cmpi slt, %shift_right_arithmetic3A_17, %lt3A_1130 : vector<16xi32>
      %select_n3A_1132 = arith.select %lt3A_1131, %select_n3A_1104, %select_n3A_1128 : vector<16xi1>, vector<16xi32>
      %mul3A_1133 = arith.constant 32 : i32
      %mul3A_1134 = arith.muli %add3A_1006, %mul3A_1133 : i32
      %add3A_1135 = arith.constant 16 : i32
      %add3A_1136 = arith.addi %mul3A_1134, %add3A_1135 : i32
      %swap3A_1137 = arith.index_cast %add3A_1136 : i32 to index
      %swap3A_1138 = tpu.vector_load %arg8[%swap3A_1137] {strides = array<i32>} : memref<16384xi32, #tpu.memory_space<vmem>>, vector<16xi32>,
      %swap3A_1139 = vector.shape_cast %swap3A_1138 : vector<16xi32> to vector<16xi32>
      %swap3A_1140 = vector.shape_cast %select_n3A_1132 : vector<16xi32> to vector<16xi32>
      tpu.vector_store %arg8[%swap3A_1137], %swap3A_1140 {strides = array<i32>} : memref<16384xi32, #tpu.memory_space<vmem>>, vector<16xi32>,
      %mul3A_1141 = arith.constant 16 : i32
      %mul3A_1142 = arith.muli %scan3A_31, %mul3A_1141 : i32
      %add3A_1143 = arith.constant 8 : i32
      %add3A_1144 = arith.addi %mul3A_1142, %add3A_1143 : i32
      %get3A_1145 = arith.index_cast %add3A_1144 : i32 to index
      %get3A_1146 = arith.constant 0 : index
      %get3A_1147 = tpu.vector_load %arg7[%get3A_1145, %get3A_1146] {strides = array<i32>} : memref<512x64xi32, #tpu.memory_space<vmem>>, vector<1x16xi32>,
      %get3A_1148 = vector.shape_cast %get3A_1147 : vector<1x16xi32> to vector<16xi32>
      %get3A_1149 = arith.index_cast %add3A_1144 : i32 to index
      %get3A_1150 = arith.constant 16 : index
      %get3A_1151 = tpu.vector_load %arg7[%get3A_1149, %get3A_1150] {strides = array<i32>} : memref<512x64xi32, #tpu.memory_space<vmem>>, vector<1x16xi32>,
      %get3A_1152 = vector.shape_cast %get3A_1151 : vector<1x16xi32> to vector<16xi32>
      %get3A_1153 = arith.index_cast %add3A_1144 : i32 to index
      %get3A_1154 = arith.constant 32 : index
      %get3A_1155 = tpu.vector_load %arg7[%get3A_1153, %get3A_1154] {strides = array<i32>} : memref<512x64xi32, #tpu.memory_space<vmem>>, vector<1x16xi32>,
      %get3A_1156 = vector.shape_cast %get3A_1155 : vector<1x16xi32> to vector<16xi32>
      %get3A_1157 = arith.index_cast %add3A_1144 : i32 to index
      %get3A_1158 = arith.constant 48 : index
      %get3A_1159 = tpu.vector_load %arg7[%get3A_1157, %get3A_1158] {strides = array<i32>} : memref<512x64xi32, #tpu.memory_space<vmem>>, vector<1x16xi32>,
      %get3A_1160 = vector.shape_cast %get3A_1159 : vector<1x16xi32> to vector<16xi32>
      %eq3A_1161 = arith.constant 0 : i32
      %eq3A_1162 = vector.broadcast %eq3A_1161 : i32 to vector<16xi32>
      %eq3A_1163 = arith.cmpi eq, %shift_right_arithmetic3A_14, %eq3A_1162 : vector<16xi32>
      %lt3A_1164 = arith.constant 0 : i32
      %lt3A_1165 = vector.broadcast %lt3A_1164 : i32 to vector<16xi32>
      %lt3A_1166 = arith.cmpi slt, %and3A_9, %lt3A_1165 : vector<16xi32>
      %add3A_1167 = arith.constant 16 : i32
      %add3A_1168 = vector.broadcast %add3A_1167 : i32 to vector<16xi32>
      %add3A_1169 = arith.addi %and3A_9, %add3A_1168 : vector<16xi32>
      %select_n3A_1170 = arith.select %lt3A_1166, %add3A_1169, %and3A_9 : vector<16xi1>, vector<16xi32>
      %broadcast_in_dim3A_1171 = vector.shape_cast %select_n3A_1170 : vector<16xi32> to vector<16x1xi32>
      %gather3A_1172 = vector.shape_cast %broadcast_in_dim3A_1171 : vector<16x1xi32> to vector<16xi32>
      %gather3A_1173 = tpu.dynamic_gather %get3A_1148[%gather3A_1172] in [0] : vector<16xi32>, vector<16xi32> -> vector<16xi32>
      %lt3A_1174 = arith.constant 0 : i32
      %lt3A_1175 = vector.broadcast %lt3A_1174 : i32 to vector<16xi32>
      %lt3A_1176 = arith.cmpi slt, %and3A_9, %lt3A_1175 : vector<16xi32>
      %add3A_1177 = arith.constant 16 : i32
      %add3A_1178 = vector.broadcast %add3A_1177 : i32 to vector<16xi32>
      %add3A_1179 = arith.addi %and3A_9, %add3A_1178 : vector<16xi32>
      %select_n3A_1180 = arith.select %lt3A_1176, %add3A_1179, %and3A_9 : vector<16xi1>, vector<16xi32>
      %broadcast_in_dim3A_1181 = vector.shape_cast %select_n3A_1180 : vector<16xi32> to vector<16x1xi32>
      %gather3A_1182 = vector.shape_cast %broadcast_in_dim3A_1181 : vector<16x1xi32> to vector<16xi32>
      %gather3A_1183 = tpu.dynamic_gather %get3A_1152[%gather3A_1182] in [0] : vector<16xi32>, vector<16xi32> -> vector<16xi32>
      %select_n3A_1184 = arith.select %eq3A_1163, %gather3A_1173, %gather3A_1183 : vector<16xi1>, vector<16xi32>
      %eq3A_1185 = arith.constant 2 : i32
      %eq3A_1186 = vector.broadcast %eq3A_1185 : i32 to vector<16xi32>
      %eq3A_1187 = arith.cmpi eq, %shift_right_arithmetic3A_14, %eq3A_1186 : vector<16xi32>
      %lt3A_1188 = arith.constant 0 : i32
      %lt3A_1189 = vector.broadcast %lt3A_1188 : i32 to vector<16xi32>
      %lt3A_1190 = arith.cmpi slt, %and3A_9, %lt3A_1189 : vector<16xi32>
      %add3A_1191 = arith.constant 16 : i32
      %add3A_1192 = vector.broadcast %add3A_1191 : i32 to vector<16xi32>
      %add3A_1193 = arith.addi %and3A_9, %add3A_1192 : vector<16xi32>
      %select_n3A_1194 = arith.select %lt3A_1190, %add3A_1193, %and3A_9 : vector<16xi1>, vector<16xi32>
      %broadcast_in_dim3A_1195 = vector.shape_cast %select_n3A_1194 : vector<16xi32> to vector<16x1xi32>
      %gather3A_1196 = vector.shape_cast %broadcast_in_dim3A_1195 : vector<16x1xi32> to vector<16xi32>
      %gather3A_1197 = tpu.dynamic_gather %get3A_1156[%gather3A_1196] in [0] : vector<16xi32>, vector<16xi32> -> vector<16xi32>
      %lt3A_1198 = arith.constant 0 : i32
      %lt3A_1199 = vector.broadcast %lt3A_1198 : i32 to vector<16xi32>
      %lt3A_1200 = arith.cmpi slt, %and3A_9, %lt3A_1199 : vector<16xi32>
      %add3A_1201 = arith.constant 16 : i32
      %add3A_1202 = vector.broadcast %add3A_1201 : i32 to vector<16xi32>
      %add3A_1203 = arith.addi %and3A_9, %add3A_1202 : vector<16xi32>
      %select_n3A_1204 = arith.select %lt3A_1200, %add3A_1203, %and3A_9 : vector<16xi1>, vector<16xi32>
      %broadcast_in_dim3A_1205 = vector.shape_cast %select_n3A_1204 : vector<16xi32> to vector<16x1xi32>
      %gather3A_1206 = vector.shape_cast %broadcast_in_dim3A_1205 : vector<16x1xi32> to vector<16xi32>
      %gather3A_1207 = tpu.dynamic_gather %get3A_1160[%gather3A_1206] in [0] : vector<16xi32>, vector<16xi32> -> vector<16xi32>
      %select_n3A_1208 = arith.select %eq3A_1187, %gather3A_1197, %gather3A_1207 : vector<16xi1>, vector<16xi32>
      %lt3A_1209 = arith.constant 2 : i32
      %lt3A_1210 = vector.broadcast %lt3A_1209 : i32 to vector<16xi32>
      %lt3A_1211 = arith.cmpi slt, %shift_right_arithmetic3A_14, %lt3A_1210 : vector<16xi32>
      %select_n3A_1212 = arith.select %lt3A_1211, %select_n3A_1184, %select_n3A_1208 : vector<16xi1>, vector<16xi32>
      %mul3A_1213 = arith.constant 32 : i32
      %mul3A_1214 = arith.muli %add3A_1144, %mul3A_1213 : i32
      %swap3A_1215 = arith.index_cast %mul3A_1214 : i32 to index
      %swap3A_1216 = tpu.vector_load %arg8[%swap3A_1215] {strides = array<i32>} : memref<16384xi32, #tpu.memory_space<vmem>>, vector<16xi32>,
      %swap3A_1217 = vector.shape_cast %swap3A_1216 : vector<16xi32> to vector<16xi32>
      %swap3A_1218 = vector.shape_cast %select_n3A_1212 : vector<16xi32> to vector<16xi32>
      tpu.vector_store %arg8[%swap3A_1215], %swap3A_1218 {strides = array<i32>} : memref<16384xi32, #tpu.memory_space<vmem>>, vector<16xi32>,
      %eq3A_1219 = arith.constant 0 : i32
      %eq3A_1220 = vector.broadcast %eq3A_1219 : i32 to vector<16xi32>
      %eq3A_1221 = arith.cmpi eq, %shift_right_arithmetic3A_17, %eq3A_1220 : vector<16xi32>
      %lt3A_1222 = arith.constant 0 : i32
      %lt3A_1223 = vector.broadcast %lt3A_1222 : i32 to vector<16xi32>
      %lt3A_1224 = arith.cmpi slt, %and3A_12, %lt3A_1223 : vector<16xi32>
      %add3A_1225 = arith.constant 16 : i32
      %add3A_1226 = vector.broadcast %add3A_1225 : i32 to vector<16xi32>
      %add3A_1227 = arith.addi %and3A_12, %add3A_1226 : vector<16xi32>
      %select_n3A_1228 = arith.select %lt3A_1224, %add3A_1227, %and3A_12 : vector<16xi1>, vector<16xi32>
      %broadcast_in_dim3A_1229 = vector.shape_cast %select_n3A_1228 : vector<16xi32> to vector<16x1xi32>
      %gather3A_1230 = vector.shape_cast %broadcast_in_dim3A_1229 : vector<16x1xi32> to vector<16xi32>
      %gather3A_1231 = tpu.dynamic_gather %get3A_1148[%gather3A_1230] in [0] : vector<16xi32>, vector<16xi32> -> vector<16xi32>
      %lt3A_1232 = arith.constant 0 : i32
      %lt3A_1233 = vector.broadcast %lt3A_1232 : i32 to vector<16xi32>
      %lt3A_1234 = arith.cmpi slt, %and3A_12, %lt3A_1233 : vector<16xi32>
      %add3A_1235 = arith.constant 16 : i32
      %add3A_1236 = vector.broadcast %add3A_1235 : i32 to vector<16xi32>
      %add3A_1237 = arith.addi %and3A_12, %add3A_1236 : vector<16xi32>
      %select_n3A_1238 = arith.select %lt3A_1234, %add3A_1237, %and3A_12 : vector<16xi1>, vector<16xi32>
      %broadcast_in_dim3A_1239 = vector.shape_cast %select_n3A_1238 : vector<16xi32> to vector<16x1xi32>
      %gather3A_1240 = vector.shape_cast %broadcast_in_dim3A_1239 : vector<16x1xi32> to vector<16xi32>
      %gather3A_1241 = tpu.dynamic_gather %get3A_1152[%gather3A_1240] in [0] : vector<16xi32>, vector<16xi32> -> vector<16xi32>
      %select_n3A_1242 = arith.select %eq3A_1221, %gather3A_1231, %gather3A_1241 : vector<16xi1>, vector<16xi32>
      %eq3A_1243 = arith.constant 2 : i32
      %eq3A_1244 = vector.broadcast %eq3A_1243 : i32 to vector<16xi32>
      %eq3A_1245 = arith.cmpi eq, %shift_right_arithmetic3A_17, %eq3A_1244 : vector<16xi32>
      %lt3A_1246 = arith.constant 0 : i32
      %lt3A_1247 = vector.broadcast %lt3A_1246 : i32 to vector<16xi32>
      %lt3A_1248 = arith.cmpi slt, %and3A_12, %lt3A_1247 : vector<16xi32>
      %add3A_1249 = arith.constant 16 : i32
      %add3A_1250 = vector.broadcast %add3A_1249 : i32 to vector<16xi32>
      %add3A_1251 = arith.addi %and3A_12, %add3A_1250 : vector<16xi32>
      %select_n3A_1252 = arith.select %lt3A_1248, %add3A_1251, %and3A_12 : vector<16xi1>, vector<16xi32>
      %broadcast_in_dim3A_1253 = vector.shape_cast %select_n3A_1252 : vector<16xi32> to vector<16x1xi32>
      %gather3A_1254 = vector.shape_cast %broadcast_in_dim3A_1253 : vector<16x1xi32> to vector<16xi32>
      %gather3A_1255 = tpu.dynamic_gather %get3A_1156[%gather3A_1254] in [0] : vector<16xi32>, vector<16xi32> -> vector<16xi32>
      %lt3A_1256 = arith.constant 0 : i32
      %lt3A_1257 = vector.broadcast %lt3A_1256 : i32 to vector<16xi32>
      %lt3A_1258 = arith.cmpi slt, %and3A_12, %lt3A_1257 : vector<16xi32>
      %add3A_1259 = arith.constant 16 : i32
      %add3A_1260 = vector.broadcast %add3A_1259 : i32 to vector<16xi32>
      %add3A_1261 = arith.addi %and3A_12, %add3A_1260 : vector<16xi32>
      %select_n3A_1262 = arith.select %lt3A_1258, %add3A_1261, %and3A_12 : vector<16xi1>, vector<16xi32>
      %broadcast_in_dim3A_1263 = vector.shape_cast %select_n3A_1262 : vector<16xi32> to vector<16x1xi32>
      %gather3A_1264 = vector.shape_cast %broadcast_in_dim3A_1263 : vector<16x1xi32> to vector<16xi32>
      %gather3A_1265 = tpu.dynamic_gather %get3A_1160[%gather3A_1264] in [0] : vector<16xi32>, vector<16xi32> -> vector<16xi32>
      %select_n3A_1266 = arith.select %eq3A_1245, %gather3A_1255, %gather3A_1265 : vector<16xi1>, vector<16xi32>
      %lt3A_1267 = arith.constant 2 : i32
      %lt3A_1268 = vector.broadcast %lt3A_1267 : i32 to vector<16xi32>
      %lt3A_1269 = arith.cmpi slt, %shift_right_arithmetic3A_17, %lt3A_1268 : vector<16xi32>
      %select_n3A_1270 = arith.select %lt3A_1269, %select_n3A_1242, %select_n3A_1266 : vector<16xi1>, vector<16xi32>
      %mul3A_1271 = arith.constant 32 : i32
      %mul3A_1272 = arith.muli %add3A_1144, %mul3A_1271 : i32
      %add3A_1273 = arith.constant 16 : i32
      %add3A_1274 = arith.addi %mul3A_1272, %add3A_1273 : i32
      %swap3A_1275 = arith.index_cast %add3A_1274 : i32 to index
      %swap3A_1276 = tpu.vector_load %arg8[%swap3A_1275] {strides = array<i32>} : memref<16384xi32, #tpu.memory_space<vmem>>, vector<16xi32>,
      %swap3A_1277 = vector.shape_cast %swap3A_1276 : vector<16xi32> to vector<16xi32>
      %swap3A_1278 = vector.shape_cast %select_n3A_1270 : vector<16xi32> to vector<16xi32>
      tpu.vector_store %arg8[%swap3A_1275], %swap3A_1278 {strides = array<i32>} : memref<16384xi32, #tpu.memory_space<vmem>>, vector<16xi32>,
      %mul3A_1279 = arith.constant 16 : i32
      %mul3A_1280 = arith.muli %scan3A_31, %mul3A_1279 : i32
      %add3A_1281 = arith.constant 9 : i32
      %add3A_1282 = arith.addi %mul3A_1280, %add3A_1281 : i32
      %get3A_1283 = arith.index_cast %add3A_1282 : i32 to index
      %get3A_1284 = arith.constant 0 : index
      %get3A_1285 = tpu.vector_load %arg7[%get3A_1283, %get3A_1284] {strides = array<i32>} : memref<512x64xi32, #tpu.memory_space<vmem>>, vector<1x16xi32>,
      %get3A_1286 = vector.shape_cast %get3A_1285 : vector<1x16xi32> to vector<16xi32>
      %get3A_1287 = arith.index_cast %add3A_1282 : i32 to index
      %get3A_1288 = arith.constant 16 : index
      %get3A_1289 = tpu.vector_load %arg7[%get3A_1287, %get3A_1288] {strides = array<i32>} : memref<512x64xi32, #tpu.memory_space<vmem>>, vector<1x16xi32>,
      %get3A_1290 = vector.shape_cast %get3A_1289 : vector<1x16xi32> to vector<16xi32>
      %get3A_1291 = arith.index_cast %add3A_1282 : i32 to index
      %get3A_1292 = arith.constant 32 : index
      %get3A_1293 = tpu.vector_load %arg7[%get3A_1291, %get3A_1292] {strides = array<i32>} : memref<512x64xi32, #tpu.memory_space<vmem>>, vector<1x16xi32>,
      %get3A_1294 = vector.shape_cast %get3A_1293 : vector<1x16xi32> to vector<16xi32>
      %get3A_1295 = arith.index_cast %add3A_1282 : i32 to index
      %get3A_1296 = arith.constant 48 : index
      %get3A_1297 = tpu.vector_load %arg7[%get3A_1295, %get3A_1296] {strides = array<i32>} : memref<512x64xi32, #tpu.memory_space<vmem>>, vector<1x16xi32>,
      %get3A_1298 = vector.shape_cast %get3A_1297 : vector<1x16xi32> to vector<16xi32>
      %eq3A_1299 = arith.constant 0 : i32
      %eq3A_1300 = vector.broadcast %eq3A_1299 : i32 to vector<16xi32>
      %eq3A_1301 = arith.cmpi eq, %shift_right_arithmetic3A_14, %eq3A_1300 : vector<16xi32>
      %lt3A_1302 = arith.constant 0 : i32
      %lt3A_1303 = vector.broadcast %lt3A_1302 : i32 to vector<16xi32>
      %lt3A_1304 = arith.cmpi slt, %and3A_9, %lt3A_1303 : vector<16xi32>
      %add3A_1305 = arith.constant 16 : i32
      %add3A_1306 = vector.broadcast %add3A_1305 : i32 to vector<16xi32>
      %add3A_1307 = arith.addi %and3A_9, %add3A_1306 : vector<16xi32>
      %select_n3A_1308 = arith.select %lt3A_1304, %add3A_1307, %and3A_9 : vector<16xi1>, vector<16xi32>
      %broadcast_in_dim3A_1309 = vector.shape_cast %select_n3A_1308 : vector<16xi32> to vector<16x1xi32>
      %gather3A_1310 = vector.shape_cast %broadcast_in_dim3A_1309 : vector<16x1xi32> to vector<16xi32>
      %gather3A_1311 = tpu.dynamic_gather %get3A_1286[%gather3A_1310] in [0] : vector<16xi32>, vector<16xi32> -> vector<16xi32>
      %lt3A_1312 = arith.constant 0 : i32
      %lt3A_1313 = vector.broadcast %lt3A_1312 : i32 to vector<16xi32>
      %lt3A_1314 = arith.cmpi slt, %and3A_9, %lt3A_1313 : vector<16xi32>
      %add3A_1315 = arith.constant 16 : i32
      %add3A_1316 = vector.broadcast %add3A_1315 : i32 to vector<16xi32>
      %add3A_1317 = arith.addi %and3A_9, %add3A_1316 : vector<16xi32>
      %select_n3A_1318 = arith.select %lt3A_1314, %add3A_1317, %and3A_9 : vector<16xi1>, vector<16xi32>
      %broadcast_in_dim3A_1319 = vector.shape_cast %select_n3A_1318 : vector<16xi32> to vector<16x1xi32>
      %gather3A_1320 = vector.shape_cast %broadcast_in_dim3A_1319 : vector<16x1xi32> to vector<16xi32>
      %gather3A_1321 = tpu.dynamic_gather %get3A_1290[%gather3A_1320] in [0] : vector<16xi32>, vector<16xi32> -> vector<16xi32>
      %select_n3A_1322 = arith.select %eq3A_1301, %gather3A_1311, %gather3A_1321 : vector<16xi1>, vector<16xi32>
      %eq3A_1323 = arith.constant 2 : i32
      %eq3A_1324 = vector.broadcast %eq3A_1323 : i32 to vector<16xi32>
      %eq3A_1325 = arith.cmpi eq, %shift_right_arithmetic3A_14, %eq3A_1324 : vector<16xi32>
      %lt3A_1326 = arith.constant 0 : i32
      %lt3A_1327 = vector.broadcast %lt3A_1326 : i32 to vector<16xi32>
      %lt3A_1328 = arith.cmpi slt, %and3A_9, %lt3A_1327 : vector<16xi32>
      %add3A_1329 = arith.constant 16 : i32
      %add3A_1330 = vector.broadcast %add3A_1329 : i32 to vector<16xi32>
      %add3A_1331 = arith.addi %and3A_9, %add3A_1330 : vector<16xi32>
      %select_n3A_1332 = arith.select %lt3A_1328, %add3A_1331, %and3A_9 : vector<16xi1>, vector<16xi32>
      %broadcast_in_dim3A_1333 = vector.shape_cast %select_n3A_1332 : vector<16xi32> to vector<16x1xi32>
      %gather3A_1334 = vector.shape_cast %broadcast_in_dim3A_1333 : vector<16x1xi32> to vector<16xi32>
      %gather3A_1335 = tpu.dynamic_gather %get3A_1294[%gather3A_1334] in [0] : vector<16xi32>, vector<16xi32> -> vector<16xi32>
      %lt3A_1336 = arith.constant 0 : i32
      %lt3A_1337 = vector.broadcast %lt3A_1336 : i32 to vector<16xi32>
      %lt3A_1338 = arith.cmpi slt, %and3A_9, %lt3A_1337 : vector<16xi32>
      %add3A_1339 = arith.constant 16 : i32
      %add3A_1340 = vector.broadcast %add3A_1339 : i32 to vector<16xi32>
      %add3A_1341 = arith.addi %and3A_9, %add3A_1340 : vector<16xi32>
      %select_n3A_1342 = arith.select %lt3A_1338, %add3A_1341, %and3A_9 : vector<16xi1>, vector<16xi32>
      %broadcast_in_dim3A_1343 = vector.shape_cast %select_n3A_1342 : vector<16xi32> to vector<16x1xi32>
      %gather3A_1344 = vector.shape_cast %broadcast_in_dim3A_1343 : vector<16x1xi32> to vector<16xi32>
      %gather3A_1345 = tpu.dynamic_gather %get3A_1298[%gather3A_1344] in [0] : vector<16xi32>, vector<16xi32> -> vector<16xi32>
      %select_n3A_1346 = arith.select %eq3A_1325, %gather3A_1335, %gather3A_1345 : vector<16xi1>, vector<16xi32>
      %lt3A_1347 = arith.constant 2 : i32
      %lt3A_1348 = vector.broadcast %lt3A_1347 : i32 to vector<16xi32>
      %lt3A_1349 = arith.cmpi slt, %shift_right_arithmetic3A_14, %lt3A_1348 : vector<16xi32>
      %select_n3A_1350 = arith.select %lt3A_1349, %select_n3A_1322, %select_n3A_1346 : vector<16xi1>, vector<16xi32>
      %mul3A_1351 = arith.constant 32 : i32
      %mul3A_1352 = arith.muli %add3A_1282, %mul3A_1351 : i32
      %swap3A_1353 = arith.index_cast %mul3A_1352 : i32 to index
      %swap3A_1354 = tpu.vector_load %arg8[%swap3A_1353] {strides = array<i32>} : memref<16384xi32, #tpu.memory_space<vmem>>, vector<16xi32>,
      %swap3A_1355 = vector.shape_cast %swap3A_1354 : vector<16xi32> to vector<16xi32>
      %swap3A_1356 = vector.shape_cast %select_n3A_1350 : vector<16xi32> to vector<16xi32>
      tpu.vector_store %arg8[%swap3A_1353], %swap3A_1356 {strides = array<i32>} : memref<16384xi32, #tpu.memory_space<vmem>>, vector<16xi32>,
      %eq3A_1357 = arith.constant 0 : i32
      %eq3A_1358 = vector.broadcast %eq3A_1357 : i32 to vector<16xi32>
      %eq3A_1359 = arith.cmpi eq, %shift_right_arithmetic3A_17, %eq3A_1358 : vector<16xi32>
      %lt3A_1360 = arith.constant 0 : i32
      %lt3A_1361 = vector.broadcast %lt3A_1360 : i32 to vector<16xi32>
      %lt3A_1362 = arith.cmpi slt, %and3A_12, %lt3A_1361 : vector<16xi32>
      %add3A_1363 = arith.constant 16 : i32
      %add3A_1364 = vector.broadcast %add3A_1363 : i32 to vector<16xi32>
      %add3A_1365 = arith.addi %and3A_12, %add3A_1364 : vector<16xi32>
      %select_n3A_1366 = arith.select %lt3A_1362, %add3A_1365, %and3A_12 : vector<16xi1>, vector<16xi32>
      %broadcast_in_dim3A_1367 = vector.shape_cast %select_n3A_1366 : vector<16xi32> to vector<16x1xi32>
      %gather3A_1368 = vector.shape_cast %broadcast_in_dim3A_1367 : vector<16x1xi32> to vector<16xi32>
      %gather3A_1369 = tpu.dynamic_gather %get3A_1286[%gather3A_1368] in [0] : vector<16xi32>, vector<16xi32> -> vector<16xi32>
      %lt3A_1370 = arith.constant 0 : i32
      %lt3A_1371 = vector.broadcast %lt3A_1370 : i32 to vector<16xi32>
      %lt3A_1372 = arith.cmpi slt, %and3A_12, %lt3A_1371 : vector<16xi32>
      %add3A_1373 = arith.constant 16 : i32
      %add3A_1374 = vector.broadcast %add3A_1373 : i32 to vector<16xi32>
      %add3A_1375 = arith.addi %and3A_12, %add3A_1374 : vector<16xi32>
      %select_n3A_1376 = arith.select %lt3A_1372, %add3A_1375, %and3A_12 : vector<16xi1>, vector<16xi32>
      %broadcast_in_dim3A_1377 = vector.shape_cast %select_n3A_1376 : vector<16xi32> to vector<16x1xi32>
      %gather3A_1378 = vector.shape_cast %broadcast_in_dim3A_1377 : vector<16x1xi32> to vector<16xi32>
      %gather3A_1379 = tpu.dynamic_gather %get3A_1290[%gather3A_1378] in [0] : vector<16xi32>, vector<16xi32> -> vector<16xi32>
      %select_n3A_1380 = arith.select %eq3A_1359, %gather3A_1369, %gather3A_1379 : vector<16xi1>, vector<16xi32>
      %eq3A_1381 = arith.constant 2 : i32
      %eq3A_1382 = vector.broadcast %eq3A_1381 : i32 to vector<16xi32>
      %eq3A_1383 = arith.cmpi eq, %shift_right_arithmetic3A_17, %eq3A_1382 : vector<16xi32>
      %lt3A_1384 = arith.constant 0 : i32
      %lt3A_1385 = vector.broadcast %lt3A_1384 : i32 to vector<16xi32>
      %lt3A_1386 = arith.cmpi slt, %and3A_12, %lt3A_1385 : vector<16xi32>
      %add3A_1387 = arith.constant 16 : i32
      %add3A_1388 = vector.broadcast %add3A_1387 : i32 to vector<16xi32>
      %add3A_1389 = arith.addi %and3A_12, %add3A_1388 : vector<16xi32>
      %select_n3A_1390 = arith.select %lt3A_1386, %add3A_1389, %and3A_12 : vector<16xi1>, vector<16xi32>
      %broadcast_in_dim3A_1391 = vector.shape_cast %select_n3A_1390 : vector<16xi32> to vector<16x1xi32>
      %gather3A_1392 = vector.shape_cast %broadcast_in_dim3A_1391 : vector<16x1xi32> to vector<16xi32>
      %gather3A_1393 = tpu.dynamic_gather %get3A_1294[%gather3A_1392] in [0] : vector<16xi32>, vector<16xi32> -> vector<16xi32>
      %lt3A_1394 = arith.constant 0 : i32
      %lt3A_1395 = vector.broadcast %lt3A_1394 : i32 to vector<16xi32>
      %lt3A_1396 = arith.cmpi slt, %and3A_12, %lt3A_1395 : vector<16xi32>
      %add3A_1397 = arith.constant 16 : i32
      %add3A_1398 = vector.broadcast %add3A_1397 : i32 to vector<16xi32>
      %add3A_1399 = arith.addi %and3A_12, %add3A_1398 : vector<16xi32>
      %select_n3A_1400 = arith.select %lt3A_1396, %add3A_1399, %and3A_12 : vector<16xi1>, vector<16xi32>
      %broadcast_in_dim3A_1401 = vector.shape_cast %select_n3A_1400 : vector<16xi32> to vector<16x1xi32>
      %gather3A_1402 = vector.shape_cast %broadcast_in_dim3A_1401 : vector<16x1xi32> to vector<16xi32>
      %gather3A_1403 = tpu.dynamic_gather %get3A_1298[%gather3A_1402] in [0] : vector<16xi32>, vector<16xi32> -> vector<16xi32>
      %select_n3A_1404 = arith.select %eq3A_1383, %gather3A_1393, %gather3A_1403 : vector<16xi1>, vector<16xi32>
      %lt3A_1405 = arith.constant 2 : i32
      %lt3A_1406 = vector.broadcast %lt3A_1405 : i32 to vector<16xi32>
      %lt3A_1407 = arith.cmpi slt, %shift_right_arithmetic3A_17, %lt3A_1406 : vector<16xi32>
      %select_n3A_1408 = arith.select %lt3A_1407, %select_n3A_1380, %select_n3A_1404 : vector<16xi1>, vector<16xi32>
      %mul3A_1409 = arith.constant 32 : i32
      %mul3A_1410 = arith.muli %add3A_1282, %mul3A_1409 : i32
      %add3A_1411 = arith.constant 16 : i32
      %add3A_1412 = arith.addi %mul3A_1410, %add3A_1411 : i32
      %swap3A_1413 = arith.index_cast %add3A_1412 : i32 to index
      %swap3A_1414 = tpu.vector_load %arg8[%swap3A_1413] {strides = array<i32>} : memref<16384xi32, #tpu.memory_space<vmem>>, vector<16xi32>,
      %swap3A_1415 = vector.shape_cast %swap3A_1414 : vector<16xi32> to vector<16xi32>
      %swap3A_1416 = vector.shape_cast %select_n3A_1408 : vector<16xi32> to vector<16xi32>
      tpu.vector_store %arg8[%swap3A_1413], %swap3A_1416 {strides = array<i32>} : memref<16384xi32, #tpu.memory_space<vmem>>, vector<16xi32>,
      %mul3A_1417 = arith.constant 16 : i32
      %mul3A_1418 = arith.muli %scan3A_31, %mul3A_1417 : i32
      %add3A_1419 = arith.constant 10 : i32
      %add3A_1420 = arith.addi %mul3A_1418, %add3A_1419 : i32
      %get3A_1421 = arith.index_cast %add3A_1420 : i32 to index
      %get3A_1422 = arith.constant 0 : index
      %get3A_1423 = tpu.vector_load %arg7[%get3A_1421, %get3A_1422] {strides = array<i32>} : memref<512x64xi32, #tpu.memory_space<vmem>>, vector<1x16xi32>,
      %get3A_1424 = vector.shape_cast %get3A_1423 : vector<1x16xi32> to vector<16xi32>
      %get3A_1425 = arith.index_cast %add3A_1420 : i32 to index
      %get3A_1426 = arith.constant 16 : index
      %get3A_1427 = tpu.vector_load %arg7[%get3A_1425, %get3A_1426] {strides = array<i32>} : memref<512x64xi32, #tpu.memory_space<vmem>>, vector<1x16xi32>,
      %get3A_1428 = vector.shape_cast %get3A_1427 : vector<1x16xi32> to vector<16xi32>
      %get3A_1429 = arith.index_cast %add3A_1420 : i32 to index
      %get3A_1430 = arith.constant 32 : index
      %get3A_1431 = tpu.vector_load %arg7[%get3A_1429, %get3A_1430] {strides = array<i32>} : memref<512x64xi32, #tpu.memory_space<vmem>>, vector<1x16xi32>,
      %get3A_1432 = vector.shape_cast %get3A_1431 : vector<1x16xi32> to vector<16xi32>
      %get3A_1433 = arith.index_cast %add3A_1420 : i32 to index
      %get3A_1434 = arith.constant 48 : index
      %get3A_1435 = tpu.vector_load %arg7[%get3A_1433, %get3A_1434] {strides = array<i32>} : memref<512x64xi32, #tpu.memory_space<vmem>>, vector<1x16xi32>,
      %get3A_1436 = vector.shape_cast %get3A_1435 : vector<1x16xi32> to vector<16xi32>
      %eq3A_1437 = arith.constant 0 : i32
      %eq3A_1438 = vector.broadcast %eq3A_1437 : i32 to vector<16xi32>
      %eq3A_1439 = arith.cmpi eq, %shift_right_arithmetic3A_14, %eq3A_1438 : vector<16xi32>
      %lt3A_1440 = arith.constant 0 : i32
      %lt3A_1441 = vector.broadcast %lt3A_1440 : i32 to vector<16xi32>
      %lt3A_1442 = arith.cmpi slt, %and3A_9, %lt3A_1441 : vector<16xi32>
      %add3A_1443 = arith.constant 16 : i32
      %add3A_1444 = vector.broadcast %add3A_1443 : i32 to vector<16xi32>
      %add3A_1445 = arith.addi %and3A_9, %add3A_1444 : vector<16xi32>
      %select_n3A_1446 = arith.select %lt3A_1442, %add3A_1445, %and3A_9 : vector<16xi1>, vector<16xi32>
      %broadcast_in_dim3A_1447 = vector.shape_cast %select_n3A_1446 : vector<16xi32> to vector<16x1xi32>
      %gather3A_1448 = vector.shape_cast %broadcast_in_dim3A_1447 : vector<16x1xi32> to vector<16xi32>
      %gather3A_1449 = tpu.dynamic_gather %get3A_1424[%gather3A_1448] in [0] : vector<16xi32>, vector<16xi32> -> vector<16xi32>
      %lt3A_1450 = arith.constant 0 : i32
      %lt3A_1451 = vector.broadcast %lt3A_1450 : i32 to vector<16xi32>
      %lt3A_1452 = arith.cmpi slt, %and3A_9, %lt3A_1451 : vector<16xi32>
      %add3A_1453 = arith.constant 16 : i32
      %add3A_1454 = vector.broadcast %add3A_1453 : i32 to vector<16xi32>
      %add3A_1455 = arith.addi %and3A_9, %add3A_1454 : vector<16xi32>
      %select_n3A_1456 = arith.select %lt3A_1452, %add3A_1455, %and3A_9 : vector<16xi1>, vector<16xi32>
      %broadcast_in_dim3A_1457 = vector.shape_cast %select_n3A_1456 : vector<16xi32> to vector<16x1xi32>
      %gather3A_1458 = vector.shape_cast %broadcast_in_dim3A_1457 : vector<16x1xi32> to vector<16xi32>
      %gather3A_1459 = tpu.dynamic_gather %get3A_1428[%gather3A_1458] in [0] : vector<16xi32>, vector<16xi32> -> vector<16xi32>
      %select_n3A_1460 = arith.select %eq3A_1439, %gather3A_1449, %gather3A_1459 : vector<16xi1>, vector<16xi32>
      %eq3A_1461 = arith.constant 2 : i32
      %eq3A_1462 = vector.broadcast %eq3A_1461 : i32 to vector<16xi32>
      %eq3A_1463 = arith.cmpi eq, %shift_right_arithmetic3A_14, %eq3A_1462 : vector<16xi32>
      %lt3A_1464 = arith.constant 0 : i32
      %lt3A_1465 = vector.broadcast %lt3A_1464 : i32 to vector<16xi32>
      %lt3A_1466 = arith.cmpi slt, %and3A_9, %lt3A_1465 : vector<16xi32>
      %add3A_1467 = arith.constant 16 : i32
      %add3A_1468 = vector.broadcast %add3A_1467 : i32 to vector<16xi32>
      %add3A_1469 = arith.addi %and3A_9, %add3A_1468 : vector<16xi32>
      %select_n3A_1470 = arith.select %lt3A_1466, %add3A_1469, %and3A_9 : vector<16xi1>, vector<16xi32>
      %broadcast_in_dim3A_1471 = vector.shape_cast %select_n3A_1470 : vector<16xi32> to vector<16x1xi32>
      %gather3A_1472 = vector.shape_cast %broadcast_in_dim3A_1471 : vector<16x1xi32> to vector<16xi32>
      %gather3A_1473 = tpu.dynamic_gather %get3A_1432[%gather3A_1472] in [0] : vector<16xi32>, vector<16xi32> -> vector<16xi32>
      %lt3A_1474 = arith.constant 0 : i32
      %lt3A_1475 = vector.broadcast %lt3A_1474 : i32 to vector<16xi32>
      %lt3A_1476 = arith.cmpi slt, %and3A_9, %lt3A_1475 : vector<16xi32>
      %add3A_1477 = arith.constant 16 : i32
      %add3A_1478 = vector.broadcast %add3A_1477 : i32 to vector<16xi32>
      %add3A_1479 = arith.addi %and3A_9, %add3A_1478 : vector<16xi32>
      %select_n3A_1480 = arith.select %lt3A_1476, %add3A_1479, %and3A_9 : vector<16xi1>, vector<16xi32>
      %broadcast_in_dim3A_1481 = vector.shape_cast %select_n3A_1480 : vector<16xi32> to vector<16x1xi32>
      %gather3A_1482 = vector.shape_cast %broadcast_in_dim3A_1481 : vector<16x1xi32> to vector<16xi32>
      %gather3A_1483 = tpu.dynamic_gather %get3A_1436[%gather3A_1482] in [0] : vector<16xi32>, vector<16xi32> -> vector<16xi32>
      %select_n3A_1484 = arith.select %eq3A_1463, %gather3A_1473, %gather3A_1483 : vector<16xi1>, vector<16xi32>
      %lt3A_1485 = arith.constant 2 : i32
      %lt3A_1486 = vector.broadcast %lt3A_1485 : i32 to vector<16xi32>
      %lt3A_1487 = arith.cmpi slt, %shift_right_arithmetic3A_14, %lt3A_1486 : vector<16xi32>
      %select_n3A_1488 = arith.select %lt3A_1487, %select_n3A_1460, %select_n3A_1484 : vector<16xi1>, vector<16xi32>
      %mul3A_1489 = arith.constant 32 : i32
      %mul3A_1490 = arith.muli %add3A_1420, %mul3A_1489 : i32
      %swap3A_1491 = arith.index_cast %mul3A_1490 : i32 to index
      %swap3A_1492 = tpu.vector_load %arg8[%swap3A_1491] {strides = array<i32>} : memref<16384xi32, #tpu.memory_space<vmem>>, vector<16xi32>,
      %swap3A_1493 = vector.shape_cast %swap3A_1492 : vector<16xi32> to vector<16xi32>
      %swap3A_1494 = vector.shape_cast %select_n3A_1488 : vector<16xi32> to vector<16xi32>
      tpu.vector_store %arg8[%swap3A_1491], %swap3A_1494 {strides = array<i32>} : memref<16384xi32, #tpu.memory_space<vmem>>, vector<16xi32>,
      %eq3A_1495 = arith.constant 0 : i32
      %eq3A_1496 = vector.broadcast %eq3A_1495 : i32 to vector<16xi32>
      %eq3A_1497 = arith.cmpi eq, %shift_right_arithmetic3A_17, %eq3A_1496 : vector<16xi32>
      %lt3A_1498 = arith.constant 0 : i32
      %lt3A_1499 = vector.broadcast %lt3A_1498 : i32 to vector<16xi32>
      %lt3A_1500 = arith.cmpi slt, %and3A_12, %lt3A_1499 : vector<16xi32>
      %add3A_1501 = arith.constant 16 : i32
      %add3A_1502 = vector.broadcast %add3A_1501 : i32 to vector<16xi32>
      %add3A_1503 = arith.addi %and3A_12, %add3A_1502 : vector<16xi32>
      %select_n3A_1504 = arith.select %lt3A_1500, %add3A_1503, %and3A_12 : vector<16xi1>, vector<16xi32>
      %broadcast_in_dim3A_1505 = vector.shape_cast %select_n3A_1504 : vector<16xi32> to vector<16x1xi32>
      %gather3A_1506 = vector.shape_cast %broadcast_in_dim3A_1505 : vector<16x1xi32> to vector<16xi32>
      %gather3A_1507 = tpu.dynamic_gather %get3A_1424[%gather3A_1506] in [0] : vector<16xi32>, vector<16xi32> -> vector<16xi32>
      %lt3A_1508 = arith.constant 0 : i32
      %lt3A_1509 = vector.broadcast %lt3A_1508 : i32 to vector<16xi32>
      %lt3A_1510 = arith.cmpi slt, %and3A_12, %lt3A_1509 : vector<16xi32>
      %add3A_1511 = arith.constant 16 : i32
      %add3A_1512 = vector.broadcast %add3A_1511 : i32 to vector<16xi32>
      %add3A_1513 = arith.addi %and3A_12, %add3A_1512 : vector<16xi32>
      %select_n3A_1514 = arith.select %lt3A_1510, %add3A_1513, %and3A_12 : vector<16xi1>, vector<16xi32>
      %broadcast_in_dim3A_1515 = vector.shape_cast %select_n3A_1514 : vector<16xi32> to vector<16x1xi32>
      %gather3A_1516 = vector.shape_cast %broadcast_in_dim3A_1515 : vector<16x1xi32> to vector<16xi32>
      %gather3A_1517 = tpu.dynamic_gather %get3A_1428[%gather3A_1516] in [0] : vector<16xi32>, vector<16xi32> -> vector<16xi32>
      %select_n3A_1518 = arith.select %eq3A_1497, %gather3A_1507, %gather3A_1517 : vector<16xi1>, vector<16xi32>
      %eq3A_1519 = arith.constant 2 : i32
      %eq3A_1520 = vector.broadcast %eq3A_1519 : i32 to vector<16xi32>
      %eq3A_1521 = arith.cmpi eq, %shift_right_arithmetic3A_17, %eq3A_1520 : vector<16xi32>
      %lt3A_1522 = arith.constant 0 : i32
      %lt3A_1523 = vector.broadcast %lt3A_1522 : i32 to vector<16xi32>
      %lt3A_1524 = arith.cmpi slt, %and3A_12, %lt3A_1523 : vector<16xi32>
      %add3A_1525 = arith.constant 16 : i32
      %add3A_1526 = vector.broadcast %add3A_1525 : i32 to vector<16xi32>
      %add3A_1527 = arith.addi %and3A_12, %add3A_1526 : vector<16xi32>
      %select_n3A_1528 = arith.select %lt3A_1524, %add3A_1527, %and3A_12 : vector<16xi1>, vector<16xi32>
      %broadcast_in_dim3A_1529 = vector.shape_cast %select_n3A_1528 : vector<16xi32> to vector<16x1xi32>
      %gather3A_1530 = vector.shape_cast %broadcast_in_dim3A_1529 : vector<16x1xi32> to vector<16xi32>
      %gather3A_1531 = tpu.dynamic_gather %get3A_1432[%gather3A_1530] in [0] : vector<16xi32>, vector<16xi32> -> vector<16xi32>
      %lt3A_1532 = arith.constant 0 : i32
      %lt3A_1533 = vector.broadcast %lt3A_1532 : i32 to vector<16xi32>
      %lt3A_1534 = arith.cmpi slt, %and3A_12, %lt3A_1533 : vector<16xi32>
      %add3A_1535 = arith.constant 16 : i32
      %add3A_1536 = vector.broadcast %add3A_1535 : i32 to vector<16xi32>
      %add3A_1537 = arith.addi %and3A_12, %add3A_1536 : vector<16xi32>
      %select_n3A_1538 = arith.select %lt3A_1534, %add3A_1537, %and3A_12 : vector<16xi1>, vector<16xi32>
      %broadcast_in_dim3A_1539 = vector.shape_cast %select_n3A_1538 : vector<16xi32> to vector<16x1xi32>
      %gather3A_1540 = vector.shape_cast %broadcast_in_dim3A_1539 : vector<16x1xi32> to vector<16xi32>
      %gather3A_1541 = tpu.dynamic_gather %get3A_1436[%gather3A_1540] in [0] : vector<16xi32>, vector<16xi32> -> vector<16xi32>
      %select_n3A_1542 = arith.select %eq3A_1521, %gather3A_1531, %gather3A_1541 : vector<16xi1>, vector<16xi32>
      %lt3A_1543 = arith.constant 2 : i32
      %lt3A_1544 = vector.broadcast %lt3A_1543 : i32 to vector<16xi32>
      %lt3A_1545 = arith.cmpi slt, %shift_right_arithmetic3A_17, %lt3A_1544 : vector<16xi32>
      %select_n3A_1546 = arith.select %lt3A_1545, %select_n3A_1518, %select_n3A_1542 : vector<16xi1>, vector<16xi32>
      %mul3A_1547 = arith.constant 32 : i32
      %mul3A_1548 = arith.muli %add3A_1420, %mul3A_1547 : i32
      %add3A_1549 = arith.constant 16 : i32
      %add3A_1550 = arith.addi %mul3A_1548, %add3A_1549 : i32
      %swap3A_1551 = arith.index_cast %add3A_1550 : i32 to index
      %swap3A_1552 = tpu.vector_load %arg8[%swap3A_1551] {strides = array<i32>} : memref<16384xi32, #tpu.memory_space<vmem>>, vector<16xi32>,
      %swap3A_1553 = vector.shape_cast %swap3A_1552 : vector<16xi32> to vector<16xi32>
      %swap3A_1554 = vector.shape_cast %select_n3A_1546 : vector<16xi32> to vector<16xi32>
      tpu.vector_store %arg8[%swap3A_1551], %swap3A_1554 {strides = array<i32>} : memref<16384xi32, #tpu.memory_space<vmem>>, vector<16xi32>,
      %mul3A_1555 = arith.constant 16 : i32
      %mul3A_1556 = arith.muli %scan3A_31, %mul3A_1555 : i32
      %add3A_1557 = arith.constant 11 : i32
      %add3A_1558 = arith.addi %mul3A_1556, %add3A_1557 : i32
      %get3A_1559 = arith.index_cast %add3A_1558 : i32 to index
      %get3A_1560 = arith.constant 0 : index
      %get3A_1561 = tpu.vector_load %arg7[%get3A_1559, %get3A_1560] {strides = array<i32>} : memref<512x64xi32, #tpu.memory_space<vmem>>, vector<1x16xi32>,
      %get3A_1562 = vector.shape_cast %get3A_1561 : vector<1x16xi32> to vector<16xi32>
      %get3A_1563 = arith.index_cast %add3A_1558 : i32 to index
      %get3A_1564 = arith.constant 16 : index
      %get3A_1565 = tpu.vector_load %arg7[%get3A_1563, %get3A_1564] {strides = array<i32>} : memref<512x64xi32, #tpu.memory_space<vmem>>, vector<1x16xi32>,
      %get3A_1566 = vector.shape_cast %get3A_1565 : vector<1x16xi32> to vector<16xi32>
      %get3A_1567 = arith.index_cast %add3A_1558 : i32 to index
      %get3A_1568 = arith.constant 32 : index
      %get3A_1569 = tpu.vector_load %arg7[%get3A_1567, %get3A_1568] {strides = array<i32>} : memref<512x64xi32, #tpu.memory_space<vmem>>, vector<1x16xi32>,
      %get3A_1570 = vector.shape_cast %get3A_1569 : vector<1x16xi32> to vector<16xi32>
      %get3A_1571 = arith.index_cast %add3A_1558 : i32 to index
      %get3A_1572 = arith.constant 48 : index
      %get3A_1573 = tpu.vector_load %arg7[%get3A_1571, %get3A_1572] {strides = array<i32>} : memref<512x64xi32, #tpu.memory_space<vmem>>, vector<1x16xi32>,
      %get3A_1574 = vector.shape_cast %get3A_1573 : vector<1x16xi32> to vector<16xi32>
      %eq3A_1575 = arith.constant 0 : i32
      %eq3A_1576 = vector.broadcast %eq3A_1575 : i32 to vector<16xi32>
      %eq3A_1577 = arith.cmpi eq, %shift_right_arithmetic3A_14, %eq3A_1576 : vector<16xi32>
      %lt3A_1578 = arith.constant 0 : i32
      %lt3A_1579 = vector.broadcast %lt3A_1578 : i32 to vector<16xi32>
      %lt3A_1580 = arith.cmpi slt, %and3A_9, %lt3A_1579 : vector<16xi32>
      %add3A_1581 = arith.constant 16 : i32
      %add3A_1582 = vector.broadcast %add3A_1581 : i32 to vector<16xi32>
      %add3A_1583 = arith.addi %and3A_9, %add3A_1582 : vector<16xi32>
      %select_n3A_1584 = arith.select %lt3A_1580, %add3A_1583, %and3A_9 : vector<16xi1>, vector<16xi32>
      %broadcast_in_dim3A_1585 = vector.shape_cast %select_n3A_1584 : vector<16xi32> to vector<16x1xi32>
      %gather3A_1586 = vector.shape_cast %broadcast_in_dim3A_1585 : vector<16x1xi32> to vector<16xi32>
      %gather3A_1587 = tpu.dynamic_gather %get3A_1562[%gather3A_1586] in [0] : vector<16xi32>, vector<16xi32> -> vector<16xi32>
      %lt3A_1588 = arith.constant 0 : i32
      %lt3A_1589 = vector.broadcast %lt3A_1588 : i32 to vector<16xi32>
      %lt3A_1590 = arith.cmpi slt, %and3A_9, %lt3A_1589 : vector<16xi32>
      %add3A_1591 = arith.constant 16 : i32
      %add3A_1592 = vector.broadcast %add3A_1591 : i32 to vector<16xi32>
      %add3A_1593 = arith.addi %and3A_9, %add3A_1592 : vector<16xi32>
      %select_n3A_1594 = arith.select %lt3A_1590, %add3A_1593, %and3A_9 : vector<16xi1>, vector<16xi32>
      %broadcast_in_dim3A_1595 = vector.shape_cast %select_n3A_1594 : vector<16xi32> to vector<16x1xi32>
      %gather3A_1596 = vector.shape_cast %broadcast_in_dim3A_1595 : vector<16x1xi32> to vector<16xi32>
      %gather3A_1597 = tpu.dynamic_gather %get3A_1566[%gather3A_1596] in [0] : vector<16xi32>, vector<16xi32> -> vector<16xi32>
      %select_n3A_1598 = arith.select %eq3A_1577, %gather3A_1587, %gather3A_1597 : vector<16xi1>, vector<16xi32>
      %eq3A_1599 = arith.constant 2 : i32
      %eq3A_1600 = vector.broadcast %eq3A_1599 : i32 to vector<16xi32>
      %eq3A_1601 = arith.cmpi eq, %shift_right_arithmetic3A_14, %eq3A_1600 : vector<16xi32>
      %lt3A_1602 = arith.constant 0 : i32
      %lt3A_1603 = vector.broadcast %lt3A_1602 : i32 to vector<16xi32>
      %lt3A_1604 = arith.cmpi slt, %and3A_9, %lt3A_1603 : vector<16xi32>
      %add3A_1605 = arith.constant 16 : i32
      %add3A_1606 = vector.broadcast %add3A_1605 : i32 to vector<16xi32>
      %add3A_1607 = arith.addi %and3A_9, %add3A_1606 : vector<16xi32>
      %select_n3A_1608 = arith.select %lt3A_1604, %add3A_1607, %and3A_9 : vector<16xi1>, vector<16xi32>
      %broadcast_in_dim3A_1609 = vector.shape_cast %select_n3A_1608 : vector<16xi32> to vector<16x1xi32>
      %gather3A_1610 = vector.shape_cast %broadcast_in_dim3A_1609 : vector<16x1xi32> to vector<16xi32>
      %gather3A_1611 = tpu.dynamic_gather %get3A_1570[%gather3A_1610] in [0] : vector<16xi32>, vector<16xi32> -> vector<16xi32>
      %lt3A_1612 = arith.constant 0 : i32
      %lt3A_1613 = vector.broadcast %lt3A_1612 : i32 to vector<16xi32>
      %lt3A_1614 = arith.cmpi slt, %and3A_9, %lt3A_1613 : vector<16xi32>
      %add3A_1615 = arith.constant 16 : i32
      %add3A_1616 = vector.broadcast %add3A_1615 : i32 to vector<16xi32>
      %add3A_1617 = arith.addi %and3A_9, %add3A_1616 : vector<16xi32>
      %select_n3A_1618 = arith.select %lt3A_1614, %add3A_1617, %and3A_9 : vector<16xi1>, vector<16xi32>
      %broadcast_in_dim3A_1619 = vector.shape_cast %select_n3A_1618 : vector<16xi32> to vector<16x1xi32>
      %gather3A_1620 = vector.shape_cast %broadcast_in_dim3A_1619 : vector<16x1xi32> to vector<16xi32>
      %gather3A_1621 = tpu.dynamic_gather %get3A_1574[%gather3A_1620] in [0] : vector<16xi32>, vector<16xi32> -> vector<16xi32>
      %select_n3A_1622 = arith.select %eq3A_1601, %gather3A_1611, %gather3A_1621 : vector<16xi1>, vector<16xi32>
      %lt3A_1623 = arith.constant 2 : i32
      %lt3A_1624 = vector.broadcast %lt3A_1623 : i32 to vector<16xi32>
      %lt3A_1625 = arith.cmpi slt, %shift_right_arithmetic3A_14, %lt3A_1624 : vector<16xi32>
      %select_n3A_1626 = arith.select %lt3A_1625, %select_n3A_1598, %select_n3A_1622 : vector<16xi1>, vector<16xi32>
      %mul3A_1627 = arith.constant 32 : i32
      %mul3A_1628 = arith.muli %add3A_1558, %mul3A_1627 : i32
      %swap3A_1629 = arith.index_cast %mul3A_1628 : i32 to index
      %swap3A_1630 = tpu.vector_load %arg8[%swap3A_1629] {strides = array<i32>} : memref<16384xi32, #tpu.memory_space<vmem>>, vector<16xi32>,
      %swap3A_1631 = vector.shape_cast %swap3A_1630 : vector<16xi32> to vector<16xi32>
      %swap3A_1632 = vector.shape_cast %select_n3A_1626 : vector<16xi32> to vector<16xi32>
      tpu.vector_store %arg8[%swap3A_1629], %swap3A_1632 {strides = array<i32>} : memref<16384xi32, #tpu.memory_space<vmem>>, vector<16xi32>,
      %eq3A_1633 = arith.constant 0 : i32
      %eq3A_1634 = vector.broadcast %eq3A_1633 : i32 to vector<16xi32>
      %eq3A_1635 = arith.cmpi eq, %shift_right_arithmetic3A_17, %eq3A_1634 : vector<16xi32>
      %lt3A_1636 = arith.constant 0 : i32
      %lt3A_1637 = vector.broadcast %lt3A_1636 : i32 to vector<16xi32>
      %lt3A_1638 = arith.cmpi slt, %and3A_12, %lt3A_1637 : vector<16xi32>
      %add3A_1639 = arith.constant 16 : i32
      %add3A_1640 = vector.broadcast %add3A_1639 : i32 to vector<16xi32>
      %add3A_1641 = arith.addi %and3A_12, %add3A_1640 : vector<16xi32>
      %select_n3A_1642 = arith.select %lt3A_1638, %add3A_1641, %and3A_12 : vector<16xi1>, vector<16xi32>
      %broadcast_in_dim3A_1643 = vector.shape_cast %select_n3A_1642 : vector<16xi32> to vector<16x1xi32>
      %gather3A_1644 = vector.shape_cast %broadcast_in_dim3A_1643 : vector<16x1xi32> to vector<16xi32>
      %gather3A_1645 = tpu.dynamic_gather %get3A_1562[%gather3A_1644] in [0] : vector<16xi32>, vector<16xi32> -> vector<16xi32>
      %lt3A_1646 = arith.constant 0 : i32
      %lt3A_1647 = vector.broadcast %lt3A_1646 : i32 to vector<16xi32>
      %lt3A_1648 = arith.cmpi slt, %and3A_12, %lt3A_1647 : vector<16xi32>
      %add3A_1649 = arith.constant 16 : i32
      %add3A_1650 = vector.broadcast %add3A_1649 : i32 to vector<16xi32>
      %add3A_1651 = arith.addi %and3A_12, %add3A_1650 : vector<16xi32>
      %select_n3A_1652 = arith.select %lt3A_1648, %add3A_1651, %and3A_12 : vector<16xi1>, vector<16xi32>
      %broadcast_in_dim3A_1653 = vector.shape_cast %select_n3A_1652 : vector<16xi32> to vector<16x1xi32>
      %gather3A_1654 = vector.shape_cast %broadcast_in_dim3A_1653 : vector<16x1xi32> to vector<16xi32>
      %gather3A_1655 = tpu.dynamic_gather %get3A_1566[%gather3A_1654] in [0] : vector<16xi32>, vector<16xi32> -> vector<16xi32>
      %select_n3A_1656 = arith.select %eq3A_1635, %gather3A_1645, %gather3A_1655 : vector<16xi1>, vector<16xi32>
      %eq3A_1657 = arith.constant 2 : i32
      %eq3A_1658 = vector.broadcast %eq3A_1657 : i32 to vector<16xi32>
      %eq3A_1659 = arith.cmpi eq, %shift_right_arithmetic3A_17, %eq3A_1658 : vector<16xi32>
      %lt3A_1660 = arith.constant 0 : i32
      %lt3A_1661 = vector.broadcast %lt3A_1660 : i32 to vector<16xi32>
      %lt3A_1662 = arith.cmpi slt, %and3A_12, %lt3A_1661 : vector<16xi32>
      %add3A_1663 = arith.constant 16 : i32
      %add3A_1664 = vector.broadcast %add3A_1663 : i32 to vector<16xi32>
      %add3A_1665 = arith.addi %and3A_12, %add3A_1664 : vector<16xi32>
      %select_n3A_1666 = arith.select %lt3A_1662, %add3A_1665, %and3A_12 : vector<16xi1>, vector<16xi32>
      %broadcast_in_dim3A_1667 = vector.shape_cast %select_n3A_1666 : vector<16xi32> to vector<16x1xi32>
      %gather3A_1668 = vector.shape_cast %broadcast_in_dim3A_1667 : vector<16x1xi32> to vector<16xi32>
      %gather3A_1669 = tpu.dynamic_gather %get3A_1570[%gather3A_1668] in [0] : vector<16xi32>, vector<16xi32> -> vector<16xi32>
      %lt3A_1670 = arith.constant 0 : i32
      %lt3A_1671 = vector.broadcast %lt3A_1670 : i32 to vector<16xi32>
      %lt3A_1672 = arith.cmpi slt, %and3A_12, %lt3A_1671 : vector<16xi32>
      %add3A_1673 = arith.constant 16 : i32
      %add3A_1674 = vector.broadcast %add3A_1673 : i32 to vector<16xi32>
      %add3A_1675 = arith.addi %and3A_12, %add3A_1674 : vector<16xi32>
      %select_n3A_1676 = arith.select %lt3A_1672, %add3A_1675, %and3A_12 : vector<16xi1>, vector<16xi32>
      %broadcast_in_dim3A_1677 = vector.shape_cast %select_n3A_1676 : vector<16xi32> to vector<16x1xi32>
      %gather3A_1678 = vector.shape_cast %broadcast_in_dim3A_1677 : vector<16x1xi32> to vector<16xi32>
      %gather3A_1679 = tpu.dynamic_gather %get3A_1574[%gather3A_1678] in [0] : vector<16xi32>, vector<16xi32> -> vector<16xi32>
      %select_n3A_1680 = arith.select %eq3A_1659, %gather3A_1669, %gather3A_1679 : vector<16xi1>, vector<16xi32>
      %lt3A_1681 = arith.constant 2 : i32
      %lt3A_1682 = vector.broadcast %lt3A_1681 : i32 to vector<16xi32>
      %lt3A_1683 = arith.cmpi slt, %shift_right_arithmetic3A_17, %lt3A_1682 : vector<16xi32>
      %select_n3A_1684 = arith.select %lt3A_1683, %select_n3A_1656, %select_n3A_1680 : vector<16xi1>, vector<16xi32>
      %mul3A_1685 = arith.constant 32 : i32
      %mul3A_1686 = arith.muli %add3A_1558, %mul3A_1685 : i32
      %add3A_1687 = arith.constant 16 : i32
      %add3A_1688 = arith.addi %mul3A_1686, %add3A_1687 : i32
      %swap3A_1689 = arith.index_cast %add3A_1688 : i32 to index
      %swap3A_1690 = tpu.vector_load %arg8[%swap3A_1689] {strides = array<i32>} : memref<16384xi32, #tpu.memory_space<vmem>>, vector<16xi32>,
      %swap3A_1691 = vector.shape_cast %swap3A_1690 : vector<16xi32> to vector<16xi32>
      %swap3A_1692 = vector.shape_cast %select_n3A_1684 : vector<16xi32> to vector<16xi32>
      tpu.vector_store %arg8[%swap3A_1689], %swap3A_1692 {strides = array<i32>} : memref<16384xi32, #tpu.memory_space<vmem>>, vector<16xi32>,
      %mul3A_1693 = arith.constant 16 : i32
      %mul3A_1694 = arith.muli %scan3A_31, %mul3A_1693 : i32
      %add3A_1695 = arith.constant 12 : i32
      %add3A_1696 = arith.addi %mul3A_1694, %add3A_1695 : i32
      %get3A_1697 = arith.index_cast %add3A_1696 : i32 to index
      %get3A_1698 = arith.constant 0 : index
      %get3A_1699 = tpu.vector_load %arg7[%get3A_1697, %get3A_1698] {strides = array<i32>} : memref<512x64xi32, #tpu.memory_space<vmem>>, vector<1x16xi32>,
      %get3A_1700 = vector.shape_cast %get3A_1699 : vector<1x16xi32> to vector<16xi32>
      %get3A_1701 = arith.index_cast %add3A_1696 : i32 to index
      %get3A_1702 = arith.constant 16 : index
      %get3A_1703 = tpu.vector_load %arg7[%get3A_1701, %get3A_1702] {strides = array<i32>} : memref<512x64xi32, #tpu.memory_space<vmem>>, vector<1x16xi32>,
      %get3A_1704 = vector.shape_cast %get3A_1703 : vector<1x16xi32> to vector<16xi32>
      %get3A_1705 = arith.index_cast %add3A_1696 : i32 to index
      %get3A_1706 = arith.constant 32 : index
      %get3A_1707 = tpu.vector_load %arg7[%get3A_1705, %get3A_1706] {strides = array<i32>} : memref<512x64xi32, #tpu.memory_space<vmem>>, vector<1x16xi32>,
      %get3A_1708 = vector.shape_cast %get3A_1707 : vector<1x16xi32> to vector<16xi32>
      %get3A_1709 = arith.index_cast %add3A_1696 : i32 to index
      %get3A_1710 = arith.constant 48 : index
      %get3A_1711 = tpu.vector_load %arg7[%get3A_1709, %get3A_1710] {strides = array<i32>} : memref<512x64xi32, #tpu.memory_space<vmem>>, vector<1x16xi32>,
      %get3A_1712 = vector.shape_cast %get3A_1711 : vector<1x16xi32> to vector<16xi32>
      %eq3A_1713 = arith.constant 0 : i32
      %eq3A_1714 = vector.broadcast %eq3A_1713 : i32 to vector<16xi32>
      %eq3A_1715 = arith.cmpi eq, %shift_right_arithmetic3A_14, %eq3A_1714 : vector<16xi32>
      %lt3A_1716 = arith.constant 0 : i32
      %lt3A_1717 = vector.broadcast %lt3A_1716 : i32 to vector<16xi32>
      %lt3A_1718 = arith.cmpi slt, %and3A_9, %lt3A_1717 : vector<16xi32>
      %add3A_1719 = arith.constant 16 : i32
      %add3A_1720 = vector.broadcast %add3A_1719 : i32 to vector<16xi32>
      %add3A_1721 = arith.addi %and3A_9, %add3A_1720 : vector<16xi32>
      %select_n3A_1722 = arith.select %lt3A_1718, %add3A_1721, %and3A_9 : vector<16xi1>, vector<16xi32>
      %broadcast_in_dim3A_1723 = vector.shape_cast %select_n3A_1722 : vector<16xi32> to vector<16x1xi32>
      %gather3A_1724 = vector.shape_cast %broadcast_in_dim3A_1723 : vector<16x1xi32> to vector<16xi32>
      %gather3A_1725 = tpu.dynamic_gather %get3A_1700[%gather3A_1724] in [0] : vector<16xi32>, vector<16xi32> -> vector<16xi32>
      %lt3A_1726 = arith.constant 0 : i32
      %lt3A_1727 = vector.broadcast %lt3A_1726 : i32 to vector<16xi32>
      %lt3A_1728 = arith.cmpi slt, %and3A_9, %lt3A_1727 : vector<16xi32>
      %add3A_1729 = arith.constant 16 : i32
      %add3A_1730 = vector.broadcast %add3A_1729 : i32 to vector<16xi32>
      %add3A_1731 = arith.addi %and3A_9, %add3A_1730 : vector<16xi32>
      %select_n3A_1732 = arith.select %lt3A_1728, %add3A_1731, %and3A_9 : vector<16xi1>, vector<16xi32>
      %broadcast_in_dim3A_1733 = vector.shape_cast %select_n3A_1732 : vector<16xi32> to vector<16x1xi32>
      %gather3A_1734 = vector.shape_cast %broadcast_in_dim3A_1733 : vector<16x1xi32> to vector<16xi32>
      %gather3A_1735 = tpu.dynamic_gather %get3A_1704[%gather3A_1734] in [0] : vector<16xi32>, vector<16xi32> -> vector<16xi32>
      %select_n3A_1736 = arith.select %eq3A_1715, %gather3A_1725, %gather3A_1735 : vector<16xi1>, vector<16xi32>
      %eq3A_1737 = arith.constant 2 : i32
      %eq3A_1738 = vector.broadcast %eq3A_1737 : i32 to vector<16xi32>
      %eq3A_1739 = arith.cmpi eq, %shift_right_arithmetic3A_14, %eq3A_1738 : vector<16xi32>
      %lt3A_1740 = arith.constant 0 : i32
      %lt3A_1741 = vector.broadcast %lt3A_1740 : i32 to vector<16xi32>
      %lt3A_1742 = arith.cmpi slt, %and3A_9, %lt3A_1741 : vector<16xi32>
      %add3A_1743 = arith.constant 16 : i32
      %add3A_1744 = vector.broadcast %add3A_1743 : i32 to vector<16xi32>
      %add3A_1745 = arith.addi %and3A_9, %add3A_1744 : vector<16xi32>
      %select_n3A_1746 = arith.select %lt3A_1742, %add3A_1745, %and3A_9 : vector<16xi1>, vector<16xi32>
      %broadcast_in_dim3A_1747 = vector.shape_cast %select_n3A_1746 : vector<16xi32> to vector<16x1xi32>
      %gather3A_1748 = vector.shape_cast %broadcast_in_dim3A_1747 : vector<16x1xi32> to vector<16xi32>
      %gather3A_1749 = tpu.dynamic_gather %get3A_1708[%gather3A_1748] in [0] : vector<16xi32>, vector<16xi32> -> vector<16xi32>
      %lt3A_1750 = arith.constant 0 : i32
      %lt3A_1751 = vector.broadcast %lt3A_1750 : i32 to vector<16xi32>
      %lt3A_1752 = arith.cmpi slt, %and3A_9, %lt3A_1751 : vector<16xi32>
      %add3A_1753 = arith.constant 16 : i32
      %add3A_1754 = vector.broadcast %add3A_1753 : i32 to vector<16xi32>
      %add3A_1755 = arith.addi %and3A_9, %add3A_1754 : vector<16xi32>
      %select_n3A_1756 = arith.select %lt3A_1752, %add3A_1755, %and3A_9 : vector<16xi1>, vector<16xi32>
      %broadcast_in_dim3A_1757 = vector.shape_cast %select_n3A_1756 : vector<16xi32> to vector<16x1xi32>
      %gather3A_1758 = vector.shape_cast %broadcast_in_dim3A_1757 : vector<16x1xi32> to vector<16xi32>
      %gather3A_1759 = tpu.dynamic_gather %get3A_1712[%gather3A_1758] in [0] : vector<16xi32>, vector<16xi32> -> vector<16xi32>
      %select_n3A_1760 = arith.select %eq3A_1739, %gather3A_1749, %gather3A_1759 : vector<16xi1>, vector<16xi32>
      %lt3A_1761 = arith.constant 2 : i32
      %lt3A_1762 = vector.broadcast %lt3A_1761 : i32 to vector<16xi32>
      %lt3A_1763 = arith.cmpi slt, %shift_right_arithmetic3A_14, %lt3A_1762 : vector<16xi32>
      %select_n3A_1764 = arith.select %lt3A_1763, %select_n3A_1736, %select_n3A_1760 : vector<16xi1>, vector<16xi32>
      %mul3A_1765 = arith.constant 32 : i32
      %mul3A_1766 = arith.muli %add3A_1696, %mul3A_1765 : i32
      %swap3A_1767 = arith.index_cast %mul3A_1766 : i32 to index
      %swap3A_1768 = tpu.vector_load %arg8[%swap3A_1767] {strides = array<i32>} : memref<16384xi32, #tpu.memory_space<vmem>>, vector<16xi32>,
      %swap3A_1769 = vector.shape_cast %swap3A_1768 : vector<16xi32> to vector<16xi32>
      %swap3A_1770 = vector.shape_cast %select_n3A_1764 : vector<16xi32> to vector<16xi32>
      tpu.vector_store %arg8[%swap3A_1767], %swap3A_1770 {strides = array<i32>} : memref<16384xi32, #tpu.memory_space<vmem>>, vector<16xi32>,
      %eq3A_1771 = arith.constant 0 : i32
      %eq3A_1772 = vector.broadcast %eq3A_1771 : i32 to vector<16xi32>
      %eq3A_1773 = arith.cmpi eq, %shift_right_arithmetic3A_17, %eq3A_1772 : vector<16xi32>
      %lt3A_1774 = arith.constant 0 : i32
      %lt3A_1775 = vector.broadcast %lt3A_1774 : i32 to vector<16xi32>
      %lt3A_1776 = arith.cmpi slt, %and3A_12, %lt3A_1775 : vector<16xi32>
      %add3A_1777 = arith.constant 16 : i32
      %add3A_1778 = vector.broadcast %add3A_1777 : i32 to vector<16xi32>
      %add3A_1779 = arith.addi %and3A_12, %add3A_1778 : vector<16xi32>
      %select_n3A_1780 = arith.select %lt3A_1776, %add3A_1779, %and3A_12 : vector<16xi1>, vector<16xi32>
      %broadcast_in_dim3A_1781 = vector.shape_cast %select_n3A_1780 : vector<16xi32> to vector<16x1xi32>
      %gather3A_1782 = vector.shape_cast %broadcast_in_dim3A_1781 : vector<16x1xi32> to vector<16xi32>
      %gather3A_1783 = tpu.dynamic_gather %get3A_1700[%gather3A_1782] in [0] : vector<16xi32>, vector<16xi32> -> vector<16xi32>
      %lt3A_1784 = arith.constant 0 : i32
      %lt3A_1785 = vector.broadcast %lt3A_1784 : i32 to vector<16xi32>
      %lt3A_1786 = arith.cmpi slt, %and3A_12, %lt3A_1785 : vector<16xi32>
      %add3A_1787 = arith.constant 16 : i32
      %add3A_1788 = vector.broadcast %add3A_1787 : i32 to vector<16xi32>
      %add3A_1789 = arith.addi %and3A_12, %add3A_1788 : vector<16xi32>
      %select_n3A_1790 = arith.select %lt3A_1786, %add3A_1789, %and3A_12 : vector<16xi1>, vector<16xi32>
      %broadcast_in_dim3A_1791 = vector.shape_cast %select_n3A_1790 : vector<16xi32> to vector<16x1xi32>
      %gather3A_1792 = vector.shape_cast %broadcast_in_dim3A_1791 : vector<16x1xi32> to vector<16xi32>
      %gather3A_1793 = tpu.dynamic_gather %get3A_1704[%gather3A_1792] in [0] : vector<16xi32>, vector<16xi32> -> vector<16xi32>
      %select_n3A_1794 = arith.select %eq3A_1773, %gather3A_1783, %gather3A_1793 : vector<16xi1>, vector<16xi32>
      %eq3A_1795 = arith.constant 2 : i32
      %eq3A_1796 = vector.broadcast %eq3A_1795 : i32 to vector<16xi32>
      %eq3A_1797 = arith.cmpi eq, %shift_right_arithmetic3A_17, %eq3A_1796 : vector<16xi32>
      %lt3A_1798 = arith.constant 0 : i32
      %lt3A_1799 = vector.broadcast %lt3A_1798 : i32 to vector<16xi32>
      %lt3A_1800 = arith.cmpi slt, %and3A_12, %lt3A_1799 : vector<16xi32>
      %add3A_1801 = arith.constant 16 : i32
      %add3A_1802 = vector.broadcast %add3A_1801 : i32 to vector<16xi32>
      %add3A_1803 = arith.addi %and3A_12, %add3A_1802 : vector<16xi32>
      %select_n3A_1804 = arith.select %lt3A_1800, %add3A_1803, %and3A_12 : vector<16xi1>, vector<16xi32>
      %broadcast_in_dim3A_1805 = vector.shape_cast %select_n3A_1804 : vector<16xi32> to vector<16x1xi32>
      %gather3A_1806 = vector.shape_cast %broadcast_in_dim3A_1805 : vector<16x1xi32> to vector<16xi32>
      %gather3A_1807 = tpu.dynamic_gather %get3A_1708[%gather3A_1806] in [0] : vector<16xi32>, vector<16xi32> -> vector<16xi32>
      %lt3A_1808 = arith.constant 0 : i32
      %lt3A_1809 = vector.broadcast %lt3A_1808 : i32 to vector<16xi32>
      %lt3A_1810 = arith.cmpi slt, %and3A_12, %lt3A_1809 : vector<16xi32>
      %add3A_1811 = arith.constant 16 : i32
      %add3A_1812 = vector.broadcast %add3A_1811 : i32 to vector<16xi32>
      %add3A_1813 = arith.addi %and3A_12, %add3A_1812 : vector<16xi32>
      %select_n3A_1814 = arith.select %lt3A_1810, %add3A_1813, %and3A_12 : vector<16xi1>, vector<16xi32>
      %broadcast_in_dim3A_1815 = vector.shape_cast %select_n3A_1814 : vector<16xi32> to vector<16x1xi32>
      %gather3A_1816 = vector.shape_cast %broadcast_in_dim3A_1815 : vector<16x1xi32> to vector<16xi32>
      %gather3A_1817 = tpu.dynamic_gather %get3A_1712[%gather3A_1816] in [0] : vector<16xi32>, vector<16xi32> -> vector<16xi32>
      %select_n3A_1818 = arith.select %eq3A_1797, %gather3A_1807, %gather3A_1817 : vector<16xi1>, vector<16xi32>
      %lt3A_1819 = arith.constant 2 : i32
      %lt3A_1820 = vector.broadcast %lt3A_1819 : i32 to vector<16xi32>
      %lt3A_1821 = arith.cmpi slt, %shift_right_arithmetic3A_17, %lt3A_1820 : vector<16xi32>
      %select_n3A_1822 = arith.select %lt3A_1821, %select_n3A_1794, %select_n3A_1818 : vector<16xi1>, vector<16xi32>
      %mul3A_1823 = arith.constant 32 : i32
      %mul3A_1824 = arith.muli %add3A_1696, %mul3A_1823 : i32
      %add3A_1825 = arith.constant 16 : i32
      %add3A_1826 = arith.addi %mul3A_1824, %add3A_1825 : i32
      %swap3A_1827 = arith.index_cast %add3A_1826 : i32 to index
      %swap3A_1828 = tpu.vector_load %arg8[%swap3A_1827] {strides = array<i32>} : memref<16384xi32, #tpu.memory_space<vmem>>, vector<16xi32>,
      %swap3A_1829 = vector.shape_cast %swap3A_1828 : vector<16xi32> to vector<16xi32>
      %swap3A_1830 = vector.shape_cast %select_n3A_1822 : vector<16xi32> to vector<16xi32>
      tpu.vector_store %arg8[%swap3A_1827], %swap3A_1830 {strides = array<i32>} : memref<16384xi32, #tpu.memory_space<vmem>>, vector<16xi32>,
      %mul3A_1831 = arith.constant 16 : i32
      %mul3A_1832 = arith.muli %scan3A_31, %mul3A_1831 : i32
      %add3A_1833 = arith.constant 13 : i32
      %add3A_1834 = arith.addi %mul3A_1832, %add3A_1833 : i32
      %get3A_1835 = arith.index_cast %add3A_1834 : i32 to index
      %get3A_1836 = arith.constant 0 : index
      %get3A_1837 = tpu.vector_load %arg7[%get3A_1835, %get3A_1836] {strides = array<i32>} : memref<512x64xi32, #tpu.memory_space<vmem>>, vector<1x16xi32>,
      %get3A_1838 = vector.shape_cast %get3A_1837 : vector<1x16xi32> to vector<16xi32>
      %get3A_1839 = arith.index_cast %add3A_1834 : i32 to index
      %get3A_1840 = arith.constant 16 : index
      %get3A_1841 = tpu.vector_load %arg7[%get3A_1839, %get3A_1840] {strides = array<i32>} : memref<512x64xi32, #tpu.memory_space<vmem>>, vector<1x16xi32>,
      %get3A_1842 = vector.shape_cast %get3A_1841 : vector<1x16xi32> to vector<16xi32>
      %get3A_1843 = arith.index_cast %add3A_1834 : i32 to index
      %get3A_1844 = arith.constant 32 : index
      %get3A_1845 = tpu.vector_load %arg7[%get3A_1843, %get3A_1844] {strides = array<i32>} : memref<512x64xi32, #tpu.memory_space<vmem>>, vector<1x16xi32>,
      %get3A_1846 = vector.shape_cast %get3A_1845 : vector<1x16xi32> to vector<16xi32>
      %get3A_1847 = arith.index_cast %add3A_1834 : i32 to index
      %get3A_1848 = arith.constant 48 : index
      %get3A_1849 = tpu.vector_load %arg7[%get3A_1847, %get3A_1848] {strides = array<i32>} : memref<512x64xi32, #tpu.memory_space<vmem>>, vector<1x16xi32>,
      %get3A_1850 = vector.shape_cast %get3A_1849 : vector<1x16xi32> to vector<16xi32>
      %eq3A_1851 = arith.constant 0 : i32
      %eq3A_1852 = vector.broadcast %eq3A_1851 : i32 to vector<16xi32>
      %eq3A_1853 = arith.cmpi eq, %shift_right_arithmetic3A_14, %eq3A_1852 : vector<16xi32>
      %lt3A_1854 = arith.constant 0 : i32
      %lt3A_1855 = vector.broadcast %lt3A_1854 : i32 to vector<16xi32>
      %lt3A_1856 = arith.cmpi slt, %and3A_9, %lt3A_1855 : vector<16xi32>
      %add3A_1857 = arith.constant 16 : i32
      %add3A_1858 = vector.broadcast %add3A_1857 : i32 to vector<16xi32>
      %add3A_1859 = arith.addi %and3A_9, %add3A_1858 : vector<16xi32>
      %select_n3A_1860 = arith.select %lt3A_1856, %add3A_1859, %and3A_9 : vector<16xi1>, vector<16xi32>
      %broadcast_in_dim3A_1861 = vector.shape_cast %select_n3A_1860 : vector<16xi32> to vector<16x1xi32>
      %gather3A_1862 = vector.shape_cast %broadcast_in_dim3A_1861 : vector<16x1xi32> to vector<16xi32>
      %gather3A_1863 = tpu.dynamic_gather %get3A_1838[%gather3A_1862] in [0] : vector<16xi32>, vector<16xi32> -> vector<16xi32>
      %lt3A_1864 = arith.constant 0 : i32
      %lt3A_1865 = vector.broadcast %lt3A_1864 : i32 to vector<16xi32>
      %lt3A_1866 = arith.cmpi slt, %and3A_9, %lt3A_1865 : vector<16xi32>
      %add3A_1867 = arith.constant 16 : i32
      %add3A_1868 = vector.broadcast %add3A_1867 : i32 to vector<16xi32>
      %add3A_1869 = arith.addi %and3A_9, %add3A_1868 : vector<16xi32>
      %select_n3A_1870 = arith.select %lt3A_1866, %add3A_1869, %and3A_9 : vector<16xi1>, vector<16xi32>
      %broadcast_in_dim3A_1871 = vector.shape_cast %select_n3A_1870 : vector<16xi32> to vector<16x1xi32>
      %gather3A_1872 = vector.shape_cast %broadcast_in_dim3A_1871 : vector<16x1xi32> to vector<16xi32>
      %gather3A_1873 = tpu.dynamic_gather %get3A_1842[%gather3A_1872] in [0] : vector<16xi32>, vector<16xi32> -> vector<16xi32>
      %select_n3A_1874 = arith.select %eq3A_1853, %gather3A_1863, %gather3A_1873 : vector<16xi1>, vector<16xi32>
      %eq3A_1875 = arith.constant 2 : i32
      %eq3A_1876 = vector.broadcast %eq3A_1875 : i32 to vector<16xi32>
      %eq3A_1877 = arith.cmpi eq, %shift_right_arithmetic3A_14, %eq3A_1876 : vector<16xi32>
      %lt3A_1878 = arith.constant 0 : i32
      %lt3A_1879 = vector.broadcast %lt3A_1878 : i32 to vector<16xi32>
      %lt3A_1880 = arith.cmpi slt, %and3A_9, %lt3A_1879 : vector<16xi32>
      %add3A_1881 = arith.constant 16 : i32
      %add3A_1882 = vector.broadcast %add3A_1881 : i32 to vector<16xi32>
      %add3A_1883 = arith.addi %and3A_9, %add3A_1882 : vector<16xi32>
      %select_n3A_1884 = arith.select %lt3A_1880, %add3A_1883, %and3A_9 : vector<16xi1>, vector<16xi32>
      %broadcast_in_dim3A_1885 = vector.shape_cast %select_n3A_1884 : vector<16xi32> to vector<16x1xi32>
      %gather3A_1886 = vector.shape_cast %broadcast_in_dim3A_1885 : vector<16x1xi32> to vector<16xi32>
      %gather3A_1887 = tpu.dynamic_gather %get3A_1846[%gather3A_1886] in [0] : vector<16xi32>, vector<16xi32> -> vector<16xi32>
      %lt3A_1888 = arith.constant 0 : i32
      %lt3A_1889 = vector.broadcast %lt3A_1888 : i32 to vector<16xi32>
      %lt3A_1890 = arith.cmpi slt, %and3A_9, %lt3A_1889 : vector<16xi32>
      %add3A_1891 = arith.constant 16 : i32
      %add3A_1892 = vector.broadcast %add3A_1891 : i32 to vector<16xi32>
      %add3A_1893 = arith.addi %and3A_9, %add3A_1892 : vector<16xi32>
      %select_n3A_1894 = arith.select %lt3A_1890, %add3A_1893, %and3A_9 : vector<16xi1>, vector<16xi32>
      %broadcast_in_dim3A_1895 = vector.shape_cast %select_n3A_1894 : vector<16xi32> to vector<16x1xi32>
      %gather3A_1896 = vector.shape_cast %broadcast_in_dim3A_1895 : vector<16x1xi32> to vector<16xi32>
      %gather3A_1897 = tpu.dynamic_gather %get3A_1850[%gather3A_1896] in [0] : vector<16xi32>, vector<16xi32> -> vector<16xi32>
      %select_n3A_1898 = arith.select %eq3A_1877, %gather3A_1887, %gather3A_1897 : vector<16xi1>, vector<16xi32>
      %lt3A_1899 = arith.constant 2 : i32
      %lt3A_1900 = vector.broadcast %lt3A_1899 : i32 to vector<16xi32>
      %lt3A_1901 = arith.cmpi slt, %shift_right_arithmetic3A_14, %lt3A_1900 : vector<16xi32>
      %select_n3A_1902 = arith.select %lt3A_1901, %select_n3A_1874, %select_n3A_1898 : vector<16xi1>, vector<16xi32>
      %mul3A_1903 = arith.constant 32 : i32
      %mul3A_1904 = arith.muli %add3A_1834, %mul3A_1903 : i32
      %swap3A_1905 = arith.index_cast %mul3A_1904 : i32 to index
      %swap3A_1906 = tpu.vector_load %arg8[%swap3A_1905] {strides = array<i32>} : memref<16384xi32, #tpu.memory_space<vmem>>, vector<16xi32>,
      %swap3A_1907 = vector.shape_cast %swap3A_1906 : vector<16xi32> to vector<16xi32>
      %swap3A_1908 = vector.shape_cast %select_n3A_1902 : vector<16xi32> to vector<16xi32>
      tpu.vector_store %arg8[%swap3A_1905], %swap3A_1908 {strides = array<i32>} : memref<16384xi32, #tpu.memory_space<vmem>>, vector<16xi32>,
      %eq3A_1909 = arith.constant 0 : i32
      %eq3A_1910 = vector.broadcast %eq3A_1909 : i32 to vector<16xi32>
      %eq3A_1911 = arith.cmpi eq, %shift_right_arithmetic3A_17, %eq3A_1910 : vector<16xi32>
      %lt3A_1912 = arith.constant 0 : i32
      %lt3A_1913 = vector.broadcast %lt3A_1912 : i32 to vector<16xi32>
      %lt3A_1914 = arith.cmpi slt, %and3A_12, %lt3A_1913 : vector<16xi32>
      %add3A_1915 = arith.constant 16 : i32
      %add3A_1916 = vector.broadcast %add3A_1915 : i32 to vector<16xi32>
      %add3A_1917 = arith.addi %and3A_12, %add3A_1916 : vector<16xi32>
      %select_n3A_1918 = arith.select %lt3A_1914, %add3A_1917, %and3A_12 : vector<16xi1>, vector<16xi32>
      %broadcast_in_dim3A_1919 = vector.shape_cast %select_n3A_1918 : vector<16xi32> to vector<16x1xi32>
      %gather3A_1920 = vector.shape_cast %broadcast_in_dim3A_1919 : vector<16x1xi32> to vector<16xi32>
      %gather3A_1921 = tpu.dynamic_gather %get3A_1838[%gather3A_1920] in [0] : vector<16xi32>, vector<16xi32> -> vector<16xi32>
      %lt3A_1922 = arith.constant 0 : i32
      %lt3A_1923 = vector.broadcast %lt3A_1922 : i32 to vector<16xi32>
      %lt3A_1924 = arith.cmpi slt, %and3A_12, %lt3A_1923 : vector<16xi32>
      %add3A_1925 = arith.constant 16 : i32
      %add3A_1926 = vector.broadcast %add3A_1925 : i32 to vector<16xi32>
      %add3A_1927 = arith.addi %and3A_12, %add3A_1926 : vector<16xi32>
      %select_n3A_1928 = arith.select %lt3A_1924, %add3A_1927, %and3A_12 : vector<16xi1>, vector<16xi32>
      %broadcast_in_dim3A_1929 = vector.shape_cast %select_n3A_1928 : vector<16xi32> to vector<16x1xi32>
      %gather3A_1930 = vector.shape_cast %broadcast_in_dim3A_1929 : vector<16x1xi32> to vector<16xi32>
      %gather3A_1931 = tpu.dynamic_gather %get3A_1842[%gather3A_1930] in [0] : vector<16xi32>, vector<16xi32> -> vector<16xi32>
      %select_n3A_1932 = arith.select %eq3A_1911, %gather3A_1921, %gather3A_1931 : vector<16xi1>, vector<16xi32>
      %eq3A_1933 = arith.constant 2 : i32
      %eq3A_1934 = vector.broadcast %eq3A_1933 : i32 to vector<16xi32>
      %eq3A_1935 = arith.cmpi eq, %shift_right_arithmetic3A_17, %eq3A_1934 : vector<16xi32>
      %lt3A_1936 = arith.constant 0 : i32
      %lt3A_1937 = vector.broadcast %lt3A_1936 : i32 to vector<16xi32>
      %lt3A_1938 = arith.cmpi slt, %and3A_12, %lt3A_1937 : vector<16xi32>
      %add3A_1939 = arith.constant 16 : i32
      %add3A_1940 = vector.broadcast %add3A_1939 : i32 to vector<16xi32>
      %add3A_1941 = arith.addi %and3A_12, %add3A_1940 : vector<16xi32>
      %select_n3A_1942 = arith.select %lt3A_1938, %add3A_1941, %and3A_12 : vector<16xi1>, vector<16xi32>
      %broadcast_in_dim3A_1943 = vector.shape_cast %select_n3A_1942 : vector<16xi32> to vector<16x1xi32>
      %gather3A_1944 = vector.shape_cast %broadcast_in_dim3A_1943 : vector<16x1xi32> to vector<16xi32>
      %gather3A_1945 = tpu.dynamic_gather %get3A_1846[%gather3A_1944] in [0] : vector<16xi32>, vector<16xi32> -> vector<16xi32>
      %lt3A_1946 = arith.constant 0 : i32
      %lt3A_1947 = vector.broadcast %lt3A_1946 : i32 to vector<16xi32>
      %lt3A_1948 = arith.cmpi slt, %and3A_12, %lt3A_1947 : vector<16xi32>
      %add3A_1949 = arith.constant 16 : i32
      %add3A_1950 = vector.broadcast %add3A_1949 : i32 to vector<16xi32>
      %add3A_1951 = arith.addi %and3A_12, %add3A_1950 : vector<16xi32>
      %select_n3A_1952 = arith.select %lt3A_1948, %add3A_1951, %and3A_12 : vector<16xi1>, vector<16xi32>
      %broadcast_in_dim3A_1953 = vector.shape_cast %select_n3A_1952 : vector<16xi32> to vector<16x1xi32>
      %gather3A_1954 = vector.shape_cast %broadcast_in_dim3A_1953 : vector<16x1xi32> to vector<16xi32>
      %gather3A_1955 = tpu.dynamic_gather %get3A_1850[%gather3A_1954] in [0] : vector<16xi32>, vector<16xi32> -> vector<16xi32>
      %select_n3A_1956 = arith.select %eq3A_1935, %gather3A_1945, %gather3A_1955 : vector<16xi1>, vector<16xi32>
      %lt3A_1957 = arith.constant 2 : i32
      %lt3A_1958 = vector.broadcast %lt3A_1957 : i32 to vector<16xi32>
      %lt3A_1959 = arith.cmpi slt, %shift_right_arithmetic3A_17, %lt3A_1958 : vector<16xi32>
      %select_n3A_1960 = arith.select %lt3A_1959, %select_n3A_1932, %select_n3A_1956 : vector<16xi1>, vector<16xi32>
      %mul3A_1961 = arith.constant 32 : i32
      %mul3A_1962 = arith.muli %add3A_1834, %mul3A_1961 : i32
      %add3A_1963 = arith.constant 16 : i32
      %add3A_1964 = arith.addi %mul3A_1962, %add3A_1963 : i32
      %swap3A_1965 = arith.index_cast %add3A_1964 : i32 to index
      %swap3A_1966 = tpu.vector_load %arg8[%swap3A_1965] {strides = array<i32>} : memref<16384xi32, #tpu.memory_space<vmem>>, vector<16xi32>,
      %swap3A_1967 = vector.shape_cast %swap3A_1966 : vector<16xi32> to vector<16xi32>
      %swap3A_1968 = vector.shape_cast %select_n3A_1960 : vector<16xi32> to vector<16xi32>
      tpu.vector_store %arg8[%swap3A_1965], %swap3A_1968 {strides = array<i32>} : memref<16384xi32, #tpu.memory_space<vmem>>, vector<16xi32>,
      %mul3A_1969 = arith.constant 16 : i32
      %mul3A_1970 = arith.muli %scan3A_31, %mul3A_1969 : i32
      %add3A_1971 = arith.constant 14 : i32
      %add3A_1972 = arith.addi %mul3A_1970, %add3A_1971 : i32
      %get3A_1973 = arith.index_cast %add3A_1972 : i32 to index
      %get3A_1974 = arith.constant 0 : index
      %get3A_1975 = tpu.vector_load %arg7[%get3A_1973, %get3A_1974] {strides = array<i32>} : memref<512x64xi32, #tpu.memory_space<vmem>>, vector<1x16xi32>,
      %get3A_1976 = vector.shape_cast %get3A_1975 : vector<1x16xi32> to vector<16xi32>
      %get3A_1977 = arith.index_cast %add3A_1972 : i32 to index
      %get3A_1978 = arith.constant 16 : index
      %get3A_1979 = tpu.vector_load %arg7[%get3A_1977, %get3A_1978] {strides = array<i32>} : memref<512x64xi32, #tpu.memory_space<vmem>>, vector<1x16xi32>,
      %get3A_1980 = vector.shape_cast %get3A_1979 : vector<1x16xi32> to vector<16xi32>
      %get3A_1981 = arith.index_cast %add3A_1972 : i32 to index
      %get3A_1982 = arith.constant 32 : index
      %get3A_1983 = tpu.vector_load %arg7[%get3A_1981, %get3A_1982] {strides = array<i32>} : memref<512x64xi32, #tpu.memory_space<vmem>>, vector<1x16xi32>,
      %get3A_1984 = vector.shape_cast %get3A_1983 : vector<1x16xi32> to vector<16xi32>
      %get3A_1985 = arith.index_cast %add3A_1972 : i32 to index
      %get3A_1986 = arith.constant 48 : index
      %get3A_1987 = tpu.vector_load %arg7[%get3A_1985, %get3A_1986] {strides = array<i32>} : memref<512x64xi32, #tpu.memory_space<vmem>>, vector<1x16xi32>,
      %get3A_1988 = vector.shape_cast %get3A_1987 : vector<1x16xi32> to vector<16xi32>
      %eq3A_1989 = arith.constant 0 : i32
      %eq3A_1990 = vector.broadcast %eq3A_1989 : i32 to vector<16xi32>
      %eq3A_1991 = arith.cmpi eq, %shift_right_arithmetic3A_14, %eq3A_1990 : vector<16xi32>
      %lt3A_1992 = arith.constant 0 : i32
      %lt3A_1993 = vector.broadcast %lt3A_1992 : i32 to vector<16xi32>
      %lt3A_1994 = arith.cmpi slt, %and3A_9, %lt3A_1993 : vector<16xi32>
      %add3A_1995 = arith.constant 16 : i32
      %add3A_1996 = vector.broadcast %add3A_1995 : i32 to vector<16xi32>
      %add3A_1997 = arith.addi %and3A_9, %add3A_1996 : vector<16xi32>
      %select_n3A_1998 = arith.select %lt3A_1994, %add3A_1997, %and3A_9 : vector<16xi1>, vector<16xi32>
      %broadcast_in_dim3A_1999 = vector.shape_cast %select_n3A_1998 : vector<16xi32> to vector<16x1xi32>
      %gather3A_2000 = vector.shape_cast %broadcast_in_dim3A_1999 : vector<16x1xi32> to vector<16xi32>
      %gather3A_2001 = tpu.dynamic_gather %get3A_1976[%gather3A_2000] in [0] : vector<16xi32>, vector<16xi32> -> vector<16xi32>
      %lt3A_2002 = arith.constant 0 : i32
      %lt3A_2003 = vector.broadcast %lt3A_2002 : i32 to vector<16xi32>
      %lt3A_2004 = arith.cmpi slt, %and3A_9, %lt3A_2003 : vector<16xi32>
      %add3A_2005 = arith.constant 16 : i32
      %add3A_2006 = vector.broadcast %add3A_2005 : i32 to vector<16xi32>
      %add3A_2007 = arith.addi %and3A_9, %add3A_2006 : vector<16xi32>
      %select_n3A_2008 = arith.select %lt3A_2004, %add3A_2007, %and3A_9 : vector<16xi1>, vector<16xi32>
      %broadcast_in_dim3A_2009 = vector.shape_cast %select_n3A_2008 : vector<16xi32> to vector<16x1xi32>
      %gather3A_2010 = vector.shape_cast %broadcast_in_dim3A_2009 : vector<16x1xi32> to vector<16xi32>
      %gather3A_2011 = tpu.dynamic_gather %get3A_1980[%gather3A_2010] in [0] : vector<16xi32>, vector<16xi32> -> vector<16xi32>
      %select_n3A_2012 = arith.select %eq3A_1991, %gather3A_2001, %gather3A_2011 : vector<16xi1>, vector<16xi32>
      %eq3A_2013 = arith.constant 2 : i32
      %eq3A_2014 = vector.broadcast %eq3A_2013 : i32 to vector<16xi32>
      %eq3A_2015 = arith.cmpi eq, %shift_right_arithmetic3A_14, %eq3A_2014 : vector<16xi32>
      %lt3A_2016 = arith.constant 0 : i32
      %lt3A_2017 = vector.broadcast %lt3A_2016 : i32 to vector<16xi32>
      %lt3A_2018 = arith.cmpi slt, %and3A_9, %lt3A_2017 : vector<16xi32>
      %add3A_2019 = arith.constant 16 : i32
      %add3A_2020 = vector.broadcast %add3A_2019 : i32 to vector<16xi32>
      %add3A_2021 = arith.addi %and3A_9, %add3A_2020 : vector<16xi32>
      %select_n3A_2022 = arith.select %lt3A_2018, %add3A_2021, %and3A_9 : vector<16xi1>, vector<16xi32>
      %broadcast_in_dim3A_2023 = vector.shape_cast %select_n3A_2022 : vector<16xi32> to vector<16x1xi32>
      %gather3A_2024 = vector.shape_cast %broadcast_in_dim3A_2023 : vector<16x1xi32> to vector<16xi32>
      %gather3A_2025 = tpu.dynamic_gather %get3A_1984[%gather3A_2024] in [0] : vector<16xi32>, vector<16xi32> -> vector<16xi32>
      %lt3A_2026 = arith.constant 0 : i32
      %lt3A_2027 = vector.broadcast %lt3A_2026 : i32 to vector<16xi32>
      %lt3A_2028 = arith.cmpi slt, %and3A_9, %lt3A_2027 : vector<16xi32>
      %add3A_2029 = arith.constant 16 : i32
      %add3A_2030 = vector.broadcast %add3A_2029 : i32 to vector<16xi32>
      %add3A_2031 = arith.addi %and3A_9, %add3A_2030 : vector<16xi32>
      %select_n3A_2032 = arith.select %lt3A_2028, %add3A_2031, %and3A_9 : vector<16xi1>, vector<16xi32>
      %broadcast_in_dim3A_2033 = vector.shape_cast %select_n3A_2032 : vector<16xi32> to vector<16x1xi32>
      %gather3A_2034 = vector.shape_cast %broadcast_in_dim3A_2033 : vector<16x1xi32> to vector<16xi32>
      %gather3A_2035 = tpu.dynamic_gather %get3A_1988[%gather3A_2034] in [0] : vector<16xi32>, vector<16xi32> -> vector<16xi32>
      %select_n3A_2036 = arith.select %eq3A_2015, %gather3A_2025, %gather3A_2035 : vector<16xi1>, vector<16xi32>
      %lt3A_2037 = arith.constant 2 : i32
      %lt3A_2038 = vector.broadcast %lt3A_2037 : i32 to vector<16xi32>
      %lt3A_2039 = arith.cmpi slt, %shift_right_arithmetic3A_14, %lt3A_2038 : vector<16xi32>
      %select_n3A_2040 = arith.select %lt3A_2039, %select_n3A_2012, %select_n3A_2036 : vector<16xi1>, vector<16xi32>
      %mul3A_2041 = arith.constant 32 : i32
      %mul3A_2042 = arith.muli %add3A_1972, %mul3A_2041 : i32
      %swap3A_2043 = arith.index_cast %mul3A_2042 : i32 to index
      %swap3A_2044 = tpu.vector_load %arg8[%swap3A_2043] {strides = array<i32>} : memref<16384xi32, #tpu.memory_space<vmem>>, vector<16xi32>,
      %swap3A_2045 = vector.shape_cast %swap3A_2044 : vector<16xi32> to vector<16xi32>
      %swap3A_2046 = vector.shape_cast %select_n3A_2040 : vector<16xi32> to vector<16xi32>
      tpu.vector_store %arg8[%swap3A_2043], %swap3A_2046 {strides = array<i32>} : memref<16384xi32, #tpu.memory_space<vmem>>, vector<16xi32>,
      %eq3A_2047 = arith.constant 0 : i32
      %eq3A_2048 = vector.broadcast %eq3A_2047 : i32 to vector<16xi32>
      %eq3A_2049 = arith.cmpi eq, %shift_right_arithmetic3A_17, %eq3A_2048 : vector<16xi32>
      %lt3A_2050 = arith.constant 0 : i32
      %lt3A_2051 = vector.broadcast %lt3A_2050 : i32 to vector<16xi32>
      %lt3A_2052 = arith.cmpi slt, %and3A_12, %lt3A_2051 : vector<16xi32>
      %add3A_2053 = arith.constant 16 : i32
      %add3A_2054 = vector.broadcast %add3A_2053 : i32 to vector<16xi32>
      %add3A_2055 = arith.addi %and3A_12, %add3A_2054 : vector<16xi32>
      %select_n3A_2056 = arith.select %lt3A_2052, %add3A_2055, %and3A_12 : vector<16xi1>, vector<16xi32>
      %broadcast_in_dim3A_2057 = vector.shape_cast %select_n3A_2056 : vector<16xi32> to vector<16x1xi32>
      %gather3A_2058 = vector.shape_cast %broadcast_in_dim3A_2057 : vector<16x1xi32> to vector<16xi32>
      %gather3A_2059 = tpu.dynamic_gather %get3A_1976[%gather3A_2058] in [0] : vector<16xi32>, vector<16xi32> -> vector<16xi32>
      %lt3A_2060 = arith.constant 0 : i32
      %lt3A_2061 = vector.broadcast %lt3A_2060 : i32 to vector<16xi32>
      %lt3A_2062 = arith.cmpi slt, %and3A_12, %lt3A_2061 : vector<16xi32>
      %add3A_2063 = arith.constant 16 : i32
      %add3A_2064 = vector.broadcast %add3A_2063 : i32 to vector<16xi32>
      %add3A_2065 = arith.addi %and3A_12, %add3A_2064 : vector<16xi32>
      %select_n3A_2066 = arith.select %lt3A_2062, %add3A_2065, %and3A_12 : vector<16xi1>, vector<16xi32>
      %broadcast_in_dim3A_2067 = vector.shape_cast %select_n3A_2066 : vector<16xi32> to vector<16x1xi32>
      %gather3A_2068 = vector.shape_cast %broadcast_in_dim3A_2067 : vector<16x1xi32> to vector<16xi32>
      %gather3A_2069 = tpu.dynamic_gather %get3A_1980[%gather3A_2068] in [0] : vector<16xi32>, vector<16xi32> -> vector<16xi32>
      %select_n3A_2070 = arith.select %eq3A_2049, %gather3A_2059, %gather3A_2069 : vector<16xi1>, vector<16xi32>
      %eq3A_2071 = arith.constant 2 : i32
      %eq3A_2072 = vector.broadcast %eq3A_2071 : i32 to vector<16xi32>
      %eq3A_2073 = arith.cmpi eq, %shift_right_arithmetic3A_17, %eq3A_2072 : vector<16xi32>
      %lt3A_2074 = arith.constant 0 : i32
      %lt3A_2075 = vector.broadcast %lt3A_2074 : i32 to vector<16xi32>
      %lt3A_2076 = arith.cmpi slt, %and3A_12, %lt3A_2075 : vector<16xi32>
      %add3A_2077 = arith.constant 16 : i32
      %add3A_2078 = vector.broadcast %add3A_2077 : i32 to vector<16xi32>
      %add3A_2079 = arith.addi %and3A_12, %add3A_2078 : vector<16xi32>
      %select_n3A_2080 = arith.select %lt3A_2076, %add3A_2079, %and3A_12 : vector<16xi1>, vector<16xi32>
      %broadcast_in_dim3A_2081 = vector.shape_cast %select_n3A_2080 : vector<16xi32> to vector<16x1xi32>
      %gather3A_2082 = vector.shape_cast %broadcast_in_dim3A_2081 : vector<16x1xi32> to vector<16xi32>
      %gather3A_2083 = tpu.dynamic_gather %get3A_1984[%gather3A_2082] in [0] : vector<16xi32>, vector<16xi32> -> vector<16xi32>
      %lt3A_2084 = arith.constant 0 : i32
      %lt3A_2085 = vector.broadcast %lt3A_2084 : i32 to vector<16xi32>
      %lt3A_2086 = arith.cmpi slt, %and3A_12, %lt3A_2085 : vector<16xi32>
      %add3A_2087 = arith.constant 16 : i32
      %add3A_2088 = vector.broadcast %add3A_2087 : i32 to vector<16xi32>
      %add3A_2089 = arith.addi %and3A_12, %add3A_2088 : vector<16xi32>
      %select_n3A_2090 = arith.select %lt3A_2086, %add3A_2089, %and3A_12 : vector<16xi1>, vector<16xi32>
      %broadcast_in_dim3A_2091 = vector.shape_cast %select_n3A_2090 : vector<16xi32> to vector<16x1xi32>
      %gather3A_2092 = vector.shape_cast %broadcast_in_dim3A_2091 : vector<16x1xi32> to vector<16xi32>
      %gather3A_2093 = tpu.dynamic_gather %get3A_1988[%gather3A_2092] in [0] : vector<16xi32>, vector<16xi32> -> vector<16xi32>
      %select_n3A_2094 = arith.select %eq3A_2073, %gather3A_2083, %gather3A_2093 : vector<16xi1>, vector<16xi32>
      %lt3A_2095 = arith.constant 2 : i32
      %lt3A_2096 = vector.broadcast %lt3A_2095 : i32 to vector<16xi32>
      %lt3A_2097 = arith.cmpi slt, %shift_right_arithmetic3A_17, %lt3A_2096 : vector<16xi32>
      %select_n3A_2098 = arith.select %lt3A_2097, %select_n3A_2070, %select_n3A_2094 : vector<16xi1>, vector<16xi32>
      %mul3A_2099 = arith.constant 32 : i32
      %mul3A_2100 = arith.muli %add3A_1972, %mul3A_2099 : i32
      %add3A_2101 = arith.constant 16 : i32
      %add3A_2102 = arith.addi %mul3A_2100, %add3A_2101 : i32
      %swap3A_2103 = arith.index_cast %add3A_2102 : i32 to index
      %swap3A_2104 = tpu.vector_load %arg8[%swap3A_2103] {strides = array<i32>} : memref<16384xi32, #tpu.memory_space<vmem>>, vector<16xi32>,
      %swap3A_2105 = vector.shape_cast %swap3A_2104 : vector<16xi32> to vector<16xi32>
      %swap3A_2106 = vector.shape_cast %select_n3A_2098 : vector<16xi32> to vector<16xi32>
      tpu.vector_store %arg8[%swap3A_2103], %swap3A_2106 {strides = array<i32>} : memref<16384xi32, #tpu.memory_space<vmem>>, vector<16xi32>,
      %mul3A_2107 = arith.constant 16 : i32
      %mul3A_2108 = arith.muli %scan3A_31, %mul3A_2107 : i32
      %add3A_2109 = arith.constant 15 : i32
      %add3A_2110 = arith.addi %mul3A_2108, %add3A_2109 : i32
      %get3A_2111 = arith.index_cast %add3A_2110 : i32 to index
      %get3A_2112 = arith.constant 0 : index
      %get3A_2113 = tpu.vector_load %arg7[%get3A_2111, %get3A_2112] {strides = array<i32>} : memref<512x64xi32, #tpu.memory_space<vmem>>, vector<1x16xi32>,
      %get3A_2114 = vector.shape_cast %get3A_2113 : vector<1x16xi32> to vector<16xi32>
      %get3A_2115 = arith.index_cast %add3A_2110 : i32 to index
      %get3A_2116 = arith.constant 16 : index
      %get3A_2117 = tpu.vector_load %arg7[%get3A_2115, %get3A_2116] {strides = array<i32>} : memref<512x64xi32, #tpu.memory_space<vmem>>, vector<1x16xi32>,
      %get3A_2118 = vector.shape_cast %get3A_2117 : vector<1x16xi32> to vector<16xi32>
      %get3A_2119 = arith.index_cast %add3A_2110 : i32 to index
      %get3A_2120 = arith.constant 32 : index
      %get3A_2121 = tpu.vector_load %arg7[%get3A_2119, %get3A_2120] {strides = array<i32>} : memref<512x64xi32, #tpu.memory_space<vmem>>, vector<1x16xi32>,
      %get3A_2122 = vector.shape_cast %get3A_2121 : vector<1x16xi32> to vector<16xi32>
      %get3A_2123 = arith.index_cast %add3A_2110 : i32 to index
      %get3A_2124 = arith.constant 48 : index
      %get3A_2125 = tpu.vector_load %arg7[%get3A_2123, %get3A_2124] {strides = array<i32>} : memref<512x64xi32, #tpu.memory_space<vmem>>, vector<1x16xi32>,
      %get3A_2126 = vector.shape_cast %get3A_2125 : vector<1x16xi32> to vector<16xi32>
      %eq3A_2127 = arith.constant 0 : i32
      %eq3A_2128 = vector.broadcast %eq3A_2127 : i32 to vector<16xi32>
      %eq3A_2129 = arith.cmpi eq, %shift_right_arithmetic3A_14, %eq3A_2128 : vector<16xi32>
      %lt3A_2130 = arith.constant 0 : i32
      %lt3A_2131 = vector.broadcast %lt3A_2130 : i32 to vector<16xi32>
      %lt3A_2132 = arith.cmpi slt, %and3A_9, %lt3A_2131 : vector<16xi32>
      %add3A_2133 = arith.constant 16 : i32
      %add3A_2134 = vector.broadcast %add3A_2133 : i32 to vector<16xi32>
      %add3A_2135 = arith.addi %and3A_9, %add3A_2134 : vector<16xi32>
      %select_n3A_2136 = arith.select %lt3A_2132, %add3A_2135, %and3A_9 : vector<16xi1>, vector<16xi32>
      %broadcast_in_dim3A_2137 = vector.shape_cast %select_n3A_2136 : vector<16xi32> to vector<16x1xi32>
      %gather3A_2138 = vector.shape_cast %broadcast_in_dim3A_2137 : vector<16x1xi32> to vector<16xi32>
      %gather3A_2139 = tpu.dynamic_gather %get3A_2114[%gather3A_2138] in [0] : vector<16xi32>, vector<16xi32> -> vector<16xi32>
      %lt3A_2140 = arith.constant 0 : i32
      %lt3A_2141 = vector.broadcast %lt3A_2140 : i32 to vector<16xi32>
      %lt3A_2142 = arith.cmpi slt, %and3A_9, %lt3A_2141 : vector<16xi32>
      %add3A_2143 = arith.constant 16 : i32
      %add3A_2144 = vector.broadcast %add3A_2143 : i32 to vector<16xi32>
      %add3A_2145 = arith.addi %and3A_9, %add3A_2144 : vector<16xi32>
      %select_n3A_2146 = arith.select %lt3A_2142, %add3A_2145, %and3A_9 : vector<16xi1>, vector<16xi32>
      %broadcast_in_dim3A_2147 = vector.shape_cast %select_n3A_2146 : vector<16xi32> to vector<16x1xi32>
      %gather3A_2148 = vector.shape_cast %broadcast_in_dim3A_2147 : vector<16x1xi32> to vector<16xi32>
      %gather3A_2149 = tpu.dynamic_gather %get3A_2118[%gather3A_2148] in [0] : vector<16xi32>, vector<16xi32> -> vector<16xi32>
      %select_n3A_2150 = arith.select %eq3A_2129, %gather3A_2139, %gather3A_2149 : vector<16xi1>, vector<16xi32>
      %eq3A_2151 = arith.constant 2 : i32
      %eq3A_2152 = vector.broadcast %eq3A_2151 : i32 to vector<16xi32>
      %eq3A_2153 = arith.cmpi eq, %shift_right_arithmetic3A_14, %eq3A_2152 : vector<16xi32>
      %lt3A_2154 = arith.constant 0 : i32
      %lt3A_2155 = vector.broadcast %lt3A_2154 : i32 to vector<16xi32>
      %lt3A_2156 = arith.cmpi slt, %and3A_9, %lt3A_2155 : vector<16xi32>
      %add3A_2157 = arith.constant 16 : i32
      %add3A_2158 = vector.broadcast %add3A_2157 : i32 to vector<16xi32>
      %add3A_2159 = arith.addi %and3A_9, %add3A_2158 : vector<16xi32>
      %select_n3A_2160 = arith.select %lt3A_2156, %add3A_2159, %and3A_9 : vector<16xi1>, vector<16xi32>
      %broadcast_in_dim3A_2161 = vector.shape_cast %select_n3A_2160 : vector<16xi32> to vector<16x1xi32>
      %gather3A_2162 = vector.shape_cast %broadcast_in_dim3A_2161 : vector<16x1xi32> to vector<16xi32>
      %gather3A_2163 = tpu.dynamic_gather %get3A_2122[%gather3A_2162] in [0] : vector<16xi32>, vector<16xi32> -> vector<16xi32>
      %lt3A_2164 = arith.constant 0 : i32
      %lt3A_2165 = vector.broadcast %lt3A_2164 : i32 to vector<16xi32>
      %lt3A_2166 = arith.cmpi slt, %and3A_9, %lt3A_2165 : vector<16xi32>
      %add3A_2167 = arith.constant 16 : i32
      %add3A_2168 = vector.broadcast %add3A_2167 : i32 to vector<16xi32>
      %add3A_2169 = arith.addi %and3A_9, %add3A_2168 : vector<16xi32>
      %select_n3A_2170 = arith.select %lt3A_2166, %add3A_2169, %and3A_9 : vector<16xi1>, vector<16xi32>
      %broadcast_in_dim3A_2171 = vector.shape_cast %select_n3A_2170 : vector<16xi32> to vector<16x1xi32>
      %gather3A_2172 = vector.shape_cast %broadcast_in_dim3A_2171 : vector<16x1xi32> to vector<16xi32>
      %gather3A_2173 = tpu.dynamic_gather %get3A_2126[%gather3A_2172] in [0] : vector<16xi32>, vector<16xi32> -> vector<16xi32>
      %select_n3A_2174 = arith.select %eq3A_2153, %gather3A_2163, %gather3A_2173 : vector<16xi1>, vector<16xi32>
      %lt3A_2175 = arith.constant 2 : i32
      %lt3A_2176 = vector.broadcast %lt3A_2175 : i32 to vector<16xi32>
      %lt3A_2177 = arith.cmpi slt, %shift_right_arithmetic3A_14, %lt3A_2176 : vector<16xi32>
      %select_n3A_2178 = arith.select %lt3A_2177, %select_n3A_2150, %select_n3A_2174 : vector<16xi1>, vector<16xi32>
      %mul3A_2179 = arith.constant 32 : i32
      %mul3A_2180 = arith.muli %add3A_2110, %mul3A_2179 : i32
      %swap3A_2181 = arith.index_cast %mul3A_2180 : i32 to index
      %swap3A_2182 = tpu.vector_load %arg8[%swap3A_2181] {strides = array<i32>} : memref<16384xi32, #tpu.memory_space<vmem>>, vector<16xi32>,
      %swap3A_2183 = vector.shape_cast %swap3A_2182 : vector<16xi32> to vector<16xi32>
      %swap3A_2184 = vector.shape_cast %select_n3A_2178 : vector<16xi32> to vector<16xi32>
      tpu.vector_store %arg8[%swap3A_2181], %swap3A_2184 {strides = array<i32>} : memref<16384xi32, #tpu.memory_space<vmem>>, vector<16xi32>,
      %eq3A_2185 = arith.constant 0 : i32
      %eq3A_2186 = vector.broadcast %eq3A_2185 : i32 to vector<16xi32>
      %eq3A_2187 = arith.cmpi eq, %shift_right_arithmetic3A_17, %eq3A_2186 : vector<16xi32>
      %lt3A_2188 = arith.constant 0 : i32
      %lt3A_2189 = vector.broadcast %lt3A_2188 : i32 to vector<16xi32>
      %lt3A_2190 = arith.cmpi slt, %and3A_12, %lt3A_2189 : vector<16xi32>
      %add3A_2191 = arith.constant 16 : i32
      %add3A_2192 = vector.broadcast %add3A_2191 : i32 to vector<16xi32>
      %add3A_2193 = arith.addi %and3A_12, %add3A_2192 : vector<16xi32>
      %select_n3A_2194 = arith.select %lt3A_2190, %add3A_2193, %and3A_12 : vector<16xi1>, vector<16xi32>
      %broadcast_in_dim3A_2195 = vector.shape_cast %select_n3A_2194 : vector<16xi32> to vector<16x1xi32>
      %gather3A_2196 = vector.shape_cast %broadcast_in_dim3A_2195 : vector<16x1xi32> to vector<16xi32>
      %gather3A_2197 = tpu.dynamic_gather %get3A_2114[%gather3A_2196] in [0] : vector<16xi32>, vector<16xi32> -> vector<16xi32>
      %lt3A_2198 = arith.constant 0 : i32
      %lt3A_2199 = vector.broadcast %lt3A_2198 : i32 to vector<16xi32>
      %lt3A_2200 = arith.cmpi slt, %and3A_12, %lt3A_2199 : vector<16xi32>
      %add3A_2201 = arith.constant 16 : i32
      %add3A_2202 = vector.broadcast %add3A_2201 : i32 to vector<16xi32>
      %add3A_2203 = arith.addi %and3A_12, %add3A_2202 : vector<16xi32>
      %select_n3A_2204 = arith.select %lt3A_2200, %add3A_2203, %and3A_12 : vector<16xi1>, vector<16xi32>
      %broadcast_in_dim3A_2205 = vector.shape_cast %select_n3A_2204 : vector<16xi32> to vector<16x1xi32>
      %gather3A_2206 = vector.shape_cast %broadcast_in_dim3A_2205 : vector<16x1xi32> to vector<16xi32>
      %gather3A_2207 = tpu.dynamic_gather %get3A_2118[%gather3A_2206] in [0] : vector<16xi32>, vector<16xi32> -> vector<16xi32>
      %select_n3A_2208 = arith.select %eq3A_2187, %gather3A_2197, %gather3A_2207 : vector<16xi1>, vector<16xi32>
      %eq3A_2209 = arith.constant 2 : i32
      %eq3A_2210 = vector.broadcast %eq3A_2209 : i32 to vector<16xi32>
      %eq3A_2211 = arith.cmpi eq, %shift_right_arithmetic3A_17, %eq3A_2210 : vector<16xi32>
      %lt3A_2212 = arith.constant 0 : i32
      %lt3A_2213 = vector.broadcast %lt3A_2212 : i32 to vector<16xi32>
      %lt3A_2214 = arith.cmpi slt, %and3A_12, %lt3A_2213 : vector<16xi32>
      %add3A_2215 = arith.constant 16 : i32
      %add3A_2216 = vector.broadcast %add3A_2215 : i32 to vector<16xi32>
      %add3A_2217 = arith.addi %and3A_12, %add3A_2216 : vector<16xi32>
      %select_n3A_2218 = arith.select %lt3A_2214, %add3A_2217, %and3A_12 : vector<16xi1>, vector<16xi32>
      %broadcast_in_dim3A_2219 = vector.shape_cast %select_n3A_2218 : vector<16xi32> to vector<16x1xi32>
      %gather3A_2220 = vector.shape_cast %broadcast_in_dim3A_2219 : vector<16x1xi32> to vector<16xi32>
      %gather3A_2221 = tpu.dynamic_gather %get3A_2122[%gather3A_2220] in [0] : vector<16xi32>, vector<16xi32> -> vector<16xi32>
      %lt3A_2222 = arith.constant 0 : i32
      %lt3A_2223 = vector.broadcast %lt3A_2222 : i32 to vector<16xi32>
      %lt3A_2224 = arith.cmpi slt, %and3A_12, %lt3A_2223 : vector<16xi32>
      %add3A_2225 = arith.constant 16 : i32
      %add3A_2226 = vector.broadcast %add3A_2225 : i32 to vector<16xi32>
      %add3A_2227 = arith.addi %and3A_12, %add3A_2226 : vector<16xi32>
      %select_n3A_2228 = arith.select %lt3A_2224, %add3A_2227, %and3A_12 : vector<16xi1>, vector<16xi32>
      %broadcast_in_dim3A_2229 = vector.shape_cast %select_n3A_2228 : vector<16xi32> to vector<16x1xi32>
      %gather3A_2230 = vector.shape_cast %broadcast_in_dim3A_2229 : vector<16x1xi32> to vector<16xi32>
      %gather3A_2231 = tpu.dynamic_gather %get3A_2126[%gather3A_2230] in [0] : vector<16xi32>, vector<16xi32> -> vector<16xi32>
      %select_n3A_2232 = arith.select %eq3A_2211, %gather3A_2221, %gather3A_2231 : vector<16xi1>, vector<16xi32>
      %lt3A_2233 = arith.constant 2 : i32
      %lt3A_2234 = vector.broadcast %lt3A_2233 : i32 to vector<16xi32>
      %lt3A_2235 = arith.cmpi slt, %shift_right_arithmetic3A_17, %lt3A_2234 : vector<16xi32>
      %select_n3A_2236 = arith.select %lt3A_2235, %select_n3A_2208, %select_n3A_2232 : vector<16xi1>, vector<16xi32>
      %mul3A_2237 = arith.constant 32 : i32
      %mul3A_2238 = arith.muli %add3A_2110, %mul3A_2237 : i32
      %add3A_2239 = arith.constant 16 : i32
      %add3A_2240 = arith.addi %mul3A_2238, %add3A_2239 : i32
      %swap3A_2241 = arith.index_cast %add3A_2240 : i32 to index
      %swap3A_2242 = tpu.vector_load %arg8[%swap3A_2241] {strides = array<i32>} : memref<16384xi32, #tpu.memory_space<vmem>>, vector<16xi32>,
      %swap3A_2243 = vector.shape_cast %swap3A_2242 : vector<16xi32> to vector<16xi32>
      %swap3A_2244 = vector.shape_cast %select_n3A_2236 : vector<16xi32> to vector<16xi32>
      tpu.vector_store %arg8[%swap3A_2241], %swap3A_2244 {strides = array<i32>} : memref<16384xi32, #tpu.memory_space<vmem>>, vector<16xi32>,
    }
    %scan3A_28 = arith.constant 16 : i32
    %mul3A_29 = arith.constant 32 : i32
    %mul3A_30 = arith.muli %mul3A_2, %mul3A_29 : i32
    "tpu.region"() ({
      %run_scoped3A = tpu.sem_alloc : memref<!tpu.dma_semaphore, #tpu.memory_space<semaphore_mem>>
      %dma_start3A = tpu.memref_slice %arg5[%mul3A_30] : memref<524288xi32, #tpu.memory_space<hbm>> -> memref<16384xi32, #tpu.memory_space<hbm>>
      %dma_start3A_31 = tpu.memref_slice %arg5[%mul3A_30] : memref<524288xi32, #tpu.memory_space<hbm>> -> memref<16384xi32, #tpu.memory_space<hbm>>
      tpu.enqueue_dma source(%arg8 : memref<16384xi32, #tpu.memory_space<vmem>>) target(%dma_start3A_31 : memref<16384xi32, #tpu.memory_space<hbm>>) target_semaphore(%run_scoped3A : memref<!tpu.dma_semaphore, #tpu.memory_space<semaphore_mem>>)
      %dma_wait3A = tpu.memref_slice %arg5[%mul3A_30] : memref<524288xi32, #tpu.memory_space<hbm>> -> memref<16384xi32, #tpu.memory_space<hbm>>
      %dma_wait3A_32 = tpu.memref_slice %arg5[%mul3A_30] : memref<524288xi32, #tpu.memory_space<hbm>> -> memref<16384xi32, #tpu.memory_space<hbm>>
      tpu.wait_dma2 semaphore(%run_scoped3A : memref<!tpu.dma_semaphore, #tpu.memory_space<semaphore_mem>>) src(%arg8 : memref<16384xi32, #tpu.memory_space<vmem>>) dst(%dma_wait3A_32 : memref<16384xi32, #tpu.memory_space<hbm>>)
      tpu.yield
    }) : () -> ()
    return
  }
}

</mosaic_0001>

<sc_bundles>
// kernel: kernel.3.cloned.1.call-start
scs
__scs_entry_jumppad:
0x0: {  	(pc) =	sbr.rel $0x88, $3  }
0x1: {  	(tag) =	ssettag $0x0;
	lr =	simm.s32 $0x1  }
0x2: {  	[smem:$0x3F9F] =	sst lr;
	_ =	strace $0xD0000000  }
0x3: {  	_ = 	snop  }
0x4: {  	_ = 	snop  }
0x5: {  	_ = 	snop  }
0x6: {  	_ = 	snop  }
0x7: {  	_ = 	snop  }
__scs_overlays_trampoline_lowered:
0x8: {  	[smem:$0x3FAE] =	sst s0  }
0x9: {  	[smem:$0x3FAF] =	sst s1  }
0xa: {  	[smem:$0x3FB0] =	sst s2  }
0xb: {  	[smem:$0x3FB1] =	sst s3  }
0xc: {  	[smem:$0x3FB2] =	sst s4  }
0xd: {  	[smem:$0x3FB3] =	sst s5  }
0xe: {  	[smem:$0x3FB4] =	sst s6  }
0xf: {  	[smem:$0x3FB5] =	sst s7  }
0x10: {  	[smem:$0x3FB6] =	sst s8  }
0x11: {  	[smem:$0x3FB7] =	sst s9;
	s0 =	simm.s32 @!p0 $0x0  }
0x12: {  	s1 =	sld [smem:$0x3F9D];
	s0 =	simm.s32 @p0 $0x1  }
0x13: {  	[smem:$0x3FB8] =	sst s0;
	s0 =	simm.s32 @!p1 $0x0  }
0x14: {  	s2 =	sld [smem:$0x3F9C];
	s0 =	simm.s32 @p1 $0x1  }
0x15: {  	[smem:$0x3FB9] =	sst s0;
	s0 =	simm.s32 @!p2 $0x0  }
0x16: {  	s3 =	sld [smem:$0x3FDB];
	s0 =	simm.s32 @p2 $0x1  }
0x17: {  	s4 =	simm.s32 $0x1BF5;
	[smem:$0x3FBB] =	sst s0  }
0x18: {  	s0 =	sld [smem:$0x3F9E];
	_ =	swait.ge [sflag:s4], $0x0  }
0x19: {  	s7 =	sld [smem:$0x3F9F]  }
0x1a: {  	s8 =	sadd.s32 $0xFFFFE003, lr  }
0x1b: {  	s9 =	sadd.s32 $0xFFFFFEF7, lr;
	s5 =	simm.s32 $0xFFFFFFFF;
	p2 =	slt.u32 s8, $0xFFFFF086  }
0x1c: {  	p1 =	slt.u32 s9, $0xF7A;
	s5 =	simm.s32 @!p2 $0x0  }
0x1d: {  	s5 =	simm.s32 @p1 $0x1;
	p0 =	seq.s32 s7, s2  }
0x1e: {  	s7 =	smul.u32 @!p0 $0xF7A, s2;
	p2 =	seq.s32 @!p0 s5, $0x0  }
0x1f: {  	s9 =	smul.u32 $0xF7A, s1;
	s8 =	simm.s32 @!p0 $0x1BF5;
	p2 =	por !p2, p0  }
0x20: {  	[sflag:s8] =	ssyncset.s32 @!p0 $0xFFFFF086;
	s6 =	sadd.s32 @!p0 s3, s7;
	s7 =	simm.s32 @!p0 $0x108  }
0x21: {  	s3 =	sadd.s32 s3, s9;
	s6 =	sadd.s32 @!p0 $0x88, s6;
	s7 =	simm.s32 @p2 $0x1082  }
0x22: {  	[simem:s7], [sflag:s8] =	dma.local @!p0 [hbm:s6], $0xF7A  }
0x23: {  	s9 =	sor.u32 $0xD0000000, s2;
	s6 =	simm.s32 $0x108;
	_ =	swait.ge @!p0 [sflag:s8], $0x0  }
0x24: {  	s3 =	sadd.s32 $0x88, s3;
	s6 =	simm.s32 @!p1 $0x1082;
	[sflag:s4] =	ssyncset.s32 $0xFFFFF086  }
0x25: {  	[simem:s6], [sflag:s4] =	dma.local [hbm:s3], $0xF7A  }
0x26: {  	[smem:$0x3F9F] =	sst s1;
	(tag) =	ssettag s2;
	_ =	strace s9  }
0x27: {  	s1 =	sld [smem:$0x3FAF]  }
0x28: {  	s2 =	sld [smem:$0x3FB0]  }
0x29: {  	s4 =	sld [smem:$0x3FB2]  }
0x2a: {  	p0 =	seq.s32 s5, $0x0;
	s5 =	sld [smem:$0x3FB3]  }
0x2b: {  	s6 =	sld [smem:$0x3FB4]  }
0x2c: {  	s7 =	sld [smem:$0x3FB5]  }
0x2d: {  	s3 =	simm.s32 $0x108;
	s8 =	sld [smem:$0x3FB6]  }
0x2e: {  	s3 =	simm.s32 @!p0 $0x1082;
	s9 =	sld [smem:$0x3FB7]  }
0x2f: {  	lr =	sadd.s32 s0, s3;
	s0 =	sld [smem:$0x3FAE]  }
0x30: {  	s3 =	sld [smem:$0x3FB1]  }
0x31: {  	[smem:$0x3FBA] =	sst s10  }
0x32: {  	s10 =	sld [smem:$0x3FB8];
	_ =	sdelay $0x3  }
0x33: {  	p0 =	seq.s32 s10, $0x1;
	s10 =	sld [smem:$0x3FBA];
	_ =	sdelay $0x3  }
0x34: {  	[smem:$0x3FBA] =	sst s10  }
0x35: {  	s10 =	sld [smem:$0x3FB9];
	_ =	sdelay $0x3  }
0x36: {  	p1 =	seq.s32 s10, $0x1;
	s10 =	sld [smem:$0x3FBA];
	_ =	sdelay $0x3  }
0x37: {  	[smem:$0x3FBA] =	sst s10  }
0x38: {  	s10 =	sld [smem:$0x3FBB]  }
0x39: {  	_ = 	snop;
	(pc) =	sbr.ind lr, $3  }
0x3a: {  	_ = 	snop  }
0x3b: {  	_ = 	snop  }
0x3c: {  	p2 =	seq.s32 s10, $0x1;
	s10 =	sld [smem:$0x3FBA]  }
0x3d: {  	_ =	shalt  }
0x3e: {  	_ =	shalt  }
0x3f: {  	_ =	shalt  }
0x40: {  	_ =	shalt  }
0x41: {  	_ =	shalt  }
0x42: {  	_ =	shalt  }
0x43: {  	_ =	shalt  }
0x44: {  	_ =	shalt  }
0x45: {  	_ =	shalt  }
0x46: {  	_ =	shalt  }
0x47: {  	_ =	shalt  }
0x48: {  	_ =	shalt  }
0x49: {  	_ =	shalt  }
0x4a: {  	_ =	shalt  }
0x4b: {  	_ =	shalt  }
0x4c: {  	_ =	shalt  }
0x4d: {  	_ =	shalt  }
0x4e: {  	_ =	shalt  }
0x4f: {  	_ =	shalt  }
0x50: {  	_ =	shalt  }
0x51: {  	_ =	shalt  }
0x52: {  	_ =	shalt  }
0x53: {  	_ =	shalt  }
0x54: {  	_ =	shalt  }
0x55: {  	_ =	shalt  }
0x56: {  	_ =	shalt  }
0x57: {  	_ =	shalt  }
0x58: {  	_ =	shalt  }
0x59: {  	_ =	shalt  }
0x5a: {  	_ =	shalt  }
0x5b: {  	_ =	shalt  }
0x5c: {  	_ =	shalt  }
0x5d: {  	_ =	shalt  }
0x5e: {  	_ =	shalt  }
0x5f: {  	_ =	shalt  }
0x60: {  	_ =	shalt  }
0x61: {  	_ =	shalt  }
0x62: {  	_ =	shalt  }
0x63: {  	_ =	shalt  }
0x64: {  	_ =	shalt  }
0x65: {  	_ =	shalt  }
0x66: {  	_ =	shalt  }
0x67: {  	_ =	shalt  }
0x68: {  	_ =	shalt  }
0x69: {  	_ =	shalt  }
0x6a: {  	_ =	shalt  }
0x6b: {  	_ =	shalt  }
0x6c: {  	_ =	shalt  }
0x6d: {  	_ =	shalt  }
0x6e: {  	_ =	shalt  }
0x6f: {  	_ =	shalt  }
0x70: {  	_ =	shalt  }
0x71: {  	_ =	shalt  }
0x72: {  	_ =	shalt  }
0x73: {  	_ =	shalt  }
0x74: {  	_ =	shalt  }
0x75: {  	_ =	shalt  }
0x76: {  	_ =	shalt  }
0x77: {  	_ =	shalt  }
0x78: {  	_ =	shalt  }
0x79: {  	_ =	shalt  }
0x7a: {  	_ =	shalt  }
0x7b: {  	_ =	shalt  }
0x7c: {  	_ =	shalt  }
0x7d: {  	_ =	shalt  }
0x7e: {  	_ =	shalt  }
0x7f: {  	_ =	shalt  }
0x80: {  	_ =	shalt  }
0x81: {  	_ =	shalt  }
0x82: {  	_ =	shalt  }
0x83: {  	_ =	shalt  }
0x84: {  	_ =	shalt  }
0x85: {  	_ =	shalt  }
0x86: {  	_ =	shalt  }
0x87: {  	_ =	shalt  }
.Lfunc_end0:
.L_simem_size_0:
called_computation_lowered:
.L_overlay_start_0:
0x88: {  	s2 =	sld [smem:$0x3FD9]  }
0x89: {  	s3 =	sld [smem:$0x3FFE];
	_ =	sdelay $0x1  }
0x8a: {  	s1 =	srdreg.scid  }
0x8b: {  	s0 =	sand.u32 $0x1, s1  }
0x8c: {  	s17 =	sshll.u32 s0, $0xA;
	s2 =	sadd.s32 s3, s2  }
0x8d: {  	s2 =	sadd.s32 s2, s17  }
0x8e: {  	[smem:$0x3FC6] =	sst s2  }
0x8f: {  	_ = 	snop  }
0x90: {  	s2 =	sld [smem:$0x3FC8]  }
0x91: {  	s18 =	sld [smem:$0x3FD0];
	(tm) =	ssettm $0x1  }
0x92: {  	s4 =	sld [smem:$0x3FFB];
	_ =	sdelay $0x3  }
0x93: {  	_ =	strace s4  }
0x94: {  	s4 =	sld [smem:$0x3FFC];
	_ =	sdelay $0x3  }
0x95: {  	_ =	strace s4  }
0x96: {  	s4 =	sld [smem:$0x3FFD];
	_ =	sdelay $0x3  }
0x97: {  	_ =	strace s4  }
0x98: {  	_ =	strace $0x8FFFFFFF  }
0x99: {  	s19 =	sld [smem:$0x3FDB];
	_ =	sdelay $0x1  }
0x9a: {  	s5 =	simm.s32 $_scs_section_size  }
0x9b: {  	s6 =	simm.s32 $_size__tile_overlayer_lowered;
	s7 =	simm.s32 $_tile_overlayer_lowered  }
0x9c: {  	s22 =	simm.s32 $0x1BFF;
	s21 =	sshll.u32 s7, $0x1;
	s4 =	sadd.s32 s5, s19  }
0x9d: {  	s8 =	simm.s32 $0x0;
	s20 =	sshll.u32 s6, $0x1;
	s6 =	sadd.s32 s21, s4  }
0x9e: {  	[timem:s8], [sflag:s22] =	dma.local [hbm:s6], s20  }
0x9f: {  	_ =	swait.ge [sflag:s22], s20  }
0xa0: {  	s5 =	ssub.s32 $0x0, s20;
	[sflag:s22] =	ssyncset.done $0x0  }
0xa1: {  	[sflag:s22] =	ssyncadd.s32 s5;
	_ =	sdelay $0x1  }
0xa2: {  	s23 =	simm.s32 $0x1B8B  }
0xa3: {  	_ =	swait.ge [sflag:s23], $0x1  }
0xa4: {  	[sflag:s23] =	ssyncset.done $0x0  }
0xa5: {  	s25 =	simm.s32 $0x1B8E;
	s24 =	sld [smem:$0x3FFE];
	[sflag:s23] =	ssyncadd.s32 $0xFFFFFFFF  }
0xa6: {  	s26 =	simm.s32 $execute0_lowered;
	[smem:$0x3FD2] =	sst s25  }
0xa7: {  	s6 =	sshll.u32 s26, $0x1;
	_ =	strace $0x80000046;
	[dreg:$0x1] =	wrdreg $0xFFFFFFFF  }
0xa8: {  	s28 =	simm.s32 $_size_execute0_lowered;
	s4 =	sadd.s32 s4, s6;
	[dreg:$0x0] =	wrdreg $0x0  }
0xa9: {  	s6 =	sshll.u32 s28, $0x1;
	[dreg:$0x2] =	wrdreg s4  }
0xaa: {  	[dreg:$0x3] =	wrdreg s6  }
0xab: {  	[dreg:$0x4] =	wrdreg $0xC0  }
0xac: {  	_ =	task [dreg:s8], $0x5FFFF  }
0xad: {  	[dreg:$0x1] =	wrdreg $0xFFFFFFFF  }
0xae: {  	[dreg:$0x0] =	wrdreg $0x60  }
0xaf: {  	[dreg:$0x2] =	wrdreg s24  }
0xb0: {  	[dreg:$0x3] =	wrdreg s2  }
0xb1: {  	[dreg:$0x4] =	wrdreg s18  }
0xb2: {  	[dreg:$0x5] =	wrdreg $0x9  }
0xb3: {  	_ =	task.clear_ibuf [dreg:s8], $0x6FFFF;
	_ =	strace $0x90000046  }
0xb4: {  	s29 =	simm.s32 $0x9;
	_ =	strace $0x80000048  }
0xb5: {  	_ =	swait.ge [sflag:s29], $0x1  }
0xb6: {  	[sflag:s29] =	ssyncadd.s32 $0xFFFFFFFF  }
0xb7: {  	_ =	strace $0x90000048  }
0xb8: {  	_ =	sfence  }
0xb9: {  	s30 =	sld [smem:$0x0];
	_ =	sdelay $0x2  }
0xba: {  	s31 =	sshll.u32 s1, $0xD;
	s1 =	sshrl.u32 s1, $0x2  }
0xbb: {  	s3 =	sand.u32 $0x4000, s31;
	s1 =	sadd.s32 s1, s30  }
0xbc: {  	s0 =	sor.u32 s3, s0;
	s1 =	sshll.u32 s1, $0x11  }
0xbd: {  	s0 =	sor.u32 s1, s0  }
0xbe: {  	s0 =	sadd.s32 $0x8F2B, s0  }
0xbf: {  	[sflag:s0] =	ssyncadd.remote.s32 $0x1  }
0xc0: {  	_ =	sfence.sel $0xFFFF  }
0xc1: {  	[dreg:$0x0] =	wrdreg $0xFFFFFFFF;
	(pc) =	sbr.abs _section_cstart, $3  }
0xc2: {  	[dreg:$0x1] =	wrdreg $0xFFFFFFFF  }
0xc3: {  	_ =	task.clear_ibuf [dreg:s8], $0x2FFFF;
	_ =	strace $0x9FFFFFFF  }
0xc4: {  	(tm) =	ssettm $0x7FFFFFFF  }
0xc5: {  	_ =	shalt  }
tec
execute0_lowered:
.L_overlay_start_1:
0x0: {  	(tag) =	ssettag $0x1  }
0x1: {  	s4 =	rddreg [dreg:$0x0]  }
0x2: {  	s5 =	rddreg [dreg:$0x1]  }
0x3: {  	s6 =	rddreg [dreg:$0x2]  }
0x4: {  	s0 =	rddreg [dreg:$0x3];
	s2 =	simm.s32 $0x0;
	s7 =	srdreg.scid  }
0x5: {  	s1 =	stileid.u32;
	s11 =	simm.s32 $0x10200;
	s12 =	simm.s32 $0x0  }
0x6: {  	[smem:$0x7FF] =	sst s2;
	s3 =	sadd.s32 $0x600, s4;
	s7 =	sand.u32 $0x1, s7  }
0x7: {  	s8 =	sshll.u32 s1, $0x1;
	s4 =	sadd.s32 $0x187200, s4;
	s9 =	ssub.s32 $0x2, s7  }
0x8: {  	_ =	strace $0x80000047;
	s7 =	sor.u32 s7, s8;
	s31 =	sshrl.u32 s9, $0x1  }
0x9: {  	s10 =	sshll.u32 s7, $0x6;
	s7 =	sshll.u32 s7, $0xB;
	s8 =	ssub.s32 s9, s31  }
0xa: {  	s5 =	sadd.s32 s5, s10;
	s6 =	sadd.s32 s6, s7;
	s9 =	simm.s32 $0x2  }
0xb: {  	s10 =	simm.s32 $0x1;
	s7 =	smax.u32 s8, $0x1;
	s8 =	simm.s32 $0x14200  }
.LBB2_1:
0xc: {  	[tilespmem:s8], [sflag:$0x2] =	stream.linear.gather [hbm4b:s4+s2], $0x80, $0x38;
	[tilespmem:$0x14280] =	vst v63  }
0xd: {  	_ =	swait.ge [sflag:s9], $0x80  }
0xe: {  	[sflag:s9] =	ssyncset.done $0x0  }
0xf: {  	[sflag:s9] =	ssyncadd.s32 $0xFFFFFF80  }
0x10: {  	[tilespmem:s2], [sflag:$0x2] =	stream.linear.gather [hbm4b:s5+s2], $0x200, $0x38;
	[tilespmem:$0x14280] =	vst v63  }
0x11: {  	_ =	swait.ge [sflag:s9], $0x200  }
0x12: {  	[sflag:s9] =	ssyncset.done $0x0  }
0x13: {  	[sflag:s9] =	ssyncadd.s32 $0xFFFFFE00  }
0x14: {  	v2 =	vld [tilespmem:$0x14200]  }
0x15: {  	v3 =	vld [tilespmem:$0x14210];
	_ =	sdelay $0x2  }
.Ltmp0:
0x16: {  	_ = 	snop;
	(pc) =	sbr.rel .LBB2_2-.Ltmp0, $4  }
0x17: {  	v0 =	vand.u32 $0xF, v2  }
0x18: {  	v1 =	vand.u32 $0xF, v3;
	v2 =	vshra.s32 v2, $0x4;
	v3 =	vshra.s32 v3, $0x4  }
0x19: {  	s13 =	simm.s32 $0xE200;
	s14 =	simm.s32 $0xFFFFE020;
	vm0 =	vlt.s32 v3, $0x2;
	vm1 =	veq.s32 v3, $0x2;
	vm2 =	veq.s32 v3, $0x0  }
0x1a: {  	s15 =	simm.s32 $0x0;
	s16 =	simm.s32 $0x0;
	s17 =	simm.s32 $0x0;
	vm3 =	vlt.s32 v2, $0x2;
	vm4 =	veq.s32 v2, $0x2;
	vm5 =	veq.s32 v2, $0x0  }
.LBB2_4:
0x1b: {  	s15 =	sadd.s32 $0x2000, s15  }
0x1c: {  	p0 =	sne.s32 s15, $0x40000  }
.Ltmp1:
0x1d: {  	_ = 	snop;
	(pc) =	sbr.rel @!p0 .LBB2_5-.Ltmp1, $3  }
0x1e: {  	_ =	sdelay $0x1  }
0x1f: {  	s17 =	sadd.s32 $0x1, s17  }
0x20: {  	s13 =	sadd.s32 $0x200, s13;
	s16 =	sadd.s32 $0x10, s16;
	s14 =	sadd.s32 $0x200, s14  }
.LBB2_2:
0x21: {  	v2 =	vld [tilespmem:s16+$0x0];
	_ =	sdelay $0x4  }
0x22: {  	v2 =	vshll.u32 v2, $0x4  }
0x23: {  	(v2sf) =	vpush v2, $0x0;
	_ =	sdelay $0x1  }
0x24: {  	(v2sf) =	vpush v2, $0x1;
	_ =	sdelay $0x1  }
0x25: {  	(v2sf) =	vpush v2, $0x2;
	_ =	sdelay $0x2  }
0x26: {  	(v2sf) =	vpush v2, $0x3;
	_ =	sdelay $0x7  }
0x27: {  	s19 =	spop (v2sf);
	(v2sf) =	vpush v2, $0x4;
	_ =	sdelay $0x1  }
0x28: {  	s21 =	spop (v2sf);
	(v2sf) =	vpush v2, $0x5;
	_ =	sdelay $0x1  }
0x29: {  	s23 =	spop (v2sf);
	(v2sf) =	vpush v2, $0x6;
	_ =	sdelay $0x1  }
0x2a: {  	s18 =	sshra.s32 s15, $0x2;
	s19 =	sand.u32 $0x1FFFFFF0, s19  }
0x2b: {  	s20 =	sadd.s32 $0x200, s18;
	s19 =	sadd.s32 s3, s19;
	s25 =	spop (v2sf);
	(v2sf) =	vpush v2, $0x7  }
0x2c: {  	[tilespmem:s20], [sflag:$0x1] =	stream.linear.gather [hbm4b:s19+s2], $0x80, $0x38;
	[tilespmem:$0x14280] =	vst v63  }
0x2d: {  	s19 =	sand.u32 $0x1FFFFFF0, s21  }
0x2e: {  	s22 =	sadd.s32 $0x280, s18;
	s19 =	sadd.s32 s3, s19  }
0x2f: {  	[tilespmem:s22], [sflag:$0x1] =	stream.linear.gather [hbm4b:s19+s2], $0x80, $0x38;
	[tilespmem:$0x14280] =	vst v63  }
0x30: {  	s19 =	sand.u32 $0x1FFFFFF0, s23  }
0x31: {  	s24 =	sadd.s32 $0x300, s18;
	s19 =	sadd.s32 s3, s19  }
0x32: {  	[tilespmem:s24], [sflag:$0x1] =	stream.linear.gather [hbm4b:s19+s2], $0x80, $0x38;
	[tilespmem:$0x14280] =	vst v63  }
0x33: {  	s28 =	spop (v2sf);
	(v2sf) =	vpush v2, $0x8  }
0x34: {  	s19 =	sand.u32 $0x1FFFFFF0, s25  }
0x35: {  	s26 =	sadd.s32 $0x380, s18;
	s19 =	sadd.s32 s3, s19;
	s30 =	spop (v2sf);
	(v2sf) =	vpush v2, $0x9  }
0x36: {  	[tilespmem:s26], [sflag:$0x1] =	stream.linear.gather [hbm4b:s19+s2], $0x80, $0x38;
	[tilespmem:$0x14280] =	vst v63  }
0x37: {  	s19 =	sand.u32 $0x1FFFFFF0, s28;
	s21 =	spop (v2sf);
	(v2sf) =	vpush v2, $0xA  }
0x38: {  	s29 =	sadd.s32 $0x400, s18;
	s19 =	sadd.s32 s3, s19  }
0x39: {  	[tilespmem:s29], [sflag:$0x1] =	stream.linear.gather [hbm4b:s19+s2], $0x80, $0x38;
	[tilespmem:$0x14280] =	vst v63  }
0x3a: {  	s23 =	spop (v2sf);
	(v2sf) =	vpush v2, $0xB  }
0x3b: {  	s19 =	sand.u32 $0x1FFFFFF0, s30  }
0x3c: {  	s31 =	sadd.s32 $0x480, s18;
	s19 =	sadd.s32 s3, s19  }
0x3d: {  	[tilespmem:s31], [sflag:$0x1] =	stream.linear.gather [hbm4b:s19+s2], $0x80, $0x38;
	[tilespmem:$0x14280] =	vst v63  }
0x3e: {  	s19 =	sand.u32 $0x1FFFFFF0, s21  }
0x3f: {  	s22 =	sadd.s32 $0x500, s18;
	s19 =	sadd.s32 s3, s19  }
0x40: {  	[tilespmem:s22], [sflag:$0x1] =	stream.linear.gather [hbm4b:s19+s2], $0x80, $0x38;
	[tilespmem:$0x14280] =	vst v63  }
0x41: {  	s19 =	sand.u32 $0x1FFFFFF0, s23  }
0x42: {  	s24 =	sadd.s32 $0x580, s18;
	s19 =	sadd.s32 s3, s19;
	s25 =	spop (v2sf);
	(v2sf) =	vpush v2, $0xC  }
0x43: {  	[tilespmem:s24], [sflag:$0x1] =	stream.linear.gather [hbm4b:s19+s2], $0x80, $0x38;
	[tilespmem:$0x14280] =	vst v63  }
0x44: {  	s28 =	spop (v2sf);
	(v2sf) =	vpush v2, $0xD  }
0x45: {  	s19 =	sand.u32 $0x1FFFFFF0, s25  }
0x46: {  	s26 =	sadd.s32 $0x600, s18;
	s19 =	sadd.s32 s3, s19;
	s30 =	spop (v2sf)  }
0x47: {  	(v2sf) =	vpush v2, $0xE;
	[tilespmem:s26], [sflag:$0x1] =	stream.linear.gather [hbm4b:s19+s2], $0x80, $0x38;
	[tilespmem:$0x14280] =	vst v63  }
0x48: {  	s19 =	sand.u32 $0x1FFFFFF0, s28  }
0x49: {  	s29 =	sadd.s32 $0x680, s18;
	s21 =	spop (v2sf);
	s19 =	sadd.s32 s3, s19  }
0x4a: {  	(v2sf) =	vpush v2, $0xF;
	[tilespmem:s29], [sflag:$0x1] =	stream.linear.gather [hbm4b:s19+s2], $0x80, $0x38;
	[tilespmem:$0x14280] =	vst v63  }
0x4b: {  	s19 =	sand.u32 $0x1FFFFFF0, s30  }
0x4c: {  	s31 =	sadd.s32 $0x700, s18;
	s19 =	sadd.s32 s3, s19  }
0x4d: {  	[tilespmem:s31], [sflag:$0x1] =	stream.linear.gather [hbm4b:s19+s2], $0x80, $0x38;
	[tilespmem:$0x14280] =	vst v63  }
0x4e: {  	s19 =	sand.u32 $0x1FFFFFF0, s21  }
0x4f: {  	s22 =	sadd.s32 $0x780, s18;
	s19 =	sadd.s32 s3, s19  }
0x50: {  	[tilespmem:s22], [sflag:$0x1] =	stream.linear.gather [hbm4b:s19+s2], $0x80, $0x38;
	[tilespmem:$0x14280] =	vst v63  }
0x51: {  	s23 =	spop (v2sf)  }
0x52: {  	s19 =	sand.u32 $0x1FFFFFF0, s23  }
0x53: {  	s24 =	sadd.s32 $0x800, s18;
	s25 =	spop (v2sf);
	s19 =	sadd.s32 s3, s19  }
0x54: {  	[tilespmem:s24], [sflag:$0x1] =	stream.linear.gather [hbm4b:s19+s2], $0x80, $0x38;
	[tilespmem:$0x14280] =	vst v63  }
0x55: {  	s19 =	sand.u32 $0x1FFFFFF0, s25  }
0x56: {  	s26 =	sadd.s32 $0x880, s18;
	s28 =	spop (v2sf);
	s19 =	sadd.s32 s3, s19  }
0x57: {  	[tilespmem:s26], [sflag:$0x1] =	stream.linear.gather [hbm4b:s19+s2], $0x80, $0x38;
	[tilespmem:$0x14280] =	vst v63  }
0x58: {  	p0 =	slt.u32 s17, $0x10;
	s29 =	sadd.s32 $0x900, s18;
	s19 =	sand.u32 $0x1FFFFFF0, s28  }
.Ltmp2:
0x59: {  	s30 =	spop (v2sf);
	s19 =	sadd.s32 s3, s19;
	(pc) =	sbr.rel @p0 .LBB2_4-.Ltmp2, $4  }
0x5a: {  	[tilespmem:s29], [sflag:$0x1] =	stream.linear.gather [hbm4b:s19+s2], $0x80, $0x38;
	[tilespmem:$0x14280] =	vst v63  }
0x5b: {  	s19 =	sand.u32 $0x1FFFFFF0, s30  }
0x5c: {  	s31 =	sadd.s32 $0x980, s18;
	s19 =	sadd.s32 s3, s19  }
0x5d: {  	[tilespmem:s31], [sflag:$0x1] =	stream.linear.gather [hbm4b:s19+s2], $0x80, $0x38;
	[tilespmem:$0x14280] =	vst v63  }
0x5e: {  	_ =	swait.ge [sflag:s10], $0x800  }
0x5f: {  	[sflag:s10] =	ssyncset.done $0x0  }
0x60: {  	[sflag:s10] =	ssyncadd.s32 $0xFFFFF800  }
0x61: {  	v2 =	vld [tilespmem:s18+$0xFFFF8200]  }
0x62: {  	v3 =	vld [tilespmem:s18+$0xFFFF8210]  }
0x63: {  	v4 =	vld [tilespmem:s18+$0xFFFF8220]  }
0x64: {  	v5 =	vld [tilespmem:s18+$0xFFFF8230];
	_ =	sdelay $0x3  }
0x65: {  	v6 =	vperm.xlane v2, v0;
	v7 =	vperm.xlane v3, v0  }
0x66: {  	v8 =	vperm.xlane v4, v0;
	v9 =	vperm.xlane v5, v0  }
0x67: {  	v2 =	vperm.xlane v2, v1;
	v3 =	vperm.xlane v3, v1  }
0x68: {  	v4 =	vperm.xlane v4, v1;
	v5 =	vperm.xlane v5, v1  }
0x69: {  	v6 =	vsel vm5, v6, v7;
	v62 =	vsel vm4, v8, v9  }
0x6a: {  	v2 =	vsel vm2, v2, v3;
	v3 =	vsel vm1, v4, v5;
	v6 =	vsel vm3, v6, v62  }
0x6b: {  	v2 =	vsel vm0, v2, v3;
	[tilespmem:s13+$0x0] =	vst v6  }
0x6c: {  	[tilespmem:s13+$0x10] =	vst v2  }
0x6d: {  	v2 =	vld [tilespmem:s18+$0xFFFF8280]  }
0x6e: {  	v3 =	vld [tilespmem:s18+$0xFFFF8290]  }
0x6f: {  	v63 =	vld [tilespmem:s18+$0xFFFF82A0]  }
0x70: {  	v12 =	vld [tilespmem:s18+$0xFFFF82B0];
	_ =	sdelay $0x3  }
0x71: {  	v13 =	vperm.xlane v2, v0;
	v14 =	vperm.xlane v3, v0  }
0x72: {  	v15 =	vperm.xlane v63, v0;
	v16 =	vperm.xlane v12, v0  }
0x73: {  	v2 =	vperm.xlane v2, v1;
	v3 =	vperm.xlane v3, v1  }
0x74: {  	v4 =	vperm.xlane v63, v1;
	v5 =	vperm.xlane v12, v1  }
0x75: {  	v6 =	vsel vm5, v13, v14;
	v17 =	vsel vm4, v15, v16  }
0x76: {  	v2 =	vsel vm2, v2, v3;
	v3 =	vsel vm1, v4, v5;
	v6 =	vsel vm3, v6, v17  }
0x77: {  	s19 =	sor.u32 $0x30, s14;
	v2 =	vsel vm0, v2, v3;
	[tilespmem:s13+$0x20] =	vst v6  }
0x78: {  	[tilespmem:s19+$0x10200] =	vst v2  }
0x79: {  	v2 =	vld [tilespmem:s18+$0xFFFF8300]  }
0x7a: {  	v3 =	vld [tilespmem:s18+$0xFFFF8310]  }
0x7b: {  	v18 =	vld [tilespmem:s18+$0xFFFF8320]  }
0x7c: {  	v19 =	vld [tilespmem:s18+$0xFFFF8330];
	_ =	sdelay $0x3  }
0x7d: {  	v20 =	vperm.xlane v2, v0;
	v21 =	vperm.xlane v3, v0  }
0x7e: {  	v22 =	vperm.xlane v18, v0;
	v23 =	vperm.xlane v19, v0  }
0x7f: {  	v2 =	vperm.xlane v2, v1;
	v3 =	vperm.xlane v3, v1  }
0x80: {  	v4 =	vperm.xlane v18, v1;
	v5 =	vperm.xlane v19, v1  }
0x81: {  	v6 =	vsel vm5, v20, v21;
	v24 =	vsel vm4, v22, v23  }
0x82: {  	s20 =	sadd.s32 $0x20, s14;
	v2 =	vsel vm2, v2, v3;
	v3 =	vsel vm1, v4, v5;
	v6 =	vsel vm3, v6, v24  }
0x83: {  	s19 =	sor.u32 $0x50, s20;
	v2 =	vsel vm0, v2, v3;
	[tilespmem:s13+$0x40] =	vst v6  }
0x84: {  	[tilespmem:s19+$0x10200] =	vst v2  }
0x85: {  	v2 =	vld [tilespmem:s18+$0xFFFF8380]  }
0x86: {  	v3 =	vld [tilespmem:s18+$0xFFFF8390]  }
0x87: {  	v25 =	vld [tilespmem:s18+$0xFFFF83A0]  }
0x88: {  	v26 =	vld [tilespmem:s18+$0xFFFF83B0];
	_ =	sdelay $0x3  }
0x89: {  	v27 =	vperm.xlane v2, v0;
	v28 =	vperm.xlane v3, v0  }
0x8a: {  	v29 =	vperm.xlane v25, v0;
	v30 =	vperm.xlane v26, v0  }
0x8b: {  	v2 =	vperm.xlane v2, v1;
	v3 =	vperm.xlane v3, v1  }
0x8c: {  	v4 =	vperm.xlane v25, v1;
	v5 =	vperm.xlane v26, v1  }
0x8d: {  	v6 =	vsel vm5, v27, v28;
	v31 =	vsel vm4, v29, v30  }
0x8e: {  	s21 =	sadd.s32 $0x40, s14;
	v2 =	vsel vm2, v2, v3;
	v3 =	vsel vm1, v4, v5;
	v6 =	vsel vm3, v6, v31  }
0x8f: {  	s19 =	sor.u32 $0x70, s21;
	v2 =	vsel vm0, v2, v3;
	[tilespmem:s13+$0x60] =	vst v6  }
0x90: {  	[tilespmem:s19+$0x10200] =	vst v2  }
0x91: {  	v2 =	vld [tilespmem:s18+$0xFFFF8400]  }
0x92: {  	v3 =	vld [tilespmem:s18+$0xFFFF8410]  }
0x93: {  	v32 =	vld [tilespmem:s18+$0xFFFF8420]  }
0x94: {  	v33 =	vld [tilespmem:s18+$0xFFFF8430];
	_ =	sdelay $0x3  }
0x95: {  	v34 =	vperm.xlane v2, v0;
	v35 =	vperm.xlane v3, v0  }
0x96: {  	v36 =	vperm.xlane v32, v0;
	v37 =	vperm.xlane v33, v0  }
0x97: {  	v2 =	vperm.xlane v2, v1;
	v3 =	vperm.xlane v3, v1  }
0x98: {  	v4 =	vperm.xlane v32, v1;
	v5 =	vperm.xlane v33, v1  }
0x99: {  	v6 =	vsel vm5, v34, v35;
	v38 =	vsel vm4, v36, v37  }
0x9a: {  	v2 =	vsel vm2, v2, v3;
	v3 =	vsel vm1, v4, v5;
	v6 =	vsel vm3, v6, v38  }
0x9b: {  	v2 =	vsel vm0, v2, v3;
	[tilespmem:s13+$0x80] =	vst v6  }
0x9c: {  	[tilespmem:s13+$0x90] =	vst v2  }
0x9d: {  	v2 =	vld [tilespmem:s18+$0xFFFF8480]  }
0x9e: {  	v3 =	vld [tilespmem:s18+$0xFFFF8490]  }
0x9f: {  	v39 =	vld [tilespmem:s18+$0xFFFF84A0]  }
0xa0: {  	v40 =	vld [tilespmem:s18+$0xFFFF84B0];
	_ =	sdelay $0x3  }
0xa1: {  	v41 =	vperm.xlane v2, v0;
	v42 =	vperm.xlane v3, v0  }
0xa2: {  	v43 =	vperm.xlane v39, v0;
	v44 =	vperm.xlane v40, v0  }
0xa3: {  	v2 =	vperm.xlane v2, v1;
	v3 =	vperm.xlane v3, v1  }
0xa4: {  	v4 =	vperm.xlane v39, v1;
	v5 =	vperm.xlane v40, v1  }
0xa5: {  	v6 =	vsel vm5, v41, v42;
	v45 =	vsel vm4, v43, v44  }
0xa6: {  	s22 =	sadd.s32 $0x80, s14;
	v2 =	vsel vm2, v2, v3;
	v3 =	vsel vm1, v4, v5;
	v6 =	vsel vm3, v6, v45  }
0xa7: {  	s19 =	sor.u32 $0x30, s22;
	v2 =	vsel vm0, v2, v3;
	[tilespmem:s13+$0xA0] =	vst v6  }
0xa8: {  	[tilespmem:s19+$0x10200] =	vst v2  }
0xa9: {  	v2 =	vld [tilespmem:s18+$0xFFFF8500]  }
0xaa: {  	v3 =	vld [tilespmem:s18+$0xFFFF8510]  }
0xab: {  	v46 =	vld [tilespmem:s18+$0xFFFF8520]  }
0xac: {  	v47 =	vld [tilespmem:s18+$0xFFFF8530];
	_ =	sdelay $0x3  }
0xad: {  	v48 =	vperm.xlane v2, v0;
	v49 =	vperm.xlane v3, v0  }
0xae: {  	v50 =	vperm.xlane v46, v0;
	v51 =	vperm.xlane v47, v0  }
0xaf: {  	v2 =	vperm.xlane v2, v1;
	v3 =	vperm.xlane v3, v1  }
0xb0: {  	v4 =	vperm.xlane v46, v1;
	v5 =	vperm.xlane v47, v1  }
0xb1: {  	v6 =	vsel vm5, v48, v49;
	v52 =	vsel vm4, v50, v51  }
0xb2: {  	s23 =	sadd.s32 $0xA0, s14;
	v2 =	vsel vm2, v2, v3;
	v3 =	vsel vm1, v4, v5;
	v6 =	vsel vm3, v6, v52  }
0xb3: {  	s19 =	sor.u32 $0x50, s23;
	v2 =	vsel vm0, v2, v3;
	[tilespmem:s13+$0xC0] =	vst v6  }
0xb4: {  	[tilespmem:s19+$0x10200] =	vst v2  }
0xb5: {  	v2 =	vld [tilespmem:s18+$0xFFFF8580]  }
0xb6: {  	v3 =	vld [tilespmem:s18+$0xFFFF8590]  }
0xb7: {  	v53 =	vld [tilespmem:s18+$0xFFFF85A0]  }
0xb8: {  	v54 =	vld [tilespmem:s18+$0xFFFF85B0];
	_ =	sdelay $0x3  }
0xb9: {  	v55 =	vperm.xlane v2, v0;
	v56 =	vperm.xlane v3, v0  }
0xba: {  	v57 =	vperm.xlane v53, v0;
	v58 =	vperm.xlane v54, v0  }
0xbb: {  	v2 =	vperm.xlane v2, v1;
	v3 =	vperm.xlane v3, v1  }
0xbc: {  	v4 =	vperm.xlane v53, v1;
	v5 =	vperm.xlane v54, v1  }
0xbd: {  	v6 =	vsel vm5, v55, v56;
	v59 =	vsel vm4, v57, v58  }
0xbe: {  	s24 =	sadd.s32 $0xC0, s14;
	v2 =	vsel vm2, v2, v3;
	v3 =	vsel vm1, v4, v5;
	v6 =	vsel vm3, v6, v59  }
0xbf: {  	s19 =	sor.u32 $0x70, s24;
	v2 =	vsel vm0, v2, v3;
	[tilespmem:s13+$0xE0] =	vst v6  }
0xc0: {  	[tilespmem:s19+$0x10200] =	vst v2  }
0xc1: {  	v2 =	vld [tilespmem:s18+$0xFFFF8600]  }
0xc2: {  	v3 =	vld [tilespmem:s18+$0xFFFF8610]  }
0xc3: {  	v60 =	vld [tilespmem:s18+$0xFFFF8620]  }
0xc4: {  	v61 =	vld [tilespmem:s18+$0xFFFF8630];
	_ =	sdelay $0x3  }
0xc5: {  	v62 =	vperm.xlane v2, v0;
	v63 =	vperm.xlane v3, v0  }
0xc6: {  	v12 =	vperm.xlane v60, v0;
	v13 =	vperm.xlane v61, v0  }
0xc7: {  	v2 =	vperm.xlane v2, v1;
	v3 =	vperm.xlane v3, v1  }
0xc8: {  	v4 =	vperm.xlane v60, v1;
	v5 =	vperm.xlane v61, v1  }
0xc9: {  	v6 =	vsel vm5, v62, v63;
	v14 =	vsel vm4, v12, v13  }
0xca: {  	v2 =	vsel vm2, v2, v3;
	v3 =	vsel vm1, v4, v5;
	v6 =	vsel vm3, v6, v14  }
0xcb: {  	v2 =	vsel vm0, v2, v3;
	[tilespmem:s13+$0x100] =	vst v6  }
0xcc: {  	[tilespmem:s13+$0x110] =	vst v2  }
0xcd: {  	v2 =	vld [tilespmem:s18+$0xFFFF8680]  }
0xce: {  	v3 =	vld [tilespmem:s18+$0xFFFF8690]  }
0xcf: {  	v15 =	vld [tilespmem:s18+$0xFFFF86A0]  }
0xd0: {  	v16 =	vld [tilespmem:s18+$0xFFFF86B0];
	_ =	sdelay $0x3  }
0xd1: {  	v17 =	vperm.xlane v2, v0;
	v18 =	vperm.xlane v3, v0  }
0xd2: {  	v19 =	vperm.xlane v15, v0;
	v20 =	vperm.xlane v16, v0  }
0xd3: {  	v2 =	vperm.xlane v2, v1;
	v3 =	vperm.xlane v3, v1  }
0xd4: {  	v4 =	vperm.xlane v15, v1;
	v5 =	vperm.xlane v16, v1  }
0xd5: {  	v6 =	vsel vm5, v17, v18;
	v21 =	vsel vm4, v19, v20  }
0xd6: {  	s25 =	sadd.s32 $0x100, s14;
	v2 =	vsel vm2, v2, v3;
	v3 =	vsel vm1, v4, v5;
	v6 =	vsel vm3, v6, v21  }
0xd7: {  	s19 =	sor.u32 $0x30, s25;
	v2 =	vsel vm0, v2, v3;
	[tilespmem:s13+$0x120] =	vst v6  }
0xd8: {  	[tilespmem:s19+$0x10200] =	vst v2  }
0xd9: {  	v2 =	vld [tilespmem:s18+$0xFFFF8700]  }
0xda: {  	v3 =	vld [tilespmem:s18+$0xFFFF8710]  }
0xdb: {  	v22 =	vld [tilespmem:s18+$0xFFFF8720]  }
0xdc: {  	v23 =	vld [tilespmem:s18+$0xFFFF8730];
	_ =	sdelay $0x3  }
0xdd: {  	v24 =	vperm.xlane v2, v0;
	v25 =	vperm.xlane v3, v0  }
0xde: {  	v26 =	vperm.xlane v22, v0;
	v27 =	vperm.xlane v23, v0  }
0xdf: {  	v2 =	vperm.xlane v2, v1;
	v3 =	vperm.xlane v3, v1  }
0xe0: {  	v4 =	vperm.xlane v22, v1;
	v5 =	vperm.xlane v23, v1  }
0xe1: {  	v6 =	vsel vm5, v24, v25;
	v28 =	vsel vm4, v26, v27  }
0xe2: {  	s26 =	sadd.s32 $0x120, s14;
	v2 =	vsel vm2, v2, v3;
	v3 =	vsel vm1, v4, v5;
	v6 =	vsel vm3, v6, v28  }
0xe3: {  	s19 =	sor.u32 $0x50, s26;
	v2 =	vsel vm0, v2, v3;
	[tilespmem:s13+$0x140] =	vst v6  }
0xe4: {  	[tilespmem:s19+$0x10200] =	vst v2  }
0xe5: {  	v2 =	vld [tilespmem:s18+$0xFFFF8780]  }
0xe6: {  	v3 =	vld [tilespmem:s18+$0xFFFF8790]  }
0xe7: {  	v29 =	vld [tilespmem:s18+$0xFFFF87A0]  }
0xe8: {  	v30 =	vld [tilespmem:s18+$0xFFFF87B0];
	_ =	sdelay $0x3  }
0xe9: {  	v31 =	vperm.xlane v2, v0;
	v32 =	vperm.xlane v3, v0  }
0xea: {  	v33 =	vperm.xlane v29, v0;
	v34 =	vperm.xlane v30, v0  }
0xeb: {  	v2 =	vperm.xlane v2, v1;
	v3 =	vperm.xlane v3, v1  }
0xec: {  	v4 =	vperm.xlane v29, v1;
	v5 =	vperm.xlane v30, v1  }
0xed: {  	v6 =	vsel vm5, v31, v32;
	v35 =	vsel vm4, v33, v34  }
0xee: {  	s28 =	sadd.s32 $0x140, s14;
	v2 =	vsel vm2, v2, v3;
	v3 =	vsel vm1, v4, v5;
	v6 =	vsel vm3, v6, v35  }
0xef: {  	s19 =	sor.u32 $0x70, s28;
	v2 =	vsel vm0, v2, v3;
	[tilespmem:s13+$0x160] =	vst v6  }
0xf0: {  	[tilespmem:s19+$0x10200] =	vst v2  }
0xf1: {  	v2 =	vld [tilespmem:s18+$0xFFFF8800]  }
0xf2: {  	v3 =	vld [tilespmem:s18+$0xFFFF8810]  }
0xf3: {  	v36 =	vld [tilespmem:s18+$0xFFFF8820]  }
0xf4: {  	v37 =	vld [tilespmem:s18+$0xFFFF8830];
	_ =	sdelay $0x3  }
0xf5: {  	v38 =	vperm.xlane v2, v0;
	v39 =	vperm.xlane v3, v0  }
0xf6: {  	v40 =	vperm.xlane v36, v0;
	v41 =	vperm.xlane v37, v0  }
0xf7: {  	v2 =	vperm.xlane v2, v1;
	v3 =	vperm.xlane v3, v1  }
0xf8: {  	v4 =	vperm.xlane v36, v1;
	v5 =	vperm.xlane v37, v1  }
0xf9: {  	v6 =	vsel vm5, v38, v39;
	v42 =	vsel vm4, v40, v41  }
0xfa: {  	v2 =	vsel vm2, v2, v3;
	v3 =	vsel vm1, v4, v5;
	v6 =	vsel vm3, v6, v42  }
0xfb: {  	v2 =	vsel vm0, v2, v3;
	[tilespmem:s13+$0x180] =	vst v6  }
0xfc: {  	[tilespmem:s13+$0x190] =	vst v2  }
0xfd: {  	v2 =	vld [tilespmem:s18+$0xFFFF8880]  }
0xfe: {  	v3 =	vld [tilespmem:s18+$0xFFFF8890]  }
0xff: {  	v43 =	vld [tilespmem:s18+$0xFFFF88A0]  }
0x100: {  	v44 =	vld [tilespmem:s18+$0xFFFF88B0];
	_ =	sdelay $0x3  }
0x101: {  	v45 =	vperm.xlane v2, v0;
	v46 =	vperm.xlane v3, v0  }
0x102: {  	v47 =	vperm.xlane v43, v0;
	v48 =	vperm.xlane v44, v0  }
0x103: {  	v2 =	vperm.xlane v2, v1;
	v3 =	vperm.xlane v3, v1  }
0x104: {  	v4 =	vperm.xlane v43, v1;
	v5 =	vperm.xlane v44, v1  }
0x105: {  	v6 =	vsel vm5, v45, v46;
	v49 =	vsel vm4, v47, v48  }
0x106: {  	s29 =	sadd.s32 $0x180, s14;
	v2 =	vsel vm2, v2, v3;
	v3 =	vsel vm1, v4, v5;
	v6 =	vsel vm3, v6, v49  }
0x107: {  	s19 =	sor.u32 $0x30, s29;
	v2 =	vsel vm0, v2, v3;
	[tilespmem:s13+$0x1A0] =	vst v6  }
0x108: {  	[tilespmem:s19+$0x10200] =	vst v2  }
0x109: {  	v2 =	vld [tilespmem:s18+$0xFFFF8900]  }
0x10a: {  	v3 =	vld [tilespmem:s18+$0xFFFF8910]  }
0x10b: {  	v50 =	vld [tilespmem:s18+$0xFFFF8920]  }
0x10c: {  	v51 =	vld [tilespmem:s18+$0xFFFF8930];
	_ =	sdelay $0x3  }
0x10d: {  	v52 =	vperm.xlane v2, v0;
	v53 =	vperm.xlane v3, v0  }
0x10e: {  	v54 =	vperm.xlane v50, v0;
	v55 =	vperm.xlane v51, v0  }
0x10f: {  	v2 =	vperm.xlane v2, v1;
	v3 =	vperm.xlane v3, v1  }
0x110: {  	v4 =	vperm.xlane v50, v1;
	v5 =	vperm.xlane v51, v1  }
0x111: {  	v6 =	vsel vm5, v52, v53;
	v56 =	vsel vm4, v54, v55  }
0x112: {  	s30 =	sadd.s32 $0x1A0, s14;
	v2 =	vsel vm2, v2, v3;
	v3 =	vsel vm1, v4, v5;
	v6 =	vsel vm3, v6, v56  }
0x113: {  	s19 =	sor.u32 $0x50, s30;
	v2 =	vsel vm0, v2, v3;
	[tilespmem:s13+$0x1C0] =	vst v6  }
0x114: {  	[tilespmem:s19+$0x10200] =	vst v2  }
0x115: {  	v2 =	vld [tilespmem:s18+$0xFFFF8980]  }
0x116: {  	v3 =	vld [tilespmem:s18+$0xFFFF8990]  }
0x117: {  	v57 =	vld [tilespmem:s18+$0xFFFF89A0]  }
0x118: {  	v58 =	vld [tilespmem:s18+$0xFFFF89B0];
	_ =	sdelay $0x3  }
0x119: {  	v59 =	vperm.xlane v2, v0;
	v60 =	vperm.xlane v3, v0  }
0x11a: {  	v61 =	vperm.xlane v57, v0;
	v62 =	vperm.xlane v58, v0  }
0x11b: {  	v2 =	vperm.xlane v2, v1;
	v3 =	vperm.xlane v3, v1  }
.Ltmp3:
0x11c: {  	v4 =	vperm.xlane v57, v1;
	v5 =	vperm.xlane v58, v1;
	(pc) =	sbr.rel .LBB2_4-.Ltmp3, $4  }
0x11d: {  	v6 =	vsel vm5, v59, v60;
	v63 =	vsel vm4, v61, v62  }
0x11e: {  	s31 =	sadd.s32 $0x1C0, s14;
	v2 =	vsel vm2, v2, v3;
	v3 =	vsel vm1, v4, v5;
	v6 =	vsel vm3, v6, v63  }
0x11f: {  	s18 =	sor.u32 $0x70, s31;
	v2 =	vsel vm0, v2, v3;
	[tilespmem:s13+$0x1E0] =	vst v6  }
0x120: {  	[tilespmem:s18+$0x10200] =	vst v2  }
.LBB2_5:
0x121: {  	s13 =	simm.s32 $0x0;
	s14 =	simm.s32 $0x21E0;
	s15 =	simm.s32 $0x123E0  }
.LBB2_6:
0x122: {  	_ =	swait.ge [sflag:s10], $0x800  }
0x123: {  	[sflag:s10] =	ssyncset.done $0x0  }
0x124: {  	s16 =	sshra.s32 s13, $0x2;
	[sflag:s10] =	ssyncadd.s32 $0xFFFFF800  }
0x125: {  	v2 =	vld [tilespmem:s16+$0x8200]  }
0x126: {  	v3 =	vld [tilespmem:s16+$0x8210]  }
0x127: {  	v4 =	vld [tilespmem:s16+$0x8220]  }
0x128: {  	v5 =	vld [tilespmem:s16+$0x8230];
	_ =	sdelay $0x3  }
0x129: {  	v6 =	vperm.xlane v2, v0;
	v7 =	vperm.xlane v3, v0  }
0x12a: {  	v8 =	vperm.xlane v4, v0;
	v9 =	vperm.xlane v5, v0  }
0x12b: {  	v2 =	vperm.xlane v2, v1;
	v3 =	vperm.xlane v3, v1  }
0x12c: {  	v4 =	vperm.xlane v4, v1;
	v5 =	vperm.xlane v5, v1  }
0x12d: {  	v6 =	vsel vm5, v6, v7;
	v62 =	vsel vm4, v8, v9  }
0x12e: {  	v2 =	vsel vm2, v2, v3;
	v3 =	vsel vm1, v4, v5;
	v6 =	vsel vm3, v6, v62  }
0x12f: {  	v2 =	vsel vm0, v2, v3;
	[tilespmem:s15+$0xFFFFFE20] =	vst v6  }
0x130: {  	[tilespmem:s15+$0xFFFFFE30] =	vst v2  }
0x131: {  	v2 =	vld [tilespmem:s16+$0x8280]  }
0x132: {  	v3 =	vld [tilespmem:s16+$0x8290]  }
0x133: {  	v63 =	vld [tilespmem:s16+$0x82A0]  }
0x134: {  	v12 =	vld [tilespmem:s16+$0x82B0];
	_ =	sdelay $0x3  }
0x135: {  	v13 =	vperm.xlane v2, v0;
	v14 =	vperm.xlane v3, v0  }
0x136: {  	v15 =	vperm.xlane v63, v0;
	v16 =	vperm.xlane v12, v0  }
0x137: {  	v2 =	vperm.xlane v2, v1;
	v3 =	vperm.xlane v3, v1  }
0x138: {  	v4 =	vperm.xlane v63, v1;
	v5 =	vperm.xlane v12, v1  }
0x139: {  	v6 =	vsel vm5, v13, v14;
	v17 =	vsel vm4, v15, v16  }
0x13a: {  	s17 =	sadd.s32 $0xFFFFFE40, s14;
	v2 =	vsel vm2, v2, v3;
	v3 =	vsel vm1, v4, v5;
	v6 =	vsel vm3, v6, v17  }
0x13b: {  	s17 =	sor.u32 $0x30, s17;
	v2 =	vsel vm0, v2, v3;
	[tilespmem:s15+$0xFFFFFE40] =	vst v6  }
0x13c: {  	[tilespmem:s17+$0x10200] =	vst v2  }
0x13d: {  	v2 =	vld [tilespmem:s16+$0x8300]  }
0x13e: {  	v3 =	vld [tilespmem:s16+$0x8310]  }
0x13f: {  	v18 =	vld [tilespmem:s16+$0x8320]  }
0x140: {  	v19 =	vld [tilespmem:s16+$0x8330];
	_ =	sdelay $0x3  }
0x141: {  	v20 =	vperm.xlane v2, v0;
	v21 =	vperm.xlane v3, v0  }
0x142: {  	v22 =	vperm.xlane v18, v0;
	v23 =	vperm.xlane v19, v0  }
0x143: {  	v2 =	vperm.xlane v2, v1;
	v3 =	vperm.xlane v3, v1  }
0x144: {  	v4 =	vperm.xlane v18, v1;
	v5 =	vperm.xlane v19, v1  }
0x145: {  	v6 =	vsel vm5, v20, v21;
	v24 =	vsel vm4, v22, v23  }
0x146: {  	s20 =	sadd.s32 $0xFFFFFE60, s14;
	v2 =	vsel vm2, v2, v3;
	v3 =	vsel vm1, v4, v5;
	v6 =	vsel vm3, v6, v24  }
0x147: {  	s17 =	sor.u32 $0x50, s20;
	v2 =	vsel vm0, v2, v3;
	[tilespmem:s15+$0xFFFFFE60] =	vst v6  }
0x148: {  	[tilespmem:s17+$0x10200] =	vst v2  }
0x149: {  	v2 =	vld [tilespmem:s16+$0x8380]  }
0x14a: {  	v3 =	vld [tilespmem:s16+$0x8390]  }
0x14b: {  	v25 =	vld [tilespmem:s16+$0x83A0]  }
0x14c: {  	v26 =	vld [tilespmem:s16+$0x83B0];
	_ =	sdelay $0x3  }
0x14d: {  	v27 =	vperm.xlane v2, v0;
	v28 =	vperm.xlane v3, v0  }
0x14e: {  	v29 =	vperm.xlane v25, v0;
	v30 =	vperm.xlane v26, v0  }
0x14f: {  	v2 =	vperm.xlane v2, v1;
	v3 =	vperm.xlane v3, v1  }
0x150: {  	v4 =	vperm.xlane v25, v1;
	v5 =	vperm.xlane v26, v1  }
0x151: {  	v6 =	vsel vm5, v27, v28;
	v31 =	vsel vm4, v29, v30  }
0x152: {  	s21 =	sadd.s32 $0xFFFFFE80, s14;
	v2 =	vsel vm2, v2, v3;
	v3 =	vsel vm1, v4, v5;
	v6 =	vsel vm3, v6, v31  }
0x153: {  	s17 =	sor.u32 $0x70, s21;
	v2 =	vsel vm0, v2, v3;
	[tilespmem:s15+$0xFFFFFE80] =	vst v6  }
0x154: {  	[tilespmem:s17+$0x10200] =	vst v2  }
0x155: {  	v2 =	vld [tilespmem:s16+$0x8400]  }
0x156: {  	v3 =	vld [tilespmem:s16+$0x8410]  }
0x157: {  	v32 =	vld [tilespmem:s16+$0x8420]  }
0x158: {  	v33 =	vld [tilespmem:s16+$0x8430];
	_ =	sdelay $0x3  }
0x159: {  	v34 =	vperm.xlane v2, v0;
	v35 =	vperm.xlane v3, v0  }
0x15a: {  	v36 =	vperm.xlane v32, v0;
	v37 =	vperm.xlane v33, v0  }
0x15b: {  	v2 =	vperm.xlane v2, v1;
	v3 =	vperm.xlane v3, v1  }
0x15c: {  	v4 =	vperm.xlane v32, v1;
	v5 =	vperm.xlane v33, v1  }
0x15d: {  	v6 =	vsel vm5, v34, v35;
	v38 =	vsel vm4, v36, v37  }
0x15e: {  	v2 =	vsel vm2, v2, v3;
	v3 =	vsel vm1, v4, v5;
	v6 =	vsel vm3, v6, v38  }
0x15f: {  	v2 =	vsel vm0, v2, v3;
	[tilespmem:s15+$0xFFFFFEA0] =	vst v6  }
0x160: {  	[tilespmem:s15+$0xFFFFFEB0] =	vst v2  }
0x161: {  	v2 =	vld [tilespmem:s16+$0x8480]  }
0x162: {  	v3 =	vld [tilespmem:s16+$0x8490]  }
0x163: {  	v39 =	vld [tilespmem:s16+$0x84A0]  }
0x164: {  	v40 =	vld [tilespmem:s16+$0x84B0];
	_ =	sdelay $0x3  }
0x165: {  	v41 =	vperm.xlane v2, v0;
	v42 =	vperm.xlane v3, v0  }
0x166: {  	v43 =	vperm.xlane v39, v0;
	v44 =	vperm.xlane v40, v0  }
0x167: {  	v2 =	vperm.xlane v2, v1;
	v3 =	vperm.xlane v3, v1  }
0x168: {  	v4 =	vperm.xlane v39, v1;
	v5 =	vperm.xlane v40, v1  }
0x169: {  	v6 =	vsel vm5, v41, v42;
	v45 =	vsel vm4, v43, v44  }
0x16a: {  	s22 =	sadd.s32 $0xFFFFFEC0, s14;
	v2 =	vsel vm2, v2, v3;
	v3 =	vsel vm1, v4, v5;
	v6 =	vsel vm3, v6, v45  }
0x16b: {  	s17 =	sor.u32 $0x30, s22;
	v2 =	vsel vm0, v2, v3;
	[tilespmem:s15+$0xFFFFFEC0] =	vst v6  }
0x16c: {  	[tilespmem:s17+$0x10200] =	vst v2  }
0x16d: {  	v2 =	vld [tilespmem:s16+$0x8500]  }
0x16e: {  	v3 =	vld [tilespmem:s16+$0x8510]  }
0x16f: {  	v46 =	vld [tilespmem:s16+$0x8520]  }
0x170: {  	v47 =	vld [tilespmem:s16+$0x8530];
	_ =	sdelay $0x3  }
0x171: {  	v48 =	vperm.xlane v2, v0;
	v49 =	vperm.xlane v3, v0  }
0x172: {  	v50 =	vperm.xlane v46, v0;
	v51 =	vperm.xlane v47, v0  }
0x173: {  	v2 =	vperm.xlane v2, v1;
	v3 =	vperm.xlane v3, v1  }
0x174: {  	v4 =	vperm.xlane v46, v1;
	v5 =	vperm.xlane v47, v1  }
0x175: {  	v6 =	vsel vm5, v48, v49;
	v52 =	vsel vm4, v50, v51  }
0x176: {  	s23 =	sadd.s32 $0xFFFFFEE0, s14;
	v2 =	vsel vm2, v2, v3;
	v3 =	vsel vm1, v4, v5;
	v6 =	vsel vm3, v6, v52  }
0x177: {  	s17 =	sor.u32 $0x50, s23;
	v2 =	vsel vm0, v2, v3;
	[tilespmem:s15+$0xFFFFFEE0] =	vst v6  }
0x178: {  	[tilespmem:s17+$0x10200] =	vst v2  }
0x179: {  	v2 =	vld [tilespmem:s16+$0x8580]  }
0x17a: {  	v3 =	vld [tilespmem:s16+$0x8590]  }
0x17b: {  	v53 =	vld [tilespmem:s16+$0x85A0]  }
0x17c: {  	v54 =	vld [tilespmem:s16+$0x85B0];
	_ =	sdelay $0x3  }
0x17d: {  	v55 =	vperm.xlane v2, v0;
	v56 =	vperm.xlane v3, v0  }
0x17e: {  	v57 =	vperm.xlane v53, v0;
	v58 =	vperm.xlane v54, v0  }
0x17f: {  	v2 =	vperm.xlane v2, v1;
	v3 =	vperm.xlane v3, v1  }
0x180: {  	v4 =	vperm.xlane v53, v1;
	v5 =	vperm.xlane v54, v1  }
0x181: {  	v6 =	vsel vm5, v55, v56;
	v59 =	vsel vm4, v57, v58  }
0x182: {  	s24 =	sadd.s32 $0xFFFFFF00, s14;
	v2 =	vsel vm2, v2, v3;
	v3 =	vsel vm1, v4, v5;
	v6 =	vsel vm3, v6, v59  }
0x183: {  	s17 =	sor.u32 $0x70, s24;
	v2 =	vsel vm0, v2, v3;
	[tilespmem:s15+$0xFFFFFF00] =	vst v6  }
0x184: {  	[tilespmem:s17+$0x10200] =	vst v2  }
0x185: {  	v2 =	vld [tilespmem:s16+$0x8600]  }
0x186: {  	v3 =	vld [tilespmem:s16+$0x8610]  }
0x187: {  	v60 =	vld [tilespmem:s16+$0x8620]  }
0x188: {  	v61 =	vld [tilespmem:s16+$0x8630];
	_ =	sdelay $0x3  }
0x189: {  	v62 =	vperm.xlane v2, v0;
	v63 =	vperm.xlane v3, v0  }
0x18a: {  	v12 =	vperm.xlane v60, v0;
	v13 =	vperm.xlane v61, v0  }
0x18b: {  	v2 =	vperm.xlane v2, v1;
	v3 =	vperm.xlane v3, v1  }
0x18c: {  	v4 =	vperm.xlane v60, v1;
	v5 =	vperm.xlane v61, v1  }
0x18d: {  	v6 =	vsel vm5, v62, v63;
	v14 =	vsel vm4, v12, v13  }
0x18e: {  	v2 =	vsel vm2, v2, v3;
	v3 =	vsel vm1, v4, v5;
	v6 =	vsel vm3, v6, v14  }
0x18f: {  	v2 =	vsel vm0, v2, v3;
	[tilespmem:s15+$0xFFFFFF20] =	vst v6  }
0x190: {  	[tilespmem:s15+$0xFFFFFF30] =	vst v2  }
0x191: {  	v2 =	vld [tilespmem:s16+$0x8680]  }
0x192: {  	v3 =	vld [tilespmem:s16+$0x8690]  }
0x193: {  	v15 =	vld [tilespmem:s16+$0x86A0]  }
0x194: {  	v16 =	vld [tilespmem:s16+$0x86B0];
	_ =	sdelay $0x3  }
0x195: {  	v17 =	vperm.xlane v2, v0;
	v18 =	vperm.xlane v3, v0  }
0x196: {  	v19 =	vperm.xlane v15, v0;
	v20 =	vperm.xlane v16, v0  }
0x197: {  	v2 =	vperm.xlane v2, v1;
	v3 =	vperm.xlane v3, v1  }
0x198: {  	v4 =	vperm.xlane v15, v1;
	v5 =	vperm.xlane v16, v1  }
0x199: {  	v6 =	vsel vm5, v17, v18;
	v21 =	vsel vm4, v19, v20  }
0x19a: {  	s25 =	sadd.s32 $0xFFFFFF40, s14;
	v2 =	vsel vm2, v2, v3;
	v3 =	vsel vm1, v4, v5;
	v6 =	vsel vm3, v6, v21  }
0x19b: {  	s17 =	sor.u32 $0x30, s25;
	v2 =	vsel vm0, v2, v3;
	[tilespmem:s15+$0xFFFFFF40] =	vst v6  }
0x19c: {  	[tilespmem:s17+$0x10200] =	vst v2  }
0x19d: {  	v2 =	vld [tilespmem:s16+$0x8700]  }
0x19e: {  	v3 =	vld [tilespmem:s16+$0x8710]  }
0x19f: {  	v22 =	vld [tilespmem:s16+$0x8720]  }
0x1a0: {  	v23 =	vld [tilespmem:s16+$0x8730];
	_ =	sdelay $0x3  }
0x1a1: {  	v24 =	vperm.xlane v2, v0;
	v25 =	vperm.xlane v3, v0  }
0x1a2: {  	v26 =	vperm.xlane v22, v0;
	v27 =	vperm.xlane v23, v0  }
0x1a3: {  	v2 =	vperm.xlane v2, v1;
	v3 =	vperm.xlane v3, v1  }
0x1a4: {  	v4 =	vperm.xlane v22, v1;
	v5 =	vperm.xlane v23, v1  }
0x1a5: {  	v6 =	vsel vm5, v24, v25;
	v28 =	vsel vm4, v26, v27  }
0x1a6: {  	s26 =	sadd.s32 $0xFFFFFF60, s14;
	v2 =	vsel vm2, v2, v3;
	v3 =	vsel vm1, v4, v5;
	v6 =	vsel vm3, v6, v28  }
0x1a7: {  	s17 =	sor.u32 $0x50, s26;
	v2 =	vsel vm0, v2, v3;
	[tilespmem:s15+$0xFFFFFF60] =	vst v6  }
0x1a8: {  	[tilespmem:s17+$0x10200] =	vst v2  }
0x1a9: {  	v2 =	vld [tilespmem:s16+$0x8780]  }
0x1aa: {  	v3 =	vld [tilespmem:s16+$0x8790]  }
0x1ab: {  	v29 =	vld [tilespmem:s16+$0x87A0]  }
0x1ac: {  	v30 =	vld [tilespmem:s16+$0x87B0];
	_ =	sdelay $0x3  }
0x1ad: {  	v31 =	vperm.xlane v2, v0;
	v32 =	vperm.xlane v3, v0  }
0x1ae: {  	v33 =	vperm.xlane v29, v0;
	v34 =	vperm.xlane v30, v0  }
0x1af: {  	v2 =	vperm.xlane v2, v1;
	v3 =	vperm.xlane v3, v1  }
0x1b0: {  	v4 =	vperm.xlane v29, v1;
	v5 =	vperm.xlane v30, v1  }
0x1b1: {  	v6 =	vsel vm5, v31, v32;
	v35 =	vsel vm4, v33, v34  }
0x1b2: {  	s28 =	sadd.s32 $0xFFFFFF80, s14;
	v2 =	vsel vm2, v2, v3;
	v3 =	vsel vm1, v4, v5;
	v6 =	vsel vm3, v6, v35  }
0x1b3: {  	s17 =	sor.u32 $0x70, s28;
	v2 =	vsel vm0, v2, v3;
	[tilespmem:s15+$0xFFFFFF80] =	vst v6  }
0x1b4: {  	[tilespmem:s17+$0x10200] =	vst v2  }
0x1b5: {  	v2 =	vld [tilespmem:s16+$0x8800]  }
0x1b6: {  	v3 =	vld [tilespmem:s16+$0x8810]  }
0x1b7: {  	v36 =	vld [tilespmem:s16+$0x8820]  }
0x1b8: {  	v37 =	vld [tilespmem:s16+$0x8830];
	_ =	sdelay $0x3  }
0x1b9: {  	v38 =	vperm.xlane v2, v0;
	v39 =	vperm.xlane v3, v0  }
0x1ba: {  	v40 =	vperm.xlane v36, v0;
	v41 =	vperm.xlane v37, v0  }
0x1bb: {  	v2 =	vperm.xlane v2, v1;
	v3 =	vperm.xlane v3, v1  }
0x1bc: {  	v4 =	vperm.xlane v36, v1;
	v5 =	vperm.xlane v37, v1  }
0x1bd: {  	v6 =	vsel vm5, v38, v39;
	v42 =	vsel vm4, v40, v41  }
0x1be: {  	v2 =	vsel vm2, v2, v3;
	v3 =	vsel vm1, v4, v5;
	v6 =	vsel vm3, v6, v42  }
0x1bf: {  	v2 =	vsel vm0, v2, v3;
	[tilespmem:s15+$0xFFFFFFA0] =	vst v6  }
0x1c0: {  	[tilespmem:s15+$0xFFFFFFB0] =	vst v2  }
0x1c1: {  	v2 =	vld [tilespmem:s16+$0x8880]  }
0x1c2: {  	v3 =	vld [tilespmem:s16+$0x8890]  }
0x1c3: {  	v43 =	vld [tilespmem:s16+$0x88A0]  }
0x1c4: {  	v44 =	vld [tilespmem:s16+$0x88B0];
	_ =	sdelay $0x3  }
0x1c5: {  	v45 =	vperm.xlane v2, v0;
	v46 =	vperm.xlane v3, v0  }
0x1c6: {  	v47 =	vperm.xlane v43, v0;
	v48 =	vperm.xlane v44, v0  }
0x1c7: {  	v2 =	vperm.xlane v2, v1;
	v3 =	vperm.xlane v3, v1  }
0x1c8: {  	v4 =	vperm.xlane v43, v1;
	v5 =	vperm.xlane v44, v1  }
0x1c9: {  	v6 =	vsel vm5, v45, v46;
	v49 =	vsel vm4, v47, v48  }
0x1ca: {  	s29 =	sadd.s32 $0xFFFFFFC0, s14;
	v2 =	vsel vm2, v2, v3;
	v3 =	vsel vm1, v4, v5;
	v6 =	vsel vm3, v6, v49  }
0x1cb: {  	s17 =	sor.u32 $0x30, s29;
	v2 =	vsel vm0, v2, v3;
	[tilespmem:s15+$0xFFFFFFC0] =	vst v6  }
0x1cc: {  	[tilespmem:s17+$0x10200] =	vst v2  }
0x1cd: {  	v2 =	vld [tilespmem:s16+$0x8900]  }
0x1ce: {  	v3 =	vld [tilespmem:s16+$0x8910]  }
0x1cf: {  	v50 =	vld [tilespmem:s16+$0x8920]  }
0x1d0: {  	v51 =	vld [tilespmem:s16+$0x8930];
	_ =	sdelay $0x3  }
0x1d1: {  	v52 =	vperm.xlane v2, v0;
	v53 =	vperm.xlane v3, v0  }
0x1d2: {  	v54 =	vperm.xlane v50, v0;
	v55 =	vperm.xlane v51, v0  }
0x1d3: {  	v2 =	vperm.xlane v2, v1;
	v3 =	vperm.xlane v3, v1  }
0x1d4: {  	v4 =	vperm.xlane v50, v1;
	v5 =	vperm.xlane v51, v1  }
0x1d5: {  	v6 =	vsel vm5, v52, v53;
	v56 =	vsel vm4, v54, v55  }
0x1d6: {  	s30 =	sadd.s32 $0xFFFFFFE0, s14;
	v2 =	vsel vm2, v2, v3;
	v3 =	vsel vm1, v4, v5;
	v6 =	vsel vm3, v6, v56  }
0x1d7: {  	s17 =	sor.u32 $0x50, s30;
	v2 =	vsel vm0, v2, v3;
	[tilespmem:s15+$0xFFFFFFE0] =	vst v6  }
0x1d8: {  	[tilespmem:s17+$0x10200] =	vst v2  }
0x1d9: {  	v2 =	vld [tilespmem:s16+$0x8980]  }
0x1da: {  	v3 =	vld [tilespmem:s16+$0x8990]  }
0x1db: {  	v57 =	vld [tilespmem:s16+$0x89A0]  }
0x1dc: {  	v58 =	vld [tilespmem:s16+$0x89B0];
	_ =	sdelay $0x3  }
0x1dd: {  	v59 =	vperm.xlane v2, v0;
	v60 =	vperm.xlane v3, v0  }
0x1de: {  	v61 =	vperm.xlane v57, v0;
	v62 =	vperm.xlane v58, v0  }
0x1df: {  	p0 =	sne.s32 s13, $0x1E000;
	v2 =	vperm.xlane v2, v1;
	v3 =	vperm.xlane v3, v1  }
.Ltmp4:
0x1e0: {  	v4 =	vperm.xlane v57, v1;
	v5 =	vperm.xlane v58, v1;
	(pc) =	sbr.rel @p0 .LBB2_6-.Ltmp4, $4  }
0x1e1: {  	v6 =	vsel vm5, v59, v60;
	v63 =	vsel vm4, v61, v62  }
0x1e2: {  	v2 =	vsel vm2, v2, v3;
	v3 =	vsel vm1, v4, v5;
	v6 =	vsel vm3, v6, v63  }
0x1e3: {  	s31 =	sor.u32 $0x70, s14;
	v2 =	vsel vm0, v2, v3;
	[tilespmem:s15+$0x0] =	vst v6  }
0x1e4: {  	s14 =	sadd.s32 $0x200, s14;
	s13 =	sadd.s32 $0x2000, s13;
	s15 =	sadd.s32 $0x200, s15;
	[tilespmem:s31+$0x10200] =	vst v2  }
0x1e5: {  	s12 =	sadd.s32 $0x1, s12  }
0x1e6: {  	p0 =	sne.s32 s12, s7  }
.Ltmp5:
0x1e7: {  	_ = 	snop;
	(pc) =	sbr.rel @p0 .LBB2_1-.Ltmp5, $4  }
0x1e8: {  	[hbm4b:s6+s2] =	stream.linear.scatter [tilespmem:s11], [sflag:$0x2], $0x4000, $0x38;
	[tilespmem:$0x14280] =	vst v63  }
0x1e9: {  	_ =	swait.ge [sflag:s9], $0x4000  }
0x1ea: {  	[sflag:s9] =	ssyncset.done $0x0  }
0x1eb: {  	[sflag:s9] =	ssyncadd.s32 $0xFFFFC000  }
0x1ec: {  	_ =	sfence.sel $0x180000  }
0x1ed: {  	[bflag:$0x0] =	sbarrier.arrive $0xFFFF  }
0x1ee: {  	p0 =	sne.s32 s1, $0x0;
	_ =	strace $0x90000047  }
0x1ef: {  	s0 =	sadd.s32 @!p0 $0x100000, s0;
	[bflag:$0x2] =	sbarrier.arrive $0xFFFF  }
0x1f0: {  	[sflag:s0] =	ssyncadd.tile.s32 @!p0 $0x1;
	_ =	shalt  }
.Lfunc_end2:
_tile_overlayer_lowered:
.L_overlay_start_2:
0x1f1: {  	(tag) =	ssettag $0x2  }
0x1f2: {  	s0 =	rddreg [dreg:$0x0];
	s2 =	stileid.u32  }
0x1f3: {  	s1 =	rddreg [dreg:$0x1];
	p0 =	sne.s32 s2, $0x0  }
0x1f4: {  	s3 =	rddreg [dreg:$0x2];
	[bflag:$0x3] =	sbarrier.arrive $0xFFFF;
	s2 =	simm.s32 @!p0 $0x1C02  }
0x1f5: {  	[timem:s3], [sflag:s2] =	dma.local @!p0 [hbm:s0], s1  }
0x1f6: {  	s0 =	simm.s32 @!p0 $0x2  }
0x1f7: {  	_ =	swait.ge @!p0 [sflag:s0], s1  }
0x1f8: {  	s1 =	ssub.s32 @!p0 $0x0, s1;
	[sflag:s0] =	ssyncset.done @!p0 $0x0  }
0x1f9: {  	[sflag:s0] =	ssyncadd.s32 @!p0 s1  }
0x1fa: {  	[bflag:$0x3] =	sbarrier.arrive $0xFFFF  }
0x1fb: {  	_ =	shalt  }

</sc_bundles>
